<compile_context>
chip_gen: v7x
topology: tpu7x:2x2x1
jax: 0.10.2.dev20260603
libtpu: 0.0.44.dev20260713+nightly
codegen_flags: <defaults>
</compile_context>

<pallas_src>
import functools

import jax
import jax.numpy as jnp
from jax import lax
from jax.experimental import pallas as pl
from jax.experimental.pallas import tpu as pltpu
from jax.experimental.pallas import tpu_sc as plsc

HIDDEN = 768
K0 = 64
K1 = 512
CD = 32
FD = 32
B = 4096

BLK_A = 512
NB_A = B // BLK_A
BLK_D = 256
NB_D = B // BLK_D
OFFS_PAD = 128
NW = 32
CHUNK = B // NW


def _ln(t, g, b):
    mu = jnp.mean(t, axis=-1, keepdims=True)
    var = jnp.mean((t - mu) ** 2, axis=-1, keepdims=True)
    return (t - mu) / jnp.sqrt(var + 1e-5) * g + b


def _coarse_body(x_ref, w1_ref, cct_ref, cc_ref, b1_ref, g1_ref, bt1_ref,
                 w2a_ref, w2b_ref, b2_ref, g2_ref, bt2_ref,
                 zqc_ref, zf_ref, pack_ref, offs_ref, sumc_ref,
                 carry_ref):
    i = pl.program_id(0)
    x = x_ref[...]
    t1 = jnp.dot(x, w1_ref[...], preferred_element_type=jnp.float32) + b1_ref[...]
    z = _ln(t1, g1_ref[...], bt1_ref[...])
    s = jnp.dot(z, cct_ref[...], preferred_element_type=jnp.float32)
    c2 = jnp.sum(cct_ref[...] ** 2, axis=0, keepdims=True)
    rown = jnp.sum(z ** 2, axis=-1, keepdims=True)
    d2 = (rown - 2.0 * s) + c2
    dmin = jnp.min(d2, axis=-1, keepdims=True)
    col = lax.broadcasted_iota(jnp.int32, d2.shape, 1)
    idx = jnp.min(jnp.where(d2 == dmin, col, K0), axis=-1, keepdims=True)
    onehot = (col == idx).astype(jnp.float32)
    zq = jnp.dot(onehot, cc_ref[...], preferred_element_type=jnp.float32)
    zq_st = z + (zq - z)
    zqc_ref[...] = zq_st
    blk = jnp.sum((zq - z) ** 2, keepdims=True).reshape(1, 1)
    t2 = (jnp.dot(x, w2a_ref[...], preferred_element_type=jnp.float32)
          + jnp.dot(zq_st, w2b_ref[...], preferred_element_type=jnp.float32)
          + b2_ref[...])
    zf_ref[...] = _ln(t2, g2_ref[...], bt2_ref[...])

    @pl.when(i == 0)
    def _():
        sumc_ref[...] = blk
        carry_ref[...] = jnp.zeros((1, K0), jnp.float32)

    @pl.when(i > 0)
    def _():
        sumc_ref[...] = sumc_ref[...] + blk

    carry = carry_ref[...]
    cs = 128
    ri = lax.broadcasted_iota(jnp.int32, (cs, cs), 0)
    cj = lax.broadcasted_iota(jnp.int32, (cs, cs), 1)
    tri = (cj < ri).astype(jnp.float32)
    ranks = []
    chunk_base = jnp.zeros((1, K0), jnp.float32)
    for m in range(BLK_A // cs):
        om = onehot[m * cs:(m + 1) * cs]
        rm = jnp.dot(tri, om, preferred_element_type=jnp.float32) + chunk_base
        ranks.append(jnp.sum(rm * om, axis=-1, keepdims=True))
        chunk_base = chunk_base + jnp.sum(om, axis=0, keepdims=True)
    rank = jnp.concatenate(ranks, axis=0)
    base = jnp.sum(onehot * carry, axis=-1, keepdims=True)
    pack_ref[...] = idx * B + (rank + base).astype(jnp.int32)
    newcarry = carry + jnp.sum(onehot, axis=0, keepdims=True)
    carry_ref[...] = newcarry

    @pl.when(i == NB_A - 1)
    def _():
        a_ = lax.broadcasted_iota(jnp.int32, (K0, OFFS_PAD), 0)
        b_ = lax.broadcasted_iota(jnp.int32, (K0, OFFS_PAD), 1)
        su = (a_ < b_).astype(jnp.float32)
        offs_ref[...] = jnp.dot(newcarry, su,
                                preferred_element_type=jnp.float32).astype(jnp.int32)


def _fine_sorted_body(zs_ref, offs_s_ref, offs_v_ref, fcb_ref, sumc_ref,
                      fidx_ref, loss_ref):
    i = pl.program_id(0)
    p0 = i * BLK_D
    z = zs_ref[...]
    rown = jnp.sum(z ** 2, axis=-1, keepdims=True)
    pvec = p0 + lax.broadcasted_iota(jnp.int32, (BLK_D, 1), 0)
    offrow = offs_v_ref[...][:, :K0]
    kofp = jnp.sum((offrow <= pvec).astype(jnp.int32), axis=-1, keepdims=True) - 1
    col = lax.broadcasted_iota(jnp.int32, (BLK_D, K1), 1)
    k_lo = lax.while_loop(
        lambda k: jnp.logical_and(k < K0 - 1, offs_s_ref[k + 1] <= p0),
        lambda k: k + 1, jnp.int32(0))

    def cond(c):
        k, _ = c
        return jnp.logical_and(k < K0, offs_s_ref[k] < p0 + BLK_D)

    def body(c):
        k, dacc = c
        cb = fcb_ref[k]
        s = lax.dot_general(z, cb, (((1,), (1,)), ((), ())),
                            preferred_element_type=jnp.float32)
        c2 = lax.dot_general(jnp.ones((1, FD), jnp.float32), cb * cb,
                             (((1,), (1,)), ((), ())),
                             preferred_element_type=jnp.float32)
        d2 = (rown - 2.0 * s) + c2
        mask = kofp == k
        return k + 1, jnp.where(mask, d2, dacc)

    _, dacc = lax.while_loop(
        cond, body, (k_lo, jnp.zeros((BLK_D, K1), jnp.float32)))
    dmin = jnp.min(dacc, axis=-1, keepdims=True)
    fx = jnp.min(jnp.where(dacc == dmin, col, K1), axis=-1, keepdims=True)
    fidx_ref[...] = fx
    blk = jnp.sum(dmin, keepdims=True).reshape(1, 1)

    @pl.when(i == 0)
    def _():
        loss_ref[...] = blk

    @pl.when(i > 0)
    def _():
        loss_ref[...] = loss_ref[...] + blk

    @pl.when(i == NB_D - 1)
    def _():
        loss_ref[...] = (loss_ref[...] + sumc_ref[...]) * (1.25 / (B * CD))


@functools.cache
def _sc_scatter_fn():
    mesh = plsc.VectorSubcoreMesh(core_axis_name="c", subcore_axis_name="s")

    @functools.partial(
        pl.kernel, mesh=mesh,
        out_type=jax.ShapeDtypeStruct((B, FD), jnp.float32),
        scratch_types=[pltpu.VMEM((CHUNK,), jnp.int32),
                       pltpu.VMEM((OFFS_PAD,), jnp.int32),
                       pltpu.VMEM((CHUNK,), jnp.int32),
                       pltpu.VMEM((CHUNK, FD), jnp.float32),
                       pltpu.SemaphoreType.DMA,
                       pltpu.SemaphoreType.DMA,
                       pltpu.SemaphoreType.DMA],
        compiler_params=pltpu.CompilerParams(needs_layout_passes=False, use_tc_tiling_on_sc=False),
    )
    def f(zf_hbm, pack_hbm, offs_hbm, zs_hbm,
          pack_v, offs_v, pos_v, rows_v, sem1, sem2, sem3):
        wid = lax.axis_index("s") * 2 + lax.axis_index("c")
        base = wid * CHUNK
        cp1 = pltpu.async_copy(pack_hbm.at[pl.ds(base, CHUNK)], pack_v, sem1)
        cp2 = pltpu.async_copy(offs_hbm, offs_v, sem2)
        cp3 = pltpu.async_copy(zf_hbm.at[pl.ds(base, CHUNK)], rows_v, sem3)
        cp1.wait()
        cp2.wait()
        for j in range(CHUNK // 16):
            sl = pl.ds(j * 16, 16)
            p = pack_v[sl]
            c = lax.shift_right_logical(p, 12)
            lp = p & (B - 1)
            off = plsc.load_gather(offs_v, [c])
            pos_v[sl] = off + lp
        cp3.wait()
        pltpu.async_copy(rows_v, zs_hbm.at[pos_v], sem2).wait()

    return f


@functools.cache
def _sc_gather_fn():
    mesh = plsc.VectorSubcoreMesh(core_axis_name="c", subcore_axis_name="s")

    @functools.partial(
        pl.kernel, mesh=mesh,
        out_type=jax.ShapeDtypeStruct((B, FD), jnp.float32),
        scratch_types=[pltpu.VMEM((OFFS_PAD,), jnp.int32),
                       pltpu.VMEM((CHUNK,), jnp.int32),
                       pltpu.VMEM((B,), jnp.int32),
                       pltpu.VMEM((CHUNK,), jnp.int32),
                       pltpu.VMEM((CHUNK, FD), jnp.float32),
                       pltpu.VMEM((CHUNK, FD), jnp.float32),
                       pltpu.SemaphoreType.DMA,
                       pltpu.SemaphoreType.DMA,
                       pltpu.SemaphoreType.DMA,
                       pltpu.SemaphoreType.DMA],
        compiler_params=pltpu.CompilerParams(needs_layout_passes=False, use_tc_tiling_on_sc=False),
    )
    def f(ff_hbm, pack_hbm, offs_hbm, fidx_hbm, zf_hbm, out_hbm,
          offs_v, pack_v, fidx_all, addr_v, rows_v, z_v, sem1, sem2, sem3, sem4):
        wid = lax.axis_index("s") * 2 + lax.axis_index("c")
        base = wid * CHUNK
        cp1 = pltpu.async_copy(offs_hbm, offs_v, sem1)
        cp2 = pltpu.async_copy(pack_hbm.at[pl.ds(base, CHUNK)], pack_v, sem2)
        cp3 = pltpu.async_copy(fidx_hbm, fidx_all, sem3)
        cp4 = pltpu.async_copy(zf_hbm.at[pl.ds(base, CHUNK)], z_v, sem4)
        cp1.wait()
        cp2.wait()
        cp3.wait()
        for j in range(CHUNK // 16):
            sl = pl.ds(j * 16, 16)
            p = pack_v[sl]
            c = lax.shift_right_logical(p, 12)
            pos = plsc.load_gather(offs_v, [c]) + (p & (B - 1))
            fid = plsc.load_gather(fidx_all, [pos])
            addr_v[sl] = c * K1 + fid
        pltpu.async_copy(ff_hbm.at[addr_v], rows_v, sem1).wait()
        cp4.wait()
        for r in range(CHUNK):
            for h in range(FD // 16):
                sl = (r, pl.ds(h * 16, 16))
                zv = z_v[sl]
                rows_v[sl] = zv + (rows_v[sl] - zv)
        pltpu.sync_copy(rows_v, out_hbm.at[pl.ds(base, CHUNK)])

    return f


def _sc_scatter(zf, pack, offs):
    return _sc_scatter_fn()(zf, pack, offs)


def _sc_gather(ff, pack, offs, fidx, zf):
    return _sc_gather_fn()(ff, pack, offs, fidx, zf)


def kernel(x, W1, b1, g1, beta1, coarse_cb, W2, b2, g2, beta2, fine_cb):
    cct = coarse_cb.T
    ff = fine_cb.reshape(K0 * K1, FD)
    row = lambda v: v.reshape(1, -1)

    zqc, zf, pack2, offs2, sumc = pl.pallas_call(
        _coarse_body,
        grid=(NB_A,),
        in_specs=[
            pl.BlockSpec((BLK_A, HIDDEN), lambda i: (i, 0)),
            pl.BlockSpec((HIDDEN, CD), lambda i: (0, 0)),
            pl.BlockSpec((CD, K0), lambda i: (0, 0)),
            pl.BlockSpec((K0, CD), lambda i: (0, 0)),
            pl.BlockSpec((1, CD), lambda i: (0, 0)),
            pl.BlockSpec((1, CD), lambda i: (0, 0)),
            pl.BlockSpec((1, CD), lambda i: (0, 0)),
            pl.BlockSpec((HIDDEN, FD), lambda i: (0, 0)),
            pl.BlockSpec((CD, FD), lambda i: (HIDDEN // CD, 0)),
            pl.BlockSpec((1, FD), lambda i: (0, 0)),
            pl.BlockSpec((1, FD), lambda i: (0, 0)),
            pl.BlockSpec((1, FD), lambda i: (0, 0)),
        ],
        out_specs=[
            pl.BlockSpec((BLK_A, CD), lambda i: (i, 0)),
            pl.BlockSpec((BLK_A, FD), lambda i: (i, 0)),
            pl.BlockSpec((BLK_A, 1), lambda i: (i, 0)),
            pl.BlockSpec((1, OFFS_PAD), lambda i: (0, 0)),
            pl.BlockSpec((1, 1), lambda i: (0, 0)),
        ],
        out_shape=[
            jax.ShapeDtypeStruct((B, CD), jnp.float32),
            jax.ShapeDtypeStruct((B, FD), jnp.float32),
            jax.ShapeDtypeStruct((B, 1), jnp.int32),
            jax.ShapeDtypeStruct((1, OFFS_PAD), jnp.int32),
            jax.ShapeDtypeStruct((1, 1), jnp.float32),
        ],
        scratch_shapes=[pltpu.VMEM((1, K0), jnp.float32)],
    )(x, W1, cct, coarse_cb, row(b1), row(g1), row(beta1),
      W2, W2, row(b2), row(g2), row(beta2))

    pack = pack2.reshape(B)
    offs_flat = offs2.reshape(OFFS_PAD)

    zs = _sc_scatter(zf, pack, offs_flat)

    fidx2, loss = pl.pallas_call(
        _fine_sorted_body,
        grid=(NB_D,),
        in_specs=[
            pl.BlockSpec((BLK_D, FD), lambda i: (i, 0)),
            pl.BlockSpec(memory_space=pltpu.SMEM),
            pl.BlockSpec((1, OFFS_PAD), lambda i: (0, 0)),
            pl.BlockSpec((K0, K1, FD), lambda i: (0, 0, 0)),
            pl.BlockSpec((1, 1), lambda i: (0, 0)),
        ],
        out_specs=[
            pl.BlockSpec((BLK_D, 1), lambda i: (i, 0)),
            pl.BlockSpec((1, 1), lambda i: (0, 0)),
        ],
        out_shape=[
            jax.ShapeDtypeStruct((B, 1), jnp.int32),
            jax.ShapeDtypeStruct((1, 1), jnp.float32),
        ],
    )(zs, offs_flat, offs2, fine_cb, sumc)

    zqf = _sc_gather(ff, pack, offs_flat, fidx2.reshape(B), zf)

    return zqc, zqf, loss[0, 0]

# --- scband reference (transcript-rebuilt; emitter-appended) ---
"""Pipeline reference for scband-nested-vector-quantizer-61125974556917 (READ-ONLY COPY).

The authoritative reference and input builder live on the scoring server;
editing this copy changes nothing except your own understanding.
"""

import jax, jax.numpy as jnp
import numpy as np

HIDDEN = 768
K0 = 64
K1 = 512
CD = 32
FD = 32
CC = 0.25
B = 4096


def layer_norm(x, g, b, eps=1e-5):
    mu = jnp.mean(x, axis=-1, keepdims=True)
    var = jnp.var(x, axis=-1, keepdims=True)
    return (x - mu) / jnp.sqrt(var + eps) * g + b


def setup_inputs(seed: int = 0) -> dict:
    key = jax.random.key(seed)
    ks = jax.random.split(key, 8)
    x = jax.random.normal(ks[0], (B, HIDDEN), dtype=jnp.float32)
    s1 = 1.0 / np.sqrt(HIDDEN)
    W1 = jax.random.uniform(ks[1], (HIDDEN, CD), minval=-s1, maxval=s1, dtype=jnp.float32)
    b1 = jax.random.uniform(ks[2], (CD,), minval=-s1, maxval=s1, dtype=jnp.float32)
    g1 = jnp.ones((CD,), dtype=jnp.float32)
    beta1 = jnp.zeros((CD,), dtype=jnp.float32)
    coarse_cb = jax.random.uniform(ks[3], (K0, CD), minval=-1.0 / K0, maxval=1.0 / K0, dtype=jnp.float32)
    s2 = 1.0 / np.sqrt(HIDDEN + CD)
    W2 = jax.random.uniform(ks[4], (HIDDEN + CD, FD), minval=-s2, maxval=s2, dtype=jnp.float32)
    b2 = jax.random.uniform(ks[5], (FD,), minval=-s2, maxval=s2, dtype=jnp.float32)
    g2 = jnp.ones((FD,), dtype=jnp.float32)
    beta2 = jnp.zeros((FD,), dtype=jnp.float32)
    fine_cb = jax.random.uniform(ks[6], (K0, K1, FD), minval=-1.0 / K1, maxval=1.0 / K1, dtype=jnp.float32)
    return {"x": x, "W1": W1, "b1": b1, "g1": g1, "beta1": beta1,
            "coarse_cb": coarse_cb, "W2": W2, "b2": b2, "g2": g2,
            "beta2": beta2, "fine_cb": fine_cb}


def reference(x, W1, b1, g1, beta1, coarse_cb, W2, b2, g2, beta2, fine_cb):
    sg = jax.lax.stop_gradient
    # coarse projection + LN
    z_coarse = layer_norm(x @ W1 + b1, g1, beta1)
    # coarse VQ: squared euclidean distances (same argmin as cdist)
    d2c = (jnp.sum(z_coarse ** 2, axis=-1, keepdims=True)
           - 2.0 * z_coarse @ coarse_cb.T
           + jnp.sum(coarse_cb ** 2, axis=-1)[None, :])
    coarse_idx = jnp.argmin(d2c, axis=-1)
    zq_c = jnp.take(coarse_cb, coarse_idx, axis=0)
    commit_c = jnp.mean((sg(zq_c) - z_coarse) ** 2) * CC
    code_c = jnp.mean((zq_c - sg(z_coarse)) ** 2)
    zq_c_st = z_coarse + sg(zq_c - z_coarse)
    # fine projection + LN (conditioned on straight-through coarse codes)
    z_fine_in = layer_norm(jnp.concatenate([x, zq_c_st], axis=-1) @ W2 + b2, g2, beta2)
    # gather the per-sample fine codebook selected by the coarse index
    cb = jnp.take(fine_cb, coarse_idx, axis=0)  # [B, K1, FD]
    d2f = (jnp.sum(z_fine_in ** 2, axis=-1, keepdims=True)
           - 2.0 * jnp.einsum('bd,bkd->bk', z_fine_in, cb)
           + jnp.sum(cb ** 2, axis=-1))
    fine_idx = jnp.argmin(d2f, axis=-1)
    zq_f = jnp.take_along_axis(cb, fine_idx[:, None, None], axis=1)[:, 0, :]
    # per-bucket mse weighted by count/B == global mean over batch and dim
    commit_f = jnp.mean((sg(zq_f) - z_fine_in) ** 2) * CC
    code_f = jnp.mean((zq_f - sg(z_fine_in)) ** 2)
    zq_f_st = z_fine_in + sg(zq_f - z_fine_in)
    total_vq_loss = commit_c + code_c + commit_f + code_f
    return (zq_c_st, zq_f_st, total_vq_loss)

if __name__ == "__main__":
    import jax
    _d = setup_inputs()
    print(jax.jit(kernel)(*tuple(_d.values())))

</pallas_src>

<mosaic_0001>
#map = affine_map<(d0, d1) -> (0, 0)>
#map1 = affine_map<(d0, d1) -> (0)>
module attributes {stable_mosaic.version = 14 : i64} {
  func.func @f(%arg0: i32, %arg1: i32, %arg2: memref<32768x32xf32, #tpu.memory_space<hbm>>, %arg3: memref<4096xi32, #tpu.memory_space<hbm>>, %arg4: memref<128xi32, #tpu.memory_space<hbm>>, %arg5: memref<4096xi32, #tpu.memory_space<hbm>>, %arg6: memref<4096x32xf32, #tpu.memory_space<hbm>>, %arg7: memref<4096x32xf32, #tpu.memory_space<hbm>>, %arg8: memref<128xi32, #tpu.memory_space<vmem>>, %arg9: memref<128xi32, #tpu.memory_space<vmem>>, %arg10: memref<4096xi32, #tpu.memory_space<vmem>>, %arg11: memref<128xi32, #tpu.memory_space<vmem>>, %arg12: memref<128x32xf32, #tpu.memory_space<vmem>>, %arg13: memref<128x32xf32, #tpu.memory_space<vmem>>, %arg14: memref<!tpu.dma_semaphore, #tpu.memory_space<semaphore_mem>>, %arg15: memref<!tpu.dma_semaphore, #tpu.memory_space<semaphore_mem>>, %arg16: memref<!tpu.dma_semaphore, #tpu.memory_space<semaphore_mem>>, %arg17: memref<!tpu.dma_semaphore, #tpu.memory_space<semaphore_mem>>) attributes {dimension_semantics = [#tpu.dimension_semantics<core_parallel>, #tpu.dimension_semantics<subcore_parallel>], iteration_bounds = array<i64: 2, 16>, scalar_prefetch = 0 : i64, scratch_operands = 10 : i64, tpu.core_type = #tpu.core_type<sc_vector_subcore>, window_params = [{transform_indices = #map}, {transform_indices = #map1}, {transform_indices = #map1}, {transform_indices = #map1}, {transform_indices = #map}, {transform_indices = #map}]} {
    %mul3A = arith.constant 2 : i32
    %mul3A_0 = arith.muli %arg1, %mul3A : i32
    %add3A = arith.addi %mul3A_0, %arg0 : i32
    %mul3A_1 = arith.constant 128 : i32
    %mul3A_2 = arith.muli %add3A, %mul3A_1 : i32
    tpu.enqueue_dma source(%arg4 : memref<128xi32, #tpu.memory_space<hbm>>) target(%arg8 : memref<128xi32, #tpu.memory_space<vmem>>) target_semaphore(%arg14 : memref<!tpu.dma_semaphore, #tpu.memory_space<semaphore_mem>>)
    %dma_start3A = tpu.memref_slice %arg3[%mul3A_2] : memref<4096xi32, #tpu.memory_space<hbm>> -> memref<128xi32, #tpu.memory_space<hbm>>
    %dma_start3A_3 = tpu.memref_slice %arg3[%mul3A_2] : memref<4096xi32, #tpu.memory_space<hbm>> -> memref<128xi32, #tpu.memory_space<hbm>>
    tpu.enqueue_dma source(%dma_start3A_3 : memref<128xi32, #tpu.memory_space<hbm>>) target(%arg9 : memref<128xi32, #tpu.memory_space<vmem>>) target_semaphore(%arg15 : memref<!tpu.dma_semaphore, #tpu.memory_space<semaphore_mem>>)
    tpu.enqueue_dma source(%arg5 : memref<4096xi32, #tpu.memory_space<hbm>>) target(%arg10 : memref<4096xi32, #tpu.memory_space<vmem>>) target_semaphore(%arg16 : memref<!tpu.dma_semaphore, #tpu.memory_space<semaphore_mem>>)
    %dma_start3A_4 = arith.constant 0 : i32
    %dma_start3A_5 = tpu.memref_slice %arg6[%mul3A_2, %dma_start3A_4] : memref<4096x32xf32, #tpu.memory_space<hbm>> -> memref<128x32xf32, #tpu.memory_space<hbm>>
    %dma_start3A_6 = arith.constant 0 : i32
    %dma_start3A_7 = tpu.memref_slice %arg6[%mul3A_2, %dma_start3A_6] : memref<4096x32xf32, #tpu.memory_space<hbm>> -> memref<128x32xf32, #tpu.memory_space<hbm>>
    tpu.enqueue_dma source(%dma_start3A_7 : memref<128x32xf32, #tpu.memory_space<hbm>>) target(%arg13 : memref<128x32xf32, #tpu.memory_space<vmem>>) target_semaphore(%arg17 : memref<!tpu.dma_semaphore, #tpu.memory_space<semaphore_mem>>)
    tpu.wait_dma2 semaphore(%arg14 : memref<!tpu.dma_semaphore, #tpu.memory_space<semaphore_mem>>) src(%arg4 : memref<128xi32, #tpu.memory_space<hbm>>) dst(%arg8 : memref<128xi32, #tpu.memory_space<vmem>>)
    %dma_wait3A = tpu.memref_slice %arg3[%mul3A_2] : memref<4096xi32, #tpu.memory_space<hbm>> -> memref<128xi32, #tpu.memory_space<hbm>>
    %dma_wait3A_8 = tpu.memref_slice %arg3[%mul3A_2] : memref<4096xi32, #tpu.memory_space<hbm>> -> memref<128xi32, #tpu.memory_space<hbm>>
    tpu.wait_dma2 semaphore(%arg15 : memref<!tpu.dma_semaphore, #tpu.memory_space<semaphore_mem>>) src(%dma_wait3A_8 : memref<128xi32, #tpu.memory_space<hbm>>) dst(%arg9 : memref<128xi32, #tpu.memory_space<vmem>>)
    tpu.wait_dma2 semaphore(%arg16 : memref<!tpu.dma_semaphore, #tpu.memory_space<semaphore_mem>>) src(%arg5 : memref<4096xi32, #tpu.memory_space<hbm>>) dst(%arg10 : memref<4096xi32, #tpu.memory_space<vmem>>)
    %get3A = arith.constant 0 : index
    %get3A_9 = tpu.vector_load %arg9[%get3A] {strides = array<i32>} : memref<128xi32, #tpu.memory_space<vmem>>, vector<16xi32>,
    %shift_right_logical3A = arith.constant 12 : i32
    %shift_right_logical3A_10 = vector.broadcast %shift_right_logical3A : i32 to vector<16xi32>
    %shift_right_logical3A_11 = arith.shrui %get3A_9, %shift_right_logical3A_10 : vector<16xi32>
    %gather3A = tpu.vector_load_idx %arg8[%shift_right_logical3A_11] : memref<128xi32, #tpu.memory_space<vmem>>[vector<16xi32>], vector<16xi32>,
    %and3A = arith.constant 4095 : i32
    %and3A_12 = vector.broadcast %and3A : i32 to vector<16xi32>
    %and3A_13 = arith.andi %get3A_9, %and3A_12 : vector<16xi32>
    %add3A_14 = arith.addi %gather3A, %and3A_13 : vector<16xi32>
    %gather3A_15 = tpu.vector_load_idx %arg10[%add3A_14] : memref<4096xi32, #tpu.memory_space<vmem>>[vector<16xi32>], vector<16xi32>,
    %mul3A_16 = arith.constant 512 : i32
    %mul3A_17 = vector.broadcast %mul3A_16 : i32 to vector<16xi32>
    %mul3A_18 = arith.muli %shift_right_logical3A_11, %mul3A_17 : vector<16xi32>
    %add3A_19 = arith.addi %mul3A_18, %gather3A_15 : vector<16xi32>
    %swap3A = arith.constant 0 : index
    %swap3A_20 = tpu.vector_load %arg11[%swap3A] {strides = array<i32>} : memref<128xi32, #tpu.memory_space<vmem>>, vector<16xi32>,
    tpu.vector_store %arg11[%swap3A], %add3A_19 {strides = array<i32>} : memref<128xi32, #tpu.memory_space<vmem>>, vector<16xi32>,
    %get3A_21 = arith.constant 16 : index
    %get3A_22 = tpu.vector_load %arg9[%get3A_21] {strides = array<i32>} : memref<128xi32, #tpu.memory_space<vmem>>, vector<16xi32>,
    %shift_right_logical3A_23 = arith.constant 12 : i32
    %shift_right_logical3A_24 = vector.broadcast %shift_right_logical3A_23 : i32 to vector<16xi32>
    %shift_right_logical3A_25 = arith.shrui %get3A_22, %shift_right_logical3A_24 : vector<16xi32>
    %gather3A_26 = tpu.vector_load_idx %arg8[%shift_right_logical3A_25] : memref<128xi32, #tpu.memory_space<vmem>>[vector<16xi32>], vector<16xi32>,
    %and3A_27 = arith.constant 4095 : i32
    %and3A_28 = vector.broadcast %and3A_27 : i32 to vector<16xi32>
    %and3A_29 = arith.andi %get3A_22, %and3A_28 : vector<16xi32>
    %add3A_30 = arith.addi %gather3A_26, %and3A_29 : vector<16xi32>
    %gather3A_31 = tpu.vector_load_idx %arg10[%add3A_30] : memref<4096xi32, #tpu.memory_space<vmem>>[vector<16xi32>], vector<16xi32>,
    %mul3A_32 = arith.constant 512 : i32
    %mul3A_33 = vector.broadcast %mul3A_32 : i32 to vector<16xi32>
    %mul3A_34 = arith.muli %shift_right_logical3A_25, %mul3A_33 : vector<16xi32>
    %add3A_35 = arith.addi %mul3A_34, %gather3A_31 : vector<16xi32>
    %swap3A_36 = arith.constant 16 : index
    %swap3A_37 = tpu.vector_load %arg11[%swap3A_36] {strides = array<i32>} : memref<128xi32, #tpu.memory_space<vmem>>, vector<16xi32>,
    tpu.vector_store %arg11[%swap3A_36], %add3A_35 {strides = array<i32>} : memref<128xi32, #tpu.memory_space<vmem>>, vector<16xi32>,
    %get3A_38 = arith.constant 32 : index
    %get3A_39 = tpu.vector_load %arg9[%get3A_38] {strides = array<i32>} : memref<128xi32, #tpu.memory_space<vmem>>, vector<16xi32>,
    %shift_right_logical3A_40 = arith.constant 12 : i32
    %shift_right_logical3A_41 = vector.broadcast %shift_right_logical3A_40 : i32 to vector<16xi32>
    %shift_right_logical3A_42 = arith.shrui %get3A_39, %shift_right_logical3A_41 : vector<16xi32>
    %gather3A_43 = tpu.vector_load_idx %arg8[%shift_right_logical3A_42] : memref<128xi32, #tpu.memory_space<vmem>>[vector<16xi32>], vector<16xi32>,
    %and3A_44 = arith.constant 4095 : i32
    %and3A_45 = vector.broadcast %and3A_44 : i32 to vector<16xi32>
    %and3A_46 = arith.andi %get3A_39, %and3A_45 : vector<16xi32>
    %add3A_47 = arith.addi %gather3A_43, %and3A_46 : vector<16xi32>
    %gather3A_48 = tpu.vector_load_idx %arg10[%add3A_47] : memref<4096xi32, #tpu.memory_space<vmem>>[vector<16xi32>], vector<16xi32>,
    %mul3A_49 = arith.constant 512 : i32
    %mul3A_50 = vector.broadcast %mul3A_49 : i32 to vector<16xi32>
    %mul3A_51 = arith.muli %shift_right_logical3A_42, %mul3A_50 : vector<16xi32>
    %add3A_52 = arith.addi %mul3A_51, %gather3A_48 : vector<16xi32>
    %swap3A_53 = arith.constant 32 : index
    %swap3A_54 = tpu.vector_load %arg11[%swap3A_53] {strides = array<i32>} : memref<128xi32, #tpu.memory_space<vmem>>, vector<16xi32>,
    tpu.vector_store %arg11[%swap3A_53], %add3A_52 {strides = array<i32>} : memref<128xi32, #tpu.memory_space<vmem>>, vector<16xi32>,
    %get3A_55 = arith.constant 48 : index
    %get3A_56 = tpu.vector_load %arg9[%get3A_55] {strides = array<i32>} : memref<128xi32, #tpu.memory_space<vmem>>, vector<16xi32>,
    %shift_right_logical3A_57 = arith.constant 12 : i32
    %shift_right_logical3A_58 = vector.broadcast %shift_right_logical3A_57 : i32 to vector<16xi32>
    %shift_right_logical3A_59 = arith.shrui %get3A_56, %shift_right_logical3A_58 : vector<16xi32>
    %gather3A_60 = tpu.vector_load_idx %arg8[%shift_right_logical3A_59] : memref<128xi32, #tpu.memory_space<vmem>>[vector<16xi32>], vector<16xi32>,
    %and3A_61 = arith.constant 4095 : i32
    %and3A_62 = vector.broadcast %and3A_61 : i32 to vector<16xi32>
    %and3A_63 = arith.andi %get3A_56, %and3A_62 : vector<16xi32>
    %add3A_64 = arith.addi %gather3A_60, %and3A_63 : vector<16xi32>
    %gather3A_65 = tpu.vector_load_idx %arg10[%add3A_64] : memref<4096xi32, #tpu.memory_space<vmem>>[vector<16xi32>], vector<16xi32>,
    %mul3A_66 = arith.constant 512 : i32
    %mul3A_67 = vector.broadcast %mul3A_66 : i32 to vector<16xi32>
    %mul3A_68 = arith.muli %shift_right_logical3A_59, %mul3A_67 : vector<16xi32>
    %add3A_69 = arith.addi %mul3A_68, %gather3A_65 : vector<16xi32>
    %swap3A_70 = arith.constant 48 : index
    %swap3A_71 = tpu.vector_load %arg11[%swap3A_70] {strides = array<i32>} : memref<128xi32, #tpu.memory_space<vmem>>, vector<16xi32>,
    tpu.vector_store %arg11[%swap3A_70], %add3A_69 {strides = array<i32>} : memref<128xi32, #tpu.memory_space<vmem>>, vector<16xi32>,
    %get3A_72 = arith.constant 64 : index
    %get3A_73 = tpu.vector_load %arg9[%get3A_72] {strides = array<i32>} : memref<128xi32, #tpu.memory_space<vmem>>, vector<16xi32>,
    %shift_right_logical3A_74 = arith.constant 12 : i32
    %shift_right_logical3A_75 = vector.broadcast %shift_right_logical3A_74 : i32 to vector<16xi32>
    %shift_right_logical3A_76 = arith.shrui %get3A_73, %shift_right_logical3A_75 : vector<16xi32>
    %gather3A_77 = tpu.vector_load_idx %arg8[%shift_right_logical3A_76] : memref<128xi32, #tpu.memory_space<vmem>>[vector<16xi32>], vector<16xi32>,
    %and3A_78 = arith.constant 4095 : i32
    %and3A_79 = vector.broadcast %and3A_78 : i32 to vector<16xi32>
    %and3A_80 = arith.andi %get3A_73, %and3A_79 : vector<16xi32>
    %add3A_81 = arith.addi %gather3A_77, %and3A_80 : vector<16xi32>
    %gather3A_82 = tpu.vector_load_idx %arg10[%add3A_81] : memref<4096xi32, #tpu.memory_space<vmem>>[vector<16xi32>], vector<16xi32>,
    %mul3A_83 = arith.constant 512 : i32
    %mul3A_84 = vector.broadcast %mul3A_83 : i32 to vector<16xi32>
    %mul3A_85 = arith.muli %shift_right_logical3A_76, %mul3A_84 : vector<16xi32>
    %add3A_86 = arith.addi %mul3A_85, %gather3A_82 : vector<16xi32>
    %swap3A_87 = arith.constant 64 : index
    %swap3A_88 = tpu.vector_load %arg11[%swap3A_87] {strides = array<i32>} : memref<128xi32, #tpu.memory_space<vmem>>, vector<16xi32>,
    tpu.vector_store %arg11[%swap3A_87], %add3A_86 {strides = array<i32>} : memref<128xi32, #tpu.memory_space<vmem>>, vector<16xi32>,
    %get3A_89 = arith.constant 80 : index
    %get3A_90 = tpu.vector_load %arg9[%get3A_89] {strides = array<i32>} : memref<128xi32, #tpu.memory_space<vmem>>, vector<16xi32>,
    %shift_right_logical3A_91 = arith.constant 12 : i32
    %shift_right_logical3A_92 = vector.broadcast %shift_right_logical3A_91 : i32 to vector<16xi32>
    %shift_right_logical3A_93 = arith.shrui %get3A_90, %shift_right_logical3A_92 : vector<16xi32>
    %gather3A_94 = tpu.vector_load_idx %arg8[%shift_right_logical3A_93] : memref<128xi32, #tpu.memory_space<vmem>>[vector<16xi32>], vector<16xi32>,
    %and3A_95 = arith.constant 4095 : i32
    %and3A_96 = vector.broadcast %and3A_95 : i32 to vector<16xi32>
    %and3A_97 = arith.andi %get3A_90, %and3A_96 : vector<16xi32>
    %add3A_98 = arith.addi %gather3A_94, %and3A_97 : vector<16xi32>
    %gather3A_99 = tpu.vector_load_idx %arg10[%add3A_98] : memref<4096xi32, #tpu.memory_space<vmem>>[vector<16xi32>], vector<16xi32>,
    %mul3A_100 = arith.constant 512 : i32
    %mul3A_101 = vector.broadcast %mul3A_100 : i32 to vector<16xi32>
    %mul3A_102 = arith.muli %shift_right_logical3A_93, %mul3A_101 : vector<16xi32>
    %add3A_103 = arith.addi %mul3A_102, %gather3A_99 : vector<16xi32>
    %swap3A_104 = arith.constant 80 : index
    %swap3A_105 = tpu.vector_load %arg11[%swap3A_104] {strides = array<i32>} : memref<128xi32, #tpu.memory_space<vmem>>, vector<16xi32>,
    tpu.vector_store %arg11[%swap3A_104], %add3A_103 {strides = array<i32>} : memref<128xi32, #tpu.memory_space<vmem>>, vector<16xi32>,
    %get3A_106 = arith.constant 96 : index
    %get3A_107 = tpu.vector_load %arg9[%get3A_106] {strides = array<i32>} : memref<128xi32, #tpu.memory_space<vmem>>, vector<16xi32>,
    %shift_right_logical3A_108 = arith.constant 12 : i32
    %shift_right_logical3A_109 = vector.broadcast %shift_right_logical3A_108 : i32 to vector<16xi32>
    %shift_right_logical3A_110 = arith.shrui %get3A_107, %shift_right_logical3A_109 : vector<16xi32>
    %gather3A_111 = tpu.vector_load_idx %arg8[%shift_right_logical3A_110] : memref<128xi32, #tpu.memory_space<vmem>>[vector<16xi32>], vector<16xi32>,
    %and3A_112 = arith.constant 4095 : i32
    %and3A_113 = vector.broadcast %and3A_112 : i32 to vector<16xi32>
    %and3A_114 = arith.andi %get3A_107, %and3A_113 : vector<16xi32>
    %add3A_115 = arith.addi %gather3A_111, %and3A_114 : vector<16xi32>
    %gather3A_116 = tpu.vector_load_idx %arg10[%add3A_115] : memref<4096xi32, #tpu.memory_space<vmem>>[vector<16xi32>], vector<16xi32>,
    %mul3A_117 = arith.constant 512 : i32
    %mul3A_118 = vector.broadcast %mul3A_117 : i32 to vector<16xi32>
    %mul3A_119 = arith.muli %shift_right_logical3A_110, %mul3A_118 : vector<16xi32>
    %add3A_120 = arith.addi %mul3A_119, %gather3A_116 : vector<16xi32>
    %swap3A_121 = arith.constant 96 : index
    %swap3A_122 = tpu.vector_load %arg11[%swap3A_121] {strides = array<i32>} : memref<128xi32, #tpu.memory_space<vmem>>, vector<16xi32>,
    tpu.vector_store %arg11[%swap3A_121], %add3A_120 {strides = array<i32>} : memref<128xi32, #tpu.memory_space<vmem>>, vector<16xi32>,
    %get3A_123 = arith.constant 112 : index
    %get3A_124 = tpu.vector_load %arg9[%get3A_123] {strides = array<i32>} : memref<128xi32, #tpu.memory_space<vmem>>, vector<16xi32>,
    %shift_right_logical3A_125 = arith.constant 12 : i32
    %shift_right_logical3A_126 = vector.broadcast %shift_right_logical3A_125 : i32 to vector<16xi32>
    %shift_right_logical3A_127 = arith.shrui %get3A_124, %shift_right_logical3A_126 : vector<16xi32>
    %gather3A_128 = tpu.vector_load_idx %arg8[%shift_right_logical3A_127] : memref<128xi32, #tpu.memory_space<vmem>>[vector<16xi32>], vector<16xi32>,
    %and3A_129 = arith.constant 4095 : i32
    %and3A_130 = vector.broadcast %and3A_129 : i32 to vector<16xi32>
    %and3A_131 = arith.andi %get3A_124, %and3A_130 : vector<16xi32>
    %add3A_132 = arith.addi %gather3A_128, %and3A_131 : vector<16xi32>
    %gather3A_133 = tpu.vector_load_idx %arg10[%add3A_132] : memref<4096xi32, #tpu.memory_space<vmem>>[vector<16xi32>], vector<16xi32>,
    %mul3A_134 = arith.constant 512 : i32
    %mul3A_135 = vector.broadcast %mul3A_134 : i32 to vector<16xi32>
    %mul3A_136 = arith.muli %shift_right_logical3A_127, %mul3A_135 : vector<16xi32>
    %add3A_137 = arith.addi %mul3A_136, %gather3A_133 : vector<16xi32>
    %swap3A_138 = arith.constant 112 : index
    %swap3A_139 = tpu.vector_load %arg11[%swap3A_138] {strides = array<i32>} : memref<128xi32, #tpu.memory_space<vmem>>, vector<16xi32>,
    tpu.vector_store %arg11[%swap3A_138], %add3A_137 {strides = array<i32>} : memref<128xi32, #tpu.memory_space<vmem>>, vector<16xi32>,
    %dma_start3A_140 = arith.constant 0 : i32
    %dma_start3A_141 = arith.constant 0 : i32
    %dma_start3A_142 = tpu.memref_slice %arg2[%dma_start3A_140, %dma_start3A_141] : memref<32768x32xf32, #tpu.memory_space<hbm>> -> memref<32768x32xf32, #tpu.memory_space<hbm>>
    tpu.enqueue_indirect_dma source(%dma_start3A_142 : memref<32768x32xf32, #tpu.memory_space<hbm>>) target(%arg12 : memref<128x32xf32, #tpu.memory_space<vmem>>) offsets(%arg11 : memref<128xi32, #tpu.memory_space<vmem>>) semaphore(%arg14 : memref<!tpu.dma_semaphore, #tpu.memory_space<semaphore_mem>>)
    %dma_wait3A_143 = arith.constant 0 : i32
    %dma_wait3A_144 = arith.constant 0 : i32
    %dma_wait3A_145 = tpu.memref_slice %arg2[%dma_wait3A_143, %dma_wait3A_144] : memref<32768x32xf32, #tpu.memory_space<hbm>> -> memref<32768x32xf32, #tpu.memory_space<hbm>>
    tpu.wait_indirect_dma semaphore(%arg14 : memref<!tpu.dma_semaphore, #tpu.memory_space<semaphore_mem>>) src(%dma_wait3A_145 : memref<32768x32xf32, #tpu.memory_space<hbm>>) dst(%arg12 : memref<128x32xf32, #tpu.memory_space<vmem>>)
    %dma_wait3A_146 = arith.constant 0 : i32
    %dma_wait3A_147 = tpu.memref_slice %arg6[%mul3A_2, %dma_wait3A_146] : memref<4096x32xf32, #tpu.memory_space<hbm>> -> memref<128x32xf32, #tpu.memory_space<hbm>>
    %dma_wait3A_148 = arith.constant 0 : i32
    %dma_wait3A_149 = tpu.memref_slice %arg6[%mul3A_2, %dma_wait3A_148] : memref<4096x32xf32, #tpu.memory_space<hbm>> -> memref<128x32xf32, #tpu.memory_space<hbm>>
    tpu.wait_dma2 semaphore(%arg17 : memref<!tpu.dma_semaphore, #tpu.memory_space<semaphore_mem>>) src(%dma_wait3A_149 : memref<128x32xf32, #tpu.memory_space<hbm>>) dst(%arg13 : memref<128x32xf32, #tpu.memory_space<vmem>>)
    %get3A_150 = arith.constant 0 : i32
    %get3A_151 = arith.index_cast %get3A_150 : i32 to index
    %get3A_152 = arith.constant 0 : index
    %get3A_153 = tpu.vector_load %arg13[%get3A_151, %get3A_152] {strides = array<i32>} : memref<128x32xf32, #tpu.memory_space<vmem>>, vector<16xf32>,
    %get3A_154 = arith.constant 0 : i32
    %get3A_155 = arith.index_cast %get3A_154 : i32 to index
    %get3A_156 = arith.constant 0 : index
    %get3A_157 = tpu.vector_load %arg12[%get3A_155, %get3A_156] {strides = array<i32>} : memref<128x32xf32, #tpu.memory_space<vmem>>, vector<16xf32>,
    %sub3A = arith.subf %get3A_157, %get3A_153 : vector<16xf32>
    %add3A_158 = arith.addf %get3A_153, %sub3A : vector<16xf32>
    %swap3A_159 = arith.constant 0 : i32
    %swap3A_160 = arith.index_cast %swap3A_159 : i32 to index
    %swap3A_161 = arith.constant 0 : index
    %swap3A_162 = tpu.vector_load %arg12[%swap3A_160, %swap3A_161] {strides = array<i32>} : memref<128x32xf32, #tpu.memory_space<vmem>>, vector<16xf32>,
    tpu.vector_store %arg12[%swap3A_160, %swap3A_161], %add3A_158 {strides = array<i32>} : memref<128x32xf32, #tpu.memory_space<vmem>>, vector<16xf32>,
    %get3A_163 = arith.constant 0 : i32
    %get3A_164 = arith.index_cast %get3A_163 : i32 to index
    %get3A_165 = arith.constant 16 : index
    %get3A_166 = tpu.vector_load %arg13[%get3A_164, %get3A_165] {strides = array<i32>} : memref<128x32xf32, #tpu.memory_space<vmem>>, vector<16xf32>,
    %get3A_167 = arith.constant 0 : i32
    %get3A_168 = arith.index_cast %get3A_167 : i32 to index
    %get3A_169 = arith.constant 16 : index
    %get3A_170 = tpu.vector_load %arg12[%get3A_168, %get3A_169] {strides = array<i32>} : memref<128x32xf32, #tpu.memory_space<vmem>>, vector<16xf32>,
    %sub3A_171 = arith.subf %get3A_170, %get3A_166 : vector<16xf32>
    %add3A_172 = arith.addf %get3A_166, %sub3A_171 : vector<16xf32>
    %swap3A_173 = arith.constant 0 : i32
    %swap3A_174 = arith.index_cast %swap3A_173 : i32 to index
    %swap3A_175 = arith.constant 16 : index
    %swap3A_176 = tpu.vector_load %arg12[%swap3A_174, %swap3A_175] {strides = array<i32>} : memref<128x32xf32, #tpu.memory_space<vmem>>, vector<16xf32>,
    tpu.vector_store %arg12[%swap3A_174, %swap3A_175], %add3A_172 {strides = array<i32>} : memref<128x32xf32, #tpu.memory_space<vmem>>, vector<16xf32>,
    %get3A_177 = arith.constant 1 : i32
    %get3A_178 = arith.index_cast %get3A_177 : i32 to index
    %get3A_179 = arith.constant 0 : index
    %get3A_180 = tpu.vector_load %arg13[%get3A_178, %get3A_179] {strides = array<i32>} : memref<128x32xf32, #tpu.memory_space<vmem>>, vector<16xf32>,
    %get3A_181 = arith.constant 1 : i32
    %get3A_182 = arith.index_cast %get3A_181 : i32 to index
    %get3A_183 = arith.constant 0 : index
    %get3A_184 = tpu.vector_load %arg12[%get3A_182, %get3A_183] {strides = array<i32>} : memref<128x32xf32, #tpu.memory_space<vmem>>, vector<16xf32>,
    %sub3A_185 = arith.subf %get3A_184, %get3A_180 : vector<16xf32>
    %add3A_186 = arith.addf %get3A_180, %sub3A_185 : vector<16xf32>
    %swap3A_187 = arith.constant 1 : i32
    %swap3A_188 = arith.index_cast %swap3A_187 : i32 to index
    %swap3A_189 = arith.constant 0 : index
    %swap3A_190 = tpu.vector_load %arg12[%swap3A_188, %swap3A_189] {strides = array<i32>} : memref<128x32xf32, #tpu.memory_space<vmem>>, vector<16xf32>,
    tpu.vector_store %arg12[%swap3A_188, %swap3A_189], %add3A_186 {strides = array<i32>} : memref<128x32xf32, #tpu.memory_space<vmem>>, vector<16xf32>,
    %get3A_191 = arith.constant 1 : i32
    %get3A_192 = arith.index_cast %get3A_191 : i32 to index
    %get3A_193 = arith.constant 16 : index
    %get3A_194 = tpu.vector_load %arg13[%get3A_192, %get3A_193] {strides = array<i32>} : memref<128x32xf32, #tpu.memory_space<vmem>>, vector<16xf32>,
    %get3A_195 = arith.constant 1 : i32
    %get3A_196 = arith.index_cast %get3A_195 : i32 to index
    %get3A_197 = arith.constant 16 : index
    %get3A_198 = tpu.vector_load %arg12[%get3A_196, %get3A_197] {strides = array<i32>} : memref<128x32xf32, #tpu.memory_space<vmem>>, vector<16xf32>,
    %sub3A_199 = arith.subf %get3A_198, %get3A_194 : vector<16xf32>
    %add3A_200 = arith.addf %get3A_194, %sub3A_199 : vector<16xf32>
    %swap3A_201 = arith.constant 1 : i32
    %swap3A_202 = arith.index_cast %swap3A_201 : i32 to index
    %swap3A_203 = arith.constant 16 : index
    %swap3A_204 = tpu.vector_load %arg12[%swap3A_202, %swap3A_203] {strides = array<i32>} : memref<128x32xf32, #tpu.memory_space<vmem>>, vector<16xf32>,
    tpu.vector_store %arg12[%swap3A_202, %swap3A_203], %add3A_200 {strides = array<i32>} : memref<128x32xf32, #tpu.memory_space<vmem>>, vector<16xf32>,
    %get3A_205 = arith.constant 2 : i32
    %get3A_206 = arith.index_cast %get3A_205 : i32 to index
    %get3A_207 = arith.constant 0 : index
    %get3A_208 = tpu.vector_load %arg13[%get3A_206, %get3A_207] {strides = array<i32>} : memref<128x32xf32, #tpu.memory_space<vmem>>, vector<16xf32>,
    %get3A_209 = arith.constant 2 : i32
    %get3A_210 = arith.index_cast %get3A_209 : i32 to index
    %get3A_211 = arith.constant 0 : index
    %get3A_212 = tpu.vector_load %arg12[%get3A_210, %get3A_211] {strides = array<i32>} : memref<128x32xf32, #tpu.memory_space<vmem>>, vector<16xf32>,
    %sub3A_213 = arith.subf %get3A_212, %get3A_208 : vector<16xf32>
    %add3A_214 = arith.addf %get3A_208, %sub3A_213 : vector<16xf32>
    %swap3A_215 = arith.constant 2 : i32
    %swap3A_216 = arith.index_cast %swap3A_215 : i32 to index
    %swap3A_217 = arith.constant 0 : index
    %swap3A_218 = tpu.vector_load %arg12[%swap3A_216, %swap3A_217] {strides = array<i32>} : memref<128x32xf32, #tpu.memory_space<vmem>>, vector<16xf32>,
    tpu.vector_store %arg12[%swap3A_216, %swap3A_217], %add3A_214 {strides = array<i32>} : memref<128x32xf32, #tpu.memory_space<vmem>>, vector<16xf32>,
    %get3A_219 = arith.constant 2 : i32
    %get3A_220 = arith.index_cast %get3A_219 : i32 to index
    %get3A_221 = arith.constant 16 : index
    %get3A_222 = tpu.vector_load %arg13[%get3A_220, %get3A_221] {strides = array<i32>} : memref<128x32xf32, #tpu.memory_space<vmem>>, vector<16xf32>,
    %get3A_223 = arith.constant 2 : i32
    %get3A_224 = arith.index_cast %get3A_223 : i32 to index
    %get3A_225 = arith.constant 16 : index
    %get3A_226 = tpu.vector_load %arg12[%get3A_224, %get3A_225] {strides = array<i32>} : memref<128x32xf32, #tpu.memory_space<vmem>>, vector<16xf32>,
    %sub3A_227 = arith.subf %get3A_226, %get3A_222 : vector<16xf32>
    %add3A_228 = arith.addf %get3A_222, %sub3A_227 : vector<16xf32>
    %swap3A_229 = arith.constant 2 : i32
    %swap3A_230 = arith.index_cast %swap3A_229 : i32 to index
    %swap3A_231 = arith.constant 16 : index
    %swap3A_232 = tpu.vector_load %arg12[%swap3A_230, %swap3A_231] {strides = array<i32>} : memref<128x32xf32, #tpu.memory_space<vmem>>, vector<16xf32>,
    tpu.vector_store %arg12[%swap3A_230, %swap3A_231], %add3A_228 {strides = array<i32>} : memref<128x32xf32, #tpu.memory_space<vmem>>, vector<16xf32>,
    %get3A_233 = arith.constant 3 : i32
    %get3A_234 = arith.index_cast %get3A_233 : i32 to index
    %get3A_235 = arith.constant 0 : index
    %get3A_236 = tpu.vector_load %arg13[%get3A_234, %get3A_235] {strides = array<i32>} : memref<128x32xf32, #tpu.memory_space<vmem>>, vector<16xf32>,
    %get3A_237 = arith.constant 3 : i32
    %get3A_238 = arith.index_cast %get3A_237 : i32 to index
    %get3A_239 = arith.constant 0 : index
    %get3A_240 = tpu.vector_load %arg12[%get3A_238, %get3A_239] {strides = array<i32>} : memref<128x32xf32, #tpu.memory_space<vmem>>, vector<16xf32>,
    %sub3A_241 = arith.subf %get3A_240, %get3A_236 : vector<16xf32>
    %add3A_242 = arith.addf %get3A_236, %sub3A_241 : vector<16xf32>
    %swap3A_243 = arith.constant 3 : i32
    %swap3A_244 = arith.index_cast %swap3A_243 : i32 to index
    %swap3A_245 = arith.constant 0 : index
    %swap3A_246 = tpu.vector_load %arg12[%swap3A_244, %swap3A_245] {strides = array<i32>} : memref<128x32xf32, #tpu.memory_space<vmem>>, vector<16xf32>,
    tpu.vector_store %arg12[%swap3A_244, %swap3A_245], %add3A_242 {strides = array<i32>} : memref<128x32xf32, #tpu.memory_space<vmem>>, vector<16xf32>,
    %get3A_247 = arith.constant 3 : i32
    %get3A_248 = arith.index_cast %get3A_247 : i32 to index
    %get3A_249 = arith.constant 16 : index
    %get3A_250 = tpu.vector_load %arg13[%get3A_248, %get3A_249] {strides = array<i32>} : memref<128x32xf32, #tpu.memory_space<vmem>>, vector<16xf32>,
    %get3A_251 = arith.constant 3 : i32
    %get3A_252 = arith.index_cast %get3A_251 : i32 to index
    %get3A_253 = arith.constant 16 : index
    %get3A_254 = tpu.vector_load %arg12[%get3A_252, %get3A_253] {strides = array<i32>} : memref<128x32xf32, #tpu.memory_space<vmem>>, vector<16xf32>,
    %sub3A_255 = arith.subf %get3A_254, %get3A_250 : vector<16xf32>
    %add3A_256 = arith.addf %get3A_250, %sub3A_255 : vector<16xf32>
    %swap3A_257 = arith.constant 3 : i32
    %swap3A_258 = arith.index_cast %swap3A_257 : i32 to index
    %swap3A_259 = arith.constant 16 : index
    %swap3A_260 = tpu.vector_load %arg12[%swap3A_258, %swap3A_259] {strides = array<i32>} : memref<128x32xf32, #tpu.memory_space<vmem>>, vector<16xf32>,
    tpu.vector_store %arg12[%swap3A_258, %swap3A_259], %add3A_256 {strides = array<i32>} : memref<128x32xf32, #tpu.memory_space<vmem>>, vector<16xf32>,
    %get3A_261 = arith.constant 4 : i32
    %get3A_262 = arith.index_cast %get3A_261 : i32 to index
    %get3A_263 = arith.constant 0 : index
    %get3A_264 = tpu.vector_load %arg13[%get3A_262, %get3A_263] {strides = array<i32>} : memref<128x32xf32, #tpu.memory_space<vmem>>, vector<16xf32>,
    %get3A_265 = arith.constant 4 : i32
    %get3A_266 = arith.index_cast %get3A_265 : i32 to index
    %get3A_267 = arith.constant 0 : index
    %get3A_268 = tpu.vector_load %arg12[%get3A_266, %get3A_267] {strides = array<i32>} : memref<128x32xf32, #tpu.memory_space<vmem>>, vector<16xf32>,
    %sub3A_269 = arith.subf %get3A_268, %get3A_264 : vector<16xf32>
    %add3A_270 = arith.addf %get3A_264, %sub3A_269 : vector<16xf32>
    %swap3A_271 = arith.constant 4 : i32
    %swap3A_272 = arith.index_cast %swap3A_271 : i32 to index
    %swap3A_273 = arith.constant 0 : index
    %swap3A_274 = tpu.vector_load %arg12[%swap3A_272, %swap3A_273] {strides = array<i32>} : memref<128x32xf32, #tpu.memory_space<vmem>>, vector<16xf32>,
    tpu.vector_store %arg12[%swap3A_272, %swap3A_273], %add3A_270 {strides = array<i32>} : memref<128x32xf32, #tpu.memory_space<vmem>>, vector<16xf32>,
    %get3A_275 = arith.constant 4 : i32
    %get3A_276 = arith.index_cast %get3A_275 : i32 to index
    %get3A_277 = arith.constant 16 : index
    %get3A_278 = tpu.vector_load %arg13[%get3A_276, %get3A_277] {strides = array<i32>} : memref<128x32xf32, #tpu.memory_space<vmem>>, vector<16xf32>,
    %get3A_279 = arith.constant 4 : i32
    %get3A_280 = arith.index_cast %get3A_279 : i32 to index
    %get3A_281 = arith.constant 16 : index
    %get3A_282 = tpu.vector_load %arg12[%get3A_280, %get3A_281] {strides = array<i32>} : memref<128x32xf32, #tpu.memory_space<vmem>>, vector<16xf32>,
    %sub3A_283 = arith.subf %get3A_282, %get3A_278 : vector<16xf32>
    %add3A_284 = arith.addf %get3A_278, %sub3A_283 : vector<16xf32>
    %swap3A_285 = arith.constant 4 : i32
    %swap3A_286 = arith.index_cast %swap3A_285 : i32 to index
    %swap3A_287 = arith.constant 16 : index
    %swap3A_288 = tpu.vector_load %arg12[%swap3A_286, %swap3A_287] {strides = array<i32>} : memref<128x32xf32, #tpu.memory_space<vmem>>, vector<16xf32>,
    tpu.vector_store %arg12[%swap3A_286, %swap3A_287], %add3A_284 {strides = array<i32>} : memref<128x32xf32, #tpu.memory_space<vmem>>, vector<16xf32>,
    %get3A_289 = arith.constant 5 : i32
    %get3A_290 = arith.index_cast %get3A_289 : i32 to index
    %get3A_291 = arith.constant 0 : index
    %get3A_292 = tpu.vector_load %arg13[%get3A_290, %get3A_291] {strides = array<i32>} : memref<128x32xf32, #tpu.memory_space<vmem>>, vector<16xf32>,
    %get3A_293 = arith.constant 5 : i32
    %get3A_294 = arith.index_cast %get3A_293 : i32 to index
    %get3A_295 = arith.constant 0 : index
    %get3A_296 = tpu.vector_load %arg12[%get3A_294, %get3A_295] {strides = array<i32>} : memref<128x32xf32, #tpu.memory_space<vmem>>, vector<16xf32>,
    %sub3A_297 = arith.subf %get3A_296, %get3A_292 : vector<16xf32>
    %add3A_298 = arith.addf %get3A_292, %sub3A_297 : vector<16xf32>
    %swap3A_299 = arith.constant 5 : i32
    %swap3A_300 = arith.index_cast %swap3A_299 : i32 to index
    %swap3A_301 = arith.constant 0 : index
    %swap3A_302 = tpu.vector_load %arg12[%swap3A_300, %swap3A_301] {strides = array<i32>} : memref<128x32xf32, #tpu.memory_space<vmem>>, vector<16xf32>,
    tpu.vector_store %arg12[%swap3A_300, %swap3A_301], %add3A_298 {strides = array<i32>} : memref<128x32xf32, #tpu.memory_space<vmem>>, vector<16xf32>,
    %get3A_303 = arith.constant 5 : i32
    %get3A_304 = arith.index_cast %get3A_303 : i32 to index
    %get3A_305 = arith.constant 16 : index
    %get3A_306 = tpu.vector_load %arg13[%get3A_304, %get3A_305] {strides = array<i32>} : memref<128x32xf32, #tpu.memory_space<vmem>>, vector<16xf32>,
    %get3A_307 = arith.constant 5 : i32
    %get3A_308 = arith.index_cast %get3A_307 : i32 to index
    %get3A_309 = arith.constant 16 : index
    %get3A_310 = tpu.vector_load %arg12[%get3A_308, %get3A_309] {strides = array<i32>} : memref<128x32xf32, #tpu.memory_space<vmem>>, vector<16xf32>,
    %sub3A_311 = arith.subf %get3A_310, %get3A_306 : vector<16xf32>
    %add3A_312 = arith.addf %get3A_306, %sub3A_311 : vector<16xf32>
    %swap3A_313 = arith.constant 5 : i32
    %swap3A_314 = arith.index_cast %swap3A_313 : i32 to index
    %swap3A_315 = arith.constant 16 : index
    %swap3A_316 = tpu.vector_load %arg12[%swap3A_314, %swap3A_315] {strides = array<i32>} : memref<128x32xf32, #tpu.memory_space<vmem>>, vector<16xf32>,
    tpu.vector_store %arg12[%swap3A_314, %swap3A_315], %add3A_312 {strides = array<i32>} : memref<128x32xf32, #tpu.memory_space<vmem>>, vector<16xf32>,
    %get3A_317 = arith.constant 6 : i32
    %get3A_318 = arith.index_cast %get3A_317 : i32 to index
    %get3A_319 = arith.constant 0 : index
    %get3A_320 = tpu.vector_load %arg13[%get3A_318, %get3A_319] {strides = array<i32>} : memref<128x32xf32, #tpu.memory_space<vmem>>, vector<16xf32>,
    %get3A_321 = arith.constant 6 : i32
    %get3A_322 = arith.index_cast %get3A_321 : i32 to index
    %get3A_323 = arith.constant 0 : index
    %get3A_324 = tpu.vector_load %arg12[%get3A_322, %get3A_323] {strides = array<i32>} : memref<128x32xf32, #tpu.memory_space<vmem>>, vector<16xf32>,
    %sub3A_325 = arith.subf %get3A_324, %get3A_320 : vector<16xf32>
    %add3A_326 = arith.addf %get3A_320, %sub3A_325 : vector<16xf32>
    %swap3A_327 = arith.constant 6 : i32
    %swap3A_328 = arith.index_cast %swap3A_327 : i32 to index
    %swap3A_329 = arith.constant 0 : index
    %swap3A_330 = tpu.vector_load %arg12[%swap3A_328, %swap3A_329] {strides = array<i32>} : memref<128x32xf32, #tpu.memory_space<vmem>>, vector<16xf32>,
    tpu.vector_store %arg12[%swap3A_328, %swap3A_329], %add3A_326 {strides = array<i32>} : memref<128x32xf32, #tpu.memory_space<vmem>>, vector<16xf32>,
    %get3A_331 = arith.constant 6 : i32
    %get3A_332 = arith.index_cast %get3A_331 : i32 to index
    %get3A_333 = arith.constant 16 : index
    %get3A_334 = tpu.vector_load %arg13[%get3A_332, %get3A_333] {strides = array<i32>} : memref<128x32xf32, #tpu.memory_space<vmem>>, vector<16xf32>,
    %get3A_335 = arith.constant 6 : i32
    %get3A_336 = arith.index_cast %get3A_335 : i32 to index
    %get3A_337 = arith.constant 16 : index
    %get3A_338 = tpu.vector_load %arg12[%get3A_336, %get3A_337] {strides = array<i32>} : memref<128x32xf32, #tpu.memory_space<vmem>>, vector<16xf32>,
    %sub3A_339 = arith.subf %get3A_338, %get3A_334 : vector<16xf32>
    %add3A_340 = arith.addf %get3A_334, %sub3A_339 : vector<16xf32>
    %swap3A_341 = arith.constant 6 : i32
    %swap3A_342 = arith.index_cast %swap3A_341 : i32 to index
    %swap3A_343 = arith.constant 16 : index
    %swap3A_344 = tpu.vector_load %arg12[%swap3A_342, %swap3A_343] {strides = array<i32>} : memref<128x32xf32, #tpu.memory_space<vmem>>, vector<16xf32>,
    tpu.vector_store %arg12[%swap3A_342, %swap3A_343], %add3A_340 {strides = array<i32>} : memref<128x32xf32, #tpu.memory_space<vmem>>, vector<16xf32>,
    %get3A_345 = arith.constant 7 : i32
    %get3A_346 = arith.index_cast %get3A_345 : i32 to index
    %get3A_347 = arith.constant 0 : index
    %get3A_348 = tpu.vector_load %arg13[%get3A_346, %get3A_347] {strides = array<i32>} : memref<128x32xf32, #tpu.memory_space<vmem>>, vector<16xf32>,
    %get3A_349 = arith.constant 7 : i32
    %get3A_350 = arith.index_cast %get3A_349 : i32 to index
    %get3A_351 = arith.constant 0 : index
    %get3A_352 = tpu.vector_load %arg12[%get3A_350, %get3A_351] {strides = array<i32>} : memref<128x32xf32, #tpu.memory_space<vmem>>, vector<16xf32>,
    %sub3A_353 = arith.subf %get3A_352, %get3A_348 : vector<16xf32>
    %add3A_354 = arith.addf %get3A_348, %sub3A_353 : vector<16xf32>
    %swap3A_355 = arith.constant 7 : i32
    %swap3A_356 = arith.index_cast %swap3A_355 : i32 to index
    %swap3A_357 = arith.constant 0 : index
    %swap3A_358 = tpu.vector_load %arg12[%swap3A_356, %swap3A_357] {strides = array<i32>} : memref<128x32xf32, #tpu.memory_space<vmem>>, vector<16xf32>,
    tpu.vector_store %arg12[%swap3A_356, %swap3A_357], %add3A_354 {strides = array<i32>} : memref<128x32xf32, #tpu.memory_space<vmem>>, vector<16xf32>,
    %get3A_359 = arith.constant 7 : i32
    %get3A_360 = arith.index_cast %get3A_359 : i32 to index
    %get3A_361 = arith.constant 16 : index
    %get3A_362 = tpu.vector_load %arg13[%get3A_360, %get3A_361] {strides = array<i32>} : memref<128x32xf32, #tpu.memory_space<vmem>>, vector<16xf32>,
    %get3A_363 = arith.constant 7 : i32
    %get3A_364 = arith.index_cast %get3A_363 : i32 to index
    %get3A_365 = arith.constant 16 : index
    %get3A_366 = tpu.vector_load %arg12[%get3A_364, %get3A_365] {strides = array<i32>} : memref<128x32xf32, #tpu.memory_space<vmem>>, vector<16xf32>,
    %sub3A_367 = arith.subf %get3A_366, %get3A_362 : vector<16xf32>
    %add3A_368 = arith.addf %get3A_362, %sub3A_367 : vector<16xf32>
    %swap3A_369 = arith.constant 7 : i32
    %swap3A_370 = arith.index_cast %swap3A_369 : i32 to index
    %swap3A_371 = arith.constant 16 : index
    %swap3A_372 = tpu.vector_load %arg12[%swap3A_370, %swap3A_371] {strides = array<i32>} : memref<128x32xf32, #tpu.memory_space<vmem>>, vector<16xf32>,
    tpu.vector_store %arg12[%swap3A_370, %swap3A_371], %add3A_368 {strides = array<i32>} : memref<128x32xf32, #tpu.memory_space<vmem>>, vector<16xf32>,
    %get3A_373 = arith.constant 8 : i32
    %get3A_374 = arith.index_cast %get3A_373 : i32 to index
    %get3A_375 = arith.constant 0 : index
    %get3A_376 = tpu.vector_load %arg13[%get3A_374, %get3A_375] {strides = array<i32>} : memref<128x32xf32, #tpu.memory_space<vmem>>, vector<16xf32>,
    %get3A_377 = arith.constant 8 : i32
    %get3A_378 = arith.index_cast %get3A_377 : i32 to index
    %get3A_379 = arith.constant 0 : index
    %get3A_380 = tpu.vector_load %arg12[%get3A_378, %get3A_379] {strides = array<i32>} : memref<128x32xf32, #tpu.memory_space<vmem>>, vector<16xf32>,
    %sub3A_381 = arith.subf %get3A_380, %get3A_376 : vector<16xf32>
    %add3A_382 = arith.addf %get3A_376, %sub3A_381 : vector<16xf32>
    %swap3A_383 = arith.constant 8 : i32
    %swap3A_384 = arith.index_cast %swap3A_383 : i32 to index
    %swap3A_385 = arith.constant 0 : index
    %swap3A_386 = tpu.vector_load %arg12[%swap3A_384, %swap3A_385] {strides = array<i32>} : memref<128x32xf32, #tpu.memory_space<vmem>>, vector<16xf32>,
    tpu.vector_store %arg12[%swap3A_384, %swap3A_385], %add3A_382 {strides = array<i32>} : memref<128x32xf32, #tpu.memory_space<vmem>>, vector<16xf32>,
    %get3A_387 = arith.constant 8 : i32
    %get3A_388 = arith.index_cast %get3A_387 : i32 to index
    %get3A_389 = arith.constant 16 : index
    %get3A_390 = tpu.vector_load %arg13[%get3A_388, %get3A_389] {strides = array<i32>} : memref<128x32xf32, #tpu.memory_space<vmem>>, vector<16xf32>,
    %get3A_391 = arith.constant 8 : i32
    %get3A_392 = arith.index_cast %get3A_391 : i32 to index
    %get3A_393 = arith.constant 16 : index
    %get3A_394 = tpu.vector_load %arg12[%get3A_392, %get3A_393] {strides = array<i32>} : memref<128x32xf32, #tpu.memory_space<vmem>>, vector<16xf32>,
    %sub3A_395 = arith.subf %get3A_394, %get3A_390 : vector<16xf32>
    %add3A_396 = arith.addf %get3A_390, %sub3A_395 : vector<16xf32>
    %swap3A_397 = arith.constant 8 : i32
    %swap3A_398 = arith.index_cast %swap3A_397 : i32 to index
    %swap3A_399 = arith.constant 16 : index
    %swap3A_400 = tpu.vector_load %arg12[%swap3A_398, %swap3A_399] {strides = array<i32>} : memref<128x32xf32, #tpu.memory_space<vmem>>, vector<16xf32>,
    tpu.vector_store %arg12[%swap3A_398, %swap3A_399], %add3A_396 {strides = array<i32>} : memref<128x32xf32, #tpu.memory_space<vmem>>, vector<16xf32>,
    %get3A_401 = arith.constant 9 : i32
    %get3A_402 = arith.index_cast %get3A_401 : i32 to index
    %get3A_403 = arith.constant 0 : index
    %get3A_404 = tpu.vector_load %arg13[%get3A_402, %get3A_403] {strides = array<i32>} : memref<128x32xf32, #tpu.memory_space<vmem>>, vector<16xf32>,
    %get3A_405 = arith.constant 9 : i32
    %get3A_406 = arith.index_cast %get3A_405 : i32 to index
    %get3A_407 = arith.constant 0 : index
    %get3A_408 = tpu.vector_load %arg12[%get3A_406, %get3A_407] {strides = array<i32>} : memref<128x32xf32, #tpu.memory_space<vmem>>, vector<16xf32>,
    %sub3A_409 = arith.subf %get3A_408, %get3A_404 : vector<16xf32>
    %add3A_410 = arith.addf %get3A_404, %sub3A_409 : vector<16xf32>
    %swap3A_411 = arith.constant 9 : i32
    %swap3A_412 = arith.index_cast %swap3A_411 : i32 to index
    %swap3A_413 = arith.constant 0 : index
    %swap3A_414 = tpu.vector_load %arg12[%swap3A_412, %swap3A_413] {strides = array<i32>} : memref<128x32xf32, #tpu.memory_space<vmem>>, vector<16xf32>,
    tpu.vector_store %arg12[%swap3A_412, %swap3A_413], %add3A_410 {strides = array<i32>} : memref<128x32xf32, #tpu.memory_space<vmem>>, vector<16xf32>,
    %get3A_415 = arith.constant 9 : i32
    %get3A_416 = arith.index_cast %get3A_415 : i32 to index
    %get3A_417 = arith.constant 16 : index
    %get3A_418 = tpu.vector_load %arg13[%get3A_416, %get3A_417] {strides = array<i32>} : memref<128x32xf32, #tpu.memory_space<vmem>>, vector<16xf32>,
    %get3A_419 = arith.constant 9 : i32
    %get3A_420 = arith.index_cast %get3A_419 : i32 to index
    %get3A_421 = arith.constant 16 : index
    %get3A_422 = tpu.vector_load %arg12[%get3A_420, %get3A_421] {strides = array<i32>} : memref<128x32xf32, #tpu.memory_space<vmem>>, vector<16xf32>,
    %sub3A_423 = arith.subf %get3A_422, %get3A_418 : vector<16xf32>
    %add3A_424 = arith.addf %get3A_418, %sub3A_423 : vector<16xf32>
    %swap3A_425 = arith.constant 9 : i32
    %swap3A_426 = arith.index_cast %swap3A_425 : i32 to index
    %swap3A_427 = arith.constant 16 : index
    %swap3A_428 = tpu.vector_load %arg12[%swap3A_426, %swap3A_427] {strides = array<i32>} : memref<128x32xf32, #tpu.memory_space<vmem>>, vector<16xf32>,
    tpu.vector_store %arg12[%swap3A_426, %swap3A_427], %add3A_424 {strides = array<i32>} : memref<128x32xf32, #tpu.memory_space<vmem>>, vector<16xf32>,
    %get3A_429 = arith.constant 10 : i32
    %get3A_430 = arith.index_cast %get3A_429 : i32 to index
    %get3A_431 = arith.constant 0 : index
    %get3A_432 = tpu.vector_load %arg13[%get3A_430, %get3A_431] {strides = array<i32>} : memref<128x32xf32, #tpu.memory_space<vmem>>, vector<16xf32>,
    %get3A_433 = arith.constant 10 : i32
    %get3A_434 = arith.index_cast %get3A_433 : i32 to index
    %get3A_435 = arith.constant 0 : index
    %get3A_436 = tpu.vector_load %arg12[%get3A_434, %get3A_435] {strides = array<i32>} : memref<128x32xf32, #tpu.memory_space<vmem>>, vector<16xf32>,
    %sub3A_437 = arith.subf %get3A_436, %get3A_432 : vector<16xf32>
    %add3A_438 = arith.addf %get3A_432, %sub3A_437 : vector<16xf32>
    %swap3A_439 = arith.constant 10 : i32
    %swap3A_440 = arith.index_cast %swap3A_439 : i32 to index
    %swap3A_441 = arith.constant 0 : index
    %swap3A_442 = tpu.vector_load %arg12[%swap3A_440, %swap3A_441] {strides = array<i32>} : memref<128x32xf32, #tpu.memory_space<vmem>>, vector<16xf32>,
    tpu.vector_store %arg12[%swap3A_440, %swap3A_441], %add3A_438 {strides = array<i32>} : memref<128x32xf32, #tpu.memory_space<vmem>>, vector<16xf32>,
    %get3A_443 = arith.constant 10 : i32
    %get3A_444 = arith.index_cast %get3A_443 : i32 to index
    %get3A_445 = arith.constant 16 : index
    %get3A_446 = tpu.vector_load %arg13[%get3A_444, %get3A_445] {strides = array<i32>} : memref<128x32xf32, #tpu.memory_space<vmem>>, vector<16xf32>,
    %get3A_447 = arith.constant 10 : i32
    %get3A_448 = arith.index_cast %get3A_447 : i32 to index
    %get3A_449 = arith.constant 16 : index
    %get3A_450 = tpu.vector_load %arg12[%get3A_448, %get3A_449] {strides = array<i32>} : memref<128x32xf32, #tpu.memory_space<vmem>>, vector<16xf32>,
    %sub3A_451 = arith.subf %get3A_450, %get3A_446 : vector<16xf32>
    %add3A_452 = arith.addf %get3A_446, %sub3A_451 : vector<16xf32>
    %swap3A_453 = arith.constant 10 : i32
    %swap3A_454 = arith.index_cast %swap3A_453 : i32 to index
    %swap3A_455 = arith.constant 16 : index
    %swap3A_456 = tpu.vector_load %arg12[%swap3A_454, %swap3A_455] {strides = array<i32>} : memref<128x32xf32, #tpu.memory_space<vmem>>, vector<16xf32>,
    tpu.vector_store %arg12[%swap3A_454, %swap3A_455], %add3A_452 {strides = array<i32>} : memref<128x32xf32, #tpu.memory_space<vmem>>, vector<16xf32>,
    %get3A_457 = arith.constant 11 : i32
    %get3A_458 = arith.index_cast %get3A_457 : i32 to index
    %get3A_459 = arith.constant 0 : index
    %get3A_460 = tpu.vector_load %arg13[%get3A_458, %get3A_459] {strides = array<i32>} : memref<128x32xf32, #tpu.memory_space<vmem>>, vector<16xf32>,
    %get3A_461 = arith.constant 11 : i32
    %get3A_462 = arith.index_cast %get3A_461 : i32 to index
    %get3A_463 = arith.constant 0 : index
    %get3A_464 = tpu.vector_load %arg12[%get3A_462, %get3A_463] {strides = array<i32>} : memref<128x32xf32, #tpu.memory_space<vmem>>, vector<16xf32>,
    %sub3A_465 = arith.subf %get3A_464, %get3A_460 : vector<16xf32>
    %add3A_466 = arith.addf %get3A_460, %sub3A_465 : vector<16xf32>
    %swap3A_467 = arith.constant 11 : i32
    %swap3A_468 = arith.index_cast %swap3A_467 : i32 to index
    %swap3A_469 = arith.constant 0 : index
    %swap3A_470 = tpu.vector_load %arg12[%swap3A_468, %swap3A_469] {strides = array<i32>} : memref<128x32xf32, #tpu.memory_space<vmem>>, vector<16xf32>,
    tpu.vector_store %arg12[%swap3A_468, %swap3A_469], %add3A_466 {strides = array<i32>} : memref<128x32xf32, #tpu.memory_space<vmem>>, vector<16xf32>,
    %get3A_471 = arith.constant 11 : i32
    %get3A_472 = arith.index_cast %get3A_471 : i32 to index
    %get3A_473 = arith.constant 16 : index
    %get3A_474 = tpu.vector_load %arg13[%get3A_472, %get3A_473] {strides = array<i32>} : memref<128x32xf32, #tpu.memory_space<vmem>>, vector<16xf32>,
    %get3A_475 = arith.constant 11 : i32
    %get3A_476 = arith.index_cast %get3A_475 : i32 to index
    %get3A_477 = arith.constant 16 : index
    %get3A_478 = tpu.vector_load %arg12[%get3A_476, %get3A_477] {strides = array<i32>} : memref<128x32xf32, #tpu.memory_space<vmem>>, vector<16xf32>,
    %sub3A_479 = arith.subf %get3A_478, %get3A_474 : vector<16xf32>
    %add3A_480 = arith.addf %get3A_474, %sub3A_479 : vector<16xf32>
    %swap3A_481 = arith.constant 11 : i32
    %swap3A_482 = arith.index_cast %swap3A_481 : i32 to index
    %swap3A_483 = arith.constant 16 : index
    %swap3A_484 = tpu.vector_load %arg12[%swap3A_482, %swap3A_483] {strides = array<i32>} : memref<128x32xf32, #tpu.memory_space<vmem>>, vector<16xf32>,
    tpu.vector_store %arg12[%swap3A_482, %swap3A_483], %add3A_480 {strides = array<i32>} : memref<128x32xf32, #tpu.memory_space<vmem>>, vector<16xf32>,
    %get3A_485 = arith.constant 12 : i32
    %get3A_486 = arith.index_cast %get3A_485 : i32 to index
    %get3A_487 = arith.constant 0 : index
    %get3A_488 = tpu.vector_load %arg13[%get3A_486, %get3A_487] {strides = array<i32>} : memref<128x32xf32, #tpu.memory_space<vmem>>, vector<16xf32>,
    %get3A_489 = arith.constant 12 : i32
    %get3A_490 = arith.index_cast %get3A_489 : i32 to index
    %get3A_491 = arith.constant 0 : index
    %get3A_492 = tpu.vector_load %arg12[%get3A_490, %get3A_491] {strides = array<i32>} : memref<128x32xf32, #tpu.memory_space<vmem>>, vector<16xf32>,
    %sub3A_493 = arith.subf %get3A_492, %get3A_488 : vector<16xf32>
    %add3A_494 = arith.addf %get3A_488, %sub3A_493 : vector<16xf32>
    %swap3A_495 = arith.constant 12 : i32
    %swap3A_496 = arith.index_cast %swap3A_495 : i32 to index
    %swap3A_497 = arith.constant 0 : index
    %swap3A_498 = tpu.vector_load %arg12[%swap3A_496, %swap3A_497] {strides = array<i32>} : memref<128x32xf32, #tpu.memory_space<vmem>>, vector<16xf32>,
    tpu.vector_store %arg12[%swap3A_496, %swap3A_497], %add3A_494 {strides = array<i32>} : memref<128x32xf32, #tpu.memory_space<vmem>>, vector<16xf32>,
    %get3A_499 = arith.constant 12 : i32
    %get3A_500 = arith.index_cast %get3A_499 : i32 to index
    %get3A_501 = arith.constant 16 : index
    %get3A_502 = tpu.vector_load %arg13[%get3A_500, %get3A_501] {strides = array<i32>} : memref<128x32xf32, #tpu.memory_space<vmem>>, vector<16xf32>,
    %get3A_503 = arith.constant 12 : i32
    %get3A_504 = arith.index_cast %get3A_503 : i32 to index
    %get3A_505 = arith.constant 16 : index
    %get3A_506 = tpu.vector_load %arg12[%get3A_504, %get3A_505] {strides = array<i32>} : memref<128x32xf32, #tpu.memory_space<vmem>>, vector<16xf32>,
    %sub3A_507 = arith.subf %get3A_506, %get3A_502 : vector<16xf32>
    %add3A_508 = arith.addf %get3A_502, %sub3A_507 : vector<16xf32>
    %swap3A_509 = arith.constant 12 : i32
    %swap3A_510 = arith.index_cast %swap3A_509 : i32 to index
    %swap3A_511 = arith.constant 16 : index
    %swap3A_512 = tpu.vector_load %arg12[%swap3A_510, %swap3A_511] {strides = array<i32>} : memref<128x32xf32, #tpu.memory_space<vmem>>, vector<16xf32>,
    tpu.vector_store %arg12[%swap3A_510, %swap3A_511], %add3A_508 {strides = array<i32>} : memref<128x32xf32, #tpu.memory_space<vmem>>, vector<16xf32>,
    %get3A_513 = arith.constant 13 : i32
    %get3A_514 = arith.index_cast %get3A_513 : i32 to index
    %get3A_515 = arith.constant 0 : index
    %get3A_516 = tpu.vector_load %arg13[%get3A_514, %get3A_515] {strides = array<i32>} : memref<128x32xf32, #tpu.memory_space<vmem>>, vector<16xf32>,
    %get3A_517 = arith.constant 13 : i32
    %get3A_518 = arith.index_cast %get3A_517 : i32 to index
    %get3A_519 = arith.constant 0 : index
    %get3A_520 = tpu.vector_load %arg12[%get3A_518, %get3A_519] {strides = array<i32>} : memref<128x32xf32, #tpu.memory_space<vmem>>, vector<16xf32>,
    %sub3A_521 = arith.subf %get3A_520, %get3A_516 : vector<16xf32>
    %add3A_522 = arith.addf %get3A_516, %sub3A_521 : vector<16xf32>
    %swap3A_523 = arith.constant 13 : i32
    %swap3A_524 = arith.index_cast %swap3A_523 : i32 to index
    %swap3A_525 = arith.constant 0 : index
    %swap3A_526 = tpu.vector_load %arg12[%swap3A_524, %swap3A_525] {strides = array<i32>} : memref<128x32xf32, #tpu.memory_space<vmem>>, vector<16xf32>,
    tpu.vector_store %arg12[%swap3A_524, %swap3A_525], %add3A_522 {strides = array<i32>} : memref<128x32xf32, #tpu.memory_space<vmem>>, vector<16xf32>,
    %get3A_527 = arith.constant 13 : i32
    %get3A_528 = arith.index_cast %get3A_527 : i32 to index
    %get3A_529 = arith.constant 16 : index
    %get3A_530 = tpu.vector_load %arg13[%get3A_528, %get3A_529] {strides = array<i32>} : memref<128x32xf32, #tpu.memory_space<vmem>>, vector<16xf32>,
    %get3A_531 = arith.constant 13 : i32
    %get3A_532 = arith.index_cast %get3A_531 : i32 to index
    %get3A_533 = arith.constant 16 : index
    %get3A_534 = tpu.vector_load %arg12[%get3A_532, %get3A_533] {strides = array<i32>} : memref<128x32xf32, #tpu.memory_space<vmem>>, vector<16xf32>,
    %sub3A_535 = arith.subf %get3A_534, %get3A_530 : vector<16xf32>
    %add3A_536 = arith.addf %get3A_530, %sub3A_535 : vector<16xf32>
    %swap3A_537 = arith.constant 13 : i32
    %swap3A_538 = arith.index_cast %swap3A_537 : i32 to index
    %swap3A_539 = arith.constant 16 : index
    %swap3A_540 = tpu.vector_load %arg12[%swap3A_538, %swap3A_539] {strides = array<i32>} : memref<128x32xf32, #tpu.memory_space<vmem>>, vector<16xf32>,
    tpu.vector_store %arg12[%swap3A_538, %swap3A_539], %add3A_536 {strides = array<i32>} : memref<128x32xf32, #tpu.memory_space<vmem>>, vector<16xf32>,
    %get3A_541 = arith.constant 14 : i32
    %get3A_542 = arith.index_cast %get3A_541 : i32 to index
    %get3A_543 = arith.constant 0 : index
    %get3A_544 = tpu.vector_load %arg13[%get3A_542, %get3A_543] {strides = array<i32>} : memref<128x32xf32, #tpu.memory_space<vmem>>, vector<16xf32>,
    %get3A_545 = arith.constant 14 : i32
    %get3A_546 = arith.index_cast %get3A_545 : i32 to index
    %get3A_547 = arith.constant 0 : index
    %get3A_548 = tpu.vector_load %arg12[%get3A_546, %get3A_547] {strides = array<i32>} : memref<128x32xf32, #tpu.memory_space<vmem>>, vector<16xf32>,
    %sub3A_549 = arith.subf %get3A_548, %get3A_544 : vector<16xf32>
    %add3A_550 = arith.addf %get3A_544, %sub3A_549 : vector<16xf32>
    %swap3A_551 = arith.constant 14 : i32
    %swap3A_552 = arith.index_cast %swap3A_551 : i32 to index
    %swap3A_553 = arith.constant 0 : index
    %swap3A_554 = tpu.vector_load %arg12[%swap3A_552, %swap3A_553] {strides = array<i32>} : memref<128x32xf32, #tpu.memory_space<vmem>>, vector<16xf32>,
    tpu.vector_store %arg12[%swap3A_552, %swap3A_553], %add3A_550 {strides = array<i32>} : memref<128x32xf32, #tpu.memory_space<vmem>>, vector<16xf32>,
    %get3A_555 = arith.constant 14 : i32
    %get3A_556 = arith.index_cast %get3A_555 : i32 to index
    %get3A_557 = arith.constant 16 : index
    %get3A_558 = tpu.vector_load %arg13[%get3A_556, %get3A_557] {strides = array<i32>} : memref<128x32xf32, #tpu.memory_space<vmem>>, vector<16xf32>,
    %get3A_559 = arith.constant 14 : i32
    %get3A_560 = arith.index_cast %get3A_559 : i32 to index
    %get3A_561 = arith.constant 16 : index
    %get3A_562 = tpu.vector_load %arg12[%get3A_560, %get3A_561] {strides = array<i32>} : memref<128x32xf32, #tpu.memory_space<vmem>>, vector<16xf32>,
    %sub3A_563 = arith.subf %get3A_562, %get3A_558 : vector<16xf32>
    %add3A_564 = arith.addf %get3A_558, %sub3A_563 : vector<16xf32>
    %swap3A_565 = arith.constant 14 : i32
    %swap3A_566 = arith.index_cast %swap3A_565 : i32 to index
    %swap3A_567 = arith.constant 16 : index
    %swap3A_568 = tpu.vector_load %arg12[%swap3A_566, %swap3A_567] {strides = array<i32>} : memref<128x32xf32, #tpu.memory_space<vmem>>, vector<16xf32>,
    tpu.vector_store %arg12[%swap3A_566, %swap3A_567], %add3A_564 {strides = array<i32>} : memref<128x32xf32, #tpu.memory_space<vmem>>, vector<16xf32>,
    %get3A_569 = arith.constant 15 : i32
    %get3A_570 = arith.index_cast %get3A_569 : i32 to index
    %get3A_571 = arith.constant 0 : index
    %get3A_572 = tpu.vector_load %arg13[%get3A_570, %get3A_571] {strides = array<i32>} : memref<128x32xf32, #tpu.memory_space<vmem>>, vector<16xf32>,
    %get3A_573 = arith.constant 15 : i32
    %get3A_574 = arith.index_cast %get3A_573 : i32 to index
    %get3A_575 = arith.constant 0 : index
    %get3A_576 = tpu.vector_load %arg12[%get3A_574, %get3A_575] {strides = array<i32>} : memref<128x32xf32, #tpu.memory_space<vmem>>, vector<16xf32>,
    %sub3A_577 = arith.subf %get3A_576, %get3A_572 : vector<16xf32>
    %add3A_578 = arith.addf %get3A_572, %sub3A_577 : vector<16xf32>
    %swap3A_579 = arith.constant 15 : i32
    %swap3A_580 = arith.index_cast %swap3A_579 : i32 to index
    %swap3A_581 = arith.constant 0 : index
    %swap3A_582 = tpu.vector_load %arg12[%swap3A_580, %swap3A_581] {strides = array<i32>} : memref<128x32xf32, #tpu.memory_space<vmem>>, vector<16xf32>,
    tpu.vector_store %arg12[%swap3A_580, %swap3A_581], %add3A_578 {strides = array<i32>} : memref<128x32xf32, #tpu.memory_space<vmem>>, vector<16xf32>,
    %get3A_583 = arith.constant 15 : i32
    %get3A_584 = arith.index_cast %get3A_583 : i32 to index
    %get3A_585 = arith.constant 16 : index
    %get3A_586 = tpu.vector_load %arg13[%get3A_584, %get3A_585] {strides = array<i32>} : memref<128x32xf32, #tpu.memory_space<vmem>>, vector<16xf32>,
    %get3A_587 = arith.constant 15 : i32
    %get3A_588 = arith.index_cast %get3A_587 : i32 to index
    %get3A_589 = arith.constant 16 : index
    %get3A_590 = tpu.vector_load %arg12[%get3A_588, %get3A_589] {strides = array<i32>} : memref<128x32xf32, #tpu.memory_space<vmem>>, vector<16xf32>,
    %sub3A_591 = arith.subf %get3A_590, %get3A_586 : vector<16xf32>
    %add3A_592 = arith.addf %get3A_586, %sub3A_591 : vector<16xf32>
    %swap3A_593 = arith.constant 15 : i32
    %swap3A_594 = arith.index_cast %swap3A_593 : i32 to index
    %swap3A_595 = arith.constant 16 : index
    %swap3A_596 = tpu.vector_load %arg12[%swap3A_594, %swap3A_595] {strides = array<i32>} : memref<128x32xf32, #tpu.memory_space<vmem>>, vector<16xf32>,
    tpu.vector_store %arg12[%swap3A_594, %swap3A_595], %add3A_592 {strides = array<i32>} : memref<128x32xf32, #tpu.memory_space<vmem>>, vector<16xf32>,
    %get3A_597 = arith.constant 16 : i32
    %get3A_598 = arith.index_cast %get3A_597 : i32 to index
    %get3A_599 = arith.constant 0 : index
    %get3A_600 = tpu.vector_load %arg13[%get3A_598, %get3A_599] {strides = array<i32>} : memref<128x32xf32, #tpu.memory_space<vmem>>, vector<16xf32>,
    %get3A_601 = arith.constant 16 : i32
    %get3A_602 = arith.index_cast %get3A_601 : i32 to index
    %get3A_603 = arith.constant 0 : index
    %get3A_604 = tpu.vector_load %arg12[%get3A_602, %get3A_603] {strides = array<i32>} : memref<128x32xf32, #tpu.memory_space<vmem>>, vector<16xf32>,
    %sub3A_605 = arith.subf %get3A_604, %get3A_600 : vector<16xf32>
    %add3A_606 = arith.addf %get3A_600, %sub3A_605 : vector<16xf32>
    %swap3A_607 = arith.constant 16 : i32
    %swap3A_608 = arith.index_cast %swap3A_607 : i32 to index
    %swap3A_609 = arith.constant 0 : index
    %swap3A_610 = tpu.vector_load %arg12[%swap3A_608, %swap3A_609] {strides = array<i32>} : memref<128x32xf32, #tpu.memory_space<vmem>>, vector<16xf32>,
    tpu.vector_store %arg12[%swap3A_608, %swap3A_609], %add3A_606 {strides = array<i32>} : memref<128x32xf32, #tpu.memory_space<vmem>>, vector<16xf32>,
    %get3A_611 = arith.constant 16 : i32
    %get3A_612 = arith.index_cast %get3A_611 : i32 to index
    %get3A_613 = arith.constant 16 : index
    %get3A_614 = tpu.vector_load %arg13[%get3A_612, %get3A_613] {strides = array<i32>} : memref<128x32xf32, #tpu.memory_space<vmem>>, vector<16xf32>,
    %get3A_615 = arith.constant 16 : i32
    %get3A_616 = arith.index_cast %get3A_615 : i32 to index
    %get3A_617 = arith.constant 16 : index
    %get3A_618 = tpu.vector_load %arg12[%get3A_616, %get3A_617] {strides = array<i32>} : memref<128x32xf32, #tpu.memory_space<vmem>>, vector<16xf32>,
    %sub3A_619 = arith.subf %get3A_618, %get3A_614 : vector<16xf32>
    %add3A_620 = arith.addf %get3A_614, %sub3A_619 : vector<16xf32>
    %swap3A_621 = arith.constant 16 : i32
    %swap3A_622 = arith.index_cast %swap3A_621 : i32 to index
    %swap3A_623 = arith.constant 16 : index
    %swap3A_624 = tpu.vector_load %arg12[%swap3A_622, %swap3A_623] {strides = array<i32>} : memref<128x32xf32, #tpu.memory_space<vmem>>, vector<16xf32>,
    tpu.vector_store %arg12[%swap3A_622, %swap3A_623], %add3A_620 {strides = array<i32>} : memref<128x32xf32, #tpu.memory_space<vmem>>, vector<16xf32>,
    %get3A_625 = arith.constant 17 : i32
    %get3A_626 = arith.index_cast %get3A_625 : i32 to index
    %get3A_627 = arith.constant 0 : index
    %get3A_628 = tpu.vector_load %arg13[%get3A_626, %get3A_627] {strides = array<i32>} : memref<128x32xf32, #tpu.memory_space<vmem>>, vector<16xf32>,
    %get3A_629 = arith.constant 17 : i32
    %get3A_630 = arith.index_cast %get3A_629 : i32 to index
    %get3A_631 = arith.constant 0 : index
    %get3A_632 = tpu.vector_load %arg12[%get3A_630, %get3A_631] {strides = array<i32>} : memref<128x32xf32, #tpu.memory_space<vmem>>, vector<16xf32>,
    %sub3A_633 = arith.subf %get3A_632, %get3A_628 : vector<16xf32>
    %add3A_634 = arith.addf %get3A_628, %sub3A_633 : vector<16xf32>
    %swap3A_635 = arith.constant 17 : i32
    %swap3A_636 = arith.index_cast %swap3A_635 : i32 to index
    %swap3A_637 = arith.constant 0 : index
    %swap3A_638 = tpu.vector_load %arg12[%swap3A_636, %swap3A_637] {strides = array<i32>} : memref<128x32xf32, #tpu.memory_space<vmem>>, vector<16xf32>,
    tpu.vector_store %arg12[%swap3A_636, %swap3A_637], %add3A_634 {strides = array<i32>} : memref<128x32xf32, #tpu.memory_space<vmem>>, vector<16xf32>,
    %get3A_639 = arith.constant 17 : i32
    %get3A_640 = arith.index_cast %get3A_639 : i32 to index
    %get3A_641 = arith.constant 16 : index
    %get3A_642 = tpu.vector_load %arg13[%get3A_640, %get3A_641] {strides = array<i32>} : memref<128x32xf32, #tpu.memory_space<vmem>>, vector<16xf32>,
    %get3A_643 = arith.constant 17 : i32
    %get3A_644 = arith.index_cast %get3A_643 : i32 to index
    %get3A_645 = arith.constant 16 : index
    %get3A_646 = tpu.vector_load %arg12[%get3A_644, %get3A_645] {strides = array<i32>} : memref<128x32xf32, #tpu.memory_space<vmem>>, vector<16xf32>,
    %sub3A_647 = arith.subf %get3A_646, %get3A_642 : vector<16xf32>
    %add3A_648 = arith.addf %get3A_642, %sub3A_647 : vector<16xf32>
    %swap3A_649 = arith.constant 17 : i32
    %swap3A_650 = arith.index_cast %swap3A_649 : i32 to index
    %swap3A_651 = arith.constant 16 : index
    %swap3A_652 = tpu.vector_load %arg12[%swap3A_650, %swap3A_651] {strides = array<i32>} : memref<128x32xf32, #tpu.memory_space<vmem>>, vector<16xf32>,
    tpu.vector_store %arg12[%swap3A_650, %swap3A_651], %add3A_648 {strides = array<i32>} : memref<128x32xf32, #tpu.memory_space<vmem>>, vector<16xf32>,
    %get3A_653 = arith.constant 18 : i32
    %get3A_654 = arith.index_cast %get3A_653 : i32 to index
    %get3A_655 = arith.constant 0 : index
    %get3A_656 = tpu.vector_load %arg13[%get3A_654, %get3A_655] {strides = array<i32>} : memref<128x32xf32, #tpu.memory_space<vmem>>, vector<16xf32>,
    %get3A_657 = arith.constant 18 : i32
    %get3A_658 = arith.index_cast %get3A_657 : i32 to index
    %get3A_659 = arith.constant 0 : index
    %get3A_660 = tpu.vector_load %arg12[%get3A_658, %get3A_659] {strides = array<i32>} : memref<128x32xf32, #tpu.memory_space<vmem>>, vector<16xf32>,
    %sub3A_661 = arith.subf %get3A_660, %get3A_656 : vector<16xf32>
    %add3A_662 = arith.addf %get3A_656, %sub3A_661 : vector<16xf32>
    %swap3A_663 = arith.constant 18 : i32
    %swap3A_664 = arith.index_cast %swap3A_663 : i32 to index
    %swap3A_665 = arith.constant 0 : index
    %swap3A_666 = tpu.vector_load %arg12[%swap3A_664, %swap3A_665] {strides = array<i32>} : memref<128x32xf32, #tpu.memory_space<vmem>>, vector<16xf32>,
    tpu.vector_store %arg12[%swap3A_664, %swap3A_665], %add3A_662 {strides = array<i32>} : memref<128x32xf32, #tpu.memory_space<vmem>>, vector<16xf32>,
    %get3A_667 = arith.constant 18 : i32
    %get3A_668 = arith.index_cast %get3A_667 : i32 to index
    %get3A_669 = arith.constant 16 : index
    %get3A_670 = tpu.vector_load %arg13[%get3A_668, %get3A_669] {strides = array<i32>} : memref<128x32xf32, #tpu.memory_space<vmem>>, vector<16xf32>,
    %get3A_671 = arith.constant 18 : i32
    %get3A_672 = arith.index_cast %get3A_671 : i32 to index
    %get3A_673 = arith.constant 16 : index
    %get3A_674 = tpu.vector_load %arg12[%get3A_672, %get3A_673] {strides = array<i32>} : memref<128x32xf32, #tpu.memory_space<vmem>>, vector<16xf32>,
    %sub3A_675 = arith.subf %get3A_674, %get3A_670 : vector<16xf32>
    %add3A_676 = arith.addf %get3A_670, %sub3A_675 : vector<16xf32>
    %swap3A_677 = arith.constant 18 : i32
    %swap3A_678 = arith.index_cast %swap3A_677 : i32 to index
    %swap3A_679 = arith.constant 16 : index
    %swap3A_680 = tpu.vector_load %arg12[%swap3A_678, %swap3A_679] {strides = array<i32>} : memref<128x32xf32, #tpu.memory_space<vmem>>, vector<16xf32>,
    tpu.vector_store %arg12[%swap3A_678, %swap3A_679], %add3A_676 {strides = array<i32>} : memref<128x32xf32, #tpu.memory_space<vmem>>, vector<16xf32>,
    %get3A_681 = arith.constant 19 : i32
    %get3A_682 = arith.index_cast %get3A_681 : i32 to index
    %get3A_683 = arith.constant 0 : index
    %get3A_684 = tpu.vector_load %arg13[%get3A_682, %get3A_683] {strides = array<i32>} : memref<128x32xf32, #tpu.memory_space<vmem>>, vector<16xf32>,
    %get3A_685 = arith.constant 19 : i32
    %get3A_686 = arith.index_cast %get3A_685 : i32 to index
    %get3A_687 = arith.constant 0 : index
    %get3A_688 = tpu.vector_load %arg12[%get3A_686, %get3A_687] {strides = array<i32>} : memref<128x32xf32, #tpu.memory_space<vmem>>, vector<16xf32>,
    %sub3A_689 = arith.subf %get3A_688, %get3A_684 : vector<16xf32>
    %add3A_690 = arith.addf %get3A_684, %sub3A_689 : vector<16xf32>
    %swap3A_691 = arith.constant 19 : i32
    %swap3A_692 = arith.index_cast %swap3A_691 : i32 to index
    %swap3A_693 = arith.constant 0 : index
    %swap3A_694 = tpu.vector_load %arg12[%swap3A_692, %swap3A_693] {strides = array<i32>} : memref<128x32xf32, #tpu.memory_space<vmem>>, vector<16xf32>,
    tpu.vector_store %arg12[%swap3A_692, %swap3A_693], %add3A_690 {strides = array<i32>} : memref<128x32xf32, #tpu.memory_space<vmem>>, vector<16xf32>,
    %get3A_695 = arith.constant 19 : i32
    %get3A_696 = arith.index_cast %get3A_695 : i32 to index
    %get3A_697 = arith.constant 16 : index
    %get3A_698 = tpu.vector_load %arg13[%get3A_696, %get3A_697] {strides = array<i32>} : memref<128x32xf32, #tpu.memory_space<vmem>>, vector<16xf32>,
    %get3A_699 = arith.constant 19 : i32
    %get3A_700 = arith.index_cast %get3A_699 : i32 to index
    %get3A_701 = arith.constant 16 : index
    %get3A_702 = tpu.vector_load %arg12[%get3A_700, %get3A_701] {strides = array<i32>} : memref<128x32xf32, #tpu.memory_space<vmem>>, vector<16xf32>,
    %sub3A_703 = arith.subf %get3A_702, %get3A_698 : vector<16xf32>
    %add3A_704 = arith.addf %get3A_698, %sub3A_703 : vector<16xf32>
    %swap3A_705 = arith.constant 19 : i32
    %swap3A_706 = arith.index_cast %swap3A_705 : i32 to index
    %swap3A_707 = arith.constant 16 : index
    %swap3A_708 = tpu.vector_load %arg12[%swap3A_706, %swap3A_707] {strides = array<i32>} : memref<128x32xf32, #tpu.memory_space<vmem>>, vector<16xf32>,
    tpu.vector_store %arg12[%swap3A_706, %swap3A_707], %add3A_704 {strides = array<i32>} : memref<128x32xf32, #tpu.memory_space<vmem>>, vector<16xf32>,
    %get3A_709 = arith.constant 20 : i32
    %get3A_710 = arith.index_cast %get3A_709 : i32 to index
    %get3A_711 = arith.constant 0 : index
    %get3A_712 = tpu.vector_load %arg13[%get3A_710, %get3A_711] {strides = array<i32>} : memref<128x32xf32, #tpu.memory_space<vmem>>, vector<16xf32>,
    %get3A_713 = arith.constant 20 : i32
    %get3A_714 = arith.index_cast %get3A_713 : i32 to index
    %get3A_715 = arith.constant 0 : index
    %get3A_716 = tpu.vector_load %arg12[%get3A_714, %get3A_715] {strides = array<i32>} : memref<128x32xf32, #tpu.memory_space<vmem>>, vector<16xf32>,
    %sub3A_717 = arith.subf %get3A_716, %get3A_712 : vector<16xf32>
    %add3A_718 = arith.addf %get3A_712, %sub3A_717 : vector<16xf32>
    %swap3A_719 = arith.constant 20 : i32
    %swap3A_720 = arith.index_cast %swap3A_719 : i32 to index
    %swap3A_721 = arith.constant 0 : index
    %swap3A_722 = tpu.vector_load %arg12[%swap3A_720, %swap3A_721] {strides = array<i32>} : memref<128x32xf32, #tpu.memory_space<vmem>>, vector<16xf32>,
    tpu.vector_store %arg12[%swap3A_720, %swap3A_721], %add3A_718 {strides = array<i32>} : memref<128x32xf32, #tpu.memory_space<vmem>>, vector<16xf32>,
    %get3A_723 = arith.constant 20 : i32
    %get3A_724 = arith.index_cast %get3A_723 : i32 to index
    %get3A_725 = arith.constant 16 : index
    %get3A_726 = tpu.vector_load %arg13[%get3A_724, %get3A_725] {strides = array<i32>} : memref<128x32xf32, #tpu.memory_space<vmem>>, vector<16xf32>,
    %get3A_727 = arith.constant 20 : i32
    %get3A_728 = arith.index_cast %get3A_727 : i32 to index
    %get3A_729 = arith.constant 16 : index
    %get3A_730 = tpu.vector_load %arg12[%get3A_728, %get3A_729] {strides = array<i32>} : memref<128x32xf32, #tpu.memory_space<vmem>>, vector<16xf32>,
    %sub3A_731 = arith.subf %get3A_730, %get3A_726 : vector<16xf32>
    %add3A_732 = arith.addf %get3A_726, %sub3A_731 : vector<16xf32>
    %swap3A_733 = arith.constant 20 : i32
    %swap3A_734 = arith.index_cast %swap3A_733 : i32 to index
    %swap3A_735 = arith.constant 16 : index
    %swap3A_736 = tpu.vector_load %arg12[%swap3A_734, %swap3A_735] {strides = array<i32>} : memref<128x32xf32, #tpu.memory_space<vmem>>, vector<16xf32>,
    tpu.vector_store %arg12[%swap3A_734, %swap3A_735], %add3A_732 {strides = array<i32>} : memref<128x32xf32, #tpu.memory_space<vmem>>, vector<16xf32>,
    %get3A_737 = arith.constant 21 : i32
    %get3A_738 = arith.index_cast %get3A_737 : i32 to index
    %get3A_739 = arith.constant 0 : index
    %get3A_740 = tpu.vector_load %arg13[%get3A_738, %get3A_739] {strides = array<i32>} : memref<128x32xf32, #tpu.memory_space<vmem>>, vector<16xf32>,
    %get3A_741 = arith.constant 21 : i32
    %get3A_742 = arith.index_cast %get3A_741 : i32 to index
    %get3A_743 = arith.constant 0 : index
    %get3A_744 = tpu.vector_load %arg12[%get3A_742, %get3A_743] {strides = array<i32>} : memref<128x32xf32, #tpu.memory_space<vmem>>, vector<16xf32>,
    %sub3A_745 = arith.subf %get3A_744, %get3A_740 : vector<16xf32>
    %add3A_746 = arith.addf %get3A_740, %sub3A_745 : vector<16xf32>
    %swap3A_747 = arith.constant 21 : i32
    %swap3A_748 = arith.index_cast %swap3A_747 : i32 to index
    %swap3A_749 = arith.constant 0 : index
    %swap3A_750 = tpu.vector_load %arg12[%swap3A_748, %swap3A_749] {strides = array<i32>} : memref<128x32xf32, #tpu.memory_space<vmem>>, vector<16xf32>,
    tpu.vector_store %arg12[%swap3A_748, %swap3A_749], %add3A_746 {strides = array<i32>} : memref<128x32xf32, #tpu.memory_space<vmem>>, vector<16xf32>,
    %get3A_751 = arith.constant 21 : i32
    %get3A_752 = arith.index_cast %get3A_751 : i32 to index
    %get3A_753 = arith.constant 16 : index
    %get3A_754 = tpu.vector_load %arg13[%get3A_752, %get3A_753] {strides = array<i32>} : memref<128x32xf32, #tpu.memory_space<vmem>>, vector<16xf32>,
    %get3A_755 = arith.constant 21 : i32
    %get3A_756 = arith.index_cast %get3A_755 : i32 to index
    %get3A_757 = arith.constant 16 : index
    %get3A_758 = tpu.vector_load %arg12[%get3A_756, %get3A_757] {strides = array<i32>} : memref<128x32xf32, #tpu.memory_space<vmem>>, vector<16xf32>,
    %sub3A_759 = arith.subf %get3A_758, %get3A_754 : vector<16xf32>
    %add3A_760 = arith.addf %get3A_754, %sub3A_759 : vector<16xf32>
    %swap3A_761 = arith.constant 21 : i32
    %swap3A_762 = arith.index_cast %swap3A_761 : i32 to index
    %swap3A_763 = arith.constant 16 : index
    %swap3A_764 = tpu.vector_load %arg12[%swap3A_762, %swap3A_763] {strides = array<i32>} : memref<128x32xf32, #tpu.memory_space<vmem>>, vector<16xf32>,
    tpu.vector_store %arg12[%swap3A_762, %swap3A_763], %add3A_760 {strides = array<i32>} : memref<128x32xf32, #tpu.memory_space<vmem>>, vector<16xf32>,
    %get3A_765 = arith.constant 22 : i32
    %get3A_766 = arith.index_cast %get3A_765 : i32 to index
    %get3A_767 = arith.constant 0 : index
    %get3A_768 = tpu.vector_load %arg13[%get3A_766, %get3A_767] {strides = array<i32>} : memref<128x32xf32, #tpu.memory_space<vmem>>, vector<16xf32>,
    %get3A_769 = arith.constant 22 : i32
    %get3A_770 = arith.index_cast %get3A_769 : i32 to index
    %get3A_771 = arith.constant 0 : index
    %get3A_772 = tpu.vector_load %arg12[%get3A_770, %get3A_771] {strides = array<i32>} : memref<128x32xf32, #tpu.memory_space<vmem>>, vector<16xf32>,
    %sub3A_773 = arith.subf %get3A_772, %get3A_768 : vector<16xf32>
    %add3A_774 = arith.addf %get3A_768, %sub3A_773 : vector<16xf32>
    %swap3A_775 = arith.constant 22 : i32
    %swap3A_776 = arith.index_cast %swap3A_775 : i32 to index
    %swap3A_777 = arith.constant 0 : index
    %swap3A_778 = tpu.vector_load %arg12[%swap3A_776, %swap3A_777] {strides = array<i32>} : memref<128x32xf32, #tpu.memory_space<vmem>>, vector<16xf32>,
    tpu.vector_store %arg12[%swap3A_776, %swap3A_777], %add3A_774 {strides = array<i32>} : memref<128x32xf32, #tpu.memory_space<vmem>>, vector<16xf32>,
    %get3A_779 = arith.constant 22 : i32
    %get3A_780 = arith.index_cast %get3A_779 : i32 to index
    %get3A_781 = arith.constant 16 : index
    %get3A_782 = tpu.vector_load %arg13[%get3A_780, %get3A_781] {strides = array<i32>} : memref<128x32xf32, #tpu.memory_space<vmem>>, vector<16xf32>,
    %get3A_783 = arith.constant 22 : i32
    %get3A_784 = arith.index_cast %get3A_783 : i32 to index
    %get3A_785 = arith.constant 16 : index
    %get3A_786 = tpu.vector_load %arg12[%get3A_784, %get3A_785] {strides = array<i32>} : memref<128x32xf32, #tpu.memory_space<vmem>>, vector<16xf32>,
    %sub3A_787 = arith.subf %get3A_786, %get3A_782 : vector<16xf32>
    %add3A_788 = arith.addf %get3A_782, %sub3A_787 : vector<16xf32>
    %swap3A_789 = arith.constant 22 : i32
    %swap3A_790 = arith.index_cast %swap3A_789 : i32 to index
    %swap3A_791 = arith.constant 16 : index
    %swap3A_792 = tpu.vector_load %arg12[%swap3A_790, %swap3A_791] {strides = array<i32>} : memref<128x32xf32, #tpu.memory_space<vmem>>, vector<16xf32>,
    tpu.vector_store %arg12[%swap3A_790, %swap3A_791], %add3A_788 {strides = array<i32>} : memref<128x32xf32, #tpu.memory_space<vmem>>, vector<16xf32>,
    %get3A_793 = arith.constant 23 : i32
    %get3A_794 = arith.index_cast %get3A_793 : i32 to index
    %get3A_795 = arith.constant 0 : index
    %get3A_796 = tpu.vector_load %arg13[%get3A_794, %get3A_795] {strides = array<i32>} : memref<128x32xf32, #tpu.memory_space<vmem>>, vector<16xf32>,
    %get3A_797 = arith.constant 23 : i32
    %get3A_798 = arith.index_cast %get3A_797 : i32 to index
    %get3A_799 = arith.constant 0 : index
    %get3A_800 = tpu.vector_load %arg12[%get3A_798, %get3A_799] {strides = array<i32>} : memref<128x32xf32, #tpu.memory_space<vmem>>, vector<16xf32>,
    %sub3A_801 = arith.subf %get3A_800, %get3A_796 : vector<16xf32>
    %add3A_802 = arith.addf %get3A_796, %sub3A_801 : vector<16xf32>
    %swap3A_803 = arith.constant 23 : i32
    %swap3A_804 = arith.index_cast %swap3A_803 : i32 to index
    %swap3A_805 = arith.constant 0 : index
    %swap3A_806 = tpu.vector_load %arg12[%swap3A_804, %swap3A_805] {strides = array<i32>} : memref<128x32xf32, #tpu.memory_space<vmem>>, vector<16xf32>,
    tpu.vector_store %arg12[%swap3A_804, %swap3A_805], %add3A_802 {strides = array<i32>} : memref<128x32xf32, #tpu.memory_space<vmem>>, vector<16xf32>,
    %get3A_807 = arith.constant 23 : i32
    %get3A_808 = arith.index_cast %get3A_807 : i32 to index
    %get3A_809 = arith.constant 16 : index
    %get3A_810 = tpu.vector_load %arg13[%get3A_808, %get3A_809] {strides = array<i32>} : memref<128x32xf32, #tpu.memory_space<vmem>>, vector<16xf32>,
    %get3A_811 = arith.constant 23 : i32
    %get3A_812 = arith.index_cast %get3A_811 : i32 to index
    %get3A_813 = arith.constant 16 : index
    %get3A_814 = tpu.vector_load %arg12[%get3A_812, %get3A_813] {strides = array<i32>} : memref<128x32xf32, #tpu.memory_space<vmem>>, vector<16xf32>,
    %sub3A_815 = arith.subf %get3A_814, %get3A_810 : vector<16xf32>
    %add3A_816 = arith.addf %get3A_810, %sub3A_815 : vector<16xf32>
    %swap3A_817 = arith.constant 23 : i32
    %swap3A_818 = arith.index_cast %swap3A_817 : i32 to index
    %swap3A_819 = arith.constant 16 : index
    %swap3A_820 = tpu.vector_load %arg12[%swap3A_818, %swap3A_819] {strides = array<i32>} : memref<128x32xf32, #tpu.memory_space<vmem>>, vector<16xf32>,
    tpu.vector_store %arg12[%swap3A_818, %swap3A_819], %add3A_816 {strides = array<i32>} : memref<128x32xf32, #tpu.memory_space<vmem>>, vector<16xf32>,
    %get3A_821 = arith.constant 24 : i32
    %get3A_822 = arith.index_cast %get3A_821 : i32 to index
    %get3A_823 = arith.constant 0 : index
    %get3A_824 = tpu.vector_load %arg13[%get3A_822, %get3A_823] {strides = array<i32>} : memref<128x32xf32, #tpu.memory_space<vmem>>, vector<16xf32>,
    %get3A_825 = arith.constant 24 : i32
    %get3A_826 = arith.index_cast %get3A_825 : i32 to index
    %get3A_827 = arith.constant 0 : index
    %get3A_828 = tpu.vector_load %arg12[%get3A_826, %get3A_827] {strides = array<i32>} : memref<128x32xf32, #tpu.memory_space<vmem>>, vector<16xf32>,
    %sub3A_829 = arith.subf %get3A_828, %get3A_824 : vector<16xf32>
    %add3A_830 = arith.addf %get3A_824, %sub3A_829 : vector<16xf32>
    %swap3A_831 = arith.constant 24 : i32
    %swap3A_832 = arith.index_cast %swap3A_831 : i32 to index
    %swap3A_833 = arith.constant 0 : index
    %swap3A_834 = tpu.vector_load %arg12[%swap3A_832, %swap3A_833] {strides = array<i32>} : memref<128x32xf32, #tpu.memory_space<vmem>>, vector<16xf32>,
    tpu.vector_store %arg12[%swap3A_832, %swap3A_833], %add3A_830 {strides = array<i32>} : memref<128x32xf32, #tpu.memory_space<vmem>>, vector<16xf32>,
    %get3A_835 = arith.constant 24 : i32
    %get3A_836 = arith.index_cast %get3A_835 : i32 to index
    %get3A_837 = arith.constant 16 : index
    %get3A_838 = tpu.vector_load %arg13[%get3A_836, %get3A_837] {strides = array<i32>} : memref<128x32xf32, #tpu.memory_space<vmem>>, vector<16xf32>,
    %get3A_839 = arith.constant 24 : i32
    %get3A_840 = arith.index_cast %get3A_839 : i32 to index
    %get3A_841 = arith.constant 16 : index
    %get3A_842 = tpu.vector_load %arg12[%get3A_840, %get3A_841] {strides = array<i32>} : memref<128x32xf32, #tpu.memory_space<vmem>>, vector<16xf32>,
    %sub3A_843 = arith.subf %get3A_842, %get3A_838 : vector<16xf32>
    %add3A_844 = arith.addf %get3A_838, %sub3A_843 : vector<16xf32>
    %swap3A_845 = arith.constant 24 : i32
    %swap3A_846 = arith.index_cast %swap3A_845 : i32 to index
    %swap3A_847 = arith.constant 16 : index
    %swap3A_848 = tpu.vector_load %arg12[%swap3A_846, %swap3A_847] {strides = array<i32>} : memref<128x32xf32, #tpu.memory_space<vmem>>, vector<16xf32>,
    tpu.vector_store %arg12[%swap3A_846, %swap3A_847], %add3A_844 {strides = array<i32>} : memref<128x32xf32, #tpu.memory_space<vmem>>, vector<16xf32>,
    %get3A_849 = arith.constant 25 : i32
    %get3A_850 = arith.index_cast %get3A_849 : i32 to index
    %get3A_851 = arith.constant 0 : index
    %get3A_852 = tpu.vector_load %arg13[%get3A_850, %get3A_851] {strides = array<i32>} : memref<128x32xf32, #tpu.memory_space<vmem>>, vector<16xf32>,
    %get3A_853 = arith.constant 25 : i32
    %get3A_854 = arith.index_cast %get3A_853 : i32 to index
    %get3A_855 = arith.constant 0 : index
    %get3A_856 = tpu.vector_load %arg12[%get3A_854, %get3A_855] {strides = array<i32>} : memref<128x32xf32, #tpu.memory_space<vmem>>, vector<16xf32>,
    %sub3A_857 = arith.subf %get3A_856, %get3A_852 : vector<16xf32>
    %add3A_858 = arith.addf %get3A_852, %sub3A_857 : vector<16xf32>
    %swap3A_859 = arith.constant 25 : i32
    %swap3A_860 = arith.index_cast %swap3A_859 : i32 to index
    %swap3A_861 = arith.constant 0 : index
    %swap3A_862 = tpu.vector_load %arg12[%swap3A_860, %swap3A_861] {strides = array<i32>} : memref<128x32xf32, #tpu.memory_space<vmem>>, vector<16xf32>,
    tpu.vector_store %arg12[%swap3A_860, %swap3A_861], %add3A_858 {strides = array<i32>} : memref<128x32xf32, #tpu.memory_space<vmem>>, vector<16xf32>,
    %get3A_863 = arith.constant 25 : i32
    %get3A_864 = arith.index_cast %get3A_863 : i32 to index
    %get3A_865 = arith.constant 16 : index
    %get3A_866 = tpu.vector_load %arg13[%get3A_864, %get3A_865] {strides = array<i32>} : memref<128x32xf32, #tpu.memory_space<vmem>>, vector<16xf32>,
    %get3A_867 = arith.constant 25 : i32
    %get3A_868 = arith.index_cast %get3A_867 : i32 to index
    %get3A_869 = arith.constant 16 : index
    %get3A_870 = tpu.vector_load %arg12[%get3A_868, %get3A_869] {strides = array<i32>} : memref<128x32xf32, #tpu.memory_space<vmem>>, vector<16xf32>,
    %sub3A_871 = arith.subf %get3A_870, %get3A_866 : vector<16xf32>
    %add3A_872 = arith.addf %get3A_866, %sub3A_871 : vector<16xf32>
    %swap3A_873 = arith.constant 25 : i32
    %swap3A_874 = arith.index_cast %swap3A_873 : i32 to index
    %swap3A_875 = arith.constant 16 : index
    %swap3A_876 = tpu.vector_load %arg12[%swap3A_874, %swap3A_875] {strides = array<i32>} : memref<128x32xf32, #tpu.memory_space<vmem>>, vector<16xf32>,
    tpu.vector_store %arg12[%swap3A_874, %swap3A_875], %add3A_872 {strides = array<i32>} : memref<128x32xf32, #tpu.memory_space<vmem>>, vector<16xf32>,
    %get3A_877 = arith.constant 26 : i32
    %get3A_878 = arith.index_cast %get3A_877 : i32 to index
    %get3A_879 = arith.constant 0 : index
    %get3A_880 = tpu.vector_load %arg13[%get3A_878, %get3A_879] {strides = array<i32>} : memref<128x32xf32, #tpu.memory_space<vmem>>, vector<16xf32>,
    %get3A_881 = arith.constant 26 : i32
    %get3A_882 = arith.index_cast %get3A_881 : i32 to index
    %get3A_883 = arith.constant 0 : index
    %get3A_884 = tpu.vector_load %arg12[%get3A_882, %get3A_883] {strides = array<i32>} : memref<128x32xf32, #tpu.memory_space<vmem>>, vector<16xf32>,
    %sub3A_885 = arith.subf %get3A_884, %get3A_880 : vector<16xf32>
    %add3A_886 = arith.addf %get3A_880, %sub3A_885 : vector<16xf32>
    %swap3A_887 = arith.constant 26 : i32
    %swap3A_888 = arith.index_cast %swap3A_887 : i32 to index
    %swap3A_889 = arith.constant 0 : index
    %swap3A_890 = tpu.vector_load %arg12[%swap3A_888, %swap3A_889] {strides = array<i32>} : memref<128x32xf32, #tpu.memory_space<vmem>>, vector<16xf32>,
    tpu.vector_store %arg12[%swap3A_888, %swap3A_889], %add3A_886 {strides = array<i32>} : memref<128x32xf32, #tpu.memory_space<vmem>>, vector<16xf32>,
    %get3A_891 = arith.constant 26 : i32
    %get3A_892 = arith.index_cast %get3A_891 : i32 to index
    %get3A_893 = arith.constant 16 : index
    %get3A_894 = tpu.vector_load %arg13[%get3A_892, %get3A_893] {strides = array<i32>} : memref<128x32xf32, #tpu.memory_space<vmem>>, vector<16xf32>,
    %get3A_895 = arith.constant 26 : i32
    %get3A_896 = arith.index_cast %get3A_895 : i32 to index
    %get3A_897 = arith.constant 16 : index
    %get3A_898 = tpu.vector_load %arg12[%get3A_896, %get3A_897] {strides = array<i32>} : memref<128x32xf32, #tpu.memory_space<vmem>>, vector<16xf32>,
    %sub3A_899 = arith.subf %get3A_898, %get3A_894 : vector<16xf32>
    %add3A_900 = arith.addf %get3A_894, %sub3A_899 : vector<16xf32>
    %swap3A_901 = arith.constant 26 : i32
    %swap3A_902 = arith.index_cast %swap3A_901 : i32 to index
    %swap3A_903 = arith.constant 16 : index
    %swap3A_904 = tpu.vector_load %arg12[%swap3A_902, %swap3A_903] {strides = array<i32>} : memref<128x32xf32, #tpu.memory_space<vmem>>, vector<16xf32>,
    tpu.vector_store %arg12[%swap3A_902, %swap3A_903], %add3A_900 {strides = array<i32>} : memref<128x32xf32, #tpu.memory_space<vmem>>, vector<16xf32>,
    %get3A_905 = arith.constant 27 : i32
    %get3A_906 = arith.index_cast %get3A_905 : i32 to index
    %get3A_907 = arith.constant 0 : index
    %get3A_908 = tpu.vector_load %arg13[%get3A_906, %get3A_907] {strides = array<i32>} : memref<128x32xf32, #tpu.memory_space<vmem>>, vector<16xf32>,
    %get3A_909 = arith.constant 27 : i32
    %get3A_910 = arith.index_cast %get3A_909 : i32 to index
    %get3A_911 = arith.constant 0 : index
    %get3A_912 = tpu.vector_load %arg12[%get3A_910, %get3A_911] {strides = array<i32>} : memref<128x32xf32, #tpu.memory_space<vmem>>, vector<16xf32>,
    %sub3A_913 = arith.subf %get3A_912, %get3A_908 : vector<16xf32>
    %add3A_914 = arith.addf %get3A_908, %sub3A_913 : vector<16xf32>
    %swap3A_915 = arith.constant 27 : i32
    %swap3A_916 = arith.index_cast %swap3A_915 : i32 to index
    %swap3A_917 = arith.constant 0 : index
    %swap3A_918 = tpu.vector_load %arg12[%swap3A_916, %swap3A_917] {strides = array<i32>} : memref<128x32xf32, #tpu.memory_space<vmem>>, vector<16xf32>,
    tpu.vector_store %arg12[%swap3A_916, %swap3A_917], %add3A_914 {strides = array<i32>} : memref<128x32xf32, #tpu.memory_space<vmem>>, vector<16xf32>,
    %get3A_919 = arith.constant 27 : i32
    %get3A_920 = arith.index_cast %get3A_919 : i32 to index
    %get3A_921 = arith.constant 16 : index
    %get3A_922 = tpu.vector_load %arg13[%get3A_920, %get3A_921] {strides = array<i32>} : memref<128x32xf32, #tpu.memory_space<vmem>>, vector<16xf32>,
    %get3A_923 = arith.constant 27 : i32
    %get3A_924 = arith.index_cast %get3A_923 : i32 to index
    %get3A_925 = arith.constant 16 : index
    %get3A_926 = tpu.vector_load %arg12[%get3A_924, %get3A_925] {strides = array<i32>} : memref<128x32xf32, #tpu.memory_space<vmem>>, vector<16xf32>,
    %sub3A_927 = arith.subf %get3A_926, %get3A_922 : vector<16xf32>
    %add3A_928 = arith.addf %get3A_922, %sub3A_927 : vector<16xf32>
    %swap3A_929 = arith.constant 27 : i32
    %swap3A_930 = arith.index_cast %swap3A_929 : i32 to index
    %swap3A_931 = arith.constant 16 : index
    %swap3A_932 = tpu.vector_load %arg12[%swap3A_930, %swap3A_931] {strides = array<i32>} : memref<128x32xf32, #tpu.memory_space<vmem>>, vector<16xf32>,
    tpu.vector_store %arg12[%swap3A_930, %swap3A_931], %add3A_928 {strides = array<i32>} : memref<128x32xf32, #tpu.memory_space<vmem>>, vector<16xf32>,
    %get3A_933 = arith.constant 28 : i32
    %get3A_934 = arith.index_cast %get3A_933 : i32 to index
    %get3A_935 = arith.constant 0 : index
    %get3A_936 = tpu.vector_load %arg13[%get3A_934, %get3A_935] {strides = array<i32>} : memref<128x32xf32, #tpu.memory_space<vmem>>, vector<16xf32>,
    %get3A_937 = arith.constant 28 : i32
    %get3A_938 = arith.index_cast %get3A_937 : i32 to index
    %get3A_939 = arith.constant 0 : index
    %get3A_940 = tpu.vector_load %arg12[%get3A_938, %get3A_939] {strides = array<i32>} : memref<128x32xf32, #tpu.memory_space<vmem>>, vector<16xf32>,
    %sub3A_941 = arith.subf %get3A_940, %get3A_936 : vector<16xf32>
    %add3A_942 = arith.addf %get3A_936, %sub3A_941 : vector<16xf32>
    %swap3A_943 = arith.constant 28 : i32
    %swap3A_944 = arith.index_cast %swap3A_943 : i32 to index
    %swap3A_945 = arith.constant 0 : index
    %swap3A_946 = tpu.vector_load %arg12[%swap3A_944, %swap3A_945] {strides = array<i32>} : memref<128x32xf32, #tpu.memory_space<vmem>>, vector<16xf32>,
    tpu.vector_store %arg12[%swap3A_944, %swap3A_945], %add3A_942 {strides = array<i32>} : memref<128x32xf32, #tpu.memory_space<vmem>>, vector<16xf32>,
    %get3A_947 = arith.constant 28 : i32
    %get3A_948 = arith.index_cast %get3A_947 : i32 to index
    %get3A_949 = arith.constant 16 : index
    %get3A_950 = tpu.vector_load %arg13[%get3A_948, %get3A_949] {strides = array<i32>} : memref<128x32xf32, #tpu.memory_space<vmem>>, vector<16xf32>,
    %get3A_951 = arith.constant 28 : i32
    %get3A_952 = arith.index_cast %get3A_951 : i32 to index
    %get3A_953 = arith.constant 16 : index
    %get3A_954 = tpu.vector_load %arg12[%get3A_952, %get3A_953] {strides = array<i32>} : memref<128x32xf32, #tpu.memory_space<vmem>>, vector<16xf32>,
    %sub3A_955 = arith.subf %get3A_954, %get3A_950 : vector<16xf32>
    %add3A_956 = arith.addf %get3A_950, %sub3A_955 : vector<16xf32>
    %swap3A_957 = arith.constant 28 : i32
    %swap3A_958 = arith.index_cast %swap3A_957 : i32 to index
    %swap3A_959 = arith.constant 16 : index
    %swap3A_960 = tpu.vector_load %arg12[%swap3A_958, %swap3A_959] {strides = array<i32>} : memref<128x32xf32, #tpu.memory_space<vmem>>, vector<16xf32>,
    tpu.vector_store %arg12[%swap3A_958, %swap3A_959], %add3A_956 {strides = array<i32>} : memref<128x32xf32, #tpu.memory_space<vmem>>, vector<16xf32>,
    %get3A_961 = arith.constant 29 : i32
    %get3A_962 = arith.index_cast %get3A_961 : i32 to index
    %get3A_963 = arith.constant 0 : index
    %get3A_964 = tpu.vector_load %arg13[%get3A_962, %get3A_963] {strides = array<i32>} : memref<128x32xf32, #tpu.memory_space<vmem>>, vector<16xf32>,
    %get3A_965 = arith.constant 29 : i32
    %get3A_966 = arith.index_cast %get3A_965 : i32 to index
    %get3A_967 = arith.constant 0 : index
    %get3A_968 = tpu.vector_load %arg12[%get3A_966, %get3A_967] {strides = array<i32>} : memref<128x32xf32, #tpu.memory_space<vmem>>, vector<16xf32>,
    %sub3A_969 = arith.subf %get3A_968, %get3A_964 : vector<16xf32>
    %add3A_970 = arith.addf %get3A_964, %sub3A_969 : vector<16xf32>
    %swap3A_971 = arith.constant 29 : i32
    %swap3A_972 = arith.index_cast %swap3A_971 : i32 to index
    %swap3A_973 = arith.constant 0 : index
    %swap3A_974 = tpu.vector_load %arg12[%swap3A_972, %swap3A_973] {strides = array<i32>} : memref<128x32xf32, #tpu.memory_space<vmem>>, vector<16xf32>,
    tpu.vector_store %arg12[%swap3A_972, %swap3A_973], %add3A_970 {strides = array<i32>} : memref<128x32xf32, #tpu.memory_space<vmem>>, vector<16xf32>,
    %get3A_975 = arith.constant 29 : i32
    %get3A_976 = arith.index_cast %get3A_975 : i32 to index
    %get3A_977 = arith.constant 16 : index
    %get3A_978 = tpu.vector_load %arg13[%get3A_976, %get3A_977] {strides = array<i32>} : memref<128x32xf32, #tpu.memory_space<vmem>>, vector<16xf32>,
    %get3A_979 = arith.constant 29 : i32
    %get3A_980 = arith.index_cast %get3A_979 : i32 to index
    %get3A_981 = arith.constant 16 : index
    %get3A_982 = tpu.vector_load %arg12[%get3A_980, %get3A_981] {strides = array<i32>} : memref<128x32xf32, #tpu.memory_space<vmem>>, vector<16xf32>,
    %sub3A_983 = arith.subf %get3A_982, %get3A_978 : vector<16xf32>
    %add3A_984 = arith.addf %get3A_978, %sub3A_983 : vector<16xf32>
    %swap3A_985 = arith.constant 29 : i32
    %swap3A_986 = arith.index_cast %swap3A_985 : i32 to index
    %swap3A_987 = arith.constant 16 : index
    %swap3A_988 = tpu.vector_load %arg12[%swap3A_986, %swap3A_987] {strides = array<i32>} : memref<128x32xf32, #tpu.memory_space<vmem>>, vector<16xf32>,
    tpu.vector_store %arg12[%swap3A_986, %swap3A_987], %add3A_984 {strides = array<i32>} : memref<128x32xf32, #tpu.memory_space<vmem>>, vector<16xf32>,
    %get3A_989 = arith.constant 30 : i32
    %get3A_990 = arith.index_cast %get3A_989 : i32 to index
    %get3A_991 = arith.constant 0 : index
    %get3A_992 = tpu.vector_load %arg13[%get3A_990, %get3A_991] {strides = array<i32>} : memref<128x32xf32, #tpu.memory_space<vmem>>, vector<16xf32>,
    %get3A_993 = arith.constant 30 : i32
    %get3A_994 = arith.index_cast %get3A_993 : i32 to index
    %get3A_995 = arith.constant 0 : index
    %get3A_996 = tpu.vector_load %arg12[%get3A_994, %get3A_995] {strides = array<i32>} : memref<128x32xf32, #tpu.memory_space<vmem>>, vector<16xf32>,
    %sub3A_997 = arith.subf %get3A_996, %get3A_992 : vector<16xf32>
    %add3A_998 = arith.addf %get3A_992, %sub3A_997 : vector<16xf32>
    %swap3A_999 = arith.constant 30 : i32
    %swap3A_1000 = arith.index_cast %swap3A_999 : i32 to index
    %swap3A_1001 = arith.constant 0 : index
    %swap3A_1002 = tpu.vector_load %arg12[%swap3A_1000, %swap3A_1001] {strides = array<i32>} : memref<128x32xf32, #tpu.memory_space<vmem>>, vector<16xf32>,
    tpu.vector_store %arg12[%swap3A_1000, %swap3A_1001], %add3A_998 {strides = array<i32>} : memref<128x32xf32, #tpu.memory_space<vmem>>, vector<16xf32>,
    %get3A_1003 = arith.constant 30 : i32
    %get3A_1004 = arith.index_cast %get3A_1003 : i32 to index
    %get3A_1005 = arith.constant 16 : index
    %get3A_1006 = tpu.vector_load %arg13[%get3A_1004, %get3A_1005] {strides = array<i32>} : memref<128x32xf32, #tpu.memory_space<vmem>>, vector<16xf32>,
    %get3A_1007 = arith.constant 30 : i32
    %get3A_1008 = arith.index_cast %get3A_1007 : i32 to index
    %get3A_1009 = arith.constant 16 : index
    %get3A_1010 = tpu.vector_load %arg12[%get3A_1008, %get3A_1009] {strides = array<i32>} : memref<128x32xf32, #tpu.memory_space<vmem>>, vector<16xf32>,
    %sub3A_1011 = arith.subf %get3A_1010, %get3A_1006 : vector<16xf32>
    %add3A_1012 = arith.addf %get3A_1006, %sub3A_1011 : vector<16xf32>
    %swap3A_1013 = arith.constant 30 : i32
    %swap3A_1014 = arith.index_cast %swap3A_1013 : i32 to index
    %swap3A_1015 = arith.constant 16 : index
    %swap3A_1016 = tpu.vector_load %arg12[%swap3A_1014, %swap3A_1015] {strides = array<i32>} : memref<128x32xf32, #tpu.memory_space<vmem>>, vector<16xf32>,
    tpu.vector_store %arg12[%swap3A_1014, %swap3A_1015], %add3A_1012 {strides = array<i32>} : memref<128x32xf32, #tpu.memory_space<vmem>>, vector<16xf32>,
    %get3A_1017 = arith.constant 31 : i32
    %get3A_1018 = arith.index_cast %get3A_1017 : i32 to index
    %get3A_1019 = arith.constant 0 : index
    %get3A_1020 = tpu.vector_load %arg13[%get3A_1018, %get3A_1019] {strides = array<i32>} : memref<128x32xf32, #tpu.memory_space<vmem>>, vector<16xf32>,
    %get3A_1021 = arith.constant 31 : i32
    %get3A_1022 = arith.index_cast %get3A_1021 : i32 to index
    %get3A_1023 = arith.constant 0 : index
    %get3A_1024 = tpu.vector_load %arg12[%get3A_1022, %get3A_1023] {strides = array<i32>} : memref<128x32xf32, #tpu.memory_space<vmem>>, vector<16xf32>,
    %sub3A_1025 = arith.subf %get3A_1024, %get3A_1020 : vector<16xf32>
    %add3A_1026 = arith.addf %get3A_1020, %sub3A_1025 : vector<16xf32>
    %swap3A_1027 = arith.constant 31 : i32
    %swap3A_1028 = arith.index_cast %swap3A_1027 : i32 to index
    %swap3A_1029 = arith.constant 0 : index
    %swap3A_1030 = tpu.vector_load %arg12[%swap3A_1028, %swap3A_1029] {strides = array<i32>} : memref<128x32xf32, #tpu.memory_space<vmem>>, vector<16xf32>,
    tpu.vector_store %arg12[%swap3A_1028, %swap3A_1029], %add3A_1026 {strides = array<i32>} : memref<128x32xf32, #tpu.memory_space<vmem>>, vector<16xf32>,
    %get3A_1031 = arith.constant 31 : i32
    %get3A_1032 = arith.index_cast %get3A_1031 : i32 to index
    %get3A_1033 = arith.constant 16 : index
    %get3A_1034 = tpu.vector_load %arg13[%get3A_1032, %get3A_1033] {strides = array<i32>} : memref<128x32xf32, #tpu.memory_space<vmem>>, vector<16xf32>,
    %get3A_1035 = arith.constant 31 : i32
    %get3A_1036 = arith.index_cast %get3A_1035 : i32 to index
    %get3A_1037 = arith.constant 16 : index
    %get3A_1038 = tpu.vector_load %arg12[%get3A_1036, %get3A_1037] {strides = array<i32>} : memref<128x32xf32, #tpu.memory_space<vmem>>, vector<16xf32>,
    %sub3A_1039 = arith.subf %get3A_1038, %get3A_1034 : vector<16xf32>
    %add3A_1040 = arith.addf %get3A_1034, %sub3A_1039 : vector<16xf32>
    %swap3A_1041 = arith.constant 31 : i32
    %swap3A_1042 = arith.index_cast %swap3A_1041 : i32 to index
    %swap3A_1043 = arith.constant 16 : index
    %swap3A_1044 = tpu.vector_load %arg12[%swap3A_1042, %swap3A_1043] {strides = array<i32>} : memref<128x32xf32, #tpu.memory_space<vmem>>, vector<16xf32>,
    tpu.vector_store %arg12[%swap3A_1042, %swap3A_1043], %add3A_1040 {strides = array<i32>} : memref<128x32xf32, #tpu.memory_space<vmem>>, vector<16xf32>,
    %get3A_1045 = arith.constant 32 : i32
    %get3A_1046 = arith.index_cast %get3A_1045 : i32 to index
    %get3A_1047 = arith.constant 0 : index
    %get3A_1048 = tpu.vector_load %arg13[%get3A_1046, %get3A_1047] {strides = array<i32>} : memref<128x32xf32, #tpu.memory_space<vmem>>, vector<16xf32>,
    %get3A_1049 = arith.constant 32 : i32
    %get3A_1050 = arith.index_cast %get3A_1049 : i32 to index
    %get3A_1051 = arith.constant 0 : index
    %get3A_1052 = tpu.vector_load %arg12[%get3A_1050, %get3A_1051] {strides = array<i32>} : memref<128x32xf32, #tpu.memory_space<vmem>>, vector<16xf32>,
    %sub3A_1053 = arith.subf %get3A_1052, %get3A_1048 : vector<16xf32>
    %add3A_1054 = arith.addf %get3A_1048, %sub3A_1053 : vector<16xf32>
    %swap3A_1055 = arith.constant 32 : i32
    %swap3A_1056 = arith.index_cast %swap3A_1055 : i32 to index
    %swap3A_1057 = arith.constant 0 : index
    %swap3A_1058 = tpu.vector_load %arg12[%swap3A_1056, %swap3A_1057] {strides = array<i32>} : memref<128x32xf32, #tpu.memory_space<vmem>>, vector<16xf32>,
    tpu.vector_store %arg12[%swap3A_1056, %swap3A_1057], %add3A_1054 {strides = array<i32>} : memref<128x32xf32, #tpu.memory_space<vmem>>, vector<16xf32>,
    %get3A_1059 = arith.constant 32 : i32
    %get3A_1060 = arith.index_cast %get3A_1059 : i32 to index
    %get3A_1061 = arith.constant 16 : index
    %get3A_1062 = tpu.vector_load %arg13[%get3A_1060, %get3A_1061] {strides = array<i32>} : memref<128x32xf32, #tpu.memory_space<vmem>>, vector<16xf32>,
    %get3A_1063 = arith.constant 32 : i32
    %get3A_1064 = arith.index_cast %get3A_1063 : i32 to index
    %get3A_1065 = arith.constant 16 : index
    %get3A_1066 = tpu.vector_load %arg12[%get3A_1064, %get3A_1065] {strides = array<i32>} : memref<128x32xf32, #tpu.memory_space<vmem>>, vector<16xf32>,
    %sub3A_1067 = arith.subf %get3A_1066, %get3A_1062 : vector<16xf32>
    %add3A_1068 = arith.addf %get3A_1062, %sub3A_1067 : vector<16xf32>
    %swap3A_1069 = arith.constant 32 : i32
    %swap3A_1070 = arith.index_cast %swap3A_1069 : i32 to index
    %swap3A_1071 = arith.constant 16 : index
    %swap3A_1072 = tpu.vector_load %arg12[%swap3A_1070, %swap3A_1071] {strides = array<i32>} : memref<128x32xf32, #tpu.memory_space<vmem>>, vector<16xf32>,
    tpu.vector_store %arg12[%swap3A_1070, %swap3A_1071], %add3A_1068 {strides = array<i32>} : memref<128x32xf32, #tpu.memory_space<vmem>>, vector<16xf32>,
    %get3A_1073 = arith.constant 33 : i32
    %get3A_1074 = arith.index_cast %get3A_1073 : i32 to index
    %get3A_1075 = arith.constant 0 : index
    %get3A_1076 = tpu.vector_load %arg13[%get3A_1074, %get3A_1075] {strides = array<i32>} : memref<128x32xf32, #tpu.memory_space<vmem>>, vector<16xf32>,
    %get3A_1077 = arith.constant 33 : i32
    %get3A_1078 = arith.index_cast %get3A_1077 : i32 to index
    %get3A_1079 = arith.constant 0 : index
    %get3A_1080 = tpu.vector_load %arg12[%get3A_1078, %get3A_1079] {strides = array<i32>} : memref<128x32xf32, #tpu.memory_space<vmem>>, vector<16xf32>,
    %sub3A_1081 = arith.subf %get3A_1080, %get3A_1076 : vector<16xf32>
    %add3A_1082 = arith.addf %get3A_1076, %sub3A_1081 : vector<16xf32>
    %swap3A_1083 = arith.constant 33 : i32
    %swap3A_1084 = arith.index_cast %swap3A_1083 : i32 to index
    %swap3A_1085 = arith.constant 0 : index
    %swap3A_1086 = tpu.vector_load %arg12[%swap3A_1084, %swap3A_1085] {strides = array<i32>} : memref<128x32xf32, #tpu.memory_space<vmem>>, vector<16xf32>,
    tpu.vector_store %arg12[%swap3A_1084, %swap3A_1085], %add3A_1082 {strides = array<i32>} : memref<128x32xf32, #tpu.memory_space<vmem>>, vector<16xf32>,
    %get3A_1087 = arith.constant 33 : i32
    %get3A_1088 = arith.index_cast %get3A_1087 : i32 to index
    %get3A_1089 = arith.constant 16 : index
    %get3A_1090 = tpu.vector_load %arg13[%get3A_1088, %get3A_1089] {strides = array<i32>} : memref<128x32xf32, #tpu.memory_space<vmem>>, vector<16xf32>,
    %get3A_1091 = arith.constant 33 : i32
    %get3A_1092 = arith.index_cast %get3A_1091 : i32 to index
    %get3A_1093 = arith.constant 16 : index
    %get3A_1094 = tpu.vector_load %arg12[%get3A_1092, %get3A_1093] {strides = array<i32>} : memref<128x32xf32, #tpu.memory_space<vmem>>, vector<16xf32>,
    %sub3A_1095 = arith.subf %get3A_1094, %get3A_1090 : vector<16xf32>
    %add3A_1096 = arith.addf %get3A_1090, %sub3A_1095 : vector<16xf32>
    %swap3A_1097 = arith.constant 33 : i32
    %swap3A_1098 = arith.index_cast %swap3A_1097 : i32 to index
    %swap3A_1099 = arith.constant 16 : index
    %swap3A_1100 = tpu.vector_load %arg12[%swap3A_1098, %swap3A_1099] {strides = array<i32>} : memref<128x32xf32, #tpu.memory_space<vmem>>, vector<16xf32>,
    tpu.vector_store %arg12[%swap3A_1098, %swap3A_1099], %add3A_1096 {strides = array<i32>} : memref<128x32xf32, #tpu.memory_space<vmem>>, vector<16xf32>,
    %get3A_1101 = arith.constant 34 : i32
    %get3A_1102 = arith.index_cast %get3A_1101 : i32 to index
    %get3A_1103 = arith.constant 0 : index
    %get3A_1104 = tpu.vector_load %arg13[%get3A_1102, %get3A_1103] {strides = array<i32>} : memref<128x32xf32, #tpu.memory_space<vmem>>, vector<16xf32>,
    %get3A_1105 = arith.constant 34 : i32
    %get3A_1106 = arith.index_cast %get3A_1105 : i32 to index
    %get3A_1107 = arith.constant 0 : index
    %get3A_1108 = tpu.vector_load %arg12[%get3A_1106, %get3A_1107] {strides = array<i32>} : memref<128x32xf32, #tpu.memory_space<vmem>>, vector<16xf32>,
    %sub3A_1109 = arith.subf %get3A_1108, %get3A_1104 : vector<16xf32>
    %add3A_1110 = arith.addf %get3A_1104, %sub3A_1109 : vector<16xf32>
    %swap3A_1111 = arith.constant 34 : i32
    %swap3A_1112 = arith.index_cast %swap3A_1111 : i32 to index
    %swap3A_1113 = arith.constant 0 : index
    %swap3A_1114 = tpu.vector_load %arg12[%swap3A_1112, %swap3A_1113] {strides = array<i32>} : memref<128x32xf32, #tpu.memory_space<vmem>>, vector<16xf32>,
    tpu.vector_store %arg12[%swap3A_1112, %swap3A_1113], %add3A_1110 {strides = array<i32>} : memref<128x32xf32, #tpu.memory_space<vmem>>, vector<16xf32>,
    %get3A_1115 = arith.constant 34 : i32
    %get3A_1116 = arith.index_cast %get3A_1115 : i32 to index
    %get3A_1117 = arith.constant 16 : index
    %get3A_1118 = tpu.vector_load %arg13[%get3A_1116, %get3A_1117] {strides = array<i32>} : memref<128x32xf32, #tpu.memory_space<vmem>>, vector<16xf32>,
    %get3A_1119 = arith.constant 34 : i32
    %get3A_1120 = arith.index_cast %get3A_1119 : i32 to index
    %get3A_1121 = arith.constant 16 : index
    %get3A_1122 = tpu.vector_load %arg12[%get3A_1120, %get3A_1121] {strides = array<i32>} : memref<128x32xf32, #tpu.memory_space<vmem>>, vector<16xf32>,
    %sub3A_1123 = arith.subf %get3A_1122, %get3A_1118 : vector<16xf32>
    %add3A_1124 = arith.addf %get3A_1118, %sub3A_1123 : vector<16xf32>
    %swap3A_1125 = arith.constant 34 : i32
    %swap3A_1126 = arith.index_cast %swap3A_1125 : i32 to index
    %swap3A_1127 = arith.constant 16 : index
    %swap3A_1128 = tpu.vector_load %arg12[%swap3A_1126, %swap3A_1127] {strides = array<i32>} : memref<128x32xf32, #tpu.memory_space<vmem>>, vector<16xf32>,
    tpu.vector_store %arg12[%swap3A_1126, %swap3A_1127], %add3A_1124 {strides = array<i32>} : memref<128x32xf32, #tpu.memory_space<vmem>>, vector<16xf32>,
    %get3A_1129 = arith.constant 35 : i32
    %get3A_1130 = arith.index_cast %get3A_1129 : i32 to index
    %get3A_1131 = arith.constant 0 : index
    %get3A_1132 = tpu.vector_load %arg13[%get3A_1130, %get3A_1131] {strides = array<i32>} : memref<128x32xf32, #tpu.memory_space<vmem>>, vector<16xf32>,
    %get3A_1133 = arith.constant 35 : i32
    %get3A_1134 = arith.index_cast %get3A_1133 : i32 to index
    %get3A_1135 = arith.constant 0 : index
    %get3A_1136 = tpu.vector_load %arg12[%get3A_1134, %get3A_1135] {strides = array<i32>} : memref<128x32xf32, #tpu.memory_space<vmem>>, vector<16xf32>,
    %sub3A_1137 = arith.subf %get3A_1136, %get3A_1132 : vector<16xf32>
    %add3A_1138 = arith.addf %get3A_1132, %sub3A_1137 : vector<16xf32>
    %swap3A_1139 = arith.constant 35 : i32
    %swap3A_1140 = arith.index_cast %swap3A_1139 : i32 to index
    %swap3A_1141 = arith.constant 0 : index
    %swap3A_1142 = tpu.vector_load %arg12[%swap3A_1140, %swap3A_1141] {strides = array<i32>} : memref<128x32xf32, #tpu.memory_space<vmem>>, vector<16xf32>,
    tpu.vector_store %arg12[%swap3A_1140, %swap3A_1141], %add3A_1138 {strides = array<i32>} : memref<128x32xf32, #tpu.memory_space<vmem>>, vector<16xf32>,
    %get3A_1143 = arith.constant 35 : i32
    %get3A_1144 = arith.index_cast %get3A_1143 : i32 to index
    %get3A_1145 = arith.constant 16 : index
    %get3A_1146 = tpu.vector_load %arg13[%get3A_1144, %get3A_1145] {strides = array<i32>} : memref<128x32xf32, #tpu.memory_space<vmem>>, vector<16xf32>,
    %get3A_1147 = arith.constant 35 : i32
    %get3A_1148 = arith.index_cast %get3A_1147 : i32 to index
    %get3A_1149 = arith.constant 16 : index
    %get3A_1150 = tpu.vector_load %arg12[%get3A_1148, %get3A_1149] {strides = array<i32>} : memref<128x32xf32, #tpu.memory_space<vmem>>, vector<16xf32>,
    %sub3A_1151 = arith.subf %get3A_1150, %get3A_1146 : vector<16xf32>
    %add3A_1152 = arith.addf %get3A_1146, %sub3A_1151 : vector<16xf32>
    %swap3A_1153 = arith.constant 35 : i32
    %swap3A_1154 = arith.index_cast %swap3A_1153 : i32 to index
    %swap3A_1155 = arith.constant 16 : index
    %swap3A_1156 = tpu.vector_load %arg12[%swap3A_1154, %swap3A_1155] {strides = array<i32>} : memref<128x32xf32, #tpu.memory_space<vmem>>, vector<16xf32>,
    tpu.vector_store %arg12[%swap3A_1154, %swap3A_1155], %add3A_1152 {strides = array<i32>} : memref<128x32xf32, #tpu.memory_space<vmem>>, vector<16xf32>,
    %get3A_1157 = arith.constant 36 : i32
    %get3A_1158 = arith.index_cast %get3A_1157 : i32 to index
    %get3A_1159 = arith.constant 0 : index
    %get3A_1160 = tpu.vector_load %arg13[%get3A_1158, %get3A_1159] {strides = array<i32>} : memref<128x32xf32, #tpu.memory_space<vmem>>, vector<16xf32>,
    %get3A_1161 = arith.constant 36 : i32
    %get3A_1162 = arith.index_cast %get3A_1161 : i32 to index
    %get3A_1163 = arith.constant 0 : index
    %get3A_1164 = tpu.vector_load %arg12[%get3A_1162, %get3A_1163] {strides = array<i32>} : memref<128x32xf32, #tpu.memory_space<vmem>>, vector<16xf32>,
    %sub3A_1165 = arith.subf %get3A_1164, %get3A_1160 : vector<16xf32>
    %add3A_1166 = arith.addf %get3A_1160, %sub3A_1165 : vector<16xf32>
    %swap3A_1167 = arith.constant 36 : i32
    %swap3A_1168 = arith.index_cast %swap3A_1167 : i32 to index
    %swap3A_1169 = arith.constant 0 : index
    %swap3A_1170 = tpu.vector_load %arg12[%swap3A_1168, %swap3A_1169] {strides = array<i32>} : memref<128x32xf32, #tpu.memory_space<vmem>>, vector<16xf32>,
    tpu.vector_store %arg12[%swap3A_1168, %swap3A_1169], %add3A_1166 {strides = array<i32>} : memref<128x32xf32, #tpu.memory_space<vmem>>, vector<16xf32>,
    %get3A_1171 = arith.constant 36 : i32
    %get3A_1172 = arith.index_cast %get3A_1171 : i32 to index
    %get3A_1173 = arith.constant 16 : index
    %get3A_1174 = tpu.vector_load %arg13[%get3A_1172, %get3A_1173] {strides = array<i32>} : memref<128x32xf32, #tpu.memory_space<vmem>>, vector<16xf32>,
    %get3A_1175 = arith.constant 36 : i32
    %get3A_1176 = arith.index_cast %get3A_1175 : i32 to index
    %get3A_1177 = arith.constant 16 : index
    %get3A_1178 = tpu.vector_load %arg12[%get3A_1176, %get3A_1177] {strides = array<i32>} : memref<128x32xf32, #tpu.memory_space<vmem>>, vector<16xf32>,
    %sub3A_1179 = arith.subf %get3A_1178, %get3A_1174 : vector<16xf32>
    %add3A_1180 = arith.addf %get3A_1174, %sub3A_1179 : vector<16xf32>
    %swap3A_1181 = arith.constant 36 : i32
    %swap3A_1182 = arith.index_cast %swap3A_1181 : i32 to index
    %swap3A_1183 = arith.constant 16 : index
    %swap3A_1184 = tpu.vector_load %arg12[%swap3A_1182, %swap3A_1183] {strides = array<i32>} : memref<128x32xf32, #tpu.memory_space<vmem>>, vector<16xf32>,
    tpu.vector_store %arg12[%swap3A_1182, %swap3A_1183], %add3A_1180 {strides = array<i32>} : memref<128x32xf32, #tpu.memory_space<vmem>>, vector<16xf32>,
    %get3A_1185 = arith.constant 37 : i32
    %get3A_1186 = arith.index_cast %get3A_1185 : i32 to index
    %get3A_1187 = arith.constant 0 : index
    %get3A_1188 = tpu.vector_load %arg13[%get3A_1186, %get3A_1187] {strides = array<i32>} : memref<128x32xf32, #tpu.memory_space<vmem>>, vector<16xf32>,
    %get3A_1189 = arith.constant 37 : i32
    %get3A_1190 = arith.index_cast %get3A_1189 : i32 to index
    %get3A_1191 = arith.constant 0 : index
    %get3A_1192 = tpu.vector_load %arg12[%get3A_1190, %get3A_1191] {strides = array<i32>} : memref<128x32xf32, #tpu.memory_space<vmem>>, vector<16xf32>,
    %sub3A_1193 = arith.subf %get3A_1192, %get3A_1188 : vector<16xf32>
    %add3A_1194 = arith.addf %get3A_1188, %sub3A_1193 : vector<16xf32>
    %swap3A_1195 = arith.constant 37 : i32
    %swap3A_1196 = arith.index_cast %swap3A_1195 : i32 to index
    %swap3A_1197 = arith.constant 0 : index
    %swap3A_1198 = tpu.vector_load %arg12[%swap3A_1196, %swap3A_1197] {strides = array<i32>} : memref<128x32xf32, #tpu.memory_space<vmem>>, vector<16xf32>,
    tpu.vector_store %arg12[%swap3A_1196, %swap3A_1197], %add3A_1194 {strides = array<i32>} : memref<128x32xf32, #tpu.memory_space<vmem>>, vector<16xf32>,
    %get3A_1199 = arith.constant 37 : i32
    %get3A_1200 = arith.index_cast %get3A_1199 : i32 to index
    %get3A_1201 = arith.constant 16 : index
    %get3A_1202 = tpu.vector_load %arg13[%get3A_1200, %get3A_1201] {strides = array<i32>} : memref<128x32xf32, #tpu.memory_space<vmem>>, vector<16xf32>,
    %get3A_1203 = arith.constant 37 : i32
    %get3A_1204 = arith.index_cast %get3A_1203 : i32 to index
    %get3A_1205 = arith.constant 16 : index
    %get3A_1206 = tpu.vector_load %arg12[%get3A_1204, %get3A_1205] {strides = array<i32>} : memref<128x32xf32, #tpu.memory_space<vmem>>, vector<16xf32>,
    %sub3A_1207 = arith.subf %get3A_1206, %get3A_1202 : vector<16xf32>
    %add3A_1208 = arith.addf %get3A_1202, %sub3A_1207 : vector<16xf32>
    %swap3A_1209 = arith.constant 37 : i32
    %swap3A_1210 = arith.index_cast %swap3A_1209 : i32 to index
    %swap3A_1211 = arith.constant 16 : index
    %swap3A_1212 = tpu.vector_load %arg12[%swap3A_1210, %swap3A_1211] {strides = array<i32>} : memref<128x32xf32, #tpu.memory_space<vmem>>, vector<16xf32>,
    tpu.vector_store %arg12[%swap3A_1210, %swap3A_1211], %add3A_1208 {strides = array<i32>} : memref<128x32xf32, #tpu.memory_space<vmem>>, vector<16xf32>,
    %get3A_1213 = arith.constant 38 : i32
    %get3A_1214 = arith.index_cast %get3A_1213 : i32 to index
    %get3A_1215 = arith.constant 0 : index
    %get3A_1216 = tpu.vector_load %arg13[%get3A_1214, %get3A_1215] {strides = array<i32>} : memref<128x32xf32, #tpu.memory_space<vmem>>, vector<16xf32>,
    %get3A_1217 = arith.constant 38 : i32
    %get3A_1218 = arith.index_cast %get3A_1217 : i32 to index
    %get3A_1219 = arith.constant 0 : index
    %get3A_1220 = tpu.vector_load %arg12[%get3A_1218, %get3A_1219] {strides = array<i32>} : memref<128x32xf32, #tpu.memory_space<vmem>>, vector<16xf32>,
    %sub3A_1221 = arith.subf %get3A_1220, %get3A_1216 : vector<16xf32>
    %add3A_1222 = arith.addf %get3A_1216, %sub3A_1221 : vector<16xf32>
    %swap3A_1223 = arith.constant 38 : i32
    %swap3A_1224 = arith.index_cast %swap3A_1223 : i32 to index
    %swap3A_1225 = arith.constant 0 : index
    %swap3A_1226 = tpu.vector_load %arg12[%swap3A_1224, %swap3A_1225] {strides = array<i32>} : memref<128x32xf32, #tpu.memory_space<vmem>>, vector<16xf32>,
    tpu.vector_store %arg12[%swap3A_1224, %swap3A_1225], %add3A_1222 {strides = array<i32>} : memref<128x32xf32, #tpu.memory_space<vmem>>, vector<16xf32>,
    %get3A_1227 = arith.constant 38 : i32
    %get3A_1228 = arith.index_cast %get3A_1227 : i32 to index
    %get3A_1229 = arith.constant 16 : index
    %get3A_1230 = tpu.vector_load %arg13[%get3A_1228, %get3A_1229] {strides = array<i32>} : memref<128x32xf32, #tpu.memory_space<vmem>>, vector<16xf32>,
    %get3A_1231 = arith.constant 38 : i32
    %get3A_1232 = arith.index_cast %get3A_1231 : i32 to index
    %get3A_1233 = arith.constant 16 : index
    %get3A_1234 = tpu.vector_load %arg12[%get3A_1232, %get3A_1233] {strides = array<i32>} : memref<128x32xf32, #tpu.memory_space<vmem>>, vector<16xf32>,
    %sub3A_1235 = arith.subf %get3A_1234, %get3A_1230 : vector<16xf32>
    %add3A_1236 = arith.addf %get3A_1230, %sub3A_1235 : vector<16xf32>
    %swap3A_1237 = arith.constant 38 : i32
    %swap3A_1238 = arith.index_cast %swap3A_1237 : i32 to index
    %swap3A_1239 = arith.constant 16 : index
    %swap3A_1240 = tpu.vector_load %arg12[%swap3A_1238, %swap3A_1239] {strides = array<i32>} : memref<128x32xf32, #tpu.memory_space<vmem>>, vector<16xf32>,
    tpu.vector_store %arg12[%swap3A_1238, %swap3A_1239], %add3A_1236 {strides = array<i32>} : memref<128x32xf32, #tpu.memory_space<vmem>>, vector<16xf32>,
    %get3A_1241 = arith.constant 39 : i32
    %get3A_1242 = arith.index_cast %get3A_1241 : i32 to index
    %get3A_1243 = arith.constant 0 : index
    %get3A_1244 = tpu.vector_load %arg13[%get3A_1242, %get3A_1243] {strides = array<i32>} : memref<128x32xf32, #tpu.memory_space<vmem>>, vector<16xf32>,
    %get3A_1245 = arith.constant 39 : i32
    %get3A_1246 = arith.index_cast %get3A_1245 : i32 to index
    %get3A_1247 = arith.constant 0 : index
    %get3A_1248 = tpu.vector_load %arg12[%get3A_1246, %get3A_1247] {strides = array<i32>} : memref<128x32xf32, #tpu.memory_space<vmem>>, vector<16xf32>,
    %sub3A_1249 = arith.subf %get3A_1248, %get3A_1244 : vector<16xf32>
    %add3A_1250 = arith.addf %get3A_1244, %sub3A_1249 : vector<16xf32>
    %swap3A_1251 = arith.constant 39 : i32
    %swap3A_1252 = arith.index_cast %swap3A_1251 : i32 to index
    %swap3A_1253 = arith.constant 0 : index
    %swap3A_1254 = tpu.vector_load %arg12[%swap3A_1252, %swap3A_1253] {strides = array<i32>} : memref<128x32xf32, #tpu.memory_space<vmem>>, vector<16xf32>,
    tpu.vector_store %arg12[%swap3A_1252, %swap3A_1253], %add3A_1250 {strides = array<i32>} : memref<128x32xf32, #tpu.memory_space<vmem>>, vector<16xf32>,
    %get3A_1255 = arith.constant 39 : i32
    %get3A_1256 = arith.index_cast %get3A_1255 : i32 to index
    %get3A_1257 = arith.constant 16 : index
    %get3A_1258 = tpu.vector_load %arg13[%get3A_1256, %get3A_1257] {strides = array<i32>} : memref<128x32xf32, #tpu.memory_space<vmem>>, vector<16xf32>,
    %get3A_1259 = arith.constant 39 : i32
    %get3A_1260 = arith.index_cast %get3A_1259 : i32 to index
    %get3A_1261 = arith.constant 16 : index
    %get3A_1262 = tpu.vector_load %arg12[%get3A_1260, %get3A_1261] {strides = array<i32>} : memref<128x32xf32, #tpu.memory_space<vmem>>, vector<16xf32>,
    %sub3A_1263 = arith.subf %get3A_1262, %get3A_1258 : vector<16xf32>
    %add3A_1264 = arith.addf %get3A_1258, %sub3A_1263 : vector<16xf32>
    %swap3A_1265 = arith.constant 39 : i32
    %swap3A_1266 = arith.index_cast %swap3A_1265 : i32 to index
    %swap3A_1267 = arith.constant 16 : index
    %swap3A_1268 = tpu.vector_load %arg12[%swap3A_1266, %swap3A_1267] {strides = array<i32>} : memref<128x32xf32, #tpu.memory_space<vmem>>, vector<16xf32>,
    tpu.vector_store %arg12[%swap3A_1266, %swap3A_1267], %add3A_1264 {strides = array<i32>} : memref<128x32xf32, #tpu.memory_space<vmem>>, vector<16xf32>,
    %get3A_1269 = arith.constant 40 : i32
    %get3A_1270 = arith.index_cast %get3A_1269 : i32 to index
    %get3A_1271 = arith.constant 0 : index
    %get3A_1272 = tpu.vector_load %arg13[%get3A_1270, %get3A_1271] {strides = array<i32>} : memref<128x32xf32, #tpu.memory_space<vmem>>, vector<16xf32>,
    %get3A_1273 = arith.constant 40 : i32
    %get3A_1274 = arith.index_cast %get3A_1273 : i32 to index
    %get3A_1275 = arith.constant 0 : index
    %get3A_1276 = tpu.vector_load %arg12[%get3A_1274, %get3A_1275] {strides = array<i32>} : memref<128x32xf32, #tpu.memory_space<vmem>>, vector<16xf32>,
    %sub3A_1277 = arith.subf %get3A_1276, %get3A_1272 : vector<16xf32>
    %add3A_1278 = arith.addf %get3A_1272, %sub3A_1277 : vector<16xf32>
    %swap3A_1279 = arith.constant 40 : i32
    %swap3A_1280 = arith.index_cast %swap3A_1279 : i32 to index
    %swap3A_1281 = arith.constant 0 : index
    %swap3A_1282 = tpu.vector_load %arg12[%swap3A_1280, %swap3A_1281] {strides = array<i32>} : memref<128x32xf32, #tpu.memory_space<vmem>>, vector<16xf32>,
    tpu.vector_store %arg12[%swap3A_1280, %swap3A_1281], %add3A_1278 {strides = array<i32>} : memref<128x32xf32, #tpu.memory_space<vmem>>, vector<16xf32>,
    %get3A_1283 = arith.constant 40 : i32
    %get3A_1284 = arith.index_cast %get3A_1283 : i32 to index
    %get3A_1285 = arith.constant 16 : index
    %get3A_1286 = tpu.vector_load %arg13[%get3A_1284, %get3A_1285] {strides = array<i32>} : memref<128x32xf32, #tpu.memory_space<vmem>>, vector<16xf32>,
    %get3A_1287 = arith.constant 40 : i32
    %get3A_1288 = arith.index_cast %get3A_1287 : i32 to index
    %get3A_1289 = arith.constant 16 : index
    %get3A_1290 = tpu.vector_load %arg12[%get3A_1288, %get3A_1289] {strides = array<i32>} : memref<128x32xf32, #tpu.memory_space<vmem>>, vector<16xf32>,
    %sub3A_1291 = arith.subf %get3A_1290, %get3A_1286 : vector<16xf32>
    %add3A_1292 = arith.addf %get3A_1286, %sub3A_1291 : vector<16xf32>
    %swap3A_1293 = arith.constant 40 : i32
    %swap3A_1294 = arith.index_cast %swap3A_1293 : i32 to index
    %swap3A_1295 = arith.constant 16 : index
    %swap3A_1296 = tpu.vector_load %arg12[%swap3A_1294, %swap3A_1295] {strides = array<i32>} : memref<128x32xf32, #tpu.memory_space<vmem>>, vector<16xf32>,
    tpu.vector_store %arg12[%swap3A_1294, %swap3A_1295], %add3A_1292 {strides = array<i32>} : memref<128x32xf32, #tpu.memory_space<vmem>>, vector<16xf32>,
    %get3A_1297 = arith.constant 41 : i32
    %get3A_1298 = arith.index_cast %get3A_1297 : i32 to index
    %get3A_1299 = arith.constant 0 : index
    %get3A_1300 = tpu.vector_load %arg13[%get3A_1298, %get3A_1299] {strides = array<i32>} : memref<128x32xf32, #tpu.memory_space<vmem>>, vector<16xf32>,
    %get3A_1301 = arith.constant 41 : i32
    %get3A_1302 = arith.index_cast %get3A_1301 : i32 to index
    %get3A_1303 = arith.constant 0 : index
    %get3A_1304 = tpu.vector_load %arg12[%get3A_1302, %get3A_1303] {strides = array<i32>} : memref<128x32xf32, #tpu.memory_space<vmem>>, vector<16xf32>,
    %sub3A_1305 = arith.subf %get3A_1304, %get3A_1300 : vector<16xf32>
    %add3A_1306 = arith.addf %get3A_1300, %sub3A_1305 : vector<16xf32>
    %swap3A_1307 = arith.constant 41 : i32
    %swap3A_1308 = arith.index_cast %swap3A_1307 : i32 to index
    %swap3A_1309 = arith.constant 0 : index
    %swap3A_1310 = tpu.vector_load %arg12[%swap3A_1308, %swap3A_1309] {strides = array<i32>} : memref<128x32xf32, #tpu.memory_space<vmem>>, vector<16xf32>,
    tpu.vector_store %arg12[%swap3A_1308, %swap3A_1309], %add3A_1306 {strides = array<i32>} : memref<128x32xf32, #tpu.memory_space<vmem>>, vector<16xf32>,
    %get3A_1311 = arith.constant 41 : i32
    %get3A_1312 = arith.index_cast %get3A_1311 : i32 to index
    %get3A_1313 = arith.constant 16 : index
    %get3A_1314 = tpu.vector_load %arg13[%get3A_1312, %get3A_1313] {strides = array<i32>} : memref<128x32xf32, #tpu.memory_space<vmem>>, vector<16xf32>,
    %get3A_1315 = arith.constant 41 : i32
    %get3A_1316 = arith.index_cast %get3A_1315 : i32 to index
    %get3A_1317 = arith.constant 16 : index
    %get3A_1318 = tpu.vector_load %arg12[%get3A_1316, %get3A_1317] {strides = array<i32>} : memref<128x32xf32, #tpu.memory_space<vmem>>, vector<16xf32>,
    %sub3A_1319 = arith.subf %get3A_1318, %get3A_1314 : vector<16xf32>
    %add3A_1320 = arith.addf %get3A_1314, %sub3A_1319 : vector<16xf32>
    %swap3A_1321 = arith.constant 41 : i32
    %swap3A_1322 = arith.index_cast %swap3A_1321 : i32 to index
    %swap3A_1323 = arith.constant 16 : index
    %swap3A_1324 = tpu.vector_load %arg12[%swap3A_1322, %swap3A_1323] {strides = array<i32>} : memref<128x32xf32, #tpu.memory_space<vmem>>, vector<16xf32>,
    tpu.vector_store %arg12[%swap3A_1322, %swap3A_1323], %add3A_1320 {strides = array<i32>} : memref<128x32xf32, #tpu.memory_space<vmem>>, vector<16xf32>,
    %get3A_1325 = arith.constant 42 : i32
    %get3A_1326 = arith.index_cast %get3A_1325 : i32 to index
    %get3A_1327 = arith.constant 0 : index
    %get3A_1328 = tpu.vector_load %arg13[%get3A_1326, %get3A_1327] {strides = array<i32>} : memref<128x32xf32, #tpu.memory_space<vmem>>, vector<16xf32>,
    %get3A_1329 = arith.constant 42 : i32
    %get3A_1330 = arith.index_cast %get3A_1329 : i32 to index
    %get3A_1331 = arith.constant 0 : index
    %get3A_1332 = tpu.vector_load %arg12[%get3A_1330, %get3A_1331] {strides = array<i32>} : memref<128x32xf32, #tpu.memory_space<vmem>>, vector<16xf32>,
    %sub3A_1333 = arith.subf %get3A_1332, %get3A_1328 : vector<16xf32>
    %add3A_1334 = arith.addf %get3A_1328, %sub3A_1333 : vector<16xf32>
    %swap3A_1335 = arith.constant 42 : i32
    %swap3A_1336 = arith.index_cast %swap3A_1335 : i32 to index
    %swap3A_1337 = arith.constant 0 : index
    %swap3A_1338 = tpu.vector_load %arg12[%swap3A_1336, %swap3A_1337] {strides = array<i32>} : memref<128x32xf32, #tpu.memory_space<vmem>>, vector<16xf32>,
    tpu.vector_store %arg12[%swap3A_1336, %swap3A_1337], %add3A_1334 {strides = array<i32>} : memref<128x32xf32, #tpu.memory_space<vmem>>, vector<16xf32>,
    %get3A_1339 = arith.constant 42 : i32
    %get3A_1340 = arith.index_cast %get3A_1339 : i32 to index
    %get3A_1341 = arith.constant 16 : index
    %get3A_1342 = tpu.vector_load %arg13[%get3A_1340, %get3A_1341] {strides = array<i32>} : memref<128x32xf32, #tpu.memory_space<vmem>>, vector<16xf32>,
    %get3A_1343 = arith.constant 42 : i32
    %get3A_1344 = arith.index_cast %get3A_1343 : i32 to index
    %get3A_1345 = arith.constant 16 : index
    %get3A_1346 = tpu.vector_load %arg12[%get3A_1344, %get3A_1345] {strides = array<i32>} : memref<128x32xf32, #tpu.memory_space<vmem>>, vector<16xf32>,
    %sub3A_1347 = arith.subf %get3A_1346, %get3A_1342 : vector<16xf32>
    %add3A_1348 = arith.addf %get3A_1342, %sub3A_1347 : vector<16xf32>
    %swap3A_1349 = arith.constant 42 : i32
    %swap3A_1350 = arith.index_cast %swap3A_1349 : i32 to index
    %swap3A_1351 = arith.constant 16 : index
    %swap3A_1352 = tpu.vector_load %arg12[%swap3A_1350, %swap3A_1351] {strides = array<i32>} : memref<128x32xf32, #tpu.memory_space<vmem>>, vector<16xf32>,
    tpu.vector_store %arg12[%swap3A_1350, %swap3A_1351], %add3A_1348 {strides = array<i32>} : memref<128x32xf32, #tpu.memory_space<vmem>>, vector<16xf32>,
    %get3A_1353 = arith.constant 43 : i32
    %get3A_1354 = arith.index_cast %get3A_1353 : i32 to index
    %get3A_1355 = arith.constant 0 : index
    %get3A_1356 = tpu.vector_load %arg13[%get3A_1354, %get3A_1355] {strides = array<i32>} : memref<128x32xf32, #tpu.memory_space<vmem>>, vector<16xf32>,
    %get3A_1357 = arith.constant 43 : i32
    %get3A_1358 = arith.index_cast %get3A_1357 : i32 to index
    %get3A_1359 = arith.constant 0 : index
    %get3A_1360 = tpu.vector_load %arg12[%get3A_1358, %get3A_1359] {strides = array<i32>} : memref<128x32xf32, #tpu.memory_space<vmem>>, vector<16xf32>,
    %sub3A_1361 = arith.subf %get3A_1360, %get3A_1356 : vector<16xf32>
    %add3A_1362 = arith.addf %get3A_1356, %sub3A_1361 : vector<16xf32>
    %swap3A_1363 = arith.constant 43 : i32
    %swap3A_1364 = arith.index_cast %swap3A_1363 : i32 to index
    %swap3A_1365 = arith.constant 0 : index
    %swap3A_1366 = tpu.vector_load %arg12[%swap3A_1364, %swap3A_1365] {strides = array<i32>} : memref<128x32xf32, #tpu.memory_space<vmem>>, vector<16xf32>,
    tpu.vector_store %arg12[%swap3A_1364, %swap3A_1365], %add3A_1362 {strides = array<i32>} : memref<128x32xf32, #tpu.memory_space<vmem>>, vector<16xf32>,
    %get3A_1367 = arith.constant 43 : i32
    %get3A_1368 = arith.index_cast %get3A_1367 : i32 to index
    %get3A_1369 = arith.constant 16 : index
    %get3A_1370 = tpu.vector_load %arg13[%get3A_1368, %get3A_1369] {strides = array<i32>} : memref<128x32xf32, #tpu.memory_space<vmem>>, vector<16xf32>,
    %get3A_1371 = arith.constant 43 : i32
    %get3A_1372 = arith.index_cast %get3A_1371 : i32 to index
    %get3A_1373 = arith.constant 16 : index
    %get3A_1374 = tpu.vector_load %arg12[%get3A_1372, %get3A_1373] {strides = array<i32>} : memref<128x32xf32, #tpu.memory_space<vmem>>, vector<16xf32>,
    %sub3A_1375 = arith.subf %get3A_1374, %get3A_1370 : vector<16xf32>
    %add3A_1376 = arith.addf %get3A_1370, %sub3A_1375 : vector<16xf32>
    %swap3A_1377 = arith.constant 43 : i32
    %swap3A_1378 = arith.index_cast %swap3A_1377 : i32 to index
    %swap3A_1379 = arith.constant 16 : index
    %swap3A_1380 = tpu.vector_load %arg12[%swap3A_1378, %swap3A_1379] {strides = array<i32>} : memref<128x32xf32, #tpu.memory_space<vmem>>, vector<16xf32>,
    tpu.vector_store %arg12[%swap3A_1378, %swap3A_1379], %add3A_1376 {strides = array<i32>} : memref<128x32xf32, #tpu.memory_space<vmem>>, vector<16xf32>,
    %get3A_1381 = arith.constant 44 : i32
    %get3A_1382 = arith.index_cast %get3A_1381 : i32 to index
    %get3A_1383 = arith.constant 0 : index
    %get3A_1384 = tpu.vector_load %arg13[%get3A_1382, %get3A_1383] {strides = array<i32>} : memref<128x32xf32, #tpu.memory_space<vmem>>, vector<16xf32>,
    %get3A_1385 = arith.constant 44 : i32
    %get3A_1386 = arith.index_cast %get3A_1385 : i32 to index
    %get3A_1387 = arith.constant 0 : index
    %get3A_1388 = tpu.vector_load %arg12[%get3A_1386, %get3A_1387] {strides = array<i32>} : memref<128x32xf32, #tpu.memory_space<vmem>>, vector<16xf32>,
    %sub3A_1389 = arith.subf %get3A_1388, %get3A_1384 : vector<16xf32>
    %add3A_1390 = arith.addf %get3A_1384, %sub3A_1389 : vector<16xf32>
    %swap3A_1391 = arith.constant 44 : i32
    %swap3A_1392 = arith.index_cast %swap3A_1391 : i32 to index
    %swap3A_1393 = arith.constant 0 : index
    %swap3A_1394 = tpu.vector_load %arg12[%swap3A_1392, %swap3A_1393] {strides = array<i32>} : memref<128x32xf32, #tpu.memory_space<vmem>>, vector<16xf32>,
    tpu.vector_store %arg12[%swap3A_1392, %swap3A_1393], %add3A_1390 {strides = array<i32>} : memref<128x32xf32, #tpu.memory_space<vmem>>, vector<16xf32>,
    %get3A_1395 = arith.constant 44 : i32
    %get3A_1396 = arith.index_cast %get3A_1395 : i32 to index
    %get3A_1397 = arith.constant 16 : index
    %get3A_1398 = tpu.vector_load %arg13[%get3A_1396, %get3A_1397] {strides = array<i32>} : memref<128x32xf32, #tpu.memory_space<vmem>>, vector<16xf32>,
    %get3A_1399 = arith.constant 44 : i32
    %get3A_1400 = arith.index_cast %get3A_1399 : i32 to index
    %get3A_1401 = arith.constant 16 : index
    %get3A_1402 = tpu.vector_load %arg12[%get3A_1400, %get3A_1401] {strides = array<i32>} : memref<128x32xf32, #tpu.memory_space<vmem>>, vector<16xf32>,
    %sub3A_1403 = arith.subf %get3A_1402, %get3A_1398 : vector<16xf32>
    %add3A_1404 = arith.addf %get3A_1398, %sub3A_1403 : vector<16xf32>
    %swap3A_1405 = arith.constant 44 : i32
    %swap3A_1406 = arith.index_cast %swap3A_1405 : i32 to index
    %swap3A_1407 = arith.constant 16 : index
    %swap3A_1408 = tpu.vector_load %arg12[%swap3A_1406, %swap3A_1407] {strides = array<i32>} : memref<128x32xf32, #tpu.memory_space<vmem>>, vector<16xf32>,
    tpu.vector_store %arg12[%swap3A_1406, %swap3A_1407], %add3A_1404 {strides = array<i32>} : memref<128x32xf32, #tpu.memory_space<vmem>>, vector<16xf32>,
    %get3A_1409 = arith.constant 45 : i32
    %get3A_1410 = arith.index_cast %get3A_1409 : i32 to index
    %get3A_1411 = arith.constant 0 : index
    %get3A_1412 = tpu.vector_load %arg13[%get3A_1410, %get3A_1411] {strides = array<i32>} : memref<128x32xf32, #tpu.memory_space<vmem>>, vector<16xf32>,
    %get3A_1413 = arith.constant 45 : i32
    %get3A_1414 = arith.index_cast %get3A_1413 : i32 to index
    %get3A_1415 = arith.constant 0 : index
    %get3A_1416 = tpu.vector_load %arg12[%get3A_1414, %get3A_1415] {strides = array<i32>} : memref<128x32xf32, #tpu.memory_space<vmem>>, vector<16xf32>,
    %sub3A_1417 = arith.subf %get3A_1416, %get3A_1412 : vector<16xf32>
    %add3A_1418 = arith.addf %get3A_1412, %sub3A_1417 : vector<16xf32>
    %swap3A_1419 = arith.constant 45 : i32
    %swap3A_1420 = arith.index_cast %swap3A_1419 : i32 to index
    %swap3A_1421 = arith.constant 0 : index
    %swap3A_1422 = tpu.vector_load %arg12[%swap3A_1420, %swap3A_1421] {strides = array<i32>} : memref<128x32xf32, #tpu.memory_space<vmem>>, vector<16xf32>,
    tpu.vector_store %arg12[%swap3A_1420, %swap3A_1421], %add3A_1418 {strides = array<i32>} : memref<128x32xf32, #tpu.memory_space<vmem>>, vector<16xf32>,
    %get3A_1423 = arith.constant 45 : i32
    %get3A_1424 = arith.index_cast %get3A_1423 : i32 to index
    %get3A_1425 = arith.constant 16 : index
    %get3A_1426 = tpu.vector_load %arg13[%get3A_1424, %get3A_1425] {strides = array<i32>} : memref<128x32xf32, #tpu.memory_space<vmem>>, vector<16xf32>,
    %get3A_1427 = arith.constant 45 : i32
    %get3A_1428 = arith.index_cast %get3A_1427 : i32 to index
    %get3A_1429 = arith.constant 16 : index
    %get3A_1430 = tpu.vector_load %arg12[%get3A_1428, %get3A_1429] {strides = array<i32>} : memref<128x32xf32, #tpu.memory_space<vmem>>, vector<16xf32>,
    %sub3A_1431 = arith.subf %get3A_1430, %get3A_1426 : vector<16xf32>
    %add3A_1432 = arith.addf %get3A_1426, %sub3A_1431 : vector<16xf32>
    %swap3A_1433 = arith.constant 45 : i32
    %swap3A_1434 = arith.index_cast %swap3A_1433 : i32 to index
    %swap3A_1435 = arith.constant 16 : index
    %swap3A_1436 = tpu.vector_load %arg12[%swap3A_1434, %swap3A_1435] {strides = array<i32>} : memref<128x32xf32, #tpu.memory_space<vmem>>, vector<16xf32>,
    tpu.vector_store %arg12[%swap3A_1434, %swap3A_1435], %add3A_1432 {strides = array<i32>} : memref<128x32xf32, #tpu.memory_space<vmem>>, vector<16xf32>,
    %get3A_1437 = arith.constant 46 : i32
    %get3A_1438 = arith.index_cast %get3A_1437 : i32 to index
    %get3A_1439 = arith.constant 0 : index
    %get3A_1440 = tpu.vector_load %arg13[%get3A_1438, %get3A_1439] {strides = array<i32>} : memref<128x32xf32, #tpu.memory_space<vmem>>, vector<16xf32>,
    %get3A_1441 = arith.constant 46 : i32
    %get3A_1442 = arith.index_cast %get3A_1441 : i32 to index
    %get3A_1443 = arith.constant 0 : index
    %get3A_1444 = tpu.vector_load %arg12[%get3A_1442, %get3A_1443] {strides = array<i32>} : memref<128x32xf32, #tpu.memory_space<vmem>>, vector<16xf32>,
    %sub3A_1445 = arith.subf %get3A_1444, %get3A_1440 : vector<16xf32>
    %add3A_1446 = arith.addf %get3A_1440, %sub3A_1445 : vector<16xf32>
    %swap3A_1447 = arith.constant 46 : i32
    %swap3A_1448 = arith.index_cast %swap3A_1447 : i32 to index
    %swap3A_1449 = arith.constant 0 : index
    %swap3A_1450 = tpu.vector_load %arg12[%swap3A_1448, %swap3A_1449] {strides = array<i32>} : memref<128x32xf32, #tpu.memory_space<vmem>>, vector<16xf32>,
    tpu.vector_store %arg12[%swap3A_1448, %swap3A_1449], %add3A_1446 {strides = array<i32>} : memref<128x32xf32, #tpu.memory_space<vmem>>, vector<16xf32>,
    %get3A_1451 = arith.constant 46 : i32
    %get3A_1452 = arith.index_cast %get3A_1451 : i32 to index
    %get3A_1453 = arith.constant 16 : index
    %get3A_1454 = tpu.vector_load %arg13[%get3A_1452, %get3A_1453] {strides = array<i32>} : memref<128x32xf32, #tpu.memory_space<vmem>>, vector<16xf32>,
    %get3A_1455 = arith.constant 46 : i32
    %get3A_1456 = arith.index_cast %get3A_1455 : i32 to index
    %get3A_1457 = arith.constant 16 : index
    %get3A_1458 = tpu.vector_load %arg12[%get3A_1456, %get3A_1457] {strides = array<i32>} : memref<128x32xf32, #tpu.memory_space<vmem>>, vector<16xf32>,
    %sub3A_1459 = arith.subf %get3A_1458, %get3A_1454 : vector<16xf32>
    %add3A_1460 = arith.addf %get3A_1454, %sub3A_1459 : vector<16xf32>
    %swap3A_1461 = arith.constant 46 : i32
    %swap3A_1462 = arith.index_cast %swap3A_1461 : i32 to index
    %swap3A_1463 = arith.constant 16 : index
    %swap3A_1464 = tpu.vector_load %arg12[%swap3A_1462, %swap3A_1463] {strides = array<i32>} : memref<128x32xf32, #tpu.memory_space<vmem>>, vector<16xf32>,
    tpu.vector_store %arg12[%swap3A_1462, %swap3A_1463], %add3A_1460 {strides = array<i32>} : memref<128x32xf32, #tpu.memory_space<vmem>>, vector<16xf32>,
    %get3A_1465 = arith.constant 47 : i32
    %get3A_1466 = arith.index_cast %get3A_1465 : i32 to index
    %get3A_1467 = arith.constant 0 : index
    %get3A_1468 = tpu.vector_load %arg13[%get3A_1466, %get3A_1467] {strides = array<i32>} : memref<128x32xf32, #tpu.memory_space<vmem>>, vector<16xf32>,
    %get3A_1469 = arith.constant 47 : i32
    %get3A_1470 = arith.index_cast %get3A_1469 : i32 to index
    %get3A_1471 = arith.constant 0 : index
    %get3A_1472 = tpu.vector_load %arg12[%get3A_1470, %get3A_1471] {strides = array<i32>} : memref<128x32xf32, #tpu.memory_space<vmem>>, vector<16xf32>,
    %sub3A_1473 = arith.subf %get3A_1472, %get3A_1468 : vector<16xf32>
    %add3A_1474 = arith.addf %get3A_1468, %sub3A_1473 : vector<16xf32>
    %swap3A_1475 = arith.constant 47 : i32
    %swap3A_1476 = arith.index_cast %swap3A_1475 : i32 to index
    %swap3A_1477 = arith.constant 0 : index
    %swap3A_1478 = tpu.vector_load %arg12[%swap3A_1476, %swap3A_1477] {strides = array<i32>} : memref<128x32xf32, #tpu.memory_space<vmem>>, vector<16xf32>,
    tpu.vector_store %arg12[%swap3A_1476, %swap3A_1477], %add3A_1474 {strides = array<i32>} : memref<128x32xf32, #tpu.memory_space<vmem>>, vector<16xf32>,
    %get3A_1479 = arith.constant 47 : i32
    %get3A_1480 = arith.index_cast %get3A_1479 : i32 to index
    %get3A_1481 = arith.constant 16 : index
    %get3A_1482 = tpu.vector_load %arg13[%get3A_1480, %get3A_1481] {strides = array<i32>} : memref<128x32xf32, #tpu.memory_space<vmem>>, vector<16xf32>,
    %get3A_1483 = arith.constant 47 : i32
    %get3A_1484 = arith.index_cast %get3A_1483 : i32 to index
    %get3A_1485 = arith.constant 16 : index
    %get3A_1486 = tpu.vector_load %arg12[%get3A_1484, %get3A_1485] {strides = array<i32>} : memref<128x32xf32, #tpu.memory_space<vmem>>, vector<16xf32>,
    %sub3A_1487 = arith.subf %get3A_1486, %get3A_1482 : vector<16xf32>
    %add3A_1488 = arith.addf %get3A_1482, %sub3A_1487 : vector<16xf32>
    %swap3A_1489 = arith.constant 47 : i32
    %swap3A_1490 = arith.index_cast %swap3A_1489 : i32 to index
    %swap3A_1491 = arith.constant 16 : index
    %swap3A_1492 = tpu.vector_load %arg12[%swap3A_1490, %swap3A_1491] {strides = array<i32>} : memref<128x32xf32, #tpu.memory_space<vmem>>, vector<16xf32>,
    tpu.vector_store %arg12[%swap3A_1490, %swap3A_1491], %add3A_1488 {strides = array<i32>} : memref<128x32xf32, #tpu.memory_space<vmem>>, vector<16xf32>,
    %get3A_1493 = arith.constant 48 : i32
    %get3A_1494 = arith.index_cast %get3A_1493 : i32 to index
    %get3A_1495 = arith.constant 0 : index
    %get3A_1496 = tpu.vector_load %arg13[%get3A_1494, %get3A_1495] {strides = array<i32>} : memref<128x32xf32, #tpu.memory_space<vmem>>, vector<16xf32>,
    %get3A_1497 = arith.constant 48 : i32
    %get3A_1498 = arith.index_cast %get3A_1497 : i32 to index
    %get3A_1499 = arith.constant 0 : index
    %get3A_1500 = tpu.vector_load %arg12[%get3A_1498, %get3A_1499] {strides = array<i32>} : memref<128x32xf32, #tpu.memory_space<vmem>>, vector<16xf32>,
    %sub3A_1501 = arith.subf %get3A_1500, %get3A_1496 : vector<16xf32>
    %add3A_1502 = arith.addf %get3A_1496, %sub3A_1501 : vector<16xf32>
    %swap3A_1503 = arith.constant 48 : i32
    %swap3A_1504 = arith.index_cast %swap3A_1503 : i32 to index
    %swap3A_1505 = arith.constant 0 : index
    %swap3A_1506 = tpu.vector_load %arg12[%swap3A_1504, %swap3A_1505] {strides = array<i32>} : memref<128x32xf32, #tpu.memory_space<vmem>>, vector<16xf32>,
    tpu.vector_store %arg12[%swap3A_1504, %swap3A_1505], %add3A_1502 {strides = array<i32>} : memref<128x32xf32, #tpu.memory_space<vmem>>, vector<16xf32>,
    %get3A_1507 = arith.constant 48 : i32
    %get3A_1508 = arith.index_cast %get3A_1507 : i32 to index
    %get3A_1509 = arith.constant 16 : index
    %get3A_1510 = tpu.vector_load %arg13[%get3A_1508, %get3A_1509] {strides = array<i32>} : memref<128x32xf32, #tpu.memory_space<vmem>>, vector<16xf32>,
    %get3A_1511 = arith.constant 48 : i32
    %get3A_1512 = arith.index_cast %get3A_1511 : i32 to index
    %get3A_1513 = arith.constant 16 : index
    %get3A_1514 = tpu.vector_load %arg12[%get3A_1512, %get3A_1513] {strides = array<i32>} : memref<128x32xf32, #tpu.memory_space<vmem>>, vector<16xf32>,
    %sub3A_1515 = arith.subf %get3A_1514, %get3A_1510 : vector<16xf32>
    %add3A_1516 = arith.addf %get3A_1510, %sub3A_1515 : vector<16xf32>
    %swap3A_1517 = arith.constant 48 : i32
    %swap3A_1518 = arith.index_cast %swap3A_1517 : i32 to index
    %swap3A_1519 = arith.constant 16 : index
    %swap3A_1520 = tpu.vector_load %arg12[%swap3A_1518, %swap3A_1519] {strides = array<i32>} : memref<128x32xf32, #tpu.memory_space<vmem>>, vector<16xf32>,
    tpu.vector_store %arg12[%swap3A_1518, %swap3A_1519], %add3A_1516 {strides = array<i32>} : memref<128x32xf32, #tpu.memory_space<vmem>>, vector<16xf32>,
    %get3A_1521 = arith.constant 49 : i32
    %get3A_1522 = arith.index_cast %get3A_1521 : i32 to index
    %get3A_1523 = arith.constant 0 : index
    %get3A_1524 = tpu.vector_load %arg13[%get3A_1522, %get3A_1523] {strides = array<i32>} : memref<128x32xf32, #tpu.memory_space<vmem>>, vector<16xf32>,
    %get3A_1525 = arith.constant 49 : i32
    %get3A_1526 = arith.index_cast %get3A_1525 : i32 to index
    %get3A_1527 = arith.constant 0 : index
    %get3A_1528 = tpu.vector_load %arg12[%get3A_1526, %get3A_1527] {strides = array<i32>} : memref<128x32xf32, #tpu.memory_space<vmem>>, vector<16xf32>,
    %sub3A_1529 = arith.subf %get3A_1528, %get3A_1524 : vector<16xf32>
    %add3A_1530 = arith.addf %get3A_1524, %sub3A_1529 : vector<16xf32>
    %swap3A_1531 = arith.constant 49 : i32
    %swap3A_1532 = arith.index_cast %swap3A_1531 : i32 to index
    %swap3A_1533 = arith.constant 0 : index
    %swap3A_1534 = tpu.vector_load %arg12[%swap3A_1532, %swap3A_1533] {strides = array<i32>} : memref<128x32xf32, #tpu.memory_space<vmem>>, vector<16xf32>,
    tpu.vector_store %arg12[%swap3A_1532, %swap3A_1533], %add3A_1530 {strides = array<i32>} : memref<128x32xf32, #tpu.memory_space<vmem>>, vector<16xf32>,
    %get3A_1535 = arith.constant 49 : i32
    %get3A_1536 = arith.index_cast %get3A_1535 : i32 to index
    %get3A_1537 = arith.constant 16 : index
    %get3A_1538 = tpu.vector_load %arg13[%get3A_1536, %get3A_1537] {strides = array<i32>} : memref<128x32xf32, #tpu.memory_space<vmem>>, vector<16xf32>,
    %get3A_1539 = arith.constant 49 : i32
    %get3A_1540 = arith.index_cast %get3A_1539 : i32 to index
    %get3A_1541 = arith.constant 16 : index
    %get3A_1542 = tpu.vector_load %arg12[%get3A_1540, %get3A_1541] {strides = array<i32>} : memref<128x32xf32, #tpu.memory_space<vmem>>, vector<16xf32>,
    %sub3A_1543 = arith.subf %get3A_1542, %get3A_1538 : vector<16xf32>
    %add3A_1544 = arith.addf %get3A_1538, %sub3A_1543 : vector<16xf32>
    %swap3A_1545 = arith.constant 49 : i32
    %swap3A_1546 = arith.index_cast %swap3A_1545 : i32 to index
    %swap3A_1547 = arith.constant 16 : index
    %swap3A_1548 = tpu.vector_load %arg12[%swap3A_1546, %swap3A_1547] {strides = array<i32>} : memref<128x32xf32, #tpu.memory_space<vmem>>, vector<16xf32>,
    tpu.vector_store %arg12[%swap3A_1546, %swap3A_1547], %add3A_1544 {strides = array<i32>} : memref<128x32xf32, #tpu.memory_space<vmem>>, vector<16xf32>,
    %get3A_1549 = arith.constant 50 : i32
    %get3A_1550 = arith.index_cast %get3A_1549 : i32 to index
    %get3A_1551 = arith.constant 0 : index
    %get3A_1552 = tpu.vector_load %arg13[%get3A_1550, %get3A_1551] {strides = array<i32>} : memref<128x32xf32, #tpu.memory_space<vmem>>, vector<16xf32>,
    %get3A_1553 = arith.constant 50 : i32
    %get3A_1554 = arith.index_cast %get3A_1553 : i32 to index
    %get3A_1555 = arith.constant 0 : index
    %get3A_1556 = tpu.vector_load %arg12[%get3A_1554, %get3A_1555] {strides = array<i32>} : memref<128x32xf32, #tpu.memory_space<vmem>>, vector<16xf32>,
    %sub3A_1557 = arith.subf %get3A_1556, %get3A_1552 : vector<16xf32>
    %add3A_1558 = arith.addf %get3A_1552, %sub3A_1557 : vector<16xf32>
    %swap3A_1559 = arith.constant 50 : i32
    %swap3A_1560 = arith.index_cast %swap3A_1559 : i32 to index
    %swap3A_1561 = arith.constant 0 : index
    %swap3A_1562 = tpu.vector_load %arg12[%swap3A_1560, %swap3A_1561] {strides = array<i32>} : memref<128x32xf32, #tpu.memory_space<vmem>>, vector<16xf32>,
    tpu.vector_store %arg12[%swap3A_1560, %swap3A_1561], %add3A_1558 {strides = array<i32>} : memref<128x32xf32, #tpu.memory_space<vmem>>, vector<16xf32>,
    %get3A_1563 = arith.constant 50 : i32
    %get3A_1564 = arith.index_cast %get3A_1563 : i32 to index
    %get3A_1565 = arith.constant 16 : index
    %get3A_1566 = tpu.vector_load %arg13[%get3A_1564, %get3A_1565] {strides = array<i32>} : memref<128x32xf32, #tpu.memory_space<vmem>>, vector<16xf32>,
    %get3A_1567 = arith.constant 50 : i32
    %get3A_1568 = arith.index_cast %get3A_1567 : i32 to index
    %get3A_1569 = arith.constant 16 : index
    %get3A_1570 = tpu.vector_load %arg12[%get3A_1568, %get3A_1569] {strides = array<i32>} : memref<128x32xf32, #tpu.memory_space<vmem>>, vector<16xf32>,
    %sub3A_1571 = arith.subf %get3A_1570, %get3A_1566 : vector<16xf32>
    %add3A_1572 = arith.addf %get3A_1566, %sub3A_1571 : vector<16xf32>
    %swap3A_1573 = arith.constant 50 : i32
    %swap3A_1574 = arith.index_cast %swap3A_1573 : i32 to index
    %swap3A_1575 = arith.constant 16 : index
    %swap3A_1576 = tpu.vector_load %arg12[%swap3A_1574, %swap3A_1575] {strides = array<i32>} : memref<128x32xf32, #tpu.memory_space<vmem>>, vector<16xf32>,
    tpu.vector_store %arg12[%swap3A_1574, %swap3A_1575], %add3A_1572 {strides = array<i32>} : memref<128x32xf32, #tpu.memory_space<vmem>>, vector<16xf32>,
    %get3A_1577 = arith.constant 51 : i32
    %get3A_1578 = arith.index_cast %get3A_1577 : i32 to index
    %get3A_1579 = arith.constant 0 : index
    %get3A_1580 = tpu.vector_load %arg13[%get3A_1578, %get3A_1579] {strides = array<i32>} : memref<128x32xf32, #tpu.memory_space<vmem>>, vector<16xf32>,
    %get3A_1581 = arith.constant 51 : i32
    %get3A_1582 = arith.index_cast %get3A_1581 : i32 to index
    %get3A_1583 = arith.constant 0 : index
    %get3A_1584 = tpu.vector_load %arg12[%get3A_1582, %get3A_1583] {strides = array<i32>} : memref<128x32xf32, #tpu.memory_space<vmem>>, vector<16xf32>,
    %sub3A_1585 = arith.subf %get3A_1584, %get3A_1580 : vector<16xf32>
    %add3A_1586 = arith.addf %get3A_1580, %sub3A_1585 : vector<16xf32>
    %swap3A_1587 = arith.constant 51 : i32
    %swap3A_1588 = arith.index_cast %swap3A_1587 : i32 to index
    %swap3A_1589 = arith.constant 0 : index
    %swap3A_1590 = tpu.vector_load %arg12[%swap3A_1588, %swap3A_1589] {strides = array<i32>} : memref<128x32xf32, #tpu.memory_space<vmem>>, vector<16xf32>,
    tpu.vector_store %arg12[%swap3A_1588, %swap3A_1589], %add3A_1586 {strides = array<i32>} : memref<128x32xf32, #tpu.memory_space<vmem>>, vector<16xf32>,
    %get3A_1591 = arith.constant 51 : i32
    %get3A_1592 = arith.index_cast %get3A_1591 : i32 to index
    %get3A_1593 = arith.constant 16 : index
    %get3A_1594 = tpu.vector_load %arg13[%get3A_1592, %get3A_1593] {strides = array<i32>} : memref<128x32xf32, #tpu.memory_space<vmem>>, vector<16xf32>,
    %get3A_1595 = arith.constant 51 : i32
    %get3A_1596 = arith.index_cast %get3A_1595 : i32 to index
    %get3A_1597 = arith.constant 16 : index
    %get3A_1598 = tpu.vector_load %arg12[%get3A_1596, %get3A_1597] {strides = array<i32>} : memref<128x32xf32, #tpu.memory_space<vmem>>, vector<16xf32>,
    %sub3A_1599 = arith.subf %get3A_1598, %get3A_1594 : vector<16xf32>
    %add3A_1600 = arith.addf %get3A_1594, %sub3A_1599 : vector<16xf32>
    %swap3A_1601 = arith.constant 51 : i32
    %swap3A_1602 = arith.index_cast %swap3A_1601 : i32 to index
    %swap3A_1603 = arith.constant 16 : index
    %swap3A_1604 = tpu.vector_load %arg12[%swap3A_1602, %swap3A_1603] {strides = array<i32>} : memref<128x32xf32, #tpu.memory_space<vmem>>, vector<16xf32>,
    tpu.vector_store %arg12[%swap3A_1602, %swap3A_1603], %add3A_1600 {strides = array<i32>} : memref<128x32xf32, #tpu.memory_space<vmem>>, vector<16xf32>,
    %get3A_1605 = arith.constant 52 : i32
    %get3A_1606 = arith.index_cast %get3A_1605 : i32 to index
    %get3A_1607 = arith.constant 0 : index
    %get3A_1608 = tpu.vector_load %arg13[%get3A_1606, %get3A_1607] {strides = array<i32>} : memref<128x32xf32, #tpu.memory_space<vmem>>, vector<16xf32>,
    %get3A_1609 = arith.constant 52 : i32
    %get3A_1610 = arith.index_cast %get3A_1609 : i32 to index
    %get3A_1611 = arith.constant 0 : index
    %get3A_1612 = tpu.vector_load %arg12[%get3A_1610, %get3A_1611] {strides = array<i32>} : memref<128x32xf32, #tpu.memory_space<vmem>>, vector<16xf32>,
    %sub3A_1613 = arith.subf %get3A_1612, %get3A_1608 : vector<16xf32>
    %add3A_1614 = arith.addf %get3A_1608, %sub3A_1613 : vector<16xf32>
    %swap3A_1615 = arith.constant 52 : i32
    %swap3A_1616 = arith.index_cast %swap3A_1615 : i32 to index
    %swap3A_1617 = arith.constant 0 : index
    %swap3A_1618 = tpu.vector_load %arg12[%swap3A_1616, %swap3A_1617] {strides = array<i32>} : memref<128x32xf32, #tpu.memory_space<vmem>>, vector<16xf32>,
    tpu.vector_store %arg12[%swap3A_1616, %swap3A_1617], %add3A_1614 {strides = array<i32>} : memref<128x32xf32, #tpu.memory_space<vmem>>, vector<16xf32>,
    %get3A_1619 = arith.constant 52 : i32
    %get3A_1620 = arith.index_cast %get3A_1619 : i32 to index
    %get3A_1621 = arith.constant 16 : index
    %get3A_1622 = tpu.vector_load %arg13[%get3A_1620, %get3A_1621] {strides = array<i32>} : memref<128x32xf32, #tpu.memory_space<vmem>>, vector<16xf32>,
    %get3A_1623 = arith.constant 52 : i32
    %get3A_1624 = arith.index_cast %get3A_1623 : i32 to index
    %get3A_1625 = arith.constant 16 : index
    %get3A_1626 = tpu.vector_load %arg12[%get3A_1624, %get3A_1625] {strides = array<i32>} : memref<128x32xf32, #tpu.memory_space<vmem>>, vector<16xf32>,
    %sub3A_1627 = arith.subf %get3A_1626, %get3A_1622 : vector<16xf32>
    %add3A_1628 = arith.addf %get3A_1622, %sub3A_1627 : vector<16xf32>
    %swap3A_1629 = arith.constant 52 : i32
    %swap3A_1630 = arith.index_cast %swap3A_1629 : i32 to index
    %swap3A_1631 = arith.constant 16 : index
    %swap3A_1632 = tpu.vector_load %arg12[%swap3A_1630, %swap3A_1631] {strides = array<i32>} : memref<128x32xf32, #tpu.memory_space<vmem>>, vector<16xf32>,
    tpu.vector_store %arg12[%swap3A_1630, %swap3A_1631], %add3A_1628 {strides = array<i32>} : memref<128x32xf32, #tpu.memory_space<vmem>>, vector<16xf32>,
    %get3A_1633 = arith.constant 53 : i32
    %get3A_1634 = arith.index_cast %get3A_1633 : i32 to index
    %get3A_1635 = arith.constant 0 : index
    %get3A_1636 = tpu.vector_load %arg13[%get3A_1634, %get3A_1635] {strides = array<i32>} : memref<128x32xf32, #tpu.memory_space<vmem>>, vector<16xf32>,
    %get3A_1637 = arith.constant 53 : i32
    %get3A_1638 = arith.index_cast %get3A_1637 : i32 to index
    %get3A_1639 = arith.constant 0 : index
    %get3A_1640 = tpu.vector_load %arg12[%get3A_1638, %get3A_1639] {strides = array<i32>} : memref<128x32xf32, #tpu.memory_space<vmem>>, vector<16xf32>,
    %sub3A_1641 = arith.subf %get3A_1640, %get3A_1636 : vector<16xf32>
    %add3A_1642 = arith.addf %get3A_1636, %sub3A_1641 : vector<16xf32>
    %swap3A_1643 = arith.constant 53 : i32
    %swap3A_1644 = arith.index_cast %swap3A_1643 : i32 to index
    %swap3A_1645 = arith.constant 0 : index
    %swap3A_1646 = tpu.vector_load %arg12[%swap3A_1644, %swap3A_1645] {strides = array<i32>} : memref<128x32xf32, #tpu.memory_space<vmem>>, vector<16xf32>,
    tpu.vector_store %arg12[%swap3A_1644, %swap3A_1645], %add3A_1642 {strides = array<i32>} : memref<128x32xf32, #tpu.memory_space<vmem>>, vector<16xf32>,
    %get3A_1647 = arith.constant 53 : i32
    %get3A_1648 = arith.index_cast %get3A_1647 : i32 to index
    %get3A_1649 = arith.constant 16 : index
    %get3A_1650 = tpu.vector_load %arg13[%get3A_1648, %get3A_1649] {strides = array<i32>} : memref<128x32xf32, #tpu.memory_space<vmem>>, vector<16xf32>,
    %get3A_1651 = arith.constant 53 : i32
    %get3A_1652 = arith.index_cast %get3A_1651 : i32 to index
    %get3A_1653 = arith.constant 16 : index
    %get3A_1654 = tpu.vector_load %arg12[%get3A_1652, %get3A_1653] {strides = array<i32>} : memref<128x32xf32, #tpu.memory_space<vmem>>, vector<16xf32>,
    %sub3A_1655 = arith.subf %get3A_1654, %get3A_1650 : vector<16xf32>
    %add3A_1656 = arith.addf %get3A_1650, %sub3A_1655 : vector<16xf32>
    %swap3A_1657 = arith.constant 53 : i32
    %swap3A_1658 = arith.index_cast %swap3A_1657 : i32 to index
    %swap3A_1659 = arith.constant 16 : index
    %swap3A_1660 = tpu.vector_load %arg12[%swap3A_1658, %swap3A_1659] {strides = array<i32>} : memref<128x32xf32, #tpu.memory_space<vmem>>, vector<16xf32>,
    tpu.vector_store %arg12[%swap3A_1658, %swap3A_1659], %add3A_1656 {strides = array<i32>} : memref<128x32xf32, #tpu.memory_space<vmem>>, vector<16xf32>,
    %get3A_1661 = arith.constant 54 : i32
    %get3A_1662 = arith.index_cast %get3A_1661 : i32 to index
    %get3A_1663 = arith.constant 0 : index
    %get3A_1664 = tpu.vector_load %arg13[%get3A_1662, %get3A_1663] {strides = array<i32>} : memref<128x32xf32, #tpu.memory_space<vmem>>, vector<16xf32>,
    %get3A_1665 = arith.constant 54 : i32
    %get3A_1666 = arith.index_cast %get3A_1665 : i32 to index
    %get3A_1667 = arith.constant 0 : index
    %get3A_1668 = tpu.vector_load %arg12[%get3A_1666, %get3A_1667] {strides = array<i32>} : memref<128x32xf32, #tpu.memory_space<vmem>>, vector<16xf32>,
    %sub3A_1669 = arith.subf %get3A_1668, %get3A_1664 : vector<16xf32>
    %add3A_1670 = arith.addf %get3A_1664, %sub3A_1669 : vector<16xf32>
    %swap3A_1671 = arith.constant 54 : i32
    %swap3A_1672 = arith.index_cast %swap3A_1671 : i32 to index
    %swap3A_1673 = arith.constant 0 : index
    %swap3A_1674 = tpu.vector_load %arg12[%swap3A_1672, %swap3A_1673] {strides = array<i32>} : memref<128x32xf32, #tpu.memory_space<vmem>>, vector<16xf32>,
    tpu.vector_store %arg12[%swap3A_1672, %swap3A_1673], %add3A_1670 {strides = array<i32>} : memref<128x32xf32, #tpu.memory_space<vmem>>, vector<16xf32>,
    %get3A_1675 = arith.constant 54 : i32
    %get3A_1676 = arith.index_cast %get3A_1675 : i32 to index
    %get3A_1677 = arith.constant 16 : index
    %get3A_1678 = tpu.vector_load %arg13[%get3A_1676, %get3A_1677] {strides = array<i32>} : memref<128x32xf32, #tpu.memory_space<vmem>>, vector<16xf32>,
    %get3A_1679 = arith.constant 54 : i32
    %get3A_1680 = arith.index_cast %get3A_1679 : i32 to index
    %get3A_1681 = arith.constant 16 : index
    %get3A_1682 = tpu.vector_load %arg12[%get3A_1680, %get3A_1681] {strides = array<i32>} : memref<128x32xf32, #tpu.memory_space<vmem>>, vector<16xf32>,
    %sub3A_1683 = arith.subf %get3A_1682, %get3A_1678 : vector<16xf32>
    %add3A_1684 = arith.addf %get3A_1678, %sub3A_1683 : vector<16xf32>
    %swap3A_1685 = arith.constant 54 : i32
    %swap3A_1686 = arith.index_cast %swap3A_1685 : i32 to index
    %swap3A_1687 = arith.constant 16 : index
    %swap3A_1688 = tpu.vector_load %arg12[%swap3A_1686, %swap3A_1687] {strides = array<i32>} : memref<128x32xf32, #tpu.memory_space<vmem>>, vector<16xf32>,
    tpu.vector_store %arg12[%swap3A_1686, %swap3A_1687], %add3A_1684 {strides = array<i32>} : memref<128x32xf32, #tpu.memory_space<vmem>>, vector<16xf32>,
    %get3A_1689 = arith.constant 55 : i32
    %get3A_1690 = arith.index_cast %get3A_1689 : i32 to index
    %get3A_1691 = arith.constant 0 : index
    %get3A_1692 = tpu.vector_load %arg13[%get3A_1690, %get3A_1691] {strides = array<i32>} : memref<128x32xf32, #tpu.memory_space<vmem>>, vector<16xf32>,
    %get3A_1693 = arith.constant 55 : i32
    %get3A_1694 = arith.index_cast %get3A_1693 : i32 to index
    %get3A_1695 = arith.constant 0 : index
    %get3A_1696 = tpu.vector_load %arg12[%get3A_1694, %get3A_1695] {strides = array<i32>} : memref<128x32xf32, #tpu.memory_space<vmem>>, vector<16xf32>,
    %sub3A_1697 = arith.subf %get3A_1696, %get3A_1692 : vector<16xf32>
    %add3A_1698 = arith.addf %get3A_1692, %sub3A_1697 : vector<16xf32>
    %swap3A_1699 = arith.constant 55 : i32
    %swap3A_1700 = arith.index_cast %swap3A_1699 : i32 to index
    %swap3A_1701 = arith.constant 0 : index
    %swap3A_1702 = tpu.vector_load %arg12[%swap3A_1700, %swap3A_1701] {strides = array<i32>} : memref<128x32xf32, #tpu.memory_space<vmem>>, vector<16xf32>,
    tpu.vector_store %arg12[%swap3A_1700, %swap3A_1701], %add3A_1698 {strides = array<i32>} : memref<128x32xf32, #tpu.memory_space<vmem>>, vector<16xf32>,
    %get3A_1703 = arith.constant 55 : i32
    %get3A_1704 = arith.index_cast %get3A_1703 : i32 to index
    %get3A_1705 = arith.constant 16 : index
    %get3A_1706 = tpu.vector_load %arg13[%get3A_1704, %get3A_1705] {strides = array<i32>} : memref<128x32xf32, #tpu.memory_space<vmem>>, vector<16xf32>,
    %get3A_1707 = arith.constant 55 : i32
    %get3A_1708 = arith.index_cast %get3A_1707 : i32 to index
    %get3A_1709 = arith.constant 16 : index
    %get3A_1710 = tpu.vector_load %arg12[%get3A_1708, %get3A_1709] {strides = array<i32>} : memref<128x32xf32, #tpu.memory_space<vmem>>, vector<16xf32>,
    %sub3A_1711 = arith.subf %get3A_1710, %get3A_1706 : vector<16xf32>
    %add3A_1712 = arith.addf %get3A_1706, %sub3A_1711 : vector<16xf32>
    %swap3A_1713 = arith.constant 55 : i32
    %swap3A_1714 = arith.index_cast %swap3A_1713 : i32 to index
    %swap3A_1715 = arith.constant 16 : index
    %swap3A_1716 = tpu.vector_load %arg12[%swap3A_1714, %swap3A_1715] {strides = array<i32>} : memref<128x32xf32, #tpu.memory_space<vmem>>, vector<16xf32>,
    tpu.vector_store %arg12[%swap3A_1714, %swap3A_1715], %add3A_1712 {strides = array<i32>} : memref<128x32xf32, #tpu.memory_space<vmem>>, vector<16xf32>,
    %get3A_1717 = arith.constant 56 : i32
    %get3A_1718 = arith.index_cast %get3A_1717 : i32 to index
    %get3A_1719 = arith.constant 0 : index
    %get3A_1720 = tpu.vector_load %arg13[%get3A_1718, %get3A_1719] {strides = array<i32>} : memref<128x32xf32, #tpu.memory_space<vmem>>, vector<16xf32>,
    %get3A_1721 = arith.constant 56 : i32
    %get3A_1722 = arith.index_cast %get3A_1721 : i32 to index
    %get3A_1723 = arith.constant 0 : index
    %get3A_1724 = tpu.vector_load %arg12[%get3A_1722, %get3A_1723] {strides = array<i32>} : memref<128x32xf32, #tpu.memory_space<vmem>>, vector<16xf32>,
    %sub3A_1725 = arith.subf %get3A_1724, %get3A_1720 : vector<16xf32>
    %add3A_1726 = arith.addf %get3A_1720, %sub3A_1725 : vector<16xf32>
    %swap3A_1727 = arith.constant 56 : i32
    %swap3A_1728 = arith.index_cast %swap3A_1727 : i32 to index
    %swap3A_1729 = arith.constant 0 : index
    %swap3A_1730 = tpu.vector_load %arg12[%swap3A_1728, %swap3A_1729] {strides = array<i32>} : memref<128x32xf32, #tpu.memory_space<vmem>>, vector<16xf32>,
    tpu.vector_store %arg12[%swap3A_1728, %swap3A_1729], %add3A_1726 {strides = array<i32>} : memref<128x32xf32, #tpu.memory_space<vmem>>, vector<16xf32>,
    %get3A_1731 = arith.constant 56 : i32
    %get3A_1732 = arith.index_cast %get3A_1731 : i32 to index
    %get3A_1733 = arith.constant 16 : index
    %get3A_1734 = tpu.vector_load %arg13[%get3A_1732, %get3A_1733] {strides = array<i32>} : memref<128x32xf32, #tpu.memory_space<vmem>>, vector<16xf32>,
    %get3A_1735 = arith.constant 56 : i32
    %get3A_1736 = arith.index_cast %get3A_1735 : i32 to index
    %get3A_1737 = arith.constant 16 : index
    %get3A_1738 = tpu.vector_load %arg12[%get3A_1736, %get3A_1737] {strides = array<i32>} : memref<128x32xf32, #tpu.memory_space<vmem>>, vector<16xf32>,
    %sub3A_1739 = arith.subf %get3A_1738, %get3A_1734 : vector<16xf32>
    %add3A_1740 = arith.addf %get3A_1734, %sub3A_1739 : vector<16xf32>
    %swap3A_1741 = arith.constant 56 : i32
    %swap3A_1742 = arith.index_cast %swap3A_1741 : i32 to index
    %swap3A_1743 = arith.constant 16 : index
    %swap3A_1744 = tpu.vector_load %arg12[%swap3A_1742, %swap3A_1743] {strides = array<i32>} : memref<128x32xf32, #tpu.memory_space<vmem>>, vector<16xf32>,
    tpu.vector_store %arg12[%swap3A_1742, %swap3A_1743], %add3A_1740 {strides = array<i32>} : memref<128x32xf32, #tpu.memory_space<vmem>>, vector<16xf32>,
    %get3A_1745 = arith.constant 57 : i32
    %get3A_1746 = arith.index_cast %get3A_1745 : i32 to index
    %get3A_1747 = arith.constant 0 : index
    %get3A_1748 = tpu.vector_load %arg13[%get3A_1746, %get3A_1747] {strides = array<i32>} : memref<128x32xf32, #tpu.memory_space<vmem>>, vector<16xf32>,
    %get3A_1749 = arith.constant 57 : i32
    %get3A_1750 = arith.index_cast %get3A_1749 : i32 to index
    %get3A_1751 = arith.constant 0 : index
    %get3A_1752 = tpu.vector_load %arg12[%get3A_1750, %get3A_1751] {strides = array<i32>} : memref<128x32xf32, #tpu.memory_space<vmem>>, vector<16xf32>,
    %sub3A_1753 = arith.subf %get3A_1752, %get3A_1748 : vector<16xf32>
    %add3A_1754 = arith.addf %get3A_1748, %sub3A_1753 : vector<16xf32>
    %swap3A_1755 = arith.constant 57 : i32
    %swap3A_1756 = arith.index_cast %swap3A_1755 : i32 to index
    %swap3A_1757 = arith.constant 0 : index
    %swap3A_1758 = tpu.vector_load %arg12[%swap3A_1756, %swap3A_1757] {strides = array<i32>} : memref<128x32xf32, #tpu.memory_space<vmem>>, vector<16xf32>,
    tpu.vector_store %arg12[%swap3A_1756, %swap3A_1757], %add3A_1754 {strides = array<i32>} : memref<128x32xf32, #tpu.memory_space<vmem>>, vector<16xf32>,
    %get3A_1759 = arith.constant 57 : i32
    %get3A_1760 = arith.index_cast %get3A_1759 : i32 to index
    %get3A_1761 = arith.constant 16 : index
    %get3A_1762 = tpu.vector_load %arg13[%get3A_1760, %get3A_1761] {strides = array<i32>} : memref<128x32xf32, #tpu.memory_space<vmem>>, vector<16xf32>,
    %get3A_1763 = arith.constant 57 : i32
    %get3A_1764 = arith.index_cast %get3A_1763 : i32 to index
    %get3A_1765 = arith.constant 16 : index
    %get3A_1766 = tpu.vector_load %arg12[%get3A_1764, %get3A_1765] {strides = array<i32>} : memref<128x32xf32, #tpu.memory_space<vmem>>, vector<16xf32>,
    %sub3A_1767 = arith.subf %get3A_1766, %get3A_1762 : vector<16xf32>
    %add3A_1768 = arith.addf %get3A_1762, %sub3A_1767 : vector<16xf32>
    %swap3A_1769 = arith.constant 57 : i32
    %swap3A_1770 = arith.index_cast %swap3A_1769 : i32 to index
    %swap3A_1771 = arith.constant 16 : index
    %swap3A_1772 = tpu.vector_load %arg12[%swap3A_1770, %swap3A_1771] {strides = array<i32>} : memref<128x32xf32, #tpu.memory_space<vmem>>, vector<16xf32>,
    tpu.vector_store %arg12[%swap3A_1770, %swap3A_1771], %add3A_1768 {strides = array<i32>} : memref<128x32xf32, #tpu.memory_space<vmem>>, vector<16xf32>,
    %get3A_1773 = arith.constant 58 : i32
    %get3A_1774 = arith.index_cast %get3A_1773 : i32 to index
    %get3A_1775 = arith.constant 0 : index
    %get3A_1776 = tpu.vector_load %arg13[%get3A_1774, %get3A_1775] {strides = array<i32>} : memref<128x32xf32, #tpu.memory_space<vmem>>, vector<16xf32>,
    %get3A_1777 = arith.constant 58 : i32
    %get3A_1778 = arith.index_cast %get3A_1777 : i32 to index
    %get3A_1779 = arith.constant 0 : index
    %get3A_1780 = tpu.vector_load %arg12[%get3A_1778, %get3A_1779] {strides = array<i32>} : memref<128x32xf32, #tpu.memory_space<vmem>>, vector<16xf32>,
    %sub3A_1781 = arith.subf %get3A_1780, %get3A_1776 : vector<16xf32>
    %add3A_1782 = arith.addf %get3A_1776, %sub3A_1781 : vector<16xf32>
    %swap3A_1783 = arith.constant 58 : i32
    %swap3A_1784 = arith.index_cast %swap3A_1783 : i32 to index
    %swap3A_1785 = arith.constant 0 : index
    %swap3A_1786 = tpu.vector_load %arg12[%swap3A_1784, %swap3A_1785] {strides = array<i32>} : memref<128x32xf32, #tpu.memory_space<vmem>>, vector<16xf32>,
    tpu.vector_store %arg12[%swap3A_1784, %swap3A_1785], %add3A_1782 {strides = array<i32>} : memref<128x32xf32, #tpu.memory_space<vmem>>, vector<16xf32>,
    %get3A_1787 = arith.constant 58 : i32
    %get3A_1788 = arith.index_cast %get3A_1787 : i32 to index
    %get3A_1789 = arith.constant 16 : index
    %get3A_1790 = tpu.vector_load %arg13[%get3A_1788, %get3A_1789] {strides = array<i32>} : memref<128x32xf32, #tpu.memory_space<vmem>>, vector<16xf32>,
    %get3A_1791 = arith.constant 58 : i32
    %get3A_1792 = arith.index_cast %get3A_1791 : i32 to index
    %get3A_1793 = arith.constant 16 : index
    %get3A_1794 = tpu.vector_load %arg12[%get3A_1792, %get3A_1793] {strides = array<i32>} : memref<128x32xf32, #tpu.memory_space<vmem>>, vector<16xf32>,
    %sub3A_1795 = arith.subf %get3A_1794, %get3A_1790 : vector<16xf32>
    %add3A_1796 = arith.addf %get3A_1790, %sub3A_1795 : vector<16xf32>
    %swap3A_1797 = arith.constant 58 : i32
    %swap3A_1798 = arith.index_cast %swap3A_1797 : i32 to index
    %swap3A_1799 = arith.constant 16 : index
    %swap3A_1800 = tpu.vector_load %arg12[%swap3A_1798, %swap3A_1799] {strides = array<i32>} : memref<128x32xf32, #tpu.memory_space<vmem>>, vector<16xf32>,
    tpu.vector_store %arg12[%swap3A_1798, %swap3A_1799], %add3A_1796 {strides = array<i32>} : memref<128x32xf32, #tpu.memory_space<vmem>>, vector<16xf32>,
    %get3A_1801 = arith.constant 59 : i32
    %get3A_1802 = arith.index_cast %get3A_1801 : i32 to index
    %get3A_1803 = arith.constant 0 : index
    %get3A_1804 = tpu.vector_load %arg13[%get3A_1802, %get3A_1803] {strides = array<i32>} : memref<128x32xf32, #tpu.memory_space<vmem>>, vector<16xf32>,
    %get3A_1805 = arith.constant 59 : i32
    %get3A_1806 = arith.index_cast %get3A_1805 : i32 to index
    %get3A_1807 = arith.constant 0 : index
    %get3A_1808 = tpu.vector_load %arg12[%get3A_1806, %get3A_1807] {strides = array<i32>} : memref<128x32xf32, #tpu.memory_space<vmem>>, vector<16xf32>,
    %sub3A_1809 = arith.subf %get3A_1808, %get3A_1804 : vector<16xf32>
    %add3A_1810 = arith.addf %get3A_1804, %sub3A_1809 : vector<16xf32>
    %swap3A_1811 = arith.constant 59 : i32
    %swap3A_1812 = arith.index_cast %swap3A_1811 : i32 to index
    %swap3A_1813 = arith.constant 0 : index
    %swap3A_1814 = tpu.vector_load %arg12[%swap3A_1812, %swap3A_1813] {strides = array<i32>} : memref<128x32xf32, #tpu.memory_space<vmem>>, vector<16xf32>,
    tpu.vector_store %arg12[%swap3A_1812, %swap3A_1813], %add3A_1810 {strides = array<i32>} : memref<128x32xf32, #tpu.memory_space<vmem>>, vector<16xf32>,
    %get3A_1815 = arith.constant 59 : i32
    %get3A_1816 = arith.index_cast %get3A_1815 : i32 to index
    %get3A_1817 = arith.constant 16 : index
    %get3A_1818 = tpu.vector_load %arg13[%get3A_1816, %get3A_1817] {strides = array<i32>} : memref<128x32xf32, #tpu.memory_space<vmem>>, vector<16xf32>,
    %get3A_1819 = arith.constant 59 : i32
    %get3A_1820 = arith.index_cast %get3A_1819 : i32 to index
    %get3A_1821 = arith.constant 16 : index
    %get3A_1822 = tpu.vector_load %arg12[%get3A_1820, %get3A_1821] {strides = array<i32>} : memref<128x32xf32, #tpu.memory_space<vmem>>, vector<16xf32>,
    %sub3A_1823 = arith.subf %get3A_1822, %get3A_1818 : vector<16xf32>
    %add3A_1824 = arith.addf %get3A_1818, %sub3A_1823 : vector<16xf32>
    %swap3A_1825 = arith.constant 59 : i32
    %swap3A_1826 = arith.index_cast %swap3A_1825 : i32 to index
    %swap3A_1827 = arith.constant 16 : index
    %swap3A_1828 = tpu.vector_load %arg12[%swap3A_1826, %swap3A_1827] {strides = array<i32>} : memref<128x32xf32, #tpu.memory_space<vmem>>, vector<16xf32>,
    tpu.vector_store %arg12[%swap3A_1826, %swap3A_1827], %add3A_1824 {strides = array<i32>} : memref<128x32xf32, #tpu.memory_space<vmem>>, vector<16xf32>,
    %get3A_1829 = arith.constant 60 : i32
    %get3A_1830 = arith.index_cast %get3A_1829 : i32 to index
    %get3A_1831 = arith.constant 0 : index
    %get3A_1832 = tpu.vector_load %arg13[%get3A_1830, %get3A_1831] {strides = array<i32>} : memref<128x32xf32, #tpu.memory_space<vmem>>, vector<16xf32>,
    %get3A_1833 = arith.constant 60 : i32
    %get3A_1834 = arith.index_cast %get3A_1833 : i32 to index
    %get3A_1835 = arith.constant 0 : index
    %get3A_1836 = tpu.vector_load %arg12[%get3A_1834, %get3A_1835] {strides = array<i32>} : memref<128x32xf32, #tpu.memory_space<vmem>>, vector<16xf32>,
    %sub3A_1837 = arith.subf %get3A_1836, %get3A_1832 : vector<16xf32>
    %add3A_1838 = arith.addf %get3A_1832, %sub3A_1837 : vector<16xf32>
    %swap3A_1839 = arith.constant 60 : i32
    %swap3A_1840 = arith.index_cast %swap3A_1839 : i32 to index
    %swap3A_1841 = arith.constant 0 : index
    %swap3A_1842 = tpu.vector_load %arg12[%swap3A_1840, %swap3A_1841] {strides = array<i32>} : memref<128x32xf32, #tpu.memory_space<vmem>>, vector<16xf32>,
    tpu.vector_store %arg12[%swap3A_1840, %swap3A_1841], %add3A_1838 {strides = array<i32>} : memref<128x32xf32, #tpu.memory_space<vmem>>, vector<16xf32>,
    %get3A_1843 = arith.constant 60 : i32
    %get3A_1844 = arith.index_cast %get3A_1843 : i32 to index
    %get3A_1845 = arith.constant 16 : index
    %get3A_1846 = tpu.vector_load %arg13[%get3A_1844, %get3A_1845] {strides = array<i32>} : memref<128x32xf32, #tpu.memory_space<vmem>>, vector<16xf32>,
    %get3A_1847 = arith.constant 60 : i32
    %get3A_1848 = arith.index_cast %get3A_1847 : i32 to index
    %get3A_1849 = arith.constant 16 : index
    %get3A_1850 = tpu.vector_load %arg12[%get3A_1848, %get3A_1849] {strides = array<i32>} : memref<128x32xf32, #tpu.memory_space<vmem>>, vector<16xf32>,
    %sub3A_1851 = arith.subf %get3A_1850, %get3A_1846 : vector<16xf32>
    %add3A_1852 = arith.addf %get3A_1846, %sub3A_1851 : vector<16xf32>
    %swap3A_1853 = arith.constant 60 : i32
    %swap3A_1854 = arith.index_cast %swap3A_1853 : i32 to index
    %swap3A_1855 = arith.constant 16 : index
    %swap3A_1856 = tpu.vector_load %arg12[%swap3A_1854, %swap3A_1855] {strides = array<i32>} : memref<128x32xf32, #tpu.memory_space<vmem>>, vector<16xf32>,
    tpu.vector_store %arg12[%swap3A_1854, %swap3A_1855], %add3A_1852 {strides = array<i32>} : memref<128x32xf32, #tpu.memory_space<vmem>>, vector<16xf32>,
    %get3A_1857 = arith.constant 61 : i32
    %get3A_1858 = arith.index_cast %get3A_1857 : i32 to index
    %get3A_1859 = arith.constant 0 : index
    %get3A_1860 = tpu.vector_load %arg13[%get3A_1858, %get3A_1859] {strides = array<i32>} : memref<128x32xf32, #tpu.memory_space<vmem>>, vector<16xf32>,
    %get3A_1861 = arith.constant 61 : i32
    %get3A_1862 = arith.index_cast %get3A_1861 : i32 to index
    %get3A_1863 = arith.constant 0 : index
    %get3A_1864 = tpu.vector_load %arg12[%get3A_1862, %get3A_1863] {strides = array<i32>} : memref<128x32xf32, #tpu.memory_space<vmem>>, vector<16xf32>,
    %sub3A_1865 = arith.subf %get3A_1864, %get3A_1860 : vector<16xf32>
    %add3A_1866 = arith.addf %get3A_1860, %sub3A_1865 : vector<16xf32>
    %swap3A_1867 = arith.constant 61 : i32
    %swap3A_1868 = arith.index_cast %swap3A_1867 : i32 to index
    %swap3A_1869 = arith.constant 0 : index
    %swap3A_1870 = tpu.vector_load %arg12[%swap3A_1868, %swap3A_1869] {strides = array<i32>} : memref<128x32xf32, #tpu.memory_space<vmem>>, vector<16xf32>,
    tpu.vector_store %arg12[%swap3A_1868, %swap3A_1869], %add3A_1866 {strides = array<i32>} : memref<128x32xf32, #tpu.memory_space<vmem>>, vector<16xf32>,
    %get3A_1871 = arith.constant 61 : i32
    %get3A_1872 = arith.index_cast %get3A_1871 : i32 to index
    %get3A_1873 = arith.constant 16 : index
    %get3A_1874 = tpu.vector_load %arg13[%get3A_1872, %get3A_1873] {strides = array<i32>} : memref<128x32xf32, #tpu.memory_space<vmem>>, vector<16xf32>,
    %get3A_1875 = arith.constant 61 : i32
    %get3A_1876 = arith.index_cast %get3A_1875 : i32 to index
    %get3A_1877 = arith.constant 16 : index
    %get3A_1878 = tpu.vector_load %arg12[%get3A_1876, %get3A_1877] {strides = array<i32>} : memref<128x32xf32, #tpu.memory_space<vmem>>, vector<16xf32>,
    %sub3A_1879 = arith.subf %get3A_1878, %get3A_1874 : vector<16xf32>
    %add3A_1880 = arith.addf %get3A_1874, %sub3A_1879 : vector<16xf32>
    %swap3A_1881 = arith.constant 61 : i32
    %swap3A_1882 = arith.index_cast %swap3A_1881 : i32 to index
    %swap3A_1883 = arith.constant 16 : index
    %swap3A_1884 = tpu.vector_load %arg12[%swap3A_1882, %swap3A_1883] {strides = array<i32>} : memref<128x32xf32, #tpu.memory_space<vmem>>, vector<16xf32>,
    tpu.vector_store %arg12[%swap3A_1882, %swap3A_1883], %add3A_1880 {strides = array<i32>} : memref<128x32xf32, #tpu.memory_space<vmem>>, vector<16xf32>,
    %get3A_1885 = arith.constant 62 : i32
    %get3A_1886 = arith.index_cast %get3A_1885 : i32 to index
    %get3A_1887 = arith.constant 0 : index
    %get3A_1888 = tpu.vector_load %arg13[%get3A_1886, %get3A_1887] {strides = array<i32>} : memref<128x32xf32, #tpu.memory_space<vmem>>, vector<16xf32>,
    %get3A_1889 = arith.constant 62 : i32
    %get3A_1890 = arith.index_cast %get3A_1889 : i32 to index
    %get3A_1891 = arith.constant 0 : index
    %get3A_1892 = tpu.vector_load %arg12[%get3A_1890, %get3A_1891] {strides = array<i32>} : memref<128x32xf32, #tpu.memory_space<vmem>>, vector<16xf32>,
    %sub3A_1893 = arith.subf %get3A_1892, %get3A_1888 : vector<16xf32>
    %add3A_1894 = arith.addf %get3A_1888, %sub3A_1893 : vector<16xf32>
    %swap3A_1895 = arith.constant 62 : i32
    %swap3A_1896 = arith.index_cast %swap3A_1895 : i32 to index
    %swap3A_1897 = arith.constant 0 : index
    %swap3A_1898 = tpu.vector_load %arg12[%swap3A_1896, %swap3A_1897] {strides = array<i32>} : memref<128x32xf32, #tpu.memory_space<vmem>>, vector<16xf32>,
    tpu.vector_store %arg12[%swap3A_1896, %swap3A_1897], %add3A_1894 {strides = array<i32>} : memref<128x32xf32, #tpu.memory_space<vmem>>, vector<16xf32>,
    %get3A_1899 = arith.constant 62 : i32
    %get3A_1900 = arith.index_cast %get3A_1899 : i32 to index
    %get3A_1901 = arith.constant 16 : index
    %get3A_1902 = tpu.vector_load %arg13[%get3A_1900, %get3A_1901] {strides = array<i32>} : memref<128x32xf32, #tpu.memory_space<vmem>>, vector<16xf32>,
    %get3A_1903 = arith.constant 62 : i32
    %get3A_1904 = arith.index_cast %get3A_1903 : i32 to index
    %get3A_1905 = arith.constant 16 : index
    %get3A_1906 = tpu.vector_load %arg12[%get3A_1904, %get3A_1905] {strides = array<i32>} : memref<128x32xf32, #tpu.memory_space<vmem>>, vector<16xf32>,
    %sub3A_1907 = arith.subf %get3A_1906, %get3A_1902 : vector<16xf32>
    %add3A_1908 = arith.addf %get3A_1902, %sub3A_1907 : vector<16xf32>
    %swap3A_1909 = arith.constant 62 : i32
    %swap3A_1910 = arith.index_cast %swap3A_1909 : i32 to index
    %swap3A_1911 = arith.constant 16 : index
    %swap3A_1912 = tpu.vector_load %arg12[%swap3A_1910, %swap3A_1911] {strides = array<i32>} : memref<128x32xf32, #tpu.memory_space<vmem>>, vector<16xf32>,
    tpu.vector_store %arg12[%swap3A_1910, %swap3A_1911], %add3A_1908 {strides = array<i32>} : memref<128x32xf32, #tpu.memory_space<vmem>>, vector<16xf32>,
    %get3A_1913 = arith.constant 63 : i32
    %get3A_1914 = arith.index_cast %get3A_1913 : i32 to index
    %get3A_1915 = arith.constant 0 : index
    %get3A_1916 = tpu.vector_load %arg13[%get3A_1914, %get3A_1915] {strides = array<i32>} : memref<128x32xf32, #tpu.memory_space<vmem>>, vector<16xf32>,
    %get3A_1917 = arith.constant 63 : i32
    %get3A_1918 = arith.index_cast %get3A_1917 : i32 to index
    %get3A_1919 = arith.constant 0 : index
    %get3A_1920 = tpu.vector_load %arg12[%get3A_1918, %get3A_1919] {strides = array<i32>} : memref<128x32xf32, #tpu.memory_space<vmem>>, vector<16xf32>,
    %sub3A_1921 = arith.subf %get3A_1920, %get3A_1916 : vector<16xf32>
    %add3A_1922 = arith.addf %get3A_1916, %sub3A_1921 : vector<16xf32>
    %swap3A_1923 = arith.constant 63 : i32
    %swap3A_1924 = arith.index_cast %swap3A_1923 : i32 to index
    %swap3A_1925 = arith.constant 0 : index
    %swap3A_1926 = tpu.vector_load %arg12[%swap3A_1924, %swap3A_1925] {strides = array<i32>} : memref<128x32xf32, #tpu.memory_space<vmem>>, vector<16xf32>,
    tpu.vector_store %arg12[%swap3A_1924, %swap3A_1925], %add3A_1922 {strides = array<i32>} : memref<128x32xf32, #tpu.memory_space<vmem>>, vector<16xf32>,
    %get3A_1927 = arith.constant 63 : i32
    %get3A_1928 = arith.index_cast %get3A_1927 : i32 to index
    %get3A_1929 = arith.constant 16 : index
    %get3A_1930 = tpu.vector_load %arg13[%get3A_1928, %get3A_1929] {strides = array<i32>} : memref<128x32xf32, #tpu.memory_space<vmem>>, vector<16xf32>,
    %get3A_1931 = arith.constant 63 : i32
    %get3A_1932 = arith.index_cast %get3A_1931 : i32 to index
    %get3A_1933 = arith.constant 16 : index
    %get3A_1934 = tpu.vector_load %arg12[%get3A_1932, %get3A_1933] {strides = array<i32>} : memref<128x32xf32, #tpu.memory_space<vmem>>, vector<16xf32>,
    %sub3A_1935 = arith.subf %get3A_1934, %get3A_1930 : vector<16xf32>
    %add3A_1936 = arith.addf %get3A_1930, %sub3A_1935 : vector<16xf32>
    %swap3A_1937 = arith.constant 63 : i32
    %swap3A_1938 = arith.index_cast %swap3A_1937 : i32 to index
    %swap3A_1939 = arith.constant 16 : index
    %swap3A_1940 = tpu.vector_load %arg12[%swap3A_1938, %swap3A_1939] {strides = array<i32>} : memref<128x32xf32, #tpu.memory_space<vmem>>, vector<16xf32>,
    tpu.vector_store %arg12[%swap3A_1938, %swap3A_1939], %add3A_1936 {strides = array<i32>} : memref<128x32xf32, #tpu.memory_space<vmem>>, vector<16xf32>,
    %get3A_1941 = arith.constant 64 : i32
    %get3A_1942 = arith.index_cast %get3A_1941 : i32 to index
    %get3A_1943 = arith.constant 0 : index
    %get3A_1944 = tpu.vector_load %arg13[%get3A_1942, %get3A_1943] {strides = array<i32>} : memref<128x32xf32, #tpu.memory_space<vmem>>, vector<16xf32>,
    %get3A_1945 = arith.constant 64 : i32
    %get3A_1946 = arith.index_cast %get3A_1945 : i32 to index
    %get3A_1947 = arith.constant 0 : index
    %get3A_1948 = tpu.vector_load %arg12[%get3A_1946, %get3A_1947] {strides = array<i32>} : memref<128x32xf32, #tpu.memory_space<vmem>>, vector<16xf32>,
    %sub3A_1949 = arith.subf %get3A_1948, %get3A_1944 : vector<16xf32>
    %add3A_1950 = arith.addf %get3A_1944, %sub3A_1949 : vector<16xf32>
    %swap3A_1951 = arith.constant 64 : i32
    %swap3A_1952 = arith.index_cast %swap3A_1951 : i32 to index
    %swap3A_1953 = arith.constant 0 : index
    %swap3A_1954 = tpu.vector_load %arg12[%swap3A_1952, %swap3A_1953] {strides = array<i32>} : memref<128x32xf32, #tpu.memory_space<vmem>>, vector<16xf32>,
    tpu.vector_store %arg12[%swap3A_1952, %swap3A_1953], %add3A_1950 {strides = array<i32>} : memref<128x32xf32, #tpu.memory_space<vmem>>, vector<16xf32>,
    %get3A_1955 = arith.constant 64 : i32
    %get3A_1956 = arith.index_cast %get3A_1955 : i32 to index
    %get3A_1957 = arith.constant 16 : index
    %get3A_1958 = tpu.vector_load %arg13[%get3A_1956, %get3A_1957] {strides = array<i32>} : memref<128x32xf32, #tpu.memory_space<vmem>>, vector<16xf32>,
    %get3A_1959 = arith.constant 64 : i32
    %get3A_1960 = arith.index_cast %get3A_1959 : i32 to index
    %get3A_1961 = arith.constant 16 : index
    %get3A_1962 = tpu.vector_load %arg12[%get3A_1960, %get3A_1961] {strides = array<i32>} : memref<128x32xf32, #tpu.memory_space<vmem>>, vector<16xf32>,
    %sub3A_1963 = arith.subf %get3A_1962, %get3A_1958 : vector<16xf32>
    %add3A_1964 = arith.addf %get3A_1958, %sub3A_1963 : vector<16xf32>
    %swap3A_1965 = arith.constant 64 : i32
    %swap3A_1966 = arith.index_cast %swap3A_1965 : i32 to index
    %swap3A_1967 = arith.constant 16 : index
    %swap3A_1968 = tpu.vector_load %arg12[%swap3A_1966, %swap3A_1967] {strides = array<i32>} : memref<128x32xf32, #tpu.memory_space<vmem>>, vector<16xf32>,
    tpu.vector_store %arg12[%swap3A_1966, %swap3A_1967], %add3A_1964 {strides = array<i32>} : memref<128x32xf32, #tpu.memory_space<vmem>>, vector<16xf32>,
    %get3A_1969 = arith.constant 65 : i32
    %get3A_1970 = arith.index_cast %get3A_1969 : i32 to index
    %get3A_1971 = arith.constant 0 : index
    %get3A_1972 = tpu.vector_load %arg13[%get3A_1970, %get3A_1971] {strides = array<i32>} : memref<128x32xf32, #tpu.memory_space<vmem>>, vector<16xf32>,
    %get3A_1973 = arith.constant 65 : i32
    %get3A_1974 = arith.index_cast %get3A_1973 : i32 to index
    %get3A_1975 = arith.constant 0 : index
    %get3A_1976 = tpu.vector_load %arg12[%get3A_1974, %get3A_1975] {strides = array<i32>} : memref<128x32xf32, #tpu.memory_space<vmem>>, vector<16xf32>,
    %sub3A_1977 = arith.subf %get3A_1976, %get3A_1972 : vector<16xf32>
    %add3A_1978 = arith.addf %get3A_1972, %sub3A_1977 : vector<16xf32>
    %swap3A_1979 = arith.constant 65 : i32
    %swap3A_1980 = arith.index_cast %swap3A_1979 : i32 to index
    %swap3A_1981 = arith.constant 0 : index
    %swap3A_1982 = tpu.vector_load %arg12[%swap3A_1980, %swap3A_1981] {strides = array<i32>} : memref<128x32xf32, #tpu.memory_space<vmem>>, vector<16xf32>,
    tpu.vector_store %arg12[%swap3A_1980, %swap3A_1981], %add3A_1978 {strides = array<i32>} : memref<128x32xf32, #tpu.memory_space<vmem>>, vector<16xf32>,
    %get3A_1983 = arith.constant 65 : i32
    %get3A_1984 = arith.index_cast %get3A_1983 : i32 to index
    %get3A_1985 = arith.constant 16 : index
    %get3A_1986 = tpu.vector_load %arg13[%get3A_1984, %get3A_1985] {strides = array<i32>} : memref<128x32xf32, #tpu.memory_space<vmem>>, vector<16xf32>,
    %get3A_1987 = arith.constant 65 : i32
    %get3A_1988 = arith.index_cast %get3A_1987 : i32 to index
    %get3A_1989 = arith.constant 16 : index
    %get3A_1990 = tpu.vector_load %arg12[%get3A_1988, %get3A_1989] {strides = array<i32>} : memref<128x32xf32, #tpu.memory_space<vmem>>, vector<16xf32>,
    %sub3A_1991 = arith.subf %get3A_1990, %get3A_1986 : vector<16xf32>
    %add3A_1992 = arith.addf %get3A_1986, %sub3A_1991 : vector<16xf32>
    %swap3A_1993 = arith.constant 65 : i32
    %swap3A_1994 = arith.index_cast %swap3A_1993 : i32 to index
    %swap3A_1995 = arith.constant 16 : index
    %swap3A_1996 = tpu.vector_load %arg12[%swap3A_1994, %swap3A_1995] {strides = array<i32>} : memref<128x32xf32, #tpu.memory_space<vmem>>, vector<16xf32>,
    tpu.vector_store %arg12[%swap3A_1994, %swap3A_1995], %add3A_1992 {strides = array<i32>} : memref<128x32xf32, #tpu.memory_space<vmem>>, vector<16xf32>,
    %get3A_1997 = arith.constant 66 : i32
    %get3A_1998 = arith.index_cast %get3A_1997 : i32 to index
    %get3A_1999 = arith.constant 0 : index
    %get3A_2000 = tpu.vector_load %arg13[%get3A_1998, %get3A_1999] {strides = array<i32>} : memref<128x32xf32, #tpu.memory_space<vmem>>, vector<16xf32>,
    %get3A_2001 = arith.constant 66 : i32
    %get3A_2002 = arith.index_cast %get3A_2001 : i32 to index
    %get3A_2003 = arith.constant 0 : index
    %get3A_2004 = tpu.vector_load %arg12[%get3A_2002, %get3A_2003] {strides = array<i32>} : memref<128x32xf32, #tpu.memory_space<vmem>>, vector<16xf32>,
    %sub3A_2005 = arith.subf %get3A_2004, %get3A_2000 : vector<16xf32>
    %add3A_2006 = arith.addf %get3A_2000, %sub3A_2005 : vector<16xf32>
    %swap3A_2007 = arith.constant 66 : i32
    %swap3A_2008 = arith.index_cast %swap3A_2007 : i32 to index
    %swap3A_2009 = arith.constant 0 : index
    %swap3A_2010 = tpu.vector_load %arg12[%swap3A_2008, %swap3A_2009] {strides = array<i32>} : memref<128x32xf32, #tpu.memory_space<vmem>>, vector<16xf32>,
    tpu.vector_store %arg12[%swap3A_2008, %swap3A_2009], %add3A_2006 {strides = array<i32>} : memref<128x32xf32, #tpu.memory_space<vmem>>, vector<16xf32>,
    %get3A_2011 = arith.constant 66 : i32
    %get3A_2012 = arith.index_cast %get3A_2011 : i32 to index
    %get3A_2013 = arith.constant 16 : index
    %get3A_2014 = tpu.vector_load %arg13[%get3A_2012, %get3A_2013] {strides = array<i32>} : memref<128x32xf32, #tpu.memory_space<vmem>>, vector<16xf32>,
    %get3A_2015 = arith.constant 66 : i32
    %get3A_2016 = arith.index_cast %get3A_2015 : i32 to index
    %get3A_2017 = arith.constant 16 : index
    %get3A_2018 = tpu.vector_load %arg12[%get3A_2016, %get3A_2017] {strides = array<i32>} : memref<128x32xf32, #tpu.memory_space<vmem>>, vector<16xf32>,
    %sub3A_2019 = arith.subf %get3A_2018, %get3A_2014 : vector<16xf32>
    %add3A_2020 = arith.addf %get3A_2014, %sub3A_2019 : vector<16xf32>
    %swap3A_2021 = arith.constant 66 : i32
    %swap3A_2022 = arith.index_cast %swap3A_2021 : i32 to index
    %swap3A_2023 = arith.constant 16 : index
    %swap3A_2024 = tpu.vector_load %arg12[%swap3A_2022, %swap3A_2023] {strides = array<i32>} : memref<128x32xf32, #tpu.memory_space<vmem>>, vector<16xf32>,
    tpu.vector_store %arg12[%swap3A_2022, %swap3A_2023], %add3A_2020 {strides = array<i32>} : memref<128x32xf32, #tpu.memory_space<vmem>>, vector<16xf32>,
    %get3A_2025 = arith.constant 67 : i32
    %get3A_2026 = arith.index_cast %get3A_2025 : i32 to index
    %get3A_2027 = arith.constant 0 : index
    %get3A_2028 = tpu.vector_load %arg13[%get3A_2026, %get3A_2027] {strides = array<i32>} : memref<128x32xf32, #tpu.memory_space<vmem>>, vector<16xf32>,
    %get3A_2029 = arith.constant 67 : i32
    %get3A_2030 = arith.index_cast %get3A_2029 : i32 to index
    %get3A_2031 = arith.constant 0 : index
    %get3A_2032 = tpu.vector_load %arg12[%get3A_2030, %get3A_2031] {strides = array<i32>} : memref<128x32xf32, #tpu.memory_space<vmem>>, vector<16xf32>,
    %sub3A_2033 = arith.subf %get3A_2032, %get3A_2028 : vector<16xf32>
    %add3A_2034 = arith.addf %get3A_2028, %sub3A_2033 : vector<16xf32>
    %swap3A_2035 = arith.constant 67 : i32
    %swap3A_2036 = arith.index_cast %swap3A_2035 : i32 to index
    %swap3A_2037 = arith.constant 0 : index
    %swap3A_2038 = tpu.vector_load %arg12[%swap3A_2036, %swap3A_2037] {strides = array<i32>} : memref<128x32xf32, #tpu.memory_space<vmem>>, vector<16xf32>,
    tpu.vector_store %arg12[%swap3A_2036, %swap3A_2037], %add3A_2034 {strides = array<i32>} : memref<128x32xf32, #tpu.memory_space<vmem>>, vector<16xf32>,
    %get3A_2039 = arith.constant 67 : i32
    %get3A_2040 = arith.index_cast %get3A_2039 : i32 to index
    %get3A_2041 = arith.constant 16 : index
    %get3A_2042 = tpu.vector_load %arg13[%get3A_2040, %get3A_2041] {strides = array<i32>} : memref<128x32xf32, #tpu.memory_space<vmem>>, vector<16xf32>,
    %get3A_2043 = arith.constant 67 : i32
    %get3A_2044 = arith.index_cast %get3A_2043 : i32 to index
    %get3A_2045 = arith.constant 16 : index
    %get3A_2046 = tpu.vector_load %arg12[%get3A_2044, %get3A_2045] {strides = array<i32>} : memref<128x32xf32, #tpu.memory_space<vmem>>, vector<16xf32>,
    %sub3A_2047 = arith.subf %get3A_2046, %get3A_2042 : vector<16xf32>
    %add3A_2048 = arith.addf %get3A_2042, %sub3A_2047 : vector<16xf32>
    %swap3A_2049 = arith.constant 67 : i32
    %swap3A_2050 = arith.index_cast %swap3A_2049 : i32 to index
    %swap3A_2051 = arith.constant 16 : index
    %swap3A_2052 = tpu.vector_load %arg12[%swap3A_2050, %swap3A_2051] {strides = array<i32>} : memref<128x32xf32, #tpu.memory_space<vmem>>, vector<16xf32>,
    tpu.vector_store %arg12[%swap3A_2050, %swap3A_2051], %add3A_2048 {strides = array<i32>} : memref<128x32xf32, #tpu.memory_space<vmem>>, vector<16xf32>,
    %get3A_2053 = arith.constant 68 : i32
    %get3A_2054 = arith.index_cast %get3A_2053 : i32 to index
    %get3A_2055 = arith.constant 0 : index
    %get3A_2056 = tpu.vector_load %arg13[%get3A_2054, %get3A_2055] {strides = array<i32>} : memref<128x32xf32, #tpu.memory_space<vmem>>, vector<16xf32>,
    %get3A_2057 = arith.constant 68 : i32
    %get3A_2058 = arith.index_cast %get3A_2057 : i32 to index
    %get3A_2059 = arith.constant 0 : index
    %get3A_2060 = tpu.vector_load %arg12[%get3A_2058, %get3A_2059] {strides = array<i32>} : memref<128x32xf32, #tpu.memory_space<vmem>>, vector<16xf32>,
    %sub3A_2061 = arith.subf %get3A_2060, %get3A_2056 : vector<16xf32>
    %add3A_2062 = arith.addf %get3A_2056, %sub3A_2061 : vector<16xf32>
    %swap3A_2063 = arith.constant 68 : i32
    %swap3A_2064 = arith.index_cast %swap3A_2063 : i32 to index
    %swap3A_2065 = arith.constant 0 : index
    %swap3A_2066 = tpu.vector_load %arg12[%swap3A_2064, %swap3A_2065] {strides = array<i32>} : memref<128x32xf32, #tpu.memory_space<vmem>>, vector<16xf32>,
    tpu.vector_store %arg12[%swap3A_2064, %swap3A_2065], %add3A_2062 {strides = array<i32>} : memref<128x32xf32, #tpu.memory_space<vmem>>, vector<16xf32>,
    %get3A_2067 = arith.constant 68 : i32
    %get3A_2068 = arith.index_cast %get3A_2067 : i32 to index
    %get3A_2069 = arith.constant 16 : index
    %get3A_2070 = tpu.vector_load %arg13[%get3A_2068, %get3A_2069] {strides = array<i32>} : memref<128x32xf32, #tpu.memory_space<vmem>>, vector<16xf32>,
    %get3A_2071 = arith.constant 68 : i32
    %get3A_2072 = arith.index_cast %get3A_2071 : i32 to index
    %get3A_2073 = arith.constant 16 : index
    %get3A_2074 = tpu.vector_load %arg12[%get3A_2072, %get3A_2073] {strides = array<i32>} : memref<128x32xf32, #tpu.memory_space<vmem>>, vector<16xf32>,
    %sub3A_2075 = arith.subf %get3A_2074, %get3A_2070 : vector<16xf32>
    %add3A_2076 = arith.addf %get3A_2070, %sub3A_2075 : vector<16xf32>
    %swap3A_2077 = arith.constant 68 : i32
    %swap3A_2078 = arith.index_cast %swap3A_2077 : i32 to index
    %swap3A_2079 = arith.constant 16 : index
    %swap3A_2080 = tpu.vector_load %arg12[%swap3A_2078, %swap3A_2079] {strides = array<i32>} : memref<128x32xf32, #tpu.memory_space<vmem>>, vector<16xf32>,
    tpu.vector_store %arg12[%swap3A_2078, %swap3A_2079], %add3A_2076 {strides = array<i32>} : memref<128x32xf32, #tpu.memory_space<vmem>>, vector<16xf32>,
    %get3A_2081 = arith.constant 69 : i32
    %get3A_2082 = arith.index_cast %get3A_2081 : i32 to index
    %get3A_2083 = arith.constant 0 : index
    %get3A_2084 = tpu.vector_load %arg13[%get3A_2082, %get3A_2083] {strides = array<i32>} : memref<128x32xf32, #tpu.memory_space<vmem>>, vector<16xf32>,
    %get3A_2085 = arith.constant 69 : i32
    %get3A_2086 = arith.index_cast %get3A_2085 : i32 to index
    %get3A_2087 = arith.constant 0 : index
    %get3A_2088 = tpu.vector_load %arg12[%get3A_2086, %get3A_2087] {strides = array<i32>} : memref<128x32xf32, #tpu.memory_space<vmem>>, vector<16xf32>,
    %sub3A_2089 = arith.subf %get3A_2088, %get3A_2084 : vector<16xf32>
    %add3A_2090 = arith.addf %get3A_2084, %sub3A_2089 : vector<16xf32>
    %swap3A_2091 = arith.constant 69 : i32
    %swap3A_2092 = arith.index_cast %swap3A_2091 : i32 to index
    %swap3A_2093 = arith.constant 0 : index
    %swap3A_2094 = tpu.vector_load %arg12[%swap3A_2092, %swap3A_2093] {strides = array<i32>} : memref<128x32xf32, #tpu.memory_space<vmem>>, vector<16xf32>,
    tpu.vector_store %arg12[%swap3A_2092, %swap3A_2093], %add3A_2090 {strides = array<i32>} : memref<128x32xf32, #tpu.memory_space<vmem>>, vector<16xf32>,
    %get3A_2095 = arith.constant 69 : i32
    %get3A_2096 = arith.index_cast %get3A_2095 : i32 to index
    %get3A_2097 = arith.constant 16 : index
    %get3A_2098 = tpu.vector_load %arg13[%get3A_2096, %get3A_2097] {strides = array<i32>} : memref<128x32xf32, #tpu.memory_space<vmem>>, vector<16xf32>,
    %get3A_2099 = arith.constant 69 : i32
    %get3A_2100 = arith.index_cast %get3A_2099 : i32 to index
    %get3A_2101 = arith.constant 16 : index
    %get3A_2102 = tpu.vector_load %arg12[%get3A_2100, %get3A_2101] {strides = array<i32>} : memref<128x32xf32, #tpu.memory_space<vmem>>, vector<16xf32>,
    %sub3A_2103 = arith.subf %get3A_2102, %get3A_2098 : vector<16xf32>
    %add3A_2104 = arith.addf %get3A_2098, %sub3A_2103 : vector<16xf32>
    %swap3A_2105 = arith.constant 69 : i32
    %swap3A_2106 = arith.index_cast %swap3A_2105 : i32 to index
    %swap3A_2107 = arith.constant 16 : index
    %swap3A_2108 = tpu.vector_load %arg12[%swap3A_2106, %swap3A_2107] {strides = array<i32>} : memref<128x32xf32, #tpu.memory_space<vmem>>, vector<16xf32>,
    tpu.vector_store %arg12[%swap3A_2106, %swap3A_2107], %add3A_2104 {strides = array<i32>} : memref<128x32xf32, #tpu.memory_space<vmem>>, vector<16xf32>,
    %get3A_2109 = arith.constant 70 : i32
    %get3A_2110 = arith.index_cast %get3A_2109 : i32 to index
    %get3A_2111 = arith.constant 0 : index
    %get3A_2112 = tpu.vector_load %arg13[%get3A_2110, %get3A_2111] {strides = array<i32>} : memref<128x32xf32, #tpu.memory_space<vmem>>, vector<16xf32>,
    %get3A_2113 = arith.constant 70 : i32
    %get3A_2114 = arith.index_cast %get3A_2113 : i32 to index
    %get3A_2115 = arith.constant 0 : index
    %get3A_2116 = tpu.vector_load %arg12[%get3A_2114, %get3A_2115] {strides = array<i32>} : memref<128x32xf32, #tpu.memory_space<vmem>>, vector<16xf32>,
    %sub3A_2117 = arith.subf %get3A_2116, %get3A_2112 : vector<16xf32>
    %add3A_2118 = arith.addf %get3A_2112, %sub3A_2117 : vector<16xf32>
    %swap3A_2119 = arith.constant 70 : i32
    %swap3A_2120 = arith.index_cast %swap3A_2119 : i32 to index
    %swap3A_2121 = arith.constant 0 : index
    %swap3A_2122 = tpu.vector_load %arg12[%swap3A_2120, %swap3A_2121] {strides = array<i32>} : memref<128x32xf32, #tpu.memory_space<vmem>>, vector<16xf32>,
    tpu.vector_store %arg12[%swap3A_2120, %swap3A_2121], %add3A_2118 {strides = array<i32>} : memref<128x32xf32, #tpu.memory_space<vmem>>, vector<16xf32>,
    %get3A_2123 = arith.constant 70 : i32
    %get3A_2124 = arith.index_cast %get3A_2123 : i32 to index
    %get3A_2125 = arith.constant 16 : index
    %get3A_2126 = tpu.vector_load %arg13[%get3A_2124, %get3A_2125] {strides = array<i32>} : memref<128x32xf32, #tpu.memory_space<vmem>>, vector<16xf32>,
    %get3A_2127 = arith.constant 70 : i32
    %get3A_2128 = arith.index_cast %get3A_2127 : i32 to index
    %get3A_2129 = arith.constant 16 : index
    %get3A_2130 = tpu.vector_load %arg12[%get3A_2128, %get3A_2129] {strides = array<i32>} : memref<128x32xf32, #tpu.memory_space<vmem>>, vector<16xf32>,
    %sub3A_2131 = arith.subf %get3A_2130, %get3A_2126 : vector<16xf32>
    %add3A_2132 = arith.addf %get3A_2126, %sub3A_2131 : vector<16xf32>
    %swap3A_2133 = arith.constant 70 : i32
    %swap3A_2134 = arith.index_cast %swap3A_2133 : i32 to index
    %swap3A_2135 = arith.constant 16 : index
    %swap3A_2136 = tpu.vector_load %arg12[%swap3A_2134, %swap3A_2135] {strides = array<i32>} : memref<128x32xf32, #tpu.memory_space<vmem>>, vector<16xf32>,
    tpu.vector_store %arg12[%swap3A_2134, %swap3A_2135], %add3A_2132 {strides = array<i32>} : memref<128x32xf32, #tpu.memory_space<vmem>>, vector<16xf32>,
    %get3A_2137 = arith.constant 71 : i32
    %get3A_2138 = arith.index_cast %get3A_2137 : i32 to index
    %get3A_2139 = arith.constant 0 : index
    %get3A_2140 = tpu.vector_load %arg13[%get3A_2138, %get3A_2139] {strides = array<i32>} : memref<128x32xf32, #tpu.memory_space<vmem>>, vector<16xf32>,
    %get3A_2141 = arith.constant 71 : i32
    %get3A_2142 = arith.index_cast %get3A_2141 : i32 to index
    %get3A_2143 = arith.constant 0 : index
    %get3A_2144 = tpu.vector_load %arg12[%get3A_2142, %get3A_2143] {strides = array<i32>} : memref<128x32xf32, #tpu.memory_space<vmem>>, vector<16xf32>,
    %sub3A_2145 = arith.subf %get3A_2144, %get3A_2140 : vector<16xf32>
    %add3A_2146 = arith.addf %get3A_2140, %sub3A_2145 : vector<16xf32>
    %swap3A_2147 = arith.constant 71 : i32
    %swap3A_2148 = arith.index_cast %swap3A_2147 : i32 to index
    %swap3A_2149 = arith.constant 0 : index
    %swap3A_2150 = tpu.vector_load %arg12[%swap3A_2148, %swap3A_2149] {strides = array<i32>} : memref<128x32xf32, #tpu.memory_space<vmem>>, vector<16xf32>,
    tpu.vector_store %arg12[%swap3A_2148, %swap3A_2149], %add3A_2146 {strides = array<i32>} : memref<128x32xf32, #tpu.memory_space<vmem>>, vector<16xf32>,
    %get3A_2151 = arith.constant 71 : i32
    %get3A_2152 = arith.index_cast %get3A_2151 : i32 to index
    %get3A_2153 = arith.constant 16 : index
    %get3A_2154 = tpu.vector_load %arg13[%get3A_2152, %get3A_2153] {strides = array<i32>} : memref<128x32xf32, #tpu.memory_space<vmem>>, vector<16xf32>,
    %get3A_2155 = arith.constant 71 : i32
    %get3A_2156 = arith.index_cast %get3A_2155 : i32 to index
    %get3A_2157 = arith.constant 16 : index
    %get3A_2158 = tpu.vector_load %arg12[%get3A_2156, %get3A_2157] {strides = array<i32>} : memref<128x32xf32, #tpu.memory_space<vmem>>, vector<16xf32>,
    %sub3A_2159 = arith.subf %get3A_2158, %get3A_2154 : vector<16xf32>
    %add3A_2160 = arith.addf %get3A_2154, %sub3A_2159 : vector<16xf32>
    %swap3A_2161 = arith.constant 71 : i32
    %swap3A_2162 = arith.index_cast %swap3A_2161 : i32 to index
    %swap3A_2163 = arith.constant 16 : index
    %swap3A_2164 = tpu.vector_load %arg12[%swap3A_2162, %swap3A_2163] {strides = array<i32>} : memref<128x32xf32, #tpu.memory_space<vmem>>, vector<16xf32>,
    tpu.vector_store %arg12[%swap3A_2162, %swap3A_2163], %add3A_2160 {strides = array<i32>} : memref<128x32xf32, #tpu.memory_space<vmem>>, vector<16xf32>,
    %get3A_2165 = arith.constant 72 : i32
    %get3A_2166 = arith.index_cast %get3A_2165 : i32 to index
    %get3A_2167 = arith.constant 0 : index
    %get3A_2168 = tpu.vector_load %arg13[%get3A_2166, %get3A_2167] {strides = array<i32>} : memref<128x32xf32, #tpu.memory_space<vmem>>, vector<16xf32>,
    %get3A_2169 = arith.constant 72 : i32
    %get3A_2170 = arith.index_cast %get3A_2169 : i32 to index
    %get3A_2171 = arith.constant 0 : index
    %get3A_2172 = tpu.vector_load %arg12[%get3A_2170, %get3A_2171] {strides = array<i32>} : memref<128x32xf32, #tpu.memory_space<vmem>>, vector<16xf32>,
    %sub3A_2173 = arith.subf %get3A_2172, %get3A_2168 : vector<16xf32>
    %add3A_2174 = arith.addf %get3A_2168, %sub3A_2173 : vector<16xf32>
    %swap3A_2175 = arith.constant 72 : i32
    %swap3A_2176 = arith.index_cast %swap3A_2175 : i32 to index
    %swap3A_2177 = arith.constant 0 : index
    %swap3A_2178 = tpu.vector_load %arg12[%swap3A_2176, %swap3A_2177] {strides = array<i32>} : memref<128x32xf32, #tpu.memory_space<vmem>>, vector<16xf32>,
    tpu.vector_store %arg12[%swap3A_2176, %swap3A_2177], %add3A_2174 {strides = array<i32>} : memref<128x32xf32, #tpu.memory_space<vmem>>, vector<16xf32>,
    %get3A_2179 = arith.constant 72 : i32
    %get3A_2180 = arith.index_cast %get3A_2179 : i32 to index
    %get3A_2181 = arith.constant 16 : index
    %get3A_2182 = tpu.vector_load %arg13[%get3A_2180, %get3A_2181] {strides = array<i32>} : memref<128x32xf32, #tpu.memory_space<vmem>>, vector<16xf32>,
    %get3A_2183 = arith.constant 72 : i32
    %get3A_2184 = arith.index_cast %get3A_2183 : i32 to index
    %get3A_2185 = arith.constant 16 : index
    %get3A_2186 = tpu.vector_load %arg12[%get3A_2184, %get3A_2185] {strides = array<i32>} : memref<128x32xf32, #tpu.memory_space<vmem>>, vector<16xf32>,
    %sub3A_2187 = arith.subf %get3A_2186, %get3A_2182 : vector<16xf32>
    %add3A_2188 = arith.addf %get3A_2182, %sub3A_2187 : vector<16xf32>
    %swap3A_2189 = arith.constant 72 : i32
    %swap3A_2190 = arith.index_cast %swap3A_2189 : i32 to index
    %swap3A_2191 = arith.constant 16 : index
    %swap3A_2192 = tpu.vector_load %arg12[%swap3A_2190, %swap3A_2191] {strides = array<i32>} : memref<128x32xf32, #tpu.memory_space<vmem>>, vector<16xf32>,
    tpu.vector_store %arg12[%swap3A_2190, %swap3A_2191], %add3A_2188 {strides = array<i32>} : memref<128x32xf32, #tpu.memory_space<vmem>>, vector<16xf32>,
    %get3A_2193 = arith.constant 73 : i32
    %get3A_2194 = arith.index_cast %get3A_2193 : i32 to index
    %get3A_2195 = arith.constant 0 : index
    %get3A_2196 = tpu.vector_load %arg13[%get3A_2194, %get3A_2195] {strides = array<i32>} : memref<128x32xf32, #tpu.memory_space<vmem>>, vector<16xf32>,
    %get3A_2197 = arith.constant 73 : i32
    %get3A_2198 = arith.index_cast %get3A_2197 : i32 to index
    %get3A_2199 = arith.constant 0 : index
    %get3A_2200 = tpu.vector_load %arg12[%get3A_2198, %get3A_2199] {strides = array<i32>} : memref<128x32xf32, #tpu.memory_space<vmem>>, vector<16xf32>,
    %sub3A_2201 = arith.subf %get3A_2200, %get3A_2196 : vector<16xf32>
    %add3A_2202 = arith.addf %get3A_2196, %sub3A_2201 : vector<16xf32>
    %swap3A_2203 = arith.constant 73 : i32
    %swap3A_2204 = arith.index_cast %swap3A_2203 : i32 to index
    %swap3A_2205 = arith.constant 0 : index
    %swap3A_2206 = tpu.vector_load %arg12[%swap3A_2204, %swap3A_2205] {strides = array<i32>} : memref<128x32xf32, #tpu.memory_space<vmem>>, vector<16xf32>,
    tpu.vector_store %arg12[%swap3A_2204, %swap3A_2205], %add3A_2202 {strides = array<i32>} : memref<128x32xf32, #tpu.memory_space<vmem>>, vector<16xf32>,
    %get3A_2207 = arith.constant 73 : i32
    %get3A_2208 = arith.index_cast %get3A_2207 : i32 to index
    %get3A_2209 = arith.constant 16 : index
    %get3A_2210 = tpu.vector_load %arg13[%get3A_2208, %get3A_2209] {strides = array<i32>} : memref<128x32xf32, #tpu.memory_space<vmem>>, vector<16xf32>,
    %get3A_2211 = arith.constant 73 : i32
    %get3A_2212 = arith.index_cast %get3A_2211 : i32 to index
    %get3A_2213 = arith.constant 16 : index
    %get3A_2214 = tpu.vector_load %arg12[%get3A_2212, %get3A_2213] {strides = array<i32>} : memref<128x32xf32, #tpu.memory_space<vmem>>, vector<16xf32>,
    %sub3A_2215 = arith.subf %get3A_2214, %get3A_2210 : vector<16xf32>
    %add3A_2216 = arith.addf %get3A_2210, %sub3A_2215 : vector<16xf32>
    %swap3A_2217 = arith.constant 73 : i32
    %swap3A_2218 = arith.index_cast %swap3A_2217 : i32 to index
    %swap3A_2219 = arith.constant 16 : index
    %swap3A_2220 = tpu.vector_load %arg12[%swap3A_2218, %swap3A_2219] {strides = array<i32>} : memref<128x32xf32, #tpu.memory_space<vmem>>, vector<16xf32>,
    tpu.vector_store %arg12[%swap3A_2218, %swap3A_2219], %add3A_2216 {strides = array<i32>} : memref<128x32xf32, #tpu.memory_space<vmem>>, vector<16xf32>,
    %get3A_2221 = arith.constant 74 : i32
    %get3A_2222 = arith.index_cast %get3A_2221 : i32 to index
    %get3A_2223 = arith.constant 0 : index
    %get3A_2224 = tpu.vector_load %arg13[%get3A_2222, %get3A_2223] {strides = array<i32>} : memref<128x32xf32, #tpu.memory_space<vmem>>, vector<16xf32>,
    %get3A_2225 = arith.constant 74 : i32
    %get3A_2226 = arith.index_cast %get3A_2225 : i32 to index
    %get3A_2227 = arith.constant 0 : index
    %get3A_2228 = tpu.vector_load %arg12[%get3A_2226, %get3A_2227] {strides = array<i32>} : memref<128x32xf32, #tpu.memory_space<vmem>>, vector<16xf32>,
    %sub3A_2229 = arith.subf %get3A_2228, %get3A_2224 : vector<16xf32>
    %add3A_2230 = arith.addf %get3A_2224, %sub3A_2229 : vector<16xf32>
    %swap3A_2231 = arith.constant 74 : i32
    %swap3A_2232 = arith.index_cast %swap3A_2231 : i32 to index
    %swap3A_2233 = arith.constant 0 : index
    %swap3A_2234 = tpu.vector_load %arg12[%swap3A_2232, %swap3A_2233] {strides = array<i32>} : memref<128x32xf32, #tpu.memory_space<vmem>>, vector<16xf32>,
    tpu.vector_store %arg12[%swap3A_2232, %swap3A_2233], %add3A_2230 {strides = array<i32>} : memref<128x32xf32, #tpu.memory_space<vmem>>, vector<16xf32>,
    %get3A_2235 = arith.constant 74 : i32
    %get3A_2236 = arith.index_cast %get3A_2235 : i32 to index
    %get3A_2237 = arith.constant 16 : index
    %get3A_2238 = tpu.vector_load %arg13[%get3A_2236, %get3A_2237] {strides = array<i32>} : memref<128x32xf32, #tpu.memory_space<vmem>>, vector<16xf32>,
    %get3A_2239 = arith.constant 74 : i32
    %get3A_2240 = arith.index_cast %get3A_2239 : i32 to index
    %get3A_2241 = arith.constant 16 : index
    %get3A_2242 = tpu.vector_load %arg12[%get3A_2240, %get3A_2241] {strides = array<i32>} : memref<128x32xf32, #tpu.memory_space<vmem>>, vector<16xf32>,
    %sub3A_2243 = arith.subf %get3A_2242, %get3A_2238 : vector<16xf32>
    %add3A_2244 = arith.addf %get3A_2238, %sub3A_2243 : vector<16xf32>
    %swap3A_2245 = arith.constant 74 : i32
    %swap3A_2246 = arith.index_cast %swap3A_2245 : i32 to index
    %swap3A_2247 = arith.constant 16 : index
    %swap3A_2248 = tpu.vector_load %arg12[%swap3A_2246, %swap3A_2247] {strides = array<i32>} : memref<128x32xf32, #tpu.memory_space<vmem>>, vector<16xf32>,
    tpu.vector_store %arg12[%swap3A_2246, %swap3A_2247], %add3A_2244 {strides = array<i32>} : memref<128x32xf32, #tpu.memory_space<vmem>>, vector<16xf32>,
    %get3A_2249 = arith.constant 75 : i32
    %get3A_2250 = arith.index_cast %get3A_2249 : i32 to index
    %get3A_2251 = arith.constant 0 : index
    %get3A_2252 = tpu.vector_load %arg13[%get3A_2250, %get3A_2251] {strides = array<i32>} : memref<128x32xf32, #tpu.memory_space<vmem>>, vector<16xf32>,
    %get3A_2253 = arith.constant 75 : i32
    %get3A_2254 = arith.index_cast %get3A_2253 : i32 to index
    %get3A_2255 = arith.constant 0 : index
    %get3A_2256 = tpu.vector_load %arg12[%get3A_2254, %get3A_2255] {strides = array<i32>} : memref<128x32xf32, #tpu.memory_space<vmem>>, vector<16xf32>,
    %sub3A_2257 = arith.subf %get3A_2256, %get3A_2252 : vector<16xf32>
    %add3A_2258 = arith.addf %get3A_2252, %sub3A_2257 : vector<16xf32>
    %swap3A_2259 = arith.constant 75 : i32
    %swap3A_2260 = arith.index_cast %swap3A_2259 : i32 to index
    %swap3A_2261 = arith.constant 0 : index
    %swap3A_2262 = tpu.vector_load %arg12[%swap3A_2260, %swap3A_2261] {strides = array<i32>} : memref<128x32xf32, #tpu.memory_space<vmem>>, vector<16xf32>,
    tpu.vector_store %arg12[%swap3A_2260, %swap3A_2261], %add3A_2258 {strides = array<i32>} : memref<128x32xf32, #tpu.memory_space<vmem>>, vector<16xf32>,
    %get3A_2263 = arith.constant 75 : i32
    %get3A_2264 = arith.index_cast %get3A_2263 : i32 to index
    %get3A_2265 = arith.constant 16 : index
    %get3A_2266 = tpu.vector_load %arg13[%get3A_2264, %get3A_2265] {strides = array<i32>} : memref<128x32xf32, #tpu.memory_space<vmem>>, vector<16xf32>,
    %get3A_2267 = arith.constant 75 : i32
    %get3A_2268 = arith.index_cast %get3A_2267 : i32 to index
    %get3A_2269 = arith.constant 16 : index
    %get3A_2270 = tpu.vector_load %arg12[%get3A_2268, %get3A_2269] {strides = array<i32>} : memref<128x32xf32, #tpu.memory_space<vmem>>, vector<16xf32>,
    %sub3A_2271 = arith.subf %get3A_2270, %get3A_2266 : vector<16xf32>
    %add3A_2272 = arith.addf %get3A_2266, %sub3A_2271 : vector<16xf32>
    %swap3A_2273 = arith.constant 75 : i32
    %swap3A_2274 = arith.index_cast %swap3A_2273 : i32 to index
    %swap3A_2275 = arith.constant 16 : index
    %swap3A_2276 = tpu.vector_load %arg12[%swap3A_2274, %swap3A_2275] {strides = array<i32>} : memref<128x32xf32, #tpu.memory_space<vmem>>, vector<16xf32>,
    tpu.vector_store %arg12[%swap3A_2274, %swap3A_2275], %add3A_2272 {strides = array<i32>} : memref<128x32xf32, #tpu.memory_space<vmem>>, vector<16xf32>,
    %get3A_2277 = arith.constant 76 : i32
    %get3A_2278 = arith.index_cast %get3A_2277 : i32 to index
    %get3A_2279 = arith.constant 0 : index
    %get3A_2280 = tpu.vector_load %arg13[%get3A_2278, %get3A_2279] {strides = array<i32>} : memref<128x32xf32, #tpu.memory_space<vmem>>, vector<16xf32>,
    %get3A_2281 = arith.constant 76 : i32
    %get3A_2282 = arith.index_cast %get3A_2281 : i32 to index
    %get3A_2283 = arith.constant 0 : index
    %get3A_2284 = tpu.vector_load %arg12[%get3A_2282, %get3A_2283] {strides = array<i32>} : memref<128x32xf32, #tpu.memory_space<vmem>>, vector<16xf32>,
    %sub3A_2285 = arith.subf %get3A_2284, %get3A_2280 : vector<16xf32>
    %add3A_2286 = arith.addf %get3A_2280, %sub3A_2285 : vector<16xf32>
    %swap3A_2287 = arith.constant 76 : i32
    %swap3A_2288 = arith.index_cast %swap3A_2287 : i32 to index
    %swap3A_2289 = arith.constant 0 : index
    %swap3A_2290 = tpu.vector_load %arg12[%swap3A_2288, %swap3A_2289] {strides = array<i32>} : memref<128x32xf32, #tpu.memory_space<vmem>>, vector<16xf32>,
    tpu.vector_store %arg12[%swap3A_2288, %swap3A_2289], %add3A_2286 {strides = array<i32>} : memref<128x32xf32, #tpu.memory_space<vmem>>, vector<16xf32>,
    %get3A_2291 = arith.constant 76 : i32
    %get3A_2292 = arith.index_cast %get3A_2291 : i32 to index
    %get3A_2293 = arith.constant 16 : index
    %get3A_2294 = tpu.vector_load %arg13[%get3A_2292, %get3A_2293] {strides = array<i32>} : memref<128x32xf32, #tpu.memory_space<vmem>>, vector<16xf32>,
    %get3A_2295 = arith.constant 76 : i32
    %get3A_2296 = arith.index_cast %get3A_2295 : i32 to index
    %get3A_2297 = arith.constant 16 : index
    %get3A_2298 = tpu.vector_load %arg12[%get3A_2296, %get3A_2297] {strides = array<i32>} : memref<128x32xf32, #tpu.memory_space<vmem>>, vector<16xf32>,
    %sub3A_2299 = arith.subf %get3A_2298, %get3A_2294 : vector<16xf32>
    %add3A_2300 = arith.addf %get3A_2294, %sub3A_2299 : vector<16xf32>
    %swap3A_2301 = arith.constant 76 : i32
    %swap3A_2302 = arith.index_cast %swap3A_2301 : i32 to index
    %swap3A_2303 = arith.constant 16 : index
    %swap3A_2304 = tpu.vector_load %arg12[%swap3A_2302, %swap3A_2303] {strides = array<i32>} : memref<128x32xf32, #tpu.memory_space<vmem>>, vector<16xf32>,
    tpu.vector_store %arg12[%swap3A_2302, %swap3A_2303], %add3A_2300 {strides = array<i32>} : memref<128x32xf32, #tpu.memory_space<vmem>>, vector<16xf32>,
    %get3A_2305 = arith.constant 77 : i32
    %get3A_2306 = arith.index_cast %get3A_2305 : i32 to index
    %get3A_2307 = arith.constant 0 : index
    %get3A_2308 = tpu.vector_load %arg13[%get3A_2306, %get3A_2307] {strides = array<i32>} : memref<128x32xf32, #tpu.memory_space<vmem>>, vector<16xf32>,
    %get3A_2309 = arith.constant 77 : i32
    %get3A_2310 = arith.index_cast %get3A_2309 : i32 to index
    %get3A_2311 = arith.constant 0 : index
    %get3A_2312 = tpu.vector_load %arg12[%get3A_2310, %get3A_2311] {strides = array<i32>} : memref<128x32xf32, #tpu.memory_space<vmem>>, vector<16xf32>,
    %sub3A_2313 = arith.subf %get3A_2312, %get3A_2308 : vector<16xf32>
    %add3A_2314 = arith.addf %get3A_2308, %sub3A_2313 : vector<16xf32>
    %swap3A_2315 = arith.constant 77 : i32
    %swap3A_2316 = arith.index_cast %swap3A_2315 : i32 to index
    %swap3A_2317 = arith.constant 0 : index
    %swap3A_2318 = tpu.vector_load %arg12[%swap3A_2316, %swap3A_2317] {strides = array<i32>} : memref<128x32xf32, #tpu.memory_space<vmem>>, vector<16xf32>,
    tpu.vector_store %arg12[%swap3A_2316, %swap3A_2317], %add3A_2314 {strides = array<i32>} : memref<128x32xf32, #tpu.memory_space<vmem>>, vector<16xf32>,
    %get3A_2319 = arith.constant 77 : i32
    %get3A_2320 = arith.index_cast %get3A_2319 : i32 to index
    %get3A_2321 = arith.constant 16 : index
    %get3A_2322 = tpu.vector_load %arg13[%get3A_2320, %get3A_2321] {strides = array<i32>} : memref<128x32xf32, #tpu.memory_space<vmem>>, vector<16xf32>,
    %get3A_2323 = arith.constant 77 : i32
    %get3A_2324 = arith.index_cast %get3A_2323 : i32 to index
    %get3A_2325 = arith.constant 16 : index
    %get3A_2326 = tpu.vector_load %arg12[%get3A_2324, %get3A_2325] {strides = array<i32>} : memref<128x32xf32, #tpu.memory_space<vmem>>, vector<16xf32>,
    %sub3A_2327 = arith.subf %get3A_2326, %get3A_2322 : vector<16xf32>
    %add3A_2328 = arith.addf %get3A_2322, %sub3A_2327 : vector<16xf32>
    %swap3A_2329 = arith.constant 77 : i32
    %swap3A_2330 = arith.index_cast %swap3A_2329 : i32 to index
    %swap3A_2331 = arith.constant 16 : index
    %swap3A_2332 = tpu.vector_load %arg12[%swap3A_2330, %swap3A_2331] {strides = array<i32>} : memref<128x32xf32, #tpu.memory_space<vmem>>, vector<16xf32>,
    tpu.vector_store %arg12[%swap3A_2330, %swap3A_2331], %add3A_2328 {strides = array<i32>} : memref<128x32xf32, #tpu.memory_space<vmem>>, vector<16xf32>,
    %get3A_2333 = arith.constant 78 : i32
    %get3A_2334 = arith.index_cast %get3A_2333 : i32 to index
    %get3A_2335 = arith.constant 0 : index
    %get3A_2336 = tpu.vector_load %arg13[%get3A_2334, %get3A_2335] {strides = array<i32>} : memref<128x32xf32, #tpu.memory_space<vmem>>, vector<16xf32>,
    %get3A_2337 = arith.constant 78 : i32
    %get3A_2338 = arith.index_cast %get3A_2337 : i32 to index
    %get3A_2339 = arith.constant 0 : index
    %get3A_2340 = tpu.vector_load %arg12[%get3A_2338, %get3A_2339] {strides = array<i32>} : memref<128x32xf32, #tpu.memory_space<vmem>>, vector<16xf32>,
    %sub3A_2341 = arith.subf %get3A_2340, %get3A_2336 : vector<16xf32>
    %add3A_2342 = arith.addf %get3A_2336, %sub3A_2341 : vector<16xf32>
    %swap3A_2343 = arith.constant 78 : i32
    %swap3A_2344 = arith.index_cast %swap3A_2343 : i32 to index
    %swap3A_2345 = arith.constant 0 : index
    %swap3A_2346 = tpu.vector_load %arg12[%swap3A_2344, %swap3A_2345] {strides = array<i32>} : memref<128x32xf32, #tpu.memory_space<vmem>>, vector<16xf32>,
    tpu.vector_store %arg12[%swap3A_2344, %swap3A_2345], %add3A_2342 {strides = array<i32>} : memref<128x32xf32, #tpu.memory_space<vmem>>, vector<16xf32>,
    %get3A_2347 = arith.constant 78 : i32
    %get3A_2348 = arith.index_cast %get3A_2347 : i32 to index
    %get3A_2349 = arith.constant 16 : index
    %get3A_2350 = tpu.vector_load %arg13[%get3A_2348, %get3A_2349] {strides = array<i32>} : memref<128x32xf32, #tpu.memory_space<vmem>>, vector<16xf32>,
    %get3A_2351 = arith.constant 78 : i32
    %get3A_2352 = arith.index_cast %get3A_2351 : i32 to index
    %get3A_2353 = arith.constant 16 : index
    %get3A_2354 = tpu.vector_load %arg12[%get3A_2352, %get3A_2353] {strides = array<i32>} : memref<128x32xf32, #tpu.memory_space<vmem>>, vector<16xf32>,
    %sub3A_2355 = arith.subf %get3A_2354, %get3A_2350 : vector<16xf32>
    %add3A_2356 = arith.addf %get3A_2350, %sub3A_2355 : vector<16xf32>
    %swap3A_2357 = arith.constant 78 : i32
    %swap3A_2358 = arith.index_cast %swap3A_2357 : i32 to index
    %swap3A_2359 = arith.constant 16 : index
    %swap3A_2360 = tpu.vector_load %arg12[%swap3A_2358, %swap3A_2359] {strides = array<i32>} : memref<128x32xf32, #tpu.memory_space<vmem>>, vector<16xf32>,
    tpu.vector_store %arg12[%swap3A_2358, %swap3A_2359], %add3A_2356 {strides = array<i32>} : memref<128x32xf32, #tpu.memory_space<vmem>>, vector<16xf32>,
    %get3A_2361 = arith.constant 79 : i32
    %get3A_2362 = arith.index_cast %get3A_2361 : i32 to index
    %get3A_2363 = arith.constant 0 : index
    %get3A_2364 = tpu.vector_load %arg13[%get3A_2362, %get3A_2363] {strides = array<i32>} : memref<128x32xf32, #tpu.memory_space<vmem>>, vector<16xf32>,
    %get3A_2365 = arith.constant 79 : i32
    %get3A_2366 = arith.index_cast %get3A_2365 : i32 to index
    %get3A_2367 = arith.constant 0 : index
    %get3A_2368 = tpu.vector_load %arg12[%get3A_2366, %get3A_2367] {strides = array<i32>} : memref<128x32xf32, #tpu.memory_space<vmem>>, vector<16xf32>,
    %sub3A_2369 = arith.subf %get3A_2368, %get3A_2364 : vector<16xf32>
    %add3A_2370 = arith.addf %get3A_2364, %sub3A_2369 : vector<16xf32>
    %swap3A_2371 = arith.constant 79 : i32
    %swap3A_2372 = arith.index_cast %swap3A_2371 : i32 to index
    %swap3A_2373 = arith.constant 0 : index
    %swap3A_2374 = tpu.vector_load %arg12[%swap3A_2372, %swap3A_2373] {strides = array<i32>} : memref<128x32xf32, #tpu.memory_space<vmem>>, vector<16xf32>,
    tpu.vector_store %arg12[%swap3A_2372, %swap3A_2373], %add3A_2370 {strides = array<i32>} : memref<128x32xf32, #tpu.memory_space<vmem>>, vector<16xf32>,
    %get3A_2375 = arith.constant 79 : i32
    %get3A_2376 = arith.index_cast %get3A_2375 : i32 to index
    %get3A_2377 = arith.constant 16 : index
    %get3A_2378 = tpu.vector_load %arg13[%get3A_2376, %get3A_2377] {strides = array<i32>} : memref<128x32xf32, #tpu.memory_space<vmem>>, vector<16xf32>,
    %get3A_2379 = arith.constant 79 : i32
    %get3A_2380 = arith.index_cast %get3A_2379 : i32 to index
    %get3A_2381 = arith.constant 16 : index
    %get3A_2382 = tpu.vector_load %arg12[%get3A_2380, %get3A_2381] {strides = array<i32>} : memref<128x32xf32, #tpu.memory_space<vmem>>, vector<16xf32>,
    %sub3A_2383 = arith.subf %get3A_2382, %get3A_2378 : vector<16xf32>
    %add3A_2384 = arith.addf %get3A_2378, %sub3A_2383 : vector<16xf32>
    %swap3A_2385 = arith.constant 79 : i32
    %swap3A_2386 = arith.index_cast %swap3A_2385 : i32 to index
    %swap3A_2387 = arith.constant 16 : index
    %swap3A_2388 = tpu.vector_load %arg12[%swap3A_2386, %swap3A_2387] {strides = array<i32>} : memref<128x32xf32, #tpu.memory_space<vmem>>, vector<16xf32>,
    tpu.vector_store %arg12[%swap3A_2386, %swap3A_2387], %add3A_2384 {strides = array<i32>} : memref<128x32xf32, #tpu.memory_space<vmem>>, vector<16xf32>,
    %get3A_2389 = arith.constant 80 : i32
    %get3A_2390 = arith.index_cast %get3A_2389 : i32 to index
    %get3A_2391 = arith.constant 0 : index
    %get3A_2392 = tpu.vector_load %arg13[%get3A_2390, %get3A_2391] {strides = array<i32>} : memref<128x32xf32, #tpu.memory_space<vmem>>, vector<16xf32>,
    %get3A_2393 = arith.constant 80 : i32
    %get3A_2394 = arith.index_cast %get3A_2393 : i32 to index
    %get3A_2395 = arith.constant 0 : index
    %get3A_2396 = tpu.vector_load %arg12[%get3A_2394, %get3A_2395] {strides = array<i32>} : memref<128x32xf32, #tpu.memory_space<vmem>>, vector<16xf32>,
    %sub3A_2397 = arith.subf %get3A_2396, %get3A_2392 : vector<16xf32>
    %add3A_2398 = arith.addf %get3A_2392, %sub3A_2397 : vector<16xf32>
    %swap3A_2399 = arith.constant 80 : i32
    %swap3A_2400 = arith.index_cast %swap3A_2399 : i32 to index
    %swap3A_2401 = arith.constant 0 : index
    %swap3A_2402 = tpu.vector_load %arg12[%swap3A_2400, %swap3A_2401] {strides = array<i32>} : memref<128x32xf32, #tpu.memory_space<vmem>>, vector<16xf32>,
    tpu.vector_store %arg12[%swap3A_2400, %swap3A_2401], %add3A_2398 {strides = array<i32>} : memref<128x32xf32, #tpu.memory_space<vmem>>, vector<16xf32>,
    %get3A_2403 = arith.constant 80 : i32
    %get3A_2404 = arith.index_cast %get3A_2403 : i32 to index
    %get3A_2405 = arith.constant 16 : index
    %get3A_2406 = tpu.vector_load %arg13[%get3A_2404, %get3A_2405] {strides = array<i32>} : memref<128x32xf32, #tpu.memory_space<vmem>>, vector<16xf32>,
    %get3A_2407 = arith.constant 80 : i32
    %get3A_2408 = arith.index_cast %get3A_2407 : i32 to index
    %get3A_2409 = arith.constant 16 : index
    %get3A_2410 = tpu.vector_load %arg12[%get3A_2408, %get3A_2409] {strides = array<i32>} : memref<128x32xf32, #tpu.memory_space<vmem>>, vector<16xf32>,
    %sub3A_2411 = arith.subf %get3A_2410, %get3A_2406 : vector<16xf32>
    %add3A_2412 = arith.addf %get3A_2406, %sub3A_2411 : vector<16xf32>
    %swap3A_2413 = arith.constant 80 : i32
    %swap3A_2414 = arith.index_cast %swap3A_2413 : i32 to index
    %swap3A_2415 = arith.constant 16 : index
    %swap3A_2416 = tpu.vector_load %arg12[%swap3A_2414, %swap3A_2415] {strides = array<i32>} : memref<128x32xf32, #tpu.memory_space<vmem>>, vector<16xf32>,
    tpu.vector_store %arg12[%swap3A_2414, %swap3A_2415], %add3A_2412 {strides = array<i32>} : memref<128x32xf32, #tpu.memory_space<vmem>>, vector<16xf32>,
    %get3A_2417 = arith.constant 81 : i32
    %get3A_2418 = arith.index_cast %get3A_2417 : i32 to index
    %get3A_2419 = arith.constant 0 : index
    %get3A_2420 = tpu.vector_load %arg13[%get3A_2418, %get3A_2419] {strides = array<i32>} : memref<128x32xf32, #tpu.memory_space<vmem>>, vector<16xf32>,
    %get3A_2421 = arith.constant 81 : i32
    %get3A_2422 = arith.index_cast %get3A_2421 : i32 to index
    %get3A_2423 = arith.constant 0 : index
    %get3A_2424 = tpu.vector_load %arg12[%get3A_2422, %get3A_2423] {strides = array<i32>} : memref<128x32xf32, #tpu.memory_space<vmem>>, vector<16xf32>,
    %sub3A_2425 = arith.subf %get3A_2424, %get3A_2420 : vector<16xf32>
    %add3A_2426 = arith.addf %get3A_2420, %sub3A_2425 : vector<16xf32>
    %swap3A_2427 = arith.constant 81 : i32
    %swap3A_2428 = arith.index_cast %swap3A_2427 : i32 to index
    %swap3A_2429 = arith.constant 0 : index
    %swap3A_2430 = tpu.vector_load %arg12[%swap3A_2428, %swap3A_2429] {strides = array<i32>} : memref<128x32xf32, #tpu.memory_space<vmem>>, vector<16xf32>,
    tpu.vector_store %arg12[%swap3A_2428, %swap3A_2429], %add3A_2426 {strides = array<i32>} : memref<128x32xf32, #tpu.memory_space<vmem>>, vector<16xf32>,
    %get3A_2431 = arith.constant 81 : i32
    %get3A_2432 = arith.index_cast %get3A_2431 : i32 to index
    %get3A_2433 = arith.constant 16 : index
    %get3A_2434 = tpu.vector_load %arg13[%get3A_2432, %get3A_2433] {strides = array<i32>} : memref<128x32xf32, #tpu.memory_space<vmem>>, vector<16xf32>,
    %get3A_2435 = arith.constant 81 : i32
    %get3A_2436 = arith.index_cast %get3A_2435 : i32 to index
    %get3A_2437 = arith.constant 16 : index
    %get3A_2438 = tpu.vector_load %arg12[%get3A_2436, %get3A_2437] {strides = array<i32>} : memref<128x32xf32, #tpu.memory_space<vmem>>, vector<16xf32>,
    %sub3A_2439 = arith.subf %get3A_2438, %get3A_2434 : vector<16xf32>
    %add3A_2440 = arith.addf %get3A_2434, %sub3A_2439 : vector<16xf32>
    %swap3A_2441 = arith.constant 81 : i32
    %swap3A_2442 = arith.index_cast %swap3A_2441 : i32 to index
    %swap3A_2443 = arith.constant 16 : index
    %swap3A_2444 = tpu.vector_load %arg12[%swap3A_2442, %swap3A_2443] {strides = array<i32>} : memref<128x32xf32, #tpu.memory_space<vmem>>, vector<16xf32>,
    tpu.vector_store %arg12[%swap3A_2442, %swap3A_2443], %add3A_2440 {strides = array<i32>} : memref<128x32xf32, #tpu.memory_space<vmem>>, vector<16xf32>,
    %get3A_2445 = arith.constant 82 : i32
    %get3A_2446 = arith.index_cast %get3A_2445 : i32 to index
    %get3A_2447 = arith.constant 0 : index
    %get3A_2448 = tpu.vector_load %arg13[%get3A_2446, %get3A_2447] {strides = array<i32>} : memref<128x32xf32, #tpu.memory_space<vmem>>, vector<16xf32>,
    %get3A_2449 = arith.constant 82 : i32
    %get3A_2450 = arith.index_cast %get3A_2449 : i32 to index
    %get3A_2451 = arith.constant 0 : index
    %get3A_2452 = tpu.vector_load %arg12[%get3A_2450, %get3A_2451] {strides = array<i32>} : memref<128x32xf32, #tpu.memory_space<vmem>>, vector<16xf32>,
    %sub3A_2453 = arith.subf %get3A_2452, %get3A_2448 : vector<16xf32>
    %add3A_2454 = arith.addf %get3A_2448, %sub3A_2453 : vector<16xf32>
    %swap3A_2455 = arith.constant 82 : i32
    %swap3A_2456 = arith.index_cast %swap3A_2455 : i32 to index
    %swap3A_2457 = arith.constant 0 : index
    %swap3A_2458 = tpu.vector_load %arg12[%swap3A_2456, %swap3A_2457] {strides = array<i32>} : memref<128x32xf32, #tpu.memory_space<vmem>>, vector<16xf32>,
    tpu.vector_store %arg12[%swap3A_2456, %swap3A_2457], %add3A_2454 {strides = array<i32>} : memref<128x32xf32, #tpu.memory_space<vmem>>, vector<16xf32>,
    %get3A_2459 = arith.constant 82 : i32
    %get3A_2460 = arith.index_cast %get3A_2459 : i32 to index
    %get3A_2461 = arith.constant 16 : index
    %get3A_2462 = tpu.vector_load %arg13[%get3A_2460, %get3A_2461] {strides = array<i32>} : memref<128x32xf32, #tpu.memory_space<vmem>>, vector<16xf32>,
    %get3A_2463 = arith.constant 82 : i32
    %get3A_2464 = arith.index_cast %get3A_2463 : i32 to index
    %get3A_2465 = arith.constant 16 : index
    %get3A_2466 = tpu.vector_load %arg12[%get3A_2464, %get3A_2465] {strides = array<i32>} : memref<128x32xf32, #tpu.memory_space<vmem>>, vector<16xf32>,
    %sub3A_2467 = arith.subf %get3A_2466, %get3A_2462 : vector<16xf32>
    %add3A_2468 = arith.addf %get3A_2462, %sub3A_2467 : vector<16xf32>
    %swap3A_2469 = arith.constant 82 : i32
    %swap3A_2470 = arith.index_cast %swap3A_2469 : i32 to index
    %swap3A_2471 = arith.constant 16 : index
    %swap3A_2472 = tpu.vector_load %arg12[%swap3A_2470, %swap3A_2471] {strides = array<i32>} : memref<128x32xf32, #tpu.memory_space<vmem>>, vector<16xf32>,
    tpu.vector_store %arg12[%swap3A_2470, %swap3A_2471], %add3A_2468 {strides = array<i32>} : memref<128x32xf32, #tpu.memory_space<vmem>>, vector<16xf32>,
    %get3A_2473 = arith.constant 83 : i32
    %get3A_2474 = arith.index_cast %get3A_2473 : i32 to index
    %get3A_2475 = arith.constant 0 : index
    %get3A_2476 = tpu.vector_load %arg13[%get3A_2474, %get3A_2475] {strides = array<i32>} : memref<128x32xf32, #tpu.memory_space<vmem>>, vector<16xf32>,
    %get3A_2477 = arith.constant 83 : i32
    %get3A_2478 = arith.index_cast %get3A_2477 : i32 to index
    %get3A_2479 = arith.constant 0 : index
    %get3A_2480 = tpu.vector_load %arg12[%get3A_2478, %get3A_2479] {strides = array<i32>} : memref<128x32xf32, #tpu.memory_space<vmem>>, vector<16xf32>,
    %sub3A_2481 = arith.subf %get3A_2480, %get3A_2476 : vector<16xf32>
    %add3A_2482 = arith.addf %get3A_2476, %sub3A_2481 : vector<16xf32>
    %swap3A_2483 = arith.constant 83 : i32
    %swap3A_2484 = arith.index_cast %swap3A_2483 : i32 to index
    %swap3A_2485 = arith.constant 0 : index
    %swap3A_2486 = tpu.vector_load %arg12[%swap3A_2484, %swap3A_2485] {strides = array<i32>} : memref<128x32xf32, #tpu.memory_space<vmem>>, vector<16xf32>,
    tpu.vector_store %arg12[%swap3A_2484, %swap3A_2485], %add3A_2482 {strides = array<i32>} : memref<128x32xf32, #tpu.memory_space<vmem>>, vector<16xf32>,
    %get3A_2487 = arith.constant 83 : i32
    %get3A_2488 = arith.index_cast %get3A_2487 : i32 to index
    %get3A_2489 = arith.constant 16 : index
    %get3A_2490 = tpu.vector_load %arg13[%get3A_2488, %get3A_2489] {strides = array<i32>} : memref<128x32xf32, #tpu.memory_space<vmem>>, vector<16xf32>,
    %get3A_2491 = arith.constant 83 : i32
    %get3A_2492 = arith.index_cast %get3A_2491 : i32 to index
    %get3A_2493 = arith.constant 16 : index
    %get3A_2494 = tpu.vector_load %arg12[%get3A_2492, %get3A_2493] {strides = array<i32>} : memref<128x32xf32, #tpu.memory_space<vmem>>, vector<16xf32>,
    %sub3A_2495 = arith.subf %get3A_2494, %get3A_2490 : vector<16xf32>
    %add3A_2496 = arith.addf %get3A_2490, %sub3A_2495 : vector<16xf32>
    %swap3A_2497 = arith.constant 83 : i32
    %swap3A_2498 = arith.index_cast %swap3A_2497 : i32 to index
    %swap3A_2499 = arith.constant 16 : index
    %swap3A_2500 = tpu.vector_load %arg12[%swap3A_2498, %swap3A_2499] {strides = array<i32>} : memref<128x32xf32, #tpu.memory_space<vmem>>, vector<16xf32>,
    tpu.vector_store %arg12[%swap3A_2498, %swap3A_2499], %add3A_2496 {strides = array<i32>} : memref<128x32xf32, #tpu.memory_space<vmem>>, vector<16xf32>,
    %get3A_2501 = arith.constant 84 : i32
    %get3A_2502 = arith.index_cast %get3A_2501 : i32 to index
    %get3A_2503 = arith.constant 0 : index
    %get3A_2504 = tpu.vector_load %arg13[%get3A_2502, %get3A_2503] {strides = array<i32>} : memref<128x32xf32, #tpu.memory_space<vmem>>, vector<16xf32>,
    %get3A_2505 = arith.constant 84 : i32
    %get3A_2506 = arith.index_cast %get3A_2505 : i32 to index
    %get3A_2507 = arith.constant 0 : index
    %get3A_2508 = tpu.vector_load %arg12[%get3A_2506, %get3A_2507] {strides = array<i32>} : memref<128x32xf32, #tpu.memory_space<vmem>>, vector<16xf32>,
    %sub3A_2509 = arith.subf %get3A_2508, %get3A_2504 : vector<16xf32>
    %add3A_2510 = arith.addf %get3A_2504, %sub3A_2509 : vector<16xf32>
    %swap3A_2511 = arith.constant 84 : i32
    %swap3A_2512 = arith.index_cast %swap3A_2511 : i32 to index
    %swap3A_2513 = arith.constant 0 : index
    %swap3A_2514 = tpu.vector_load %arg12[%swap3A_2512, %swap3A_2513] {strides = array<i32>} : memref<128x32xf32, #tpu.memory_space<vmem>>, vector<16xf32>,
    tpu.vector_store %arg12[%swap3A_2512, %swap3A_2513], %add3A_2510 {strides = array<i32>} : memref<128x32xf32, #tpu.memory_space<vmem>>, vector<16xf32>,
    %get3A_2515 = arith.constant 84 : i32
    %get3A_2516 = arith.index_cast %get3A_2515 : i32 to index
    %get3A_2517 = arith.constant 16 : index
    %get3A_2518 = tpu.vector_load %arg13[%get3A_2516, %get3A_2517] {strides = array<i32>} : memref<128x32xf32, #tpu.memory_space<vmem>>, vector<16xf32>,
    %get3A_2519 = arith.constant 84 : i32
    %get3A_2520 = arith.index_cast %get3A_2519 : i32 to index
    %get3A_2521 = arith.constant 16 : index
    %get3A_2522 = tpu.vector_load %arg12[%get3A_2520, %get3A_2521] {strides = array<i32>} : memref<128x32xf32, #tpu.memory_space<vmem>>, vector<16xf32>,
    %sub3A_2523 = arith.subf %get3A_2522, %get3A_2518 : vector<16xf32>
    %add3A_2524 = arith.addf %get3A_2518, %sub3A_2523 : vector<16xf32>
    %swap3A_2525 = arith.constant 84 : i32
    %swap3A_2526 = arith.index_cast %swap3A_2525 : i32 to index
    %swap3A_2527 = arith.constant 16 : index
    %swap3A_2528 = tpu.vector_load %arg12[%swap3A_2526, %swap3A_2527] {strides = array<i32>} : memref<128x32xf32, #tpu.memory_space<vmem>>, vector<16xf32>,
    tpu.vector_store %arg12[%swap3A_2526, %swap3A_2527], %add3A_2524 {strides = array<i32>} : memref<128x32xf32, #tpu.memory_space<vmem>>, vector<16xf32>,
    %get3A_2529 = arith.constant 85 : i32
    %get3A_2530 = arith.index_cast %get3A_2529 : i32 to index
    %get3A_2531 = arith.constant 0 : index
    %get3A_2532 = tpu.vector_load %arg13[%get3A_2530, %get3A_2531] {strides = array<i32>} : memref<128x32xf32, #tpu.memory_space<vmem>>, vector<16xf32>,
    %get3A_2533 = arith.constant 85 : i32
    %get3A_2534 = arith.index_cast %get3A_2533 : i32 to index
    %get3A_2535 = arith.constant 0 : index
    %get3A_2536 = tpu.vector_load %arg12[%get3A_2534, %get3A_2535] {strides = array<i32>} : memref<128x32xf32, #tpu.memory_space<vmem>>, vector<16xf32>,
    %sub3A_2537 = arith.subf %get3A_2536, %get3A_2532 : vector<16xf32>
    %add3A_2538 = arith.addf %get3A_2532, %sub3A_2537 : vector<16xf32>
    %swap3A_2539 = arith.constant 85 : i32
    %swap3A_2540 = arith.index_cast %swap3A_2539 : i32 to index
    %swap3A_2541 = arith.constant 0 : index
    %swap3A_2542 = tpu.vector_load %arg12[%swap3A_2540, %swap3A_2541] {strides = array<i32>} : memref<128x32xf32, #tpu.memory_space<vmem>>, vector<16xf32>,
    tpu.vector_store %arg12[%swap3A_2540, %swap3A_2541], %add3A_2538 {strides = array<i32>} : memref<128x32xf32, #tpu.memory_space<vmem>>, vector<16xf32>,
    %get3A_2543 = arith.constant 85 : i32
    %get3A_2544 = arith.index_cast %get3A_2543 : i32 to index
    %get3A_2545 = arith.constant 16 : index
    %get3A_2546 = tpu.vector_load %arg13[%get3A_2544, %get3A_2545] {strides = array<i32>} : memref<128x32xf32, #tpu.memory_space<vmem>>, vector<16xf32>,
    %get3A_2547 = arith.constant 85 : i32
    %get3A_2548 = arith.index_cast %get3A_2547 : i32 to index
    %get3A_2549 = arith.constant 16 : index
    %get3A_2550 = tpu.vector_load %arg12[%get3A_2548, %get3A_2549] {strides = array<i32>} : memref<128x32xf32, #tpu.memory_space<vmem>>, vector<16xf32>,
    %sub3A_2551 = arith.subf %get3A_2550, %get3A_2546 : vector<16xf32>
    %add3A_2552 = arith.addf %get3A_2546, %sub3A_2551 : vector<16xf32>
    %swap3A_2553 = arith.constant 85 : i32
    %swap3A_2554 = arith.index_cast %swap3A_2553 : i32 to index
    %swap3A_2555 = arith.constant 16 : index
    %swap3A_2556 = tpu.vector_load %arg12[%swap3A_2554, %swap3A_2555] {strides = array<i32>} : memref<128x32xf32, #tpu.memory_space<vmem>>, vector<16xf32>,
    tpu.vector_store %arg12[%swap3A_2554, %swap3A_2555], %add3A_2552 {strides = array<i32>} : memref<128x32xf32, #tpu.memory_space<vmem>>, vector<16xf32>,
    %get3A_2557 = arith.constant 86 : i32
    %get3A_2558 = arith.index_cast %get3A_2557 : i32 to index
    %get3A_2559 = arith.constant 0 : index
    %get3A_2560 = tpu.vector_load %arg13[%get3A_2558, %get3A_2559] {strides = array<i32>} : memref<128x32xf32, #tpu.memory_space<vmem>>, vector<16xf32>,
    %get3A_2561 = arith.constant 86 : i32
    %get3A_2562 = arith.index_cast %get3A_2561 : i32 to index
    %get3A_2563 = arith.constant 0 : index
    %get3A_2564 = tpu.vector_load %arg12[%get3A_2562, %get3A_2563] {strides = array<i32>} : memref<128x32xf32, #tpu.memory_space<vmem>>, vector<16xf32>,
    %sub3A_2565 = arith.subf %get3A_2564, %get3A_2560 : vector<16xf32>
    %add3A_2566 = arith.addf %get3A_2560, %sub3A_2565 : vector<16xf32>
    %swap3A_2567 = arith.constant 86 : i32
    %swap3A_2568 = arith.index_cast %swap3A_2567 : i32 to index
    %swap3A_2569 = arith.constant 0 : index
    %swap3A_2570 = tpu.vector_load %arg12[%swap3A_2568, %swap3A_2569] {strides = array<i32>} : memref<128x32xf32, #tpu.memory_space<vmem>>, vector<16xf32>,
    tpu.vector_store %arg12[%swap3A_2568, %swap3A_2569], %add3A_2566 {strides = array<i32>} : memref<128x32xf32, #tpu.memory_space<vmem>>, vector<16xf32>,
    %get3A_2571 = arith.constant 86 : i32
    %get3A_2572 = arith.index_cast %get3A_2571 : i32 to index
    %get3A_2573 = arith.constant 16 : index
    %get3A_2574 = tpu.vector_load %arg13[%get3A_2572, %get3A_2573] {strides = array<i32>} : memref<128x32xf32, #tpu.memory_space<vmem>>, vector<16xf32>,
    %get3A_2575 = arith.constant 86 : i32
    %get3A_2576 = arith.index_cast %get3A_2575 : i32 to index
    %get3A_2577 = arith.constant 16 : index
    %get3A_2578 = tpu.vector_load %arg12[%get3A_2576, %get3A_2577] {strides = array<i32>} : memref<128x32xf32, #tpu.memory_space<vmem>>, vector<16xf32>,
    %sub3A_2579 = arith.subf %get3A_2578, %get3A_2574 : vector<16xf32>
    %add3A_2580 = arith.addf %get3A_2574, %sub3A_2579 : vector<16xf32>
    %swap3A_2581 = arith.constant 86 : i32
    %swap3A_2582 = arith.index_cast %swap3A_2581 : i32 to index
    %swap3A_2583 = arith.constant 16 : index
    %swap3A_2584 = tpu.vector_load %arg12[%swap3A_2582, %swap3A_2583] {strides = array<i32>} : memref<128x32xf32, #tpu.memory_space<vmem>>, vector<16xf32>,
    tpu.vector_store %arg12[%swap3A_2582, %swap3A_2583], %add3A_2580 {strides = array<i32>} : memref<128x32xf32, #tpu.memory_space<vmem>>, vector<16xf32>,
    %get3A_2585 = arith.constant 87 : i32
    %get3A_2586 = arith.index_cast %get3A_2585 : i32 to index
    %get3A_2587 = arith.constant 0 : index
    %get3A_2588 = tpu.vector_load %arg13[%get3A_2586, %get3A_2587] {strides = array<i32>} : memref<128x32xf32, #tpu.memory_space<vmem>>, vector<16xf32>,
    %get3A_2589 = arith.constant 87 : i32
    %get3A_2590 = arith.index_cast %get3A_2589 : i32 to index
    %get3A_2591 = arith.constant 0 : index
    %get3A_2592 = tpu.vector_load %arg12[%get3A_2590, %get3A_2591] {strides = array<i32>} : memref<128x32xf32, #tpu.memory_space<vmem>>, vector<16xf32>,
    %sub3A_2593 = arith.subf %get3A_2592, %get3A_2588 : vector<16xf32>
    %add3A_2594 = arith.addf %get3A_2588, %sub3A_2593 : vector<16xf32>
    %swap3A_2595 = arith.constant 87 : i32
    %swap3A_2596 = arith.index_cast %swap3A_2595 : i32 to index
    %swap3A_2597 = arith.constant 0 : index
    %swap3A_2598 = tpu.vector_load %arg12[%swap3A_2596, %swap3A_2597] {strides = array<i32>} : memref<128x32xf32, #tpu.memory_space<vmem>>, vector<16xf32>,
    tpu.vector_store %arg12[%swap3A_2596, %swap3A_2597], %add3A_2594 {strides = array<i32>} : memref<128x32xf32, #tpu.memory_space<vmem>>, vector<16xf32>,
    %get3A_2599 = arith.constant 87 : i32
    %get3A_2600 = arith.index_cast %get3A_2599 : i32 to index
    %get3A_2601 = arith.constant 16 : index
    %get3A_2602 = tpu.vector_load %arg13[%get3A_2600, %get3A_2601] {strides = array<i32>} : memref<128x32xf32, #tpu.memory_space<vmem>>, vector<16xf32>,
    %get3A_2603 = arith.constant 87 : i32
    %get3A_2604 = arith.index_cast %get3A_2603 : i32 to index
    %get3A_2605 = arith.constant 16 : index
    %get3A_2606 = tpu.vector_load %arg12[%get3A_2604, %get3A_2605] {strides = array<i32>} : memref<128x32xf32, #tpu.memory_space<vmem>>, vector<16xf32>,
    %sub3A_2607 = arith.subf %get3A_2606, %get3A_2602 : vector<16xf32>
    %add3A_2608 = arith.addf %get3A_2602, %sub3A_2607 : vector<16xf32>
    %swap3A_2609 = arith.constant 87 : i32
    %swap3A_2610 = arith.index_cast %swap3A_2609 : i32 to index
    %swap3A_2611 = arith.constant 16 : index
    %swap3A_2612 = tpu.vector_load %arg12[%swap3A_2610, %swap3A_2611] {strides = array<i32>} : memref<128x32xf32, #tpu.memory_space<vmem>>, vector<16xf32>,
    tpu.vector_store %arg12[%swap3A_2610, %swap3A_2611], %add3A_2608 {strides = array<i32>} : memref<128x32xf32, #tpu.memory_space<vmem>>, vector<16xf32>,
    %get3A_2613 = arith.constant 88 : i32
    %get3A_2614 = arith.index_cast %get3A_2613 : i32 to index
    %get3A_2615 = arith.constant 0 : index
    %get3A_2616 = tpu.vector_load %arg13[%get3A_2614, %get3A_2615] {strides = array<i32>} : memref<128x32xf32, #tpu.memory_space<vmem>>, vector<16xf32>,
    %get3A_2617 = arith.constant 88 : i32
    %get3A_2618 = arith.index_cast %get3A_2617 : i32 to index
    %get3A_2619 = arith.constant 0 : index
    %get3A_2620 = tpu.vector_load %arg12[%get3A_2618, %get3A_2619] {strides = array<i32>} : memref<128x32xf32, #tpu.memory_space<vmem>>, vector<16xf32>,
    %sub3A_2621 = arith.subf %get3A_2620, %get3A_2616 : vector<16xf32>
    %add3A_2622 = arith.addf %get3A_2616, %sub3A_2621 : vector<16xf32>
    %swap3A_2623 = arith.constant 88 : i32
    %swap3A_2624 = arith.index_cast %swap3A_2623 : i32 to index
    %swap3A_2625 = arith.constant 0 : index
    %swap3A_2626 = tpu.vector_load %arg12[%swap3A_2624, %swap3A_2625] {strides = array<i32>} : memref<128x32xf32, #tpu.memory_space<vmem>>, vector<16xf32>,
    tpu.vector_store %arg12[%swap3A_2624, %swap3A_2625], %add3A_2622 {strides = array<i32>} : memref<128x32xf32, #tpu.memory_space<vmem>>, vector<16xf32>,
    %get3A_2627 = arith.constant 88 : i32
    %get3A_2628 = arith.index_cast %get3A_2627 : i32 to index
    %get3A_2629 = arith.constant 16 : index
    %get3A_2630 = tpu.vector_load %arg13[%get3A_2628, %get3A_2629] {strides = array<i32>} : memref<128x32xf32, #tpu.memory_space<vmem>>, vector<16xf32>,
    %get3A_2631 = arith.constant 88 : i32
    %get3A_2632 = arith.index_cast %get3A_2631 : i32 to index
    %get3A_2633 = arith.constant 16 : index
    %get3A_2634 = tpu.vector_load %arg12[%get3A_2632, %get3A_2633] {strides = array<i32>} : memref<128x32xf32, #tpu.memory_space<vmem>>, vector<16xf32>,
    %sub3A_2635 = arith.subf %get3A_2634, %get3A_2630 : vector<16xf32>
    %add3A_2636 = arith.addf %get3A_2630, %sub3A_2635 : vector<16xf32>
    %swap3A_2637 = arith.constant 88 : i32
    %swap3A_2638 = arith.index_cast %swap3A_2637 : i32 to index
    %swap3A_2639 = arith.constant 16 : index
    %swap3A_2640 = tpu.vector_load %arg12[%swap3A_2638, %swap3A_2639] {strides = array<i32>} : memref<128x32xf32, #tpu.memory_space<vmem>>, vector<16xf32>,
    tpu.vector_store %arg12[%swap3A_2638, %swap3A_2639], %add3A_2636 {strides = array<i32>} : memref<128x32xf32, #tpu.memory_space<vmem>>, vector<16xf32>,
    %get3A_2641 = arith.constant 89 : i32
    %get3A_2642 = arith.index_cast %get3A_2641 : i32 to index
    %get3A_2643 = arith.constant 0 : index
    %get3A_2644 = tpu.vector_load %arg13[%get3A_2642, %get3A_2643] {strides = array<i32>} : memref<128x32xf32, #tpu.memory_space<vmem>>, vector<16xf32>,
    %get3A_2645 = arith.constant 89 : i32
    %get3A_2646 = arith.index_cast %get3A_2645 : i32 to index
    %get3A_2647 = arith.constant 0 : index
    %get3A_2648 = tpu.vector_load %arg12[%get3A_2646, %get3A_2647] {strides = array<i32>} : memref<128x32xf32, #tpu.memory_space<vmem>>, vector<16xf32>,
    %sub3A_2649 = arith.subf %get3A_2648, %get3A_2644 : vector<16xf32>
    %add3A_2650 = arith.addf %get3A_2644, %sub3A_2649 : vector<16xf32>
    %swap3A_2651 = arith.constant 89 : i32
    %swap3A_2652 = arith.index_cast %swap3A_2651 : i32 to index
    %swap3A_2653 = arith.constant 0 : index
    %swap3A_2654 = tpu.vector_load %arg12[%swap3A_2652, %swap3A_2653] {strides = array<i32>} : memref<128x32xf32, #tpu.memory_space<vmem>>, vector<16xf32>,
    tpu.vector_store %arg12[%swap3A_2652, %swap3A_2653], %add3A_2650 {strides = array<i32>} : memref<128x32xf32, #tpu.memory_space<vmem>>, vector<16xf32>,
    %get3A_2655 = arith.constant 89 : i32
    %get3A_2656 = arith.index_cast %get3A_2655 : i32 to index
    %get3A_2657 = arith.constant 16 : index
    %get3A_2658 = tpu.vector_load %arg13[%get3A_2656, %get3A_2657] {strides = array<i32>} : memref<128x32xf32, #tpu.memory_space<vmem>>, vector<16xf32>,
    %get3A_2659 = arith.constant 89 : i32
    %get3A_2660 = arith.index_cast %get3A_2659 : i32 to index
    %get3A_2661 = arith.constant 16 : index
    %get3A_2662 = tpu.vector_load %arg12[%get3A_2660, %get3A_2661] {strides = array<i32>} : memref<128x32xf32, #tpu.memory_space<vmem>>, vector<16xf32>,
    %sub3A_2663 = arith.subf %get3A_2662, %get3A_2658 : vector<16xf32>
    %add3A_2664 = arith.addf %get3A_2658, %sub3A_2663 : vector<16xf32>
    %swap3A_2665 = arith.constant 89 : i32
    %swap3A_2666 = arith.index_cast %swap3A_2665 : i32 to index
    %swap3A_2667 = arith.constant 16 : index
    %swap3A_2668 = tpu.vector_load %arg12[%swap3A_2666, %swap3A_2667] {strides = array<i32>} : memref<128x32xf32, #tpu.memory_space<vmem>>, vector<16xf32>,
    tpu.vector_store %arg12[%swap3A_2666, %swap3A_2667], %add3A_2664 {strides = array<i32>} : memref<128x32xf32, #tpu.memory_space<vmem>>, vector<16xf32>,
    %get3A_2669 = arith.constant 90 : i32
    %get3A_2670 = arith.index_cast %get3A_2669 : i32 to index
    %get3A_2671 = arith.constant 0 : index
    %get3A_2672 = tpu.vector_load %arg13[%get3A_2670, %get3A_2671] {strides = array<i32>} : memref<128x32xf32, #tpu.memory_space<vmem>>, vector<16xf32>,
    %get3A_2673 = arith.constant 90 : i32
    %get3A_2674 = arith.index_cast %get3A_2673 : i32 to index
    %get3A_2675 = arith.constant 0 : index
    %get3A_2676 = tpu.vector_load %arg12[%get3A_2674, %get3A_2675] {strides = array<i32>} : memref<128x32xf32, #tpu.memory_space<vmem>>, vector<16xf32>,
    %sub3A_2677 = arith.subf %get3A_2676, %get3A_2672 : vector<16xf32>
    %add3A_2678 = arith.addf %get3A_2672, %sub3A_2677 : vector<16xf32>
    %swap3A_2679 = arith.constant 90 : i32
    %swap3A_2680 = arith.index_cast %swap3A_2679 : i32 to index
    %swap3A_2681 = arith.constant 0 : index
    %swap3A_2682 = tpu.vector_load %arg12[%swap3A_2680, %swap3A_2681] {strides = array<i32>} : memref<128x32xf32, #tpu.memory_space<vmem>>, vector<16xf32>,
    tpu.vector_store %arg12[%swap3A_2680, %swap3A_2681], %add3A_2678 {strides = array<i32>} : memref<128x32xf32, #tpu.memory_space<vmem>>, vector<16xf32>,
    %get3A_2683 = arith.constant 90 : i32
    %get3A_2684 = arith.index_cast %get3A_2683 : i32 to index
    %get3A_2685 = arith.constant 16 : index
    %get3A_2686 = tpu.vector_load %arg13[%get3A_2684, %get3A_2685] {strides = array<i32>} : memref<128x32xf32, #tpu.memory_space<vmem>>, vector<16xf32>,
    %get3A_2687 = arith.constant 90 : i32
    %get3A_2688 = arith.index_cast %get3A_2687 : i32 to index
    %get3A_2689 = arith.constant 16 : index
    %get3A_2690 = tpu.vector_load %arg12[%get3A_2688, %get3A_2689] {strides = array<i32>} : memref<128x32xf32, #tpu.memory_space<vmem>>, vector<16xf32>,
    %sub3A_2691 = arith.subf %get3A_2690, %get3A_2686 : vector<16xf32>
    %add3A_2692 = arith.addf %get3A_2686, %sub3A_2691 : vector<16xf32>
    %swap3A_2693 = arith.constant 90 : i32
    %swap3A_2694 = arith.index_cast %swap3A_2693 : i32 to index
    %swap3A_2695 = arith.constant 16 : index
    %swap3A_2696 = tpu.vector_load %arg12[%swap3A_2694, %swap3A_2695] {strides = array<i32>} : memref<128x32xf32, #tpu.memory_space<vmem>>, vector<16xf32>,
    tpu.vector_store %arg12[%swap3A_2694, %swap3A_2695], %add3A_2692 {strides = array<i32>} : memref<128x32xf32, #tpu.memory_space<vmem>>, vector<16xf32>,
    %get3A_2697 = arith.constant 91 : i32
    %get3A_2698 = arith.index_cast %get3A_2697 : i32 to index
    %get3A_2699 = arith.constant 0 : index
    %get3A_2700 = tpu.vector_load %arg13[%get3A_2698, %get3A_2699] {strides = array<i32>} : memref<128x32xf32, #tpu.memory_space<vmem>>, vector<16xf32>,
    %get3A_2701 = arith.constant 91 : i32
    %get3A_2702 = arith.index_cast %get3A_2701 : i32 to index
    %get3A_2703 = arith.constant 0 : index
    %get3A_2704 = tpu.vector_load %arg12[%get3A_2702, %get3A_2703] {strides = array<i32>} : memref<128x32xf32, #tpu.memory_space<vmem>>, vector<16xf32>,
    %sub3A_2705 = arith.subf %get3A_2704, %get3A_2700 : vector<16xf32>
    %add3A_2706 = arith.addf %get3A_2700, %sub3A_2705 : vector<16xf32>
    %swap3A_2707 = arith.constant 91 : i32
    %swap3A_2708 = arith.index_cast %swap3A_2707 : i32 to index
    %swap3A_2709 = arith.constant 0 : index
    %swap3A_2710 = tpu.vector_load %arg12[%swap3A_2708, %swap3A_2709] {strides = array<i32>} : memref<128x32xf32, #tpu.memory_space<vmem>>, vector<16xf32>,
    tpu.vector_store %arg12[%swap3A_2708, %swap3A_2709], %add3A_2706 {strides = array<i32>} : memref<128x32xf32, #tpu.memory_space<vmem>>, vector<16xf32>,
    %get3A_2711 = arith.constant 91 : i32
    %get3A_2712 = arith.index_cast %get3A_2711 : i32 to index
    %get3A_2713 = arith.constant 16 : index
    %get3A_2714 = tpu.vector_load %arg13[%get3A_2712, %get3A_2713] {strides = array<i32>} : memref<128x32xf32, #tpu.memory_space<vmem>>, vector<16xf32>,
    %get3A_2715 = arith.constant 91 : i32
    %get3A_2716 = arith.index_cast %get3A_2715 : i32 to index
    %get3A_2717 = arith.constant 16 : index
    %get3A_2718 = tpu.vector_load %arg12[%get3A_2716, %get3A_2717] {strides = array<i32>} : memref<128x32xf32, #tpu.memory_space<vmem>>, vector<16xf32>,
    %sub3A_2719 = arith.subf %get3A_2718, %get3A_2714 : vector<16xf32>
    %add3A_2720 = arith.addf %get3A_2714, %sub3A_2719 : vector<16xf32>
    %swap3A_2721 = arith.constant 91 : i32
    %swap3A_2722 = arith.index_cast %swap3A_2721 : i32 to index
    %swap3A_2723 = arith.constant 16 : index
    %swap3A_2724 = tpu.vector_load %arg12[%swap3A_2722, %swap3A_2723] {strides = array<i32>} : memref<128x32xf32, #tpu.memory_space<vmem>>, vector<16xf32>,
    tpu.vector_store %arg12[%swap3A_2722, %swap3A_2723], %add3A_2720 {strides = array<i32>} : memref<128x32xf32, #tpu.memory_space<vmem>>, vector<16xf32>,
    %get3A_2725 = arith.constant 92 : i32
    %get3A_2726 = arith.index_cast %get3A_2725 : i32 to index
    %get3A_2727 = arith.constant 0 : index
    %get3A_2728 = tpu.vector_load %arg13[%get3A_2726, %get3A_2727] {strides = array<i32>} : memref<128x32xf32, #tpu.memory_space<vmem>>, vector<16xf32>,
    %get3A_2729 = arith.constant 92 : i32
    %get3A_2730 = arith.index_cast %get3A_2729 : i32 to index
    %get3A_2731 = arith.constant 0 : index
    %get3A_2732 = tpu.vector_load %arg12[%get3A_2730, %get3A_2731] {strides = array<i32>} : memref<128x32xf32, #tpu.memory_space<vmem>>, vector<16xf32>,
    %sub3A_2733 = arith.subf %get3A_2732, %get3A_2728 : vector<16xf32>
    %add3A_2734 = arith.addf %get3A_2728, %sub3A_2733 : vector<16xf32>
    %swap3A_2735 = arith.constant 92 : i32
    %swap3A_2736 = arith.index_cast %swap3A_2735 : i32 to index
    %swap3A_2737 = arith.constant 0 : index
    %swap3A_2738 = tpu.vector_load %arg12[%swap3A_2736, %swap3A_2737] {strides = array<i32>} : memref<128x32xf32, #tpu.memory_space<vmem>>, vector<16xf32>,
    tpu.vector_store %arg12[%swap3A_2736, %swap3A_2737], %add3A_2734 {strides = array<i32>} : memref<128x32xf32, #tpu.memory_space<vmem>>, vector<16xf32>,
    %get3A_2739 = arith.constant 92 : i32
    %get3A_2740 = arith.index_cast %get3A_2739 : i32 to index
    %get3A_2741 = arith.constant 16 : index
    %get3A_2742 = tpu.vector_load %arg13[%get3A_2740, %get3A_2741] {strides = array<i32>} : memref<128x32xf32, #tpu.memory_space<vmem>>, vector<16xf32>,
    %get3A_2743 = arith.constant 92 : i32
    %get3A_2744 = arith.index_cast %get3A_2743 : i32 to index
    %get3A_2745 = arith.constant 16 : index
    %get3A_2746 = tpu.vector_load %arg12[%get3A_2744, %get3A_2745] {strides = array<i32>} : memref<128x32xf32, #tpu.memory_space<vmem>>, vector<16xf32>,
    %sub3A_2747 = arith.subf %get3A_2746, %get3A_2742 : vector<16xf32>
    %add3A_2748 = arith.addf %get3A_2742, %sub3A_2747 : vector<16xf32>
    %swap3A_2749 = arith.constant 92 : i32
    %swap3A_2750 = arith.index_cast %swap3A_2749 : i32 to index
    %swap3A_2751 = arith.constant 16 : index
    %swap3A_2752 = tpu.vector_load %arg12[%swap3A_2750, %swap3A_2751] {strides = array<i32>} : memref<128x32xf32, #tpu.memory_space<vmem>>, vector<16xf32>,
    tpu.vector_store %arg12[%swap3A_2750, %swap3A_2751], %add3A_2748 {strides = array<i32>} : memref<128x32xf32, #tpu.memory_space<vmem>>, vector<16xf32>,
    %get3A_2753 = arith.constant 93 : i32
    %get3A_2754 = arith.index_cast %get3A_2753 : i32 to index
    %get3A_2755 = arith.constant 0 : index
    %get3A_2756 = tpu.vector_load %arg13[%get3A_2754, %get3A_2755] {strides = array<i32>} : memref<128x32xf32, #tpu.memory_space<vmem>>, vector<16xf32>,
    %get3A_2757 = arith.constant 93 : i32
    %get3A_2758 = arith.index_cast %get3A_2757 : i32 to index
    %get3A_2759 = arith.constant 0 : index
    %get3A_2760 = tpu.vector_load %arg12[%get3A_2758, %get3A_2759] {strides = array<i32>} : memref<128x32xf32, #tpu.memory_space<vmem>>, vector<16xf32>,
    %sub3A_2761 = arith.subf %get3A_2760, %get3A_2756 : vector<16xf32>
    %add3A_2762 = arith.addf %get3A_2756, %sub3A_2761 : vector<16xf32>
    %swap3A_2763 = arith.constant 93 : i32
    %swap3A_2764 = arith.index_cast %swap3A_2763 : i32 to index
    %swap3A_2765 = arith.constant 0 : index
    %swap3A_2766 = tpu.vector_load %arg12[%swap3A_2764, %swap3A_2765] {strides = array<i32>} : memref<128x32xf32, #tpu.memory_space<vmem>>, vector<16xf32>,
    tpu.vector_store %arg12[%swap3A_2764, %swap3A_2765], %add3A_2762 {strides = array<i32>} : memref<128x32xf32, #tpu.memory_space<vmem>>, vector<16xf32>,
    %get3A_2767 = arith.constant 93 : i32
    %get3A_2768 = arith.index_cast %get3A_2767 : i32 to index
    %get3A_2769 = arith.constant 16 : index
    %get3A_2770 = tpu.vector_load %arg13[%get3A_2768, %get3A_2769] {strides = array<i32>} : memref<128x32xf32, #tpu.memory_space<vmem>>, vector<16xf32>,
    %get3A_2771 = arith.constant 93 : i32
    %get3A_2772 = arith.index_cast %get3A_2771 : i32 to index
    %get3A_2773 = arith.constant 16 : index
    %get3A_2774 = tpu.vector_load %arg12[%get3A_2772, %get3A_2773] {strides = array<i32>} : memref<128x32xf32, #tpu.memory_space<vmem>>, vector<16xf32>,
    %sub3A_2775 = arith.subf %get3A_2774, %get3A_2770 : vector<16xf32>
    %add3A_2776 = arith.addf %get3A_2770, %sub3A_2775 : vector<16xf32>
    %swap3A_2777 = arith.constant 93 : i32
    %swap3A_2778 = arith.index_cast %swap3A_2777 : i32 to index
    %swap3A_2779 = arith.constant 16 : index
    %swap3A_2780 = tpu.vector_load %arg12[%swap3A_2778, %swap3A_2779] {strides = array<i32>} : memref<128x32xf32, #tpu.memory_space<vmem>>, vector<16xf32>,
    tpu.vector_store %arg12[%swap3A_2778, %swap3A_2779], %add3A_2776 {strides = array<i32>} : memref<128x32xf32, #tpu.memory_space<vmem>>, vector<16xf32>,
    %get3A_2781 = arith.constant 94 : i32
    %get3A_2782 = arith.index_cast %get3A_2781 : i32 to index
    %get3A_2783 = arith.constant 0 : index
    %get3A_2784 = tpu.vector_load %arg13[%get3A_2782, %get3A_2783] {strides = array<i32>} : memref<128x32xf32, #tpu.memory_space<vmem>>, vector<16xf32>,
    %get3A_2785 = arith.constant 94 : i32
    %get3A_2786 = arith.index_cast %get3A_2785 : i32 to index
    %get3A_2787 = arith.constant 0 : index
    %get3A_2788 = tpu.vector_load %arg12[%get3A_2786, %get3A_2787] {strides = array<i32>} : memref<128x32xf32, #tpu.memory_space<vmem>>, vector<16xf32>,
    %sub3A_2789 = arith.subf %get3A_2788, %get3A_2784 : vector<16xf32>
    %add3A_2790 = arith.addf %get3A_2784, %sub3A_2789 : vector<16xf32>
    %swap3A_2791 = arith.constant 94 : i32
    %swap3A_2792 = arith.index_cast %swap3A_2791 : i32 to index
    %swap3A_2793 = arith.constant 0 : index
    %swap3A_2794 = tpu.vector_load %arg12[%swap3A_2792, %swap3A_2793] {strides = array<i32>} : memref<128x32xf32, #tpu.memory_space<vmem>>, vector<16xf32>,
    tpu.vector_store %arg12[%swap3A_2792, %swap3A_2793], %add3A_2790 {strides = array<i32>} : memref<128x32xf32, #tpu.memory_space<vmem>>, vector<16xf32>,
    %get3A_2795 = arith.constant 94 : i32
    %get3A_2796 = arith.index_cast %get3A_2795 : i32 to index
    %get3A_2797 = arith.constant 16 : index
    %get3A_2798 = tpu.vector_load %arg13[%get3A_2796, %get3A_2797] {strides = array<i32>} : memref<128x32xf32, #tpu.memory_space<vmem>>, vector<16xf32>,
    %get3A_2799 = arith.constant 94 : i32
    %get3A_2800 = arith.index_cast %get3A_2799 : i32 to index
    %get3A_2801 = arith.constant 16 : index
    %get3A_2802 = tpu.vector_load %arg12[%get3A_2800, %get3A_2801] {strides = array<i32>} : memref<128x32xf32, #tpu.memory_space<vmem>>, vector<16xf32>,
    %sub3A_2803 = arith.subf %get3A_2802, %get3A_2798 : vector<16xf32>
    %add3A_2804 = arith.addf %get3A_2798, %sub3A_2803 : vector<16xf32>
    %swap3A_2805 = arith.constant 94 : i32
    %swap3A_2806 = arith.index_cast %swap3A_2805 : i32 to index
    %swap3A_2807 = arith.constant 16 : index
    %swap3A_2808 = tpu.vector_load %arg12[%swap3A_2806, %swap3A_2807] {strides = array<i32>} : memref<128x32xf32, #tpu.memory_space<vmem>>, vector<16xf32>,
    tpu.vector_store %arg12[%swap3A_2806, %swap3A_2807], %add3A_2804 {strides = array<i32>} : memref<128x32xf32, #tpu.memory_space<vmem>>, vector<16xf32>,
    %get3A_2809 = arith.constant 95 : i32
    %get3A_2810 = arith.index_cast %get3A_2809 : i32 to index
    %get3A_2811 = arith.constant 0 : index
    %get3A_2812 = tpu.vector_load %arg13[%get3A_2810, %get3A_2811] {strides = array<i32>} : memref<128x32xf32, #tpu.memory_space<vmem>>, vector<16xf32>,
    %get3A_2813 = arith.constant 95 : i32
    %get3A_2814 = arith.index_cast %get3A_2813 : i32 to index
    %get3A_2815 = arith.constant 0 : index
    %get3A_2816 = tpu.vector_load %arg12[%get3A_2814, %get3A_2815] {strides = array<i32>} : memref<128x32xf32, #tpu.memory_space<vmem>>, vector<16xf32>,
    %sub3A_2817 = arith.subf %get3A_2816, %get3A_2812 : vector<16xf32>
    %add3A_2818 = arith.addf %get3A_2812, %sub3A_2817 : vector<16xf32>
    %swap3A_2819 = arith.constant 95 : i32
    %swap3A_2820 = arith.index_cast %swap3A_2819 : i32 to index
    %swap3A_2821 = arith.constant 0 : index
    %swap3A_2822 = tpu.vector_load %arg12[%swap3A_2820, %swap3A_2821] {strides = array<i32>} : memref<128x32xf32, #tpu.memory_space<vmem>>, vector<16xf32>,
    tpu.vector_store %arg12[%swap3A_2820, %swap3A_2821], %add3A_2818 {strides = array<i32>} : memref<128x32xf32, #tpu.memory_space<vmem>>, vector<16xf32>,
    %get3A_2823 = arith.constant 95 : i32
    %get3A_2824 = arith.index_cast %get3A_2823 : i32 to index
    %get3A_2825 = arith.constant 16 : index
    %get3A_2826 = tpu.vector_load %arg13[%get3A_2824, %get3A_2825] {strides = array<i32>} : memref<128x32xf32, #tpu.memory_space<vmem>>, vector<16xf32>,
    %get3A_2827 = arith.constant 95 : i32
    %get3A_2828 = arith.index_cast %get3A_2827 : i32 to index
    %get3A_2829 = arith.constant 16 : index
    %get3A_2830 = tpu.vector_load %arg12[%get3A_2828, %get3A_2829] {strides = array<i32>} : memref<128x32xf32, #tpu.memory_space<vmem>>, vector<16xf32>,
    %sub3A_2831 = arith.subf %get3A_2830, %get3A_2826 : vector<16xf32>
    %add3A_2832 = arith.addf %get3A_2826, %sub3A_2831 : vector<16xf32>
    %swap3A_2833 = arith.constant 95 : i32
    %swap3A_2834 = arith.index_cast %swap3A_2833 : i32 to index
    %swap3A_2835 = arith.constant 16 : index
    %swap3A_2836 = tpu.vector_load %arg12[%swap3A_2834, %swap3A_2835] {strides = array<i32>} : memref<128x32xf32, #tpu.memory_space<vmem>>, vector<16xf32>,
    tpu.vector_store %arg12[%swap3A_2834, %swap3A_2835], %add3A_2832 {strides = array<i32>} : memref<128x32xf32, #tpu.memory_space<vmem>>, vector<16xf32>,
    %get3A_2837 = arith.constant 96 : i32
    %get3A_2838 = arith.index_cast %get3A_2837 : i32 to index
    %get3A_2839 = arith.constant 0 : index
    %get3A_2840 = tpu.vector_load %arg13[%get3A_2838, %get3A_2839] {strides = array<i32>} : memref<128x32xf32, #tpu.memory_space<vmem>>, vector<16xf32>,
    %get3A_2841 = arith.constant 96 : i32
    %get3A_2842 = arith.index_cast %get3A_2841 : i32 to index
    %get3A_2843 = arith.constant 0 : index
    %get3A_2844 = tpu.vector_load %arg12[%get3A_2842, %get3A_2843] {strides = array<i32>} : memref<128x32xf32, #tpu.memory_space<vmem>>, vector<16xf32>,
    %sub3A_2845 = arith.subf %get3A_2844, %get3A_2840 : vector<16xf32>
    %add3A_2846 = arith.addf %get3A_2840, %sub3A_2845 : vector<16xf32>
    %swap3A_2847 = arith.constant 96 : i32
    %swap3A_2848 = arith.index_cast %swap3A_2847 : i32 to index
    %swap3A_2849 = arith.constant 0 : index
    %swap3A_2850 = tpu.vector_load %arg12[%swap3A_2848, %swap3A_2849] {strides = array<i32>} : memref<128x32xf32, #tpu.memory_space<vmem>>, vector<16xf32>,
    tpu.vector_store %arg12[%swap3A_2848, %swap3A_2849], %add3A_2846 {strides = array<i32>} : memref<128x32xf32, #tpu.memory_space<vmem>>, vector<16xf32>,
    %get3A_2851 = arith.constant 96 : i32
    %get3A_2852 = arith.index_cast %get3A_2851 : i32 to index
    %get3A_2853 = arith.constant 16 : index
    %get3A_2854 = tpu.vector_load %arg13[%get3A_2852, %get3A_2853] {strides = array<i32>} : memref<128x32xf32, #tpu.memory_space<vmem>>, vector<16xf32>,
    %get3A_2855 = arith.constant 96 : i32
    %get3A_2856 = arith.index_cast %get3A_2855 : i32 to index
    %get3A_2857 = arith.constant 16 : index
    %get3A_2858 = tpu.vector_load %arg12[%get3A_2856, %get3A_2857] {strides = array<i32>} : memref<128x32xf32, #tpu.memory_space<vmem>>, vector<16xf32>,
    %sub3A_2859 = arith.subf %get3A_2858, %get3A_2854 : vector<16xf32>
    %add3A_2860 = arith.addf %get3A_2854, %sub3A_2859 : vector<16xf32>
    %swap3A_2861 = arith.constant 96 : i32
    %swap3A_2862 = arith.index_cast %swap3A_2861 : i32 to index
    %swap3A_2863 = arith.constant 16 : index
    %swap3A_2864 = tpu.vector_load %arg12[%swap3A_2862, %swap3A_2863] {strides = array<i32>} : memref<128x32xf32, #tpu.memory_space<vmem>>, vector<16xf32>,
    tpu.vector_store %arg12[%swap3A_2862, %swap3A_2863], %add3A_2860 {strides = array<i32>} : memref<128x32xf32, #tpu.memory_space<vmem>>, vector<16xf32>,
    %get3A_2865 = arith.constant 97 : i32
    %get3A_2866 = arith.index_cast %get3A_2865 : i32 to index
    %get3A_2867 = arith.constant 0 : index
    %get3A_2868 = tpu.vector_load %arg13[%get3A_2866, %get3A_2867] {strides = array<i32>} : memref<128x32xf32, #tpu.memory_space<vmem>>, vector<16xf32>,
    %get3A_2869 = arith.constant 97 : i32
    %get3A_2870 = arith.index_cast %get3A_2869 : i32 to index
    %get3A_2871 = arith.constant 0 : index
    %get3A_2872 = tpu.vector_load %arg12[%get3A_2870, %get3A_2871] {strides = array<i32>} : memref<128x32xf32, #tpu.memory_space<vmem>>, vector<16xf32>,
    %sub3A_2873 = arith.subf %get3A_2872, %get3A_2868 : vector<16xf32>
    %add3A_2874 = arith.addf %get3A_2868, %sub3A_2873 : vector<16xf32>
    %swap3A_2875 = arith.constant 97 : i32
    %swap3A_2876 = arith.index_cast %swap3A_2875 : i32 to index
    %swap3A_2877 = arith.constant 0 : index
    %swap3A_2878 = tpu.vector_load %arg12[%swap3A_2876, %swap3A_2877] {strides = array<i32>} : memref<128x32xf32, #tpu.memory_space<vmem>>, vector<16xf32>,
    tpu.vector_store %arg12[%swap3A_2876, %swap3A_2877], %add3A_2874 {strides = array<i32>} : memref<128x32xf32, #tpu.memory_space<vmem>>, vector<16xf32>,
    %get3A_2879 = arith.constant 97 : i32
    %get3A_2880 = arith.index_cast %get3A_2879 : i32 to index
    %get3A_2881 = arith.constant 16 : index
    %get3A_2882 = tpu.vector_load %arg13[%get3A_2880, %get3A_2881] {strides = array<i32>} : memref<128x32xf32, #tpu.memory_space<vmem>>, vector<16xf32>,
    %get3A_2883 = arith.constant 97 : i32
    %get3A_2884 = arith.index_cast %get3A_2883 : i32 to index
    %get3A_2885 = arith.constant 16 : index
    %get3A_2886 = tpu.vector_load %arg12[%get3A_2884, %get3A_2885] {strides = array<i32>} : memref<128x32xf32, #tpu.memory_space<vmem>>, vector<16xf32>,
    %sub3A_2887 = arith.subf %get3A_2886, %get3A_2882 : vector<16xf32>
    %add3A_2888 = arith.addf %get3A_2882, %sub3A_2887 : vector<16xf32>
    %swap3A_2889 = arith.constant 97 : i32
    %swap3A_2890 = arith.index_cast %swap3A_2889 : i32 to index
    %swap3A_2891 = arith.constant 16 : index
    %swap3A_2892 = tpu.vector_load %arg12[%swap3A_2890, %swap3A_2891] {strides = array<i32>} : memref<128x32xf32, #tpu.memory_space<vmem>>, vector<16xf32>,
    tpu.vector_store %arg12[%swap3A_2890, %swap3A_2891], %add3A_2888 {strides = array<i32>} : memref<128x32xf32, #tpu.memory_space<vmem>>, vector<16xf32>,
    %get3A_2893 = arith.constant 98 : i32
    %get3A_2894 = arith.index_cast %get3A_2893 : i32 to index
    %get3A_2895 = arith.constant 0 : index
    %get3A_2896 = tpu.vector_load %arg13[%get3A_2894, %get3A_2895] {strides = array<i32>} : memref<128x32xf32, #tpu.memory_space<vmem>>, vector<16xf32>,
    %get3A_2897 = arith.constant 98 : i32
    %get3A_2898 = arith.index_cast %get3A_2897 : i32 to index
    %get3A_2899 = arith.constant 0 : index
    %get3A_2900 = tpu.vector_load %arg12[%get3A_2898, %get3A_2899] {strides = array<i32>} : memref<128x32xf32, #tpu.memory_space<vmem>>, vector<16xf32>,
    %sub3A_2901 = arith.subf %get3A_2900, %get3A_2896 : vector<16xf32>
    %add3A_2902 = arith.addf %get3A_2896, %sub3A_2901 : vector<16xf32>
    %swap3A_2903 = arith.constant 98 : i32
    %swap3A_2904 = arith.index_cast %swap3A_2903 : i32 to index
    %swap3A_2905 = arith.constant 0 : index
    %swap3A_2906 = tpu.vector_load %arg12[%swap3A_2904, %swap3A_2905] {strides = array<i32>} : memref<128x32xf32, #tpu.memory_space<vmem>>, vector<16xf32>,
    tpu.vector_store %arg12[%swap3A_2904, %swap3A_2905], %add3A_2902 {strides = array<i32>} : memref<128x32xf32, #tpu.memory_space<vmem>>, vector<16xf32>,
    %get3A_2907 = arith.constant 98 : i32
    %get3A_2908 = arith.index_cast %get3A_2907 : i32 to index
    %get3A_2909 = arith.constant 16 : index
    %get3A_2910 = tpu.vector_load %arg13[%get3A_2908, %get3A_2909] {strides = array<i32>} : memref<128x32xf32, #tpu.memory_space<vmem>>, vector<16xf32>,
    %get3A_2911 = arith.constant 98 : i32
    %get3A_2912 = arith.index_cast %get3A_2911 : i32 to index
    %get3A_2913 = arith.constant 16 : index
    %get3A_2914 = tpu.vector_load %arg12[%get3A_2912, %get3A_2913] {strides = array<i32>} : memref<128x32xf32, #tpu.memory_space<vmem>>, vector<16xf32>,
    %sub3A_2915 = arith.subf %get3A_2914, %get3A_2910 : vector<16xf32>
    %add3A_2916 = arith.addf %get3A_2910, %sub3A_2915 : vector<16xf32>
    %swap3A_2917 = arith.constant 98 : i32
    %swap3A_2918 = arith.index_cast %swap3A_2917 : i32 to index
    %swap3A_2919 = arith.constant 16 : index
    %swap3A_2920 = tpu.vector_load %arg12[%swap3A_2918, %swap3A_2919] {strides = array<i32>} : memref<128x32xf32, #tpu.memory_space<vmem>>, vector<16xf32>,
    tpu.vector_store %arg12[%swap3A_2918, %swap3A_2919], %add3A_2916 {strides = array<i32>} : memref<128x32xf32, #tpu.memory_space<vmem>>, vector<16xf32>,
    %get3A_2921 = arith.constant 99 : i32
    %get3A_2922 = arith.index_cast %get3A_2921 : i32 to index
    %get3A_2923 = arith.constant 0 : index
    %get3A_2924 = tpu.vector_load %arg13[%get3A_2922, %get3A_2923] {strides = array<i32>} : memref<128x32xf32, #tpu.memory_space<vmem>>, vector<16xf32>,
    %get3A_2925 = arith.constant 99 : i32
    %get3A_2926 = arith.index_cast %get3A_2925 : i32 to index
    %get3A_2927 = arith.constant 0 : index
    %get3A_2928 = tpu.vector_load %arg12[%get3A_2926, %get3A_2927] {strides = array<i32>} : memref<128x32xf32, #tpu.memory_space<vmem>>, vector<16xf32>,
    %sub3A_2929 = arith.subf %get3A_2928, %get3A_2924 : vector<16xf32>
    %add3A_2930 = arith.addf %get3A_2924, %sub3A_2929 : vector<16xf32>
    %swap3A_2931 = arith.constant 99 : i32
    %swap3A_2932 = arith.index_cast %swap3A_2931 : i32 to index
    %swap3A_2933 = arith.constant 0 : index
    %swap3A_2934 = tpu.vector_load %arg12[%swap3A_2932, %swap3A_2933] {strides = array<i32>} : memref<128x32xf32, #tpu.memory_space<vmem>>, vector<16xf32>,
    tpu.vector_store %arg12[%swap3A_2932, %swap3A_2933], %add3A_2930 {strides = array<i32>} : memref<128x32xf32, #tpu.memory_space<vmem>>, vector<16xf32>,
    %get3A_2935 = arith.constant 99 : i32
    %get3A_2936 = arith.index_cast %get3A_2935 : i32 to index
    %get3A_2937 = arith.constant 16 : index
    %get3A_2938 = tpu.vector_load %arg13[%get3A_2936, %get3A_2937] {strides = array<i32>} : memref<128x32xf32, #tpu.memory_space<vmem>>, vector<16xf32>,
    %get3A_2939 = arith.constant 99 : i32
    %get3A_2940 = arith.index_cast %get3A_2939 : i32 to index
    %get3A_2941 = arith.constant 16 : index
    %get3A_2942 = tpu.vector_load %arg12[%get3A_2940, %get3A_2941] {strides = array<i32>} : memref<128x32xf32, #tpu.memory_space<vmem>>, vector<16xf32>,
    %sub3A_2943 = arith.subf %get3A_2942, %get3A_2938 : vector<16xf32>
    %add3A_2944 = arith.addf %get3A_2938, %sub3A_2943 : vector<16xf32>
    %swap3A_2945 = arith.constant 99 : i32
    %swap3A_2946 = arith.index_cast %swap3A_2945 : i32 to index
    %swap3A_2947 = arith.constant 16 : index
    %swap3A_2948 = tpu.vector_load %arg12[%swap3A_2946, %swap3A_2947] {strides = array<i32>} : memref<128x32xf32, #tpu.memory_space<vmem>>, vector<16xf32>,
    tpu.vector_store %arg12[%swap3A_2946, %swap3A_2947], %add3A_2944 {strides = array<i32>} : memref<128x32xf32, #tpu.memory_space<vmem>>, vector<16xf32>,
    %get3A_2949 = arith.constant 100 : i32
    %get3A_2950 = arith.index_cast %get3A_2949 : i32 to index
    %get3A_2951 = arith.constant 0 : index
    %get3A_2952 = tpu.vector_load %arg13[%get3A_2950, %get3A_2951] {strides = array<i32>} : memref<128x32xf32, #tpu.memory_space<vmem>>, vector<16xf32>,
    %get3A_2953 = arith.constant 100 : i32
    %get3A_2954 = arith.index_cast %get3A_2953 : i32 to index
    %get3A_2955 = arith.constant 0 : index
    %get3A_2956 = tpu.vector_load %arg12[%get3A_2954, %get3A_2955] {strides = array<i32>} : memref<128x32xf32, #tpu.memory_space<vmem>>, vector<16xf32>,
    %sub3A_2957 = arith.subf %get3A_2956, %get3A_2952 : vector<16xf32>
    %add3A_2958 = arith.addf %get3A_2952, %sub3A_2957 : vector<16xf32>
    %swap3A_2959 = arith.constant 100 : i32
    %swap3A_2960 = arith.index_cast %swap3A_2959 : i32 to index
    %swap3A_2961 = arith.constant 0 : index
    %swap3A_2962 = tpu.vector_load %arg12[%swap3A_2960, %swap3A_2961] {strides = array<i32>} : memref<128x32xf32, #tpu.memory_space<vmem>>, vector<16xf32>,
    tpu.vector_store %arg12[%swap3A_2960, %swap3A_2961], %add3A_2958 {strides = array<i32>} : memref<128x32xf32, #tpu.memory_space<vmem>>, vector<16xf32>,
    %get3A_2963 = arith.constant 100 : i32
    %get3A_2964 = arith.index_cast %get3A_2963 : i32 to index
    %get3A_2965 = arith.constant 16 : index
    %get3A_2966 = tpu.vector_load %arg13[%get3A_2964, %get3A_2965] {strides = array<i32>} : memref<128x32xf32, #tpu.memory_space<vmem>>, vector<16xf32>,
    %get3A_2967 = arith.constant 100 : i32
    %get3A_2968 = arith.index_cast %get3A_2967 : i32 to index
    %get3A_2969 = arith.constant 16 : index
    %get3A_2970 = tpu.vector_load %arg12[%get3A_2968, %get3A_2969] {strides = array<i32>} : memref<128x32xf32, #tpu.memory_space<vmem>>, vector<16xf32>,
    %sub3A_2971 = arith.subf %get3A_2970, %get3A_2966 : vector<16xf32>
    %add3A_2972 = arith.addf %get3A_2966, %sub3A_2971 : vector<16xf32>
    %swap3A_2973 = arith.constant 100 : i32
    %swap3A_2974 = arith.index_cast %swap3A_2973 : i32 to index
    %swap3A_2975 = arith.constant 16 : index
    %swap3A_2976 = tpu.vector_load %arg12[%swap3A_2974, %swap3A_2975] {strides = array<i32>} : memref<128x32xf32, #tpu.memory_space<vmem>>, vector<16xf32>,
    tpu.vector_store %arg12[%swap3A_2974, %swap3A_2975], %add3A_2972 {strides = array<i32>} : memref<128x32xf32, #tpu.memory_space<vmem>>, vector<16xf32>,
    %get3A_2977 = arith.constant 101 : i32
    %get3A_2978 = arith.index_cast %get3A_2977 : i32 to index
    %get3A_2979 = arith.constant 0 : index
    %get3A_2980 = tpu.vector_load %arg13[%get3A_2978, %get3A_2979] {strides = array<i32>} : memref<128x32xf32, #tpu.memory_space<vmem>>, vector<16xf32>,
    %get3A_2981 = arith.constant 101 : i32
    %get3A_2982 = arith.index_cast %get3A_2981 : i32 to index
    %get3A_2983 = arith.constant 0 : index
    %get3A_2984 = tpu.vector_load %arg12[%get3A_2982, %get3A_2983] {strides = array<i32>} : memref<128x32xf32, #tpu.memory_space<vmem>>, vector<16xf32>,
    %sub3A_2985 = arith.subf %get3A_2984, %get3A_2980 : vector<16xf32>
    %add3A_2986 = arith.addf %get3A_2980, %sub3A_2985 : vector<16xf32>
    %swap3A_2987 = arith.constant 101 : i32
    %swap3A_2988 = arith.index_cast %swap3A_2987 : i32 to index
    %swap3A_2989 = arith.constant 0 : index
    %swap3A_2990 = tpu.vector_load %arg12[%swap3A_2988, %swap3A_2989] {strides = array<i32>} : memref<128x32xf32, #tpu.memory_space<vmem>>, vector<16xf32>,
    tpu.vector_store %arg12[%swap3A_2988, %swap3A_2989], %add3A_2986 {strides = array<i32>} : memref<128x32xf32, #tpu.memory_space<vmem>>, vector<16xf32>,
    %get3A_2991 = arith.constant 101 : i32
    %get3A_2992 = arith.index_cast %get3A_2991 : i32 to index
    %get3A_2993 = arith.constant 16 : index
    %get3A_2994 = tpu.vector_load %arg13[%get3A_2992, %get3A_2993] {strides = array<i32>} : memref<128x32xf32, #tpu.memory_space<vmem>>, vector<16xf32>,
    %get3A_2995 = arith.constant 101 : i32
    %get3A_2996 = arith.index_cast %get3A_2995 : i32 to index
    %get3A_2997 = arith.constant 16 : index
    %get3A_2998 = tpu.vector_load %arg12[%get3A_2996, %get3A_2997] {strides = array<i32>} : memref<128x32xf32, #tpu.memory_space<vmem>>, vector<16xf32>,
    %sub3A_2999 = arith.subf %get3A_2998, %get3A_2994 : vector<16xf32>
    %add3A_3000 = arith.addf %get3A_2994, %sub3A_2999 : vector<16xf32>
    %swap3A_3001 = arith.constant 101 : i32
    %swap3A_3002 = arith.index_cast %swap3A_3001 : i32 to index
    %swap3A_3003 = arith.constant 16 : index
    %swap3A_3004 = tpu.vector_load %arg12[%swap3A_3002, %swap3A_3003] {strides = array<i32>} : memref<128x32xf32, #tpu.memory_space<vmem>>, vector<16xf32>,
    tpu.vector_store %arg12[%swap3A_3002, %swap3A_3003], %add3A_3000 {strides = array<i32>} : memref<128x32xf32, #tpu.memory_space<vmem>>, vector<16xf32>,
    %get3A_3005 = arith.constant 102 : i32
    %get3A_3006 = arith.index_cast %get3A_3005 : i32 to index
    %get3A_3007 = arith.constant 0 : index
    %get3A_3008 = tpu.vector_load %arg13[%get3A_3006, %get3A_3007] {strides = array<i32>} : memref<128x32xf32, #tpu.memory_space<vmem>>, vector<16xf32>,
    %get3A_3009 = arith.constant 102 : i32
    %get3A_3010 = arith.index_cast %get3A_3009 : i32 to index
    %get3A_3011 = arith.constant 0 : index
    %get3A_3012 = tpu.vector_load %arg12[%get3A_3010, %get3A_3011] {strides = array<i32>} : memref<128x32xf32, #tpu.memory_space<vmem>>, vector<16xf32>,
    %sub3A_3013 = arith.subf %get3A_3012, %get3A_3008 : vector<16xf32>
    %add3A_3014 = arith.addf %get3A_3008, %sub3A_3013 : vector<16xf32>
    %swap3A_3015 = arith.constant 102 : i32
    %swap3A_3016 = arith.index_cast %swap3A_3015 : i32 to index
    %swap3A_3017 = arith.constant 0 : index
    %swap3A_3018 = tpu.vector_load %arg12[%swap3A_3016, %swap3A_3017] {strides = array<i32>} : memref<128x32xf32, #tpu.memory_space<vmem>>, vector<16xf32>,
    tpu.vector_store %arg12[%swap3A_3016, %swap3A_3017], %add3A_3014 {strides = array<i32>} : memref<128x32xf32, #tpu.memory_space<vmem>>, vector<16xf32>,
    %get3A_3019 = arith.constant 102 : i32
    %get3A_3020 = arith.index_cast %get3A_3019 : i32 to index
    %get3A_3021 = arith.constant 16 : index
    %get3A_3022 = tpu.vector_load %arg13[%get3A_3020, %get3A_3021] {strides = array<i32>} : memref<128x32xf32, #tpu.memory_space<vmem>>, vector<16xf32>,
    %get3A_3023 = arith.constant 102 : i32
    %get3A_3024 = arith.index_cast %get3A_3023 : i32 to index
    %get3A_3025 = arith.constant 16 : index
    %get3A_3026 = tpu.vector_load %arg12[%get3A_3024, %get3A_3025] {strides = array<i32>} : memref<128x32xf32, #tpu.memory_space<vmem>>, vector<16xf32>,
    %sub3A_3027 = arith.subf %get3A_3026, %get3A_3022 : vector<16xf32>
    %add3A_3028 = arith.addf %get3A_3022, %sub3A_3027 : vector<16xf32>
    %swap3A_3029 = arith.constant 102 : i32
    %swap3A_3030 = arith.index_cast %swap3A_3029 : i32 to index
    %swap3A_3031 = arith.constant 16 : index
    %swap3A_3032 = tpu.vector_load %arg12[%swap3A_3030, %swap3A_3031] {strides = array<i32>} : memref<128x32xf32, #tpu.memory_space<vmem>>, vector<16xf32>,
    tpu.vector_store %arg12[%swap3A_3030, %swap3A_3031], %add3A_3028 {strides = array<i32>} : memref<128x32xf32, #tpu.memory_space<vmem>>, vector<16xf32>,
    %get3A_3033 = arith.constant 103 : i32
    %get3A_3034 = arith.index_cast %get3A_3033 : i32 to index
    %get3A_3035 = arith.constant 0 : index
    %get3A_3036 = tpu.vector_load %arg13[%get3A_3034, %get3A_3035] {strides = array<i32>} : memref<128x32xf32, #tpu.memory_space<vmem>>, vector<16xf32>,
    %get3A_3037 = arith.constant 103 : i32
    %get3A_3038 = arith.index_cast %get3A_3037 : i32 to index
    %get3A_3039 = arith.constant 0 : index
    %get3A_3040 = tpu.vector_load %arg12[%get3A_3038, %get3A_3039] {strides = array<i32>} : memref<128x32xf32, #tpu.memory_space<vmem>>, vector<16xf32>,
    %sub3A_3041 = arith.subf %get3A_3040, %get3A_3036 : vector<16xf32>
    %add3A_3042 = arith.addf %get3A_3036, %sub3A_3041 : vector<16xf32>
    %swap3A_3043 = arith.constant 103 : i32
    %swap3A_3044 = arith.index_cast %swap3A_3043 : i32 to index
    %swap3A_3045 = arith.constant 0 : index
    %swap3A_3046 = tpu.vector_load %arg12[%swap3A_3044, %swap3A_3045] {strides = array<i32>} : memref<128x32xf32, #tpu.memory_space<vmem>>, vector<16xf32>,
    tpu.vector_store %arg12[%swap3A_3044, %swap3A_3045], %add3A_3042 {strides = array<i32>} : memref<128x32xf32, #tpu.memory_space<vmem>>, vector<16xf32>,
    %get3A_3047 = arith.constant 103 : i32
    %get3A_3048 = arith.index_cast %get3A_3047 : i32 to index
    %get3A_3049 = arith.constant 16 : index
    %get3A_3050 = tpu.vector_load %arg13[%get3A_3048, %get3A_3049] {strides = array<i32>} : memref<128x32xf32, #tpu.memory_space<vmem>>, vector<16xf32>,
    %get3A_3051 = arith.constant 103 : i32
    %get3A_3052 = arith.index_cast %get3A_3051 : i32 to index
    %get3A_3053 = arith.constant 16 : index
    %get3A_3054 = tpu.vector_load %arg12[%get3A_3052, %get3A_3053] {strides = array<i32>} : memref<128x32xf32, #tpu.memory_space<vmem>>, vector<16xf32>,
    %sub3A_3055 = arith.subf %get3A_3054, %get3A_3050 : vector<16xf32>
    %add3A_3056 = arith.addf %get3A_3050, %sub3A_3055 : vector<16xf32>
    %swap3A_3057 = arith.constant 103 : i32
    %swap3A_3058 = arith.index_cast %swap3A_3057 : i32 to index
    %swap3A_3059 = arith.constant 16 : index
    %swap3A_3060 = tpu.vector_load %arg12[%swap3A_3058, %swap3A_3059] {strides = array<i32>} : memref<128x32xf32, #tpu.memory_space<vmem>>, vector<16xf32>,
    tpu.vector_store %arg12[%swap3A_3058, %swap3A_3059], %add3A_3056 {strides = array<i32>} : memref<128x32xf32, #tpu.memory_space<vmem>>, vector<16xf32>,
    %get3A_3061 = arith.constant 104 : i32
    %get3A_3062 = arith.index_cast %get3A_3061 : i32 to index
    %get3A_3063 = arith.constant 0 : index
    %get3A_3064 = tpu.vector_load %arg13[%get3A_3062, %get3A_3063] {strides = array<i32>} : memref<128x32xf32, #tpu.memory_space<vmem>>, vector<16xf32>,
    %get3A_3065 = arith.constant 104 : i32
    %get3A_3066 = arith.index_cast %get3A_3065 : i32 to index
    %get3A_3067 = arith.constant 0 : index
    %get3A_3068 = tpu.vector_load %arg12[%get3A_3066, %get3A_3067] {strides = array<i32>} : memref<128x32xf32, #tpu.memory_space<vmem>>, vector<16xf32>,
    %sub3A_3069 = arith.subf %get3A_3068, %get3A_3064 : vector<16xf32>
    %add3A_3070 = arith.addf %get3A_3064, %sub3A_3069 : vector<16xf32>
    %swap3A_3071 = arith.constant 104 : i32
    %swap3A_3072 = arith.index_cast %swap3A_3071 : i32 to index
    %swap3A_3073 = arith.constant 0 : index
    %swap3A_3074 = tpu.vector_load %arg12[%swap3A_3072, %swap3A_3073] {strides = array<i32>} : memref<128x32xf32, #tpu.memory_space<vmem>>, vector<16xf32>,
    tpu.vector_store %arg12[%swap3A_3072, %swap3A_3073], %add3A_3070 {strides = array<i32>} : memref<128x32xf32, #tpu.memory_space<vmem>>, vector<16xf32>,
    %get3A_3075 = arith.constant 104 : i32
    %get3A_3076 = arith.index_cast %get3A_3075 : i32 to index
    %get3A_3077 = arith.constant 16 : index
    %get3A_3078 = tpu.vector_load %arg13[%get3A_3076, %get3A_3077] {strides = array<i32>} : memref<128x32xf32, #tpu.memory_space<vmem>>, vector<16xf32>,
    %get3A_3079 = arith.constant 104 : i32
    %get3A_3080 = arith.index_cast %get3A_3079 : i32 to index
    %get3A_3081 = arith.constant 16 : index
    %get3A_3082 = tpu.vector_load %arg12[%get3A_3080, %get3A_3081] {strides = array<i32>} : memref<128x32xf32, #tpu.memory_space<vmem>>, vector<16xf32>,
    %sub3A_3083 = arith.subf %get3A_3082, %get3A_3078 : vector<16xf32>
    %add3A_3084 = arith.addf %get3A_3078, %sub3A_3083 : vector<16xf32>
    %swap3A_3085 = arith.constant 104 : i32
    %swap3A_3086 = arith.index_cast %swap3A_3085 : i32 to index
    %swap3A_3087 = arith.constant 16 : index
    %swap3A_3088 = tpu.vector_load %arg12[%swap3A_3086, %swap3A_3087] {strides = array<i32>} : memref<128x32xf32, #tpu.memory_space<vmem>>, vector<16xf32>,
    tpu.vector_store %arg12[%swap3A_3086, %swap3A_3087], %add3A_3084 {strides = array<i32>} : memref<128x32xf32, #tpu.memory_space<vmem>>, vector<16xf32>,
    %get3A_3089 = arith.constant 105 : i32
    %get3A_3090 = arith.index_cast %get3A_3089 : i32 to index
    %get3A_3091 = arith.constant 0 : index
    %get3A_3092 = tpu.vector_load %arg13[%get3A_3090, %get3A_3091] {strides = array<i32>} : memref<128x32xf32, #tpu.memory_space<vmem>>, vector<16xf32>,
    %get3A_3093 = arith.constant 105 : i32
    %get3A_3094 = arith.index_cast %get3A_3093 : i32 to index
    %get3A_3095 = arith.constant 0 : index
    %get3A_3096 = tpu.vector_load %arg12[%get3A_3094, %get3A_3095] {strides = array<i32>} : memref<128x32xf32, #tpu.memory_space<vmem>>, vector<16xf32>,
    %sub3A_3097 = arith.subf %get3A_3096, %get3A_3092 : vector<16xf32>
    %add3A_3098 = arith.addf %get3A_3092, %sub3A_3097 : vector<16xf32>
    %swap3A_3099 = arith.constant 105 : i32
    %swap3A_3100 = arith.index_cast %swap3A_3099 : i32 to index
    %swap3A_3101 = arith.constant 0 : index
    %swap3A_3102 = tpu.vector_load %arg12[%swap3A_3100, %swap3A_3101] {strides = array<i32>} : memref<128x32xf32, #tpu.memory_space<vmem>>, vector<16xf32>,
    tpu.vector_store %arg12[%swap3A_3100, %swap3A_3101], %add3A_3098 {strides = array<i32>} : memref<128x32xf32, #tpu.memory_space<vmem>>, vector<16xf32>,
    %get3A_3103 = arith.constant 105 : i32
    %get3A_3104 = arith.index_cast %get3A_3103 : i32 to index
    %get3A_3105 = arith.constant 16 : index
    %get3A_3106 = tpu.vector_load %arg13[%get3A_3104, %get3A_3105] {strides = array<i32>} : memref<128x32xf32, #tpu.memory_space<vmem>>, vector<16xf32>,
    %get3A_3107 = arith.constant 105 : i32
    %get3A_3108 = arith.index_cast %get3A_3107 : i32 to index
    %get3A_3109 = arith.constant 16 : index
    %get3A_3110 = tpu.vector_load %arg12[%get3A_3108, %get3A_3109] {strides = array<i32>} : memref<128x32xf32, #tpu.memory_space<vmem>>, vector<16xf32>,
    %sub3A_3111 = arith.subf %get3A_3110, %get3A_3106 : vector<16xf32>
    %add3A_3112 = arith.addf %get3A_3106, %sub3A_3111 : vector<16xf32>
    %swap3A_3113 = arith.constant 105 : i32
    %swap3A_3114 = arith.index_cast %swap3A_3113 : i32 to index
    %swap3A_3115 = arith.constant 16 : index
    %swap3A_3116 = tpu.vector_load %arg12[%swap3A_3114, %swap3A_3115] {strides = array<i32>} : memref<128x32xf32, #tpu.memory_space<vmem>>, vector<16xf32>,
    tpu.vector_store %arg12[%swap3A_3114, %swap3A_3115], %add3A_3112 {strides = array<i32>} : memref<128x32xf32, #tpu.memory_space<vmem>>, vector<16xf32>,
    %get3A_3117 = arith.constant 106 : i32
    %get3A_3118 = arith.index_cast %get3A_3117 : i32 to index
    %get3A_3119 = arith.constant 0 : index
    %get3A_3120 = tpu.vector_load %arg13[%get3A_3118, %get3A_3119] {strides = array<i32>} : memref<128x32xf32, #tpu.memory_space<vmem>>, vector<16xf32>,
    %get3A_3121 = arith.constant 106 : i32
    %get3A_3122 = arith.index_cast %get3A_3121 : i32 to index
    %get3A_3123 = arith.constant 0 : index
    %get3A_3124 = tpu.vector_load %arg12[%get3A_3122, %get3A_3123] {strides = array<i32>} : memref<128x32xf32, #tpu.memory_space<vmem>>, vector<16xf32>,
    %sub3A_3125 = arith.subf %get3A_3124, %get3A_3120 : vector<16xf32>
    %add3A_3126 = arith.addf %get3A_3120, %sub3A_3125 : vector<16xf32>
    %swap3A_3127 = arith.constant 106 : i32
    %swap3A_3128 = arith.index_cast %swap3A_3127 : i32 to index
    %swap3A_3129 = arith.constant 0 : index
    %swap3A_3130 = tpu.vector_load %arg12[%swap3A_3128, %swap3A_3129] {strides = array<i32>} : memref<128x32xf32, #tpu.memory_space<vmem>>, vector<16xf32>,
    tpu.vector_store %arg12[%swap3A_3128, %swap3A_3129], %add3A_3126 {strides = array<i32>} : memref<128x32xf32, #tpu.memory_space<vmem>>, vector<16xf32>,
    %get3A_3131 = arith.constant 106 : i32
    %get3A_3132 = arith.index_cast %get3A_3131 : i32 to index
    %get3A_3133 = arith.constant 16 : index
    %get3A_3134 = tpu.vector_load %arg13[%get3A_3132, %get3A_3133] {strides = array<i32>} : memref<128x32xf32, #tpu.memory_space<vmem>>, vector<16xf32>,
    %get3A_3135 = arith.constant 106 : i32
    %get3A_3136 = arith.index_cast %get3A_3135 : i32 to index
    %get3A_3137 = arith.constant 16 : index
    %get3A_3138 = tpu.vector_load %arg12[%get3A_3136, %get3A_3137] {strides = array<i32>} : memref<128x32xf32, #tpu.memory_space<vmem>>, vector<16xf32>,
    %sub3A_3139 = arith.subf %get3A_3138, %get3A_3134 : vector<16xf32>
    %add3A_3140 = arith.addf %get3A_3134, %sub3A_3139 : vector<16xf32>
    %swap3A_3141 = arith.constant 106 : i32
    %swap3A_3142 = arith.index_cast %swap3A_3141 : i32 to index
    %swap3A_3143 = arith.constant 16 : index
    %swap3A_3144 = tpu.vector_load %arg12[%swap3A_3142, %swap3A_3143] {strides = array<i32>} : memref<128x32xf32, #tpu.memory_space<vmem>>, vector<16xf32>,
    tpu.vector_store %arg12[%swap3A_3142, %swap3A_3143], %add3A_3140 {strides = array<i32>} : memref<128x32xf32, #tpu.memory_space<vmem>>, vector<16xf32>,
    %get3A_3145 = arith.constant 107 : i32
    %get3A_3146 = arith.index_cast %get3A_3145 : i32 to index
    %get3A_3147 = arith.constant 0 : index
    %get3A_3148 = tpu.vector_load %arg13[%get3A_3146, %get3A_3147] {strides = array<i32>} : memref<128x32xf32, #tpu.memory_space<vmem>>, vector<16xf32>,
    %get3A_3149 = arith.constant 107 : i32
    %get3A_3150 = arith.index_cast %get3A_3149 : i32 to index
    %get3A_3151 = arith.constant 0 : index
    %get3A_3152 = tpu.vector_load %arg12[%get3A_3150, %get3A_3151] {strides = array<i32>} : memref<128x32xf32, #tpu.memory_space<vmem>>, vector<16xf32>,
    %sub3A_3153 = arith.subf %get3A_3152, %get3A_3148 : vector<16xf32>
    %add3A_3154 = arith.addf %get3A_3148, %sub3A_3153 : vector<16xf32>
    %swap3A_3155 = arith.constant 107 : i32
    %swap3A_3156 = arith.index_cast %swap3A_3155 : i32 to index
    %swap3A_3157 = arith.constant 0 : index
    %swap3A_3158 = tpu.vector_load %arg12[%swap3A_3156, %swap3A_3157] {strides = array<i32>} : memref<128x32xf32, #tpu.memory_space<vmem>>, vector<16xf32>,
    tpu.vector_store %arg12[%swap3A_3156, %swap3A_3157], %add3A_3154 {strides = array<i32>} : memref<128x32xf32, #tpu.memory_space<vmem>>, vector<16xf32>,
    %get3A_3159 = arith.constant 107 : i32
    %get3A_3160 = arith.index_cast %get3A_3159 : i32 to index
    %get3A_3161 = arith.constant 16 : index
    %get3A_3162 = tpu.vector_load %arg13[%get3A_3160, %get3A_3161] {strides = array<i32>} : memref<128x32xf32, #tpu.memory_space<vmem>>, vector<16xf32>,
    %get3A_3163 = arith.constant 107 : i32
    %get3A_3164 = arith.index_cast %get3A_3163 : i32 to index
    %get3A_3165 = arith.constant 16 : index
    %get3A_3166 = tpu.vector_load %arg12[%get3A_3164, %get3A_3165] {strides = array<i32>} : memref<128x32xf32, #tpu.memory_space<vmem>>, vector<16xf32>,
    %sub3A_3167 = arith.subf %get3A_3166, %get3A_3162 : vector<16xf32>
    %add3A_3168 = arith.addf %get3A_3162, %sub3A_3167 : vector<16xf32>
    %swap3A_3169 = arith.constant 107 : i32
    %swap3A_3170 = arith.index_cast %swap3A_3169 : i32 to index
    %swap3A_3171 = arith.constant 16 : index
    %swap3A_3172 = tpu.vector_load %arg12[%swap3A_3170, %swap3A_3171] {strides = array<i32>} : memref<128x32xf32, #tpu.memory_space<vmem>>, vector<16xf32>,
    tpu.vector_store %arg12[%swap3A_3170, %swap3A_3171], %add3A_3168 {strides = array<i32>} : memref<128x32xf32, #tpu.memory_space<vmem>>, vector<16xf32>,
    %get3A_3173 = arith.constant 108 : i32
    %get3A_3174 = arith.index_cast %get3A_3173 : i32 to index
    %get3A_3175 = arith.constant 0 : index
    %get3A_3176 = tpu.vector_load %arg13[%get3A_3174, %get3A_3175] {strides = array<i32>} : memref<128x32xf32, #tpu.memory_space<vmem>>, vector<16xf32>,
    %get3A_3177 = arith.constant 108 : i32
    %get3A_3178 = arith.index_cast %get3A_3177 : i32 to index
    %get3A_3179 = arith.constant 0 : index
    %get3A_3180 = tpu.vector_load %arg12[%get3A_3178, %get3A_3179] {strides = array<i32>} : memref<128x32xf32, #tpu.memory_space<vmem>>, vector<16xf32>,
    %sub3A_3181 = arith.subf %get3A_3180, %get3A_3176 : vector<16xf32>
    %add3A_3182 = arith.addf %get3A_3176, %sub3A_3181 : vector<16xf32>
    %swap3A_3183 = arith.constant 108 : i32
    %swap3A_3184 = arith.index_cast %swap3A_3183 : i32 to index
    %swap3A_3185 = arith.constant 0 : index
    %swap3A_3186 = tpu.vector_load %arg12[%swap3A_3184, %swap3A_3185] {strides = array<i32>} : memref<128x32xf32, #tpu.memory_space<vmem>>, vector<16xf32>,
    tpu.vector_store %arg12[%swap3A_3184, %swap3A_3185], %add3A_3182 {strides = array<i32>} : memref<128x32xf32, #tpu.memory_space<vmem>>, vector<16xf32>,
    %get3A_3187 = arith.constant 108 : i32
    %get3A_3188 = arith.index_cast %get3A_3187 : i32 to index
    %get3A_3189 = arith.constant 16 : index
    %get3A_3190 = tpu.vector_load %arg13[%get3A_3188, %get3A_3189] {strides = array<i32>} : memref<128x32xf32, #tpu.memory_space<vmem>>, vector<16xf32>,
    %get3A_3191 = arith.constant 108 : i32
    %get3A_3192 = arith.index_cast %get3A_3191 : i32 to index
    %get3A_3193 = arith.constant 16 : index
    %get3A_3194 = tpu.vector_load %arg12[%get3A_3192, %get3A_3193] {strides = array<i32>} : memref<128x32xf32, #tpu.memory_space<vmem>>, vector<16xf32>,
    %sub3A_3195 = arith.subf %get3A_3194, %get3A_3190 : vector<16xf32>
    %add3A_3196 = arith.addf %get3A_3190, %sub3A_3195 : vector<16xf32>
    %swap3A_3197 = arith.constant 108 : i32
    %swap3A_3198 = arith.index_cast %swap3A_3197 : i32 to index
    %swap3A_3199 = arith.constant 16 : index
    %swap3A_3200 = tpu.vector_load %arg12[%swap3A_3198, %swap3A_3199] {strides = array<i32>} : memref<128x32xf32, #tpu.memory_space<vmem>>, vector<16xf32>,
    tpu.vector_store %arg12[%swap3A_3198, %swap3A_3199], %add3A_3196 {strides = array<i32>} : memref<128x32xf32, #tpu.memory_space<vmem>>, vector<16xf32>,
    %get3A_3201 = arith.constant 109 : i32
    %get3A_3202 = arith.index_cast %get3A_3201 : i32 to index
    %get3A_3203 = arith.constant 0 : index
    %get3A_3204 = tpu.vector_load %arg13[%get3A_3202, %get3A_3203] {strides = array<i32>} : memref<128x32xf32, #tpu.memory_space<vmem>>, vector<16xf32>,
    %get3A_3205 = arith.constant 109 : i32
    %get3A_3206 = arith.index_cast %get3A_3205 : i32 to index
    %get3A_3207 = arith.constant 0 : index
    %get3A_3208 = tpu.vector_load %arg12[%get3A_3206, %get3A_3207] {strides = array<i32>} : memref<128x32xf32, #tpu.memory_space<vmem>>, vector<16xf32>,
    %sub3A_3209 = arith.subf %get3A_3208, %get3A_3204 : vector<16xf32>
    %add3A_3210 = arith.addf %get3A_3204, %sub3A_3209 : vector<16xf32>
    %swap3A_3211 = arith.constant 109 : i32
    %swap3A_3212 = arith.index_cast %swap3A_3211 : i32 to index
    %swap3A_3213 = arith.constant 0 : index
    %swap3A_3214 = tpu.vector_load %arg12[%swap3A_3212, %swap3A_3213] {strides = array<i32>} : memref<128x32xf32, #tpu.memory_space<vmem>>, vector<16xf32>,
    tpu.vector_store %arg12[%swap3A_3212, %swap3A_3213], %add3A_3210 {strides = array<i32>} : memref<128x32xf32, #tpu.memory_space<vmem>>, vector<16xf32>,
    %get3A_3215 = arith.constant 109 : i32
    %get3A_3216 = arith.index_cast %get3A_3215 : i32 to index
    %get3A_3217 = arith.constant 16 : index
    %get3A_3218 = tpu.vector_load %arg13[%get3A_3216, %get3A_3217] {strides = array<i32>} : memref<128x32xf32, #tpu.memory_space<vmem>>, vector<16xf32>,
    %get3A_3219 = arith.constant 109 : i32
    %get3A_3220 = arith.index_cast %get3A_3219 : i32 to index
    %get3A_3221 = arith.constant 16 : index
    %get3A_3222 = tpu.vector_load %arg12[%get3A_3220, %get3A_3221] {strides = array<i32>} : memref<128x32xf32, #tpu.memory_space<vmem>>, vector<16xf32>,
    %sub3A_3223 = arith.subf %get3A_3222, %get3A_3218 : vector<16xf32>
    %add3A_3224 = arith.addf %get3A_3218, %sub3A_3223 : vector<16xf32>
    %swap3A_3225 = arith.constant 109 : i32
    %swap3A_3226 = arith.index_cast %swap3A_3225 : i32 to index
    %swap3A_3227 = arith.constant 16 : index
    %swap3A_3228 = tpu.vector_load %arg12[%swap3A_3226, %swap3A_3227] {strides = array<i32>} : memref<128x32xf32, #tpu.memory_space<vmem>>, vector<16xf32>,
    tpu.vector_store %arg12[%swap3A_3226, %swap3A_3227], %add3A_3224 {strides = array<i32>} : memref<128x32xf32, #tpu.memory_space<vmem>>, vector<16xf32>,
    %get3A_3229 = arith.constant 110 : i32
    %get3A_3230 = arith.index_cast %get3A_3229 : i32 to index
    %get3A_3231 = arith.constant 0 : index
    %get3A_3232 = tpu.vector_load %arg13[%get3A_3230, %get3A_3231] {strides = array<i32>} : memref<128x32xf32, #tpu.memory_space<vmem>>, vector<16xf32>,
    %get3A_3233 = arith.constant 110 : i32
    %get3A_3234 = arith.index_cast %get3A_3233 : i32 to index
    %get3A_3235 = arith.constant 0 : index
    %get3A_3236 = tpu.vector_load %arg12[%get3A_3234, %get3A_3235] {strides = array<i32>} : memref<128x32xf32, #tpu.memory_space<vmem>>, vector<16xf32>,
    %sub3A_3237 = arith.subf %get3A_3236, %get3A_3232 : vector<16xf32>
    %add3A_3238 = arith.addf %get3A_3232, %sub3A_3237 : vector<16xf32>
    %swap3A_3239 = arith.constant 110 : i32
    %swap3A_3240 = arith.index_cast %swap3A_3239 : i32 to index
    %swap3A_3241 = arith.constant 0 : index
    %swap3A_3242 = tpu.vector_load %arg12[%swap3A_3240, %swap3A_3241] {strides = array<i32>} : memref<128x32xf32, #tpu.memory_space<vmem>>, vector<16xf32>,
    tpu.vector_store %arg12[%swap3A_3240, %swap3A_3241], %add3A_3238 {strides = array<i32>} : memref<128x32xf32, #tpu.memory_space<vmem>>, vector<16xf32>,
    %get3A_3243 = arith.constant 110 : i32
    %get3A_3244 = arith.index_cast %get3A_3243 : i32 to index
    %get3A_3245 = arith.constant 16 : index
    %get3A_3246 = tpu.vector_load %arg13[%get3A_3244, %get3A_3245] {strides = array<i32>} : memref<128x32xf32, #tpu.memory_space<vmem>>, vector<16xf32>,
    %get3A_3247 = arith.constant 110 : i32
    %get3A_3248 = arith.index_cast %get3A_3247 : i32 to index
    %get3A_3249 = arith.constant 16 : index
    %get3A_3250 = tpu.vector_load %arg12[%get3A_3248, %get3A_3249] {strides = array<i32>} : memref<128x32xf32, #tpu.memory_space<vmem>>, vector<16xf32>,
    %sub3A_3251 = arith.subf %get3A_3250, %get3A_3246 : vector<16xf32>
    %add3A_3252 = arith.addf %get3A_3246, %sub3A_3251 : vector<16xf32>
    %swap3A_3253 = arith.constant 110 : i32
    %swap3A_3254 = arith.index_cast %swap3A_3253 : i32 to index
    %swap3A_3255 = arith.constant 16 : index
    %swap3A_3256 = tpu.vector_load %arg12[%swap3A_3254, %swap3A_3255] {strides = array<i32>} : memref<128x32xf32, #tpu.memory_space<vmem>>, vector<16xf32>,
    tpu.vector_store %arg12[%swap3A_3254, %swap3A_3255], %add3A_3252 {strides = array<i32>} : memref<128x32xf32, #tpu.memory_space<vmem>>, vector<16xf32>,
    %get3A_3257 = arith.constant 111 : i32
    %get3A_3258 = arith.index_cast %get3A_3257 : i32 to index
    %get3A_3259 = arith.constant 0 : index
    %get3A_3260 = tpu.vector_load %arg13[%get3A_3258, %get3A_3259] {strides = array<i32>} : memref<128x32xf32, #tpu.memory_space<vmem>>, vector<16xf32>,
    %get3A_3261 = arith.constant 111 : i32
    %get3A_3262 = arith.index_cast %get3A_3261 : i32 to index
    %get3A_3263 = arith.constant 0 : index
    %get3A_3264 = tpu.vector_load %arg12[%get3A_3262, %get3A_3263] {strides = array<i32>} : memref<128x32xf32, #tpu.memory_space<vmem>>, vector<16xf32>,
    %sub3A_3265 = arith.subf %get3A_3264, %get3A_3260 : vector<16xf32>
    %add3A_3266 = arith.addf %get3A_3260, %sub3A_3265 : vector<16xf32>
    %swap3A_3267 = arith.constant 111 : i32
    %swap3A_3268 = arith.index_cast %swap3A_3267 : i32 to index
    %swap3A_3269 = arith.constant 0 : index
    %swap3A_3270 = tpu.vector_load %arg12[%swap3A_3268, %swap3A_3269] {strides = array<i32>} : memref<128x32xf32, #tpu.memory_space<vmem>>, vector<16xf32>,
    tpu.vector_store %arg12[%swap3A_3268, %swap3A_3269], %add3A_3266 {strides = array<i32>} : memref<128x32xf32, #tpu.memory_space<vmem>>, vector<16xf32>,
    %get3A_3271 = arith.constant 111 : i32
    %get3A_3272 = arith.index_cast %get3A_3271 : i32 to index
    %get3A_3273 = arith.constant 16 : index
    %get3A_3274 = tpu.vector_load %arg13[%get3A_3272, %get3A_3273] {strides = array<i32>} : memref<128x32xf32, #tpu.memory_space<vmem>>, vector<16xf32>,
    %get3A_3275 = arith.constant 111 : i32
    %get3A_3276 = arith.index_cast %get3A_3275 : i32 to index
    %get3A_3277 = arith.constant 16 : index
    %get3A_3278 = tpu.vector_load %arg12[%get3A_3276, %get3A_3277] {strides = array<i32>} : memref<128x32xf32, #tpu.memory_space<vmem>>, vector<16xf32>,
    %sub3A_3279 = arith.subf %get3A_3278, %get3A_3274 : vector<16xf32>
    %add3A_3280 = arith.addf %get3A_3274, %sub3A_3279 : vector<16xf32>
    %swap3A_3281 = arith.constant 111 : i32
    %swap3A_3282 = arith.index_cast %swap3A_3281 : i32 to index
    %swap3A_3283 = arith.constant 16 : index
    %swap3A_3284 = tpu.vector_load %arg12[%swap3A_3282, %swap3A_3283] {strides = array<i32>} : memref<128x32xf32, #tpu.memory_space<vmem>>, vector<16xf32>,
    tpu.vector_store %arg12[%swap3A_3282, %swap3A_3283], %add3A_3280 {strides = array<i32>} : memref<128x32xf32, #tpu.memory_space<vmem>>, vector<16xf32>,
    %get3A_3285 = arith.constant 112 : i32
    %get3A_3286 = arith.index_cast %get3A_3285 : i32 to index
    %get3A_3287 = arith.constant 0 : index
    %get3A_3288 = tpu.vector_load %arg13[%get3A_3286, %get3A_3287] {strides = array<i32>} : memref<128x32xf32, #tpu.memory_space<vmem>>, vector<16xf32>,
    %get3A_3289 = arith.constant 112 : i32
    %get3A_3290 = arith.index_cast %get3A_3289 : i32 to index
    %get3A_3291 = arith.constant 0 : index
    %get3A_3292 = tpu.vector_load %arg12[%get3A_3290, %get3A_3291] {strides = array<i32>} : memref<128x32xf32, #tpu.memory_space<vmem>>, vector<16xf32>,
    %sub3A_3293 = arith.subf %get3A_3292, %get3A_3288 : vector<16xf32>
    %add3A_3294 = arith.addf %get3A_3288, %sub3A_3293 : vector<16xf32>
    %swap3A_3295 = arith.constant 112 : i32
    %swap3A_3296 = arith.index_cast %swap3A_3295 : i32 to index
    %swap3A_3297 = arith.constant 0 : index
    %swap3A_3298 = tpu.vector_load %arg12[%swap3A_3296, %swap3A_3297] {strides = array<i32>} : memref<128x32xf32, #tpu.memory_space<vmem>>, vector<16xf32>,
    tpu.vector_store %arg12[%swap3A_3296, %swap3A_3297], %add3A_3294 {strides = array<i32>} : memref<128x32xf32, #tpu.memory_space<vmem>>, vector<16xf32>,
    %get3A_3299 = arith.constant 112 : i32
    %get3A_3300 = arith.index_cast %get3A_3299 : i32 to index
    %get3A_3301 = arith.constant 16 : index
    %get3A_3302 = tpu.vector_load %arg13[%get3A_3300, %get3A_3301] {strides = array<i32>} : memref<128x32xf32, #tpu.memory_space<vmem>>, vector<16xf32>,
    %get3A_3303 = arith.constant 112 : i32
    %get3A_3304 = arith.index_cast %get3A_3303 : i32 to index
    %get3A_3305 = arith.constant 16 : index
    %get3A_3306 = tpu.vector_load %arg12[%get3A_3304, %get3A_3305] {strides = array<i32>} : memref<128x32xf32, #tpu.memory_space<vmem>>, vector<16xf32>,
    %sub3A_3307 = arith.subf %get3A_3306, %get3A_3302 : vector<16xf32>
    %add3A_3308 = arith.addf %get3A_3302, %sub3A_3307 : vector<16xf32>
    %swap3A_3309 = arith.constant 112 : i32
    %swap3A_3310 = arith.index_cast %swap3A_3309 : i32 to index
    %swap3A_3311 = arith.constant 16 : index
    %swap3A_3312 = tpu.vector_load %arg12[%swap3A_3310, %swap3A_3311] {strides = array<i32>} : memref<128x32xf32, #tpu.memory_space<vmem>>, vector<16xf32>,
    tpu.vector_store %arg12[%swap3A_3310, %swap3A_3311], %add3A_3308 {strides = array<i32>} : memref<128x32xf32, #tpu.memory_space<vmem>>, vector<16xf32>,
    %get3A_3313 = arith.constant 113 : i32
    %get3A_3314 = arith.index_cast %get3A_3313 : i32 to index
    %get3A_3315 = arith.constant 0 : index
    %get3A_3316 = tpu.vector_load %arg13[%get3A_3314, %get3A_3315] {strides = array<i32>} : memref<128x32xf32, #tpu.memory_space<vmem>>, vector<16xf32>,
    %get3A_3317 = arith.constant 113 : i32
    %get3A_3318 = arith.index_cast %get3A_3317 : i32 to index
    %get3A_3319 = arith.constant 0 : index
    %get3A_3320 = tpu.vector_load %arg12[%get3A_3318, %get3A_3319] {strides = array<i32>} : memref<128x32xf32, #tpu.memory_space<vmem>>, vector<16xf32>,
    %sub3A_3321 = arith.subf %get3A_3320, %get3A_3316 : vector<16xf32>
    %add3A_3322 = arith.addf %get3A_3316, %sub3A_3321 : vector<16xf32>
    %swap3A_3323 = arith.constant 113 : i32
    %swap3A_3324 = arith.index_cast %swap3A_3323 : i32 to index
    %swap3A_3325 = arith.constant 0 : index
    %swap3A_3326 = tpu.vector_load %arg12[%swap3A_3324, %swap3A_3325] {strides = array<i32>} : memref<128x32xf32, #tpu.memory_space<vmem>>, vector<16xf32>,
    tpu.vector_store %arg12[%swap3A_3324, %swap3A_3325], %add3A_3322 {strides = array<i32>} : memref<128x32xf32, #tpu.memory_space<vmem>>, vector<16xf32>,
    %get3A_3327 = arith.constant 113 : i32
    %get3A_3328 = arith.index_cast %get3A_3327 : i32 to index
    %get3A_3329 = arith.constant 16 : index
    %get3A_3330 = tpu.vector_load %arg13[%get3A_3328, %get3A_3329] {strides = array<i32>} : memref<128x32xf32, #tpu.memory_space<vmem>>, vector<16xf32>,
    %get3A_3331 = arith.constant 113 : i32
    %get3A_3332 = arith.index_cast %get3A_3331 : i32 to index
    %get3A_3333 = arith.constant 16 : index
    %get3A_3334 = tpu.vector_load %arg12[%get3A_3332, %get3A_3333] {strides = array<i32>} : memref<128x32xf32, #tpu.memory_space<vmem>>, vector<16xf32>,
    %sub3A_3335 = arith.subf %get3A_3334, %get3A_3330 : vector<16xf32>
    %add3A_3336 = arith.addf %get3A_3330, %sub3A_3335 : vector<16xf32>
    %swap3A_3337 = arith.constant 113 : i32
    %swap3A_3338 = arith.index_cast %swap3A_3337 : i32 to index
    %swap3A_3339 = arith.constant 16 : index
    %swap3A_3340 = tpu.vector_load %arg12[%swap3A_3338, %swap3A_3339] {strides = array<i32>} : memref<128x32xf32, #tpu.memory_space<vmem>>, vector<16xf32>,
    tpu.vector_store %arg12[%swap3A_3338, %swap3A_3339], %add3A_3336 {strides = array<i32>} : memref<128x32xf32, #tpu.memory_space<vmem>>, vector<16xf32>,
    %get3A_3341 = arith.constant 114 : i32
    %get3A_3342 = arith.index_cast %get3A_3341 : i32 to index
    %get3A_3343 = arith.constant 0 : index
    %get3A_3344 = tpu.vector_load %arg13[%get3A_3342, %get3A_3343] {strides = array<i32>} : memref<128x32xf32, #tpu.memory_space<vmem>>, vector<16xf32>,
    %get3A_3345 = arith.constant 114 : i32
    %get3A_3346 = arith.index_cast %get3A_3345 : i32 to index
    %get3A_3347 = arith.constant 0 : index
    %get3A_3348 = tpu.vector_load %arg12[%get3A_3346, %get3A_3347] {strides = array<i32>} : memref<128x32xf32, #tpu.memory_space<vmem>>, vector<16xf32>,
    %sub3A_3349 = arith.subf %get3A_3348, %get3A_3344 : vector<16xf32>
    %add3A_3350 = arith.addf %get3A_3344, %sub3A_3349 : vector<16xf32>
    %swap3A_3351 = arith.constant 114 : i32
    %swap3A_3352 = arith.index_cast %swap3A_3351 : i32 to index
    %swap3A_3353 = arith.constant 0 : index
    %swap3A_3354 = tpu.vector_load %arg12[%swap3A_3352, %swap3A_3353] {strides = array<i32>} : memref<128x32xf32, #tpu.memory_space<vmem>>, vector<16xf32>,
    tpu.vector_store %arg12[%swap3A_3352, %swap3A_3353], %add3A_3350 {strides = array<i32>} : memref<128x32xf32, #tpu.memory_space<vmem>>, vector<16xf32>,
    %get3A_3355 = arith.constant 114 : i32
    %get3A_3356 = arith.index_cast %get3A_3355 : i32 to index
    %get3A_3357 = arith.constant 16 : index
    %get3A_3358 = tpu.vector_load %arg13[%get3A_3356, %get3A_3357] {strides = array<i32>} : memref<128x32xf32, #tpu.memory_space<vmem>>, vector<16xf32>,
    %get3A_3359 = arith.constant 114 : i32
    %get3A_3360 = arith.index_cast %get3A_3359 : i32 to index
    %get3A_3361 = arith.constant 16 : index
    %get3A_3362 = tpu.vector_load %arg12[%get3A_3360, %get3A_3361] {strides = array<i32>} : memref<128x32xf32, #tpu.memory_space<vmem>>, vector<16xf32>,
    %sub3A_3363 = arith.subf %get3A_3362, %get3A_3358 : vector<16xf32>
    %add3A_3364 = arith.addf %get3A_3358, %sub3A_3363 : vector<16xf32>
    %swap3A_3365 = arith.constant 114 : i32
    %swap3A_3366 = arith.index_cast %swap3A_3365 : i32 to index
    %swap3A_3367 = arith.constant 16 : index
    %swap3A_3368 = tpu.vector_load %arg12[%swap3A_3366, %swap3A_3367] {strides = array<i32>} : memref<128x32xf32, #tpu.memory_space<vmem>>, vector<16xf32>,
    tpu.vector_store %arg12[%swap3A_3366, %swap3A_3367], %add3A_3364 {strides = array<i32>} : memref<128x32xf32, #tpu.memory_space<vmem>>, vector<16xf32>,
    %get3A_3369 = arith.constant 115 : i32
    %get3A_3370 = arith.index_cast %get3A_3369 : i32 to index
    %get3A_3371 = arith.constant 0 : index
    %get3A_3372 = tpu.vector_load %arg13[%get3A_3370, %get3A_3371] {strides = array<i32>} : memref<128x32xf32, #tpu.memory_space<vmem>>, vector<16xf32>,
    %get3A_3373 = arith.constant 115 : i32
    %get3A_3374 = arith.index_cast %get3A_3373 : i32 to index
    %get3A_3375 = arith.constant 0 : index
    %get3A_3376 = tpu.vector_load %arg12[%get3A_3374, %get3A_3375] {strides = array<i32>} : memref<128x32xf32, #tpu.memory_space<vmem>>, vector<16xf32>,
    %sub3A_3377 = arith.subf %get3A_3376, %get3A_3372 : vector<16xf32>
    %add3A_3378 = arith.addf %get3A_3372, %sub3A_3377 : vector<16xf32>
    %swap3A_3379 = arith.constant 115 : i32
    %swap3A_3380 = arith.index_cast %swap3A_3379 : i32 to index
    %swap3A_3381 = arith.constant 0 : index
    %swap3A_3382 = tpu.vector_load %arg12[%swap3A_3380, %swap3A_3381] {strides = array<i32>} : memref<128x32xf32, #tpu.memory_space<vmem>>, vector<16xf32>,
    tpu.vector_store %arg12[%swap3A_3380, %swap3A_3381], %add3A_3378 {strides = array<i32>} : memref<128x32xf32, #tpu.memory_space<vmem>>, vector<16xf32>,
    %get3A_3383 = arith.constant 115 : i32
    %get3A_3384 = arith.index_cast %get3A_3383 : i32 to index
    %get3A_3385 = arith.constant 16 : index
    %get3A_3386 = tpu.vector_load %arg13[%get3A_3384, %get3A_3385] {strides = array<i32>} : memref<128x32xf32, #tpu.memory_space<vmem>>, vector<16xf32>,
    %get3A_3387 = arith.constant 115 : i32
    %get3A_3388 = arith.index_cast %get3A_3387 : i32 to index
    %get3A_3389 = arith.constant 16 : index
    %get3A_3390 = tpu.vector_load %arg12[%get3A_3388, %get3A_3389] {strides = array<i32>} : memref<128x32xf32, #tpu.memory_space<vmem>>, vector<16xf32>,
    %sub3A_3391 = arith.subf %get3A_3390, %get3A_3386 : vector<16xf32>
    %add3A_3392 = arith.addf %get3A_3386, %sub3A_3391 : vector<16xf32>
    %swap3A_3393 = arith.constant 115 : i32
    %swap3A_3394 = arith.index_cast %swap3A_3393 : i32 to index
    %swap3A_3395 = arith.constant 16 : index
    %swap3A_3396 = tpu.vector_load %arg12[%swap3A_3394, %swap3A_3395] {strides = array<i32>} : memref<128x32xf32, #tpu.memory_space<vmem>>, vector<16xf32>,
    tpu.vector_store %arg12[%swap3A_3394, %swap3A_3395], %add3A_3392 {strides = array<i32>} : memref<128x32xf32, #tpu.memory_space<vmem>>, vector<16xf32>,
    %get3A_3397 = arith.constant 116 : i32
    %get3A_3398 = arith.index_cast %get3A_3397 : i32 to index
    %get3A_3399 = arith.constant 0 : index
    %get3A_3400 = tpu.vector_load %arg13[%get3A_3398, %get3A_3399] {strides = array<i32>} : memref<128x32xf32, #tpu.memory_space<vmem>>, vector<16xf32>,
    %get3A_3401 = arith.constant 116 : i32
    %get3A_3402 = arith.index_cast %get3A_3401 : i32 to index
    %get3A_3403 = arith.constant 0 : index
    %get3A_3404 = tpu.vector_load %arg12[%get3A_3402, %get3A_3403] {strides = array<i32>} : memref<128x32xf32, #tpu.memory_space<vmem>>, vector<16xf32>,
    %sub3A_3405 = arith.subf %get3A_3404, %get3A_3400 : vector<16xf32>
    %add3A_3406 = arith.addf %get3A_3400, %sub3A_3405 : vector<16xf32>
    %swap3A_3407 = arith.constant 116 : i32
    %swap3A_3408 = arith.index_cast %swap3A_3407 : i32 to index
    %swap3A_3409 = arith.constant 0 : index
    %swap3A_3410 = tpu.vector_load %arg12[%swap3A_3408, %swap3A_3409] {strides = array<i32>} : memref<128x32xf32, #tpu.memory_space<vmem>>, vector<16xf32>,
    tpu.vector_store %arg12[%swap3A_3408, %swap3A_3409], %add3A_3406 {strides = array<i32>} : memref<128x32xf32, #tpu.memory_space<vmem>>, vector<16xf32>,
    %get3A_3411 = arith.constant 116 : i32
    %get3A_3412 = arith.index_cast %get3A_3411 : i32 to index
    %get3A_3413 = arith.constant 16 : index
    %get3A_3414 = tpu.vector_load %arg13[%get3A_3412, %get3A_3413] {strides = array<i32>} : memref<128x32xf32, #tpu.memory_space<vmem>>, vector<16xf32>,
    %get3A_3415 = arith.constant 116 : i32
    %get3A_3416 = arith.index_cast %get3A_3415 : i32 to index
    %get3A_3417 = arith.constant 16 : index
    %get3A_3418 = tpu.vector_load %arg12[%get3A_3416, %get3A_3417] {strides = array<i32>} : memref<128x32xf32, #tpu.memory_space<vmem>>, vector<16xf32>,
    %sub3A_3419 = arith.subf %get3A_3418, %get3A_3414 : vector<16xf32>
    %add3A_3420 = arith.addf %get3A_3414, %sub3A_3419 : vector<16xf32>
    %swap3A_3421 = arith.constant 116 : i32
    %swap3A_3422 = arith.index_cast %swap3A_3421 : i32 to index
    %swap3A_3423 = arith.constant 16 : index
    %swap3A_3424 = tpu.vector_load %arg12[%swap3A_3422, %swap3A_3423] {strides = array<i32>} : memref<128x32xf32, #tpu.memory_space<vmem>>, vector<16xf32>,
    tpu.vector_store %arg12[%swap3A_3422, %swap3A_3423], %add3A_3420 {strides = array<i32>} : memref<128x32xf32, #tpu.memory_space<vmem>>, vector<16xf32>,
    %get3A_3425 = arith.constant 117 : i32
    %get3A_3426 = arith.index_cast %get3A_3425 : i32 to index
    %get3A_3427 = arith.constant 0 : index
    %get3A_3428 = tpu.vector_load %arg13[%get3A_3426, %get3A_3427] {strides = array<i32>} : memref<128x32xf32, #tpu.memory_space<vmem>>, vector<16xf32>,
    %get3A_3429 = arith.constant 117 : i32
    %get3A_3430 = arith.index_cast %get3A_3429 : i32 to index
    %get3A_3431 = arith.constant 0 : index
    %get3A_3432 = tpu.vector_load %arg12[%get3A_3430, %get3A_3431] {strides = array<i32>} : memref<128x32xf32, #tpu.memory_space<vmem>>, vector<16xf32>,
    %sub3A_3433 = arith.subf %get3A_3432, %get3A_3428 : vector<16xf32>
    %add3A_3434 = arith.addf %get3A_3428, %sub3A_3433 : vector<16xf32>
    %swap3A_3435 = arith.constant 117 : i32
    %swap3A_3436 = arith.index_cast %swap3A_3435 : i32 to index
    %swap3A_3437 = arith.constant 0 : index
    %swap3A_3438 = tpu.vector_load %arg12[%swap3A_3436, %swap3A_3437] {strides = array<i32>} : memref<128x32xf32, #tpu.memory_space<vmem>>, vector<16xf32>,
    tpu.vector_store %arg12[%swap3A_3436, %swap3A_3437], %add3A_3434 {strides = array<i32>} : memref<128x32xf32, #tpu.memory_space<vmem>>, vector<16xf32>,
    %get3A_3439 = arith.constant 117 : i32
    %get3A_3440 = arith.index_cast %get3A_3439 : i32 to index
    %get3A_3441 = arith.constant 16 : index
    %get3A_3442 = tpu.vector_load %arg13[%get3A_3440, %get3A_3441] {strides = array<i32>} : memref<128x32xf32, #tpu.memory_space<vmem>>, vector<16xf32>,
    %get3A_3443 = arith.constant 117 : i32
    %get3A_3444 = arith.index_cast %get3A_3443 : i32 to index
    %get3A_3445 = arith.constant 16 : index
    %get3A_3446 = tpu.vector_load %arg12[%get3A_3444, %get3A_3445] {strides = array<i32>} : memref<128x32xf32, #tpu.memory_space<vmem>>, vector<16xf32>,
    %sub3A_3447 = arith.subf %get3A_3446, %get3A_3442 : vector<16xf32>
    %add3A_3448 = arith.addf %get3A_3442, %sub3A_3447 : vector<16xf32>
    %swap3A_3449 = arith.constant 117 : i32
    %swap3A_3450 = arith.index_cast %swap3A_3449 : i32 to index
    %swap3A_3451 = arith.constant 16 : index
    %swap3A_3452 = tpu.vector_load %arg12[%swap3A_3450, %swap3A_3451] {strides = array<i32>} : memref<128x32xf32, #tpu.memory_space<vmem>>, vector<16xf32>,
    tpu.vector_store %arg12[%swap3A_3450, %swap3A_3451], %add3A_3448 {strides = array<i32>} : memref<128x32xf32, #tpu.memory_space<vmem>>, vector<16xf32>,
    %get3A_3453 = arith.constant 118 : i32
    %get3A_3454 = arith.index_cast %get3A_3453 : i32 to index
    %get3A_3455 = arith.constant 0 : index
    %get3A_3456 = tpu.vector_load %arg13[%get3A_3454, %get3A_3455] {strides = array<i32>} : memref<128x32xf32, #tpu.memory_space<vmem>>, vector<16xf32>,
    %get3A_3457 = arith.constant 118 : i32
    %get3A_3458 = arith.index_cast %get3A_3457 : i32 to index
    %get3A_3459 = arith.constant 0 : index
    %get3A_3460 = tpu.vector_load %arg12[%get3A_3458, %get3A_3459] {strides = array<i32>} : memref<128x32xf32, #tpu.memory_space<vmem>>, vector<16xf32>,
    %sub3A_3461 = arith.subf %get3A_3460, %get3A_3456 : vector<16xf32>
    %add3A_3462 = arith.addf %get3A_3456, %sub3A_3461 : vector<16xf32>
    %swap3A_3463 = arith.constant 118 : i32
    %swap3A_3464 = arith.index_cast %swap3A_3463 : i32 to index
    %swap3A_3465 = arith.constant 0 : index
    %swap3A_3466 = tpu.vector_load %arg12[%swap3A_3464, %swap3A_3465] {strides = array<i32>} : memref<128x32xf32, #tpu.memory_space<vmem>>, vector<16xf32>,
    tpu.vector_store %arg12[%swap3A_3464, %swap3A_3465], %add3A_3462 {strides = array<i32>} : memref<128x32xf32, #tpu.memory_space<vmem>>, vector<16xf32>,
    %get3A_3467 = arith.constant 118 : i32
    %get3A_3468 = arith.index_cast %get3A_3467 : i32 to index
    %get3A_3469 = arith.constant 16 : index
    %get3A_3470 = tpu.vector_load %arg13[%get3A_3468, %get3A_3469] {strides = array<i32>} : memref<128x32xf32, #tpu.memory_space<vmem>>, vector<16xf32>,
    %get3A_3471 = arith.constant 118 : i32
    %get3A_3472 = arith.index_cast %get3A_3471 : i32 to index
    %get3A_3473 = arith.constant 16 : index
    %get3A_3474 = tpu.vector_load %arg12[%get3A_3472, %get3A_3473] {strides = array<i32>} : memref<128x32xf32, #tpu.memory_space<vmem>>, vector<16xf32>,
    %sub3A_3475 = arith.subf %get3A_3474, %get3A_3470 : vector<16xf32>
    %add3A_3476 = arith.addf %get3A_3470, %sub3A_3475 : vector<16xf32>
    %swap3A_3477 = arith.constant 118 : i32
    %swap3A_3478 = arith.index_cast %swap3A_3477 : i32 to index
    %swap3A_3479 = arith.constant 16 : index
    %swap3A_3480 = tpu.vector_load %arg12[%swap3A_3478, %swap3A_3479] {strides = array<i32>} : memref<128x32xf32, #tpu.memory_space<vmem>>, vector<16xf32>,
    tpu.vector_store %arg12[%swap3A_3478, %swap3A_3479], %add3A_3476 {strides = array<i32>} : memref<128x32xf32, #tpu.memory_space<vmem>>, vector<16xf32>,
    %get3A_3481 = arith.constant 119 : i32
    %get3A_3482 = arith.index_cast %get3A_3481 : i32 to index
    %get3A_3483 = arith.constant 0 : index
    %get3A_3484 = tpu.vector_load %arg13[%get3A_3482, %get3A_3483] {strides = array<i32>} : memref<128x32xf32, #tpu.memory_space<vmem>>, vector<16xf32>,
    %get3A_3485 = arith.constant 119 : i32
    %get3A_3486 = arith.index_cast %get3A_3485 : i32 to index
    %get3A_3487 = arith.constant 0 : index
    %get3A_3488 = tpu.vector_load %arg12[%get3A_3486, %get3A_3487] {strides = array<i32>} : memref<128x32xf32, #tpu.memory_space<vmem>>, vector<16xf32>,
    %sub3A_3489 = arith.subf %get3A_3488, %get3A_3484 : vector<16xf32>
    %add3A_3490 = arith.addf %get3A_3484, %sub3A_3489 : vector<16xf32>
    %swap3A_3491 = arith.constant 119 : i32
    %swap3A_3492 = arith.index_cast %swap3A_3491 : i32 to index
    %swap3A_3493 = arith.constant 0 : index
    %swap3A_3494 = tpu.vector_load %arg12[%swap3A_3492, %swap3A_3493] {strides = array<i32>} : memref<128x32xf32, #tpu.memory_space<vmem>>, vector<16xf32>,
    tpu.vector_store %arg12[%swap3A_3492, %swap3A_3493], %add3A_3490 {strides = array<i32>} : memref<128x32xf32, #tpu.memory_space<vmem>>, vector<16xf32>,
    %get3A_3495 = arith.constant 119 : i32
    %get3A_3496 = arith.index_cast %get3A_3495 : i32 to index
    %get3A_3497 = arith.constant 16 : index
    %get3A_3498 = tpu.vector_load %arg13[%get3A_3496, %get3A_3497] {strides = array<i32>} : memref<128x32xf32, #tpu.memory_space<vmem>>, vector<16xf32>,
    %get3A_3499 = arith.constant 119 : i32
    %get3A_3500 = arith.index_cast %get3A_3499 : i32 to index
    %get3A_3501 = arith.constant 16 : index
    %get3A_3502 = tpu.vector_load %arg12[%get3A_3500, %get3A_3501] {strides = array<i32>} : memref<128x32xf32, #tpu.memory_space<vmem>>, vector<16xf32>,
    %sub3A_3503 = arith.subf %get3A_3502, %get3A_3498 : vector<16xf32>
    %add3A_3504 = arith.addf %get3A_3498, %sub3A_3503 : vector<16xf32>
    %swap3A_3505 = arith.constant 119 : i32
    %swap3A_3506 = arith.index_cast %swap3A_3505 : i32 to index
    %swap3A_3507 = arith.constant 16 : index
    %swap3A_3508 = tpu.vector_load %arg12[%swap3A_3506, %swap3A_3507] {strides = array<i32>} : memref<128x32xf32, #tpu.memory_space<vmem>>, vector<16xf32>,
    tpu.vector_store %arg12[%swap3A_3506, %swap3A_3507], %add3A_3504 {strides = array<i32>} : memref<128x32xf32, #tpu.memory_space<vmem>>, vector<16xf32>,
    %get3A_3509 = arith.constant 120 : i32
    %get3A_3510 = arith.index_cast %get3A_3509 : i32 to index
    %get3A_3511 = arith.constant 0 : index
    %get3A_3512 = tpu.vector_load %arg13[%get3A_3510, %get3A_3511] {strides = array<i32>} : memref<128x32xf32, #tpu.memory_space<vmem>>, vector<16xf32>,
    %get3A_3513 = arith.constant 120 : i32
    %get3A_3514 = arith.index_cast %get3A_3513 : i32 to index
    %get3A_3515 = arith.constant 0 : index
    %get3A_3516 = tpu.vector_load %arg12[%get3A_3514, %get3A_3515] {strides = array<i32>} : memref<128x32xf32, #tpu.memory_space<vmem>>, vector<16xf32>,
    %sub3A_3517 = arith.subf %get3A_3516, %get3A_3512 : vector<16xf32>
    %add3A_3518 = arith.addf %get3A_3512, %sub3A_3517 : vector<16xf32>
    %swap3A_3519 = arith.constant 120 : i32
    %swap3A_3520 = arith.index_cast %swap3A_3519 : i32 to index
    %swap3A_3521 = arith.constant 0 : index
    %swap3A_3522 = tpu.vector_load %arg12[%swap3A_3520, %swap3A_3521] {strides = array<i32>} : memref<128x32xf32, #tpu.memory_space<vmem>>, vector<16xf32>,
    tpu.vector_store %arg12[%swap3A_3520, %swap3A_3521], %add3A_3518 {strides = array<i32>} : memref<128x32xf32, #tpu.memory_space<vmem>>, vector<16xf32>,
    %get3A_3523 = arith.constant 120 : i32
    %get3A_3524 = arith.index_cast %get3A_3523 : i32 to index
    %get3A_3525 = arith.constant 16 : index
    %get3A_3526 = tpu.vector_load %arg13[%get3A_3524, %get3A_3525] {strides = array<i32>} : memref<128x32xf32, #tpu.memory_space<vmem>>, vector<16xf32>,
    %get3A_3527 = arith.constant 120 : i32
    %get3A_3528 = arith.index_cast %get3A_3527 : i32 to index
    %get3A_3529 = arith.constant 16 : index
    %get3A_3530 = tpu.vector_load %arg12[%get3A_3528, %get3A_3529] {strides = array<i32>} : memref<128x32xf32, #tpu.memory_space<vmem>>, vector<16xf32>,
    %sub3A_3531 = arith.subf %get3A_3530, %get3A_3526 : vector<16xf32>
    %add3A_3532 = arith.addf %get3A_3526, %sub3A_3531 : vector<16xf32>
    %swap3A_3533 = arith.constant 120 : i32
    %swap3A_3534 = arith.index_cast %swap3A_3533 : i32 to index
    %swap3A_3535 = arith.constant 16 : index
    %swap3A_3536 = tpu.vector_load %arg12[%swap3A_3534, %swap3A_3535] {strides = array<i32>} : memref<128x32xf32, #tpu.memory_space<vmem>>, vector<16xf32>,
    tpu.vector_store %arg12[%swap3A_3534, %swap3A_3535], %add3A_3532 {strides = array<i32>} : memref<128x32xf32, #tpu.memory_space<vmem>>, vector<16xf32>,
    %get3A_3537 = arith.constant 121 : i32
    %get3A_3538 = arith.index_cast %get3A_3537 : i32 to index
    %get3A_3539 = arith.constant 0 : index
    %get3A_3540 = tpu.vector_load %arg13[%get3A_3538, %get3A_3539] {strides = array<i32>} : memref<128x32xf32, #tpu.memory_space<vmem>>, vector<16xf32>,
    %get3A_3541 = arith.constant 121 : i32
    %get3A_3542 = arith.index_cast %get3A_3541 : i32 to index
    %get3A_3543 = arith.constant 0 : index
    %get3A_3544 = tpu.vector_load %arg12[%get3A_3542, %get3A_3543] {strides = array<i32>} : memref<128x32xf32, #tpu.memory_space<vmem>>, vector<16xf32>,
    %sub3A_3545 = arith.subf %get3A_3544, %get3A_3540 : vector<16xf32>
    %add3A_3546 = arith.addf %get3A_3540, %sub3A_3545 : vector<16xf32>
    %swap3A_3547 = arith.constant 121 : i32
    %swap3A_3548 = arith.index_cast %swap3A_3547 : i32 to index
    %swap3A_3549 = arith.constant 0 : index
    %swap3A_3550 = tpu.vector_load %arg12[%swap3A_3548, %swap3A_3549] {strides = array<i32>} : memref<128x32xf32, #tpu.memory_space<vmem>>, vector<16xf32>,
    tpu.vector_store %arg12[%swap3A_3548, %swap3A_3549], %add3A_3546 {strides = array<i32>} : memref<128x32xf32, #tpu.memory_space<vmem>>, vector<16xf32>,
    %get3A_3551 = arith.constant 121 : i32
    %get3A_3552 = arith.index_cast %get3A_3551 : i32 to index
    %get3A_3553 = arith.constant 16 : index
    %get3A_3554 = tpu.vector_load %arg13[%get3A_3552, %get3A_3553] {strides = array<i32>} : memref<128x32xf32, #tpu.memory_space<vmem>>, vector<16xf32>,
    %get3A_3555 = arith.constant 121 : i32
    %get3A_3556 = arith.index_cast %get3A_3555 : i32 to index
    %get3A_3557 = arith.constant 16 : index
    %get3A_3558 = tpu.vector_load %arg12[%get3A_3556, %get3A_3557] {strides = array<i32>} : memref<128x32xf32, #tpu.memory_space<vmem>>, vector<16xf32>,
    %sub3A_3559 = arith.subf %get3A_3558, %get3A_3554 : vector<16xf32>
    %add3A_3560 = arith.addf %get3A_3554, %sub3A_3559 : vector<16xf32>
    %swap3A_3561 = arith.constant 121 : i32
    %swap3A_3562 = arith.index_cast %swap3A_3561 : i32 to index
    %swap3A_3563 = arith.constant 16 : index
    %swap3A_3564 = tpu.vector_load %arg12[%swap3A_3562, %swap3A_3563] {strides = array<i32>} : memref<128x32xf32, #tpu.memory_space<vmem>>, vector<16xf32>,
    tpu.vector_store %arg12[%swap3A_3562, %swap3A_3563], %add3A_3560 {strides = array<i32>} : memref<128x32xf32, #tpu.memory_space<vmem>>, vector<16xf32>,
    %get3A_3565 = arith.constant 122 : i32
    %get3A_3566 = arith.index_cast %get3A_3565 : i32 to index
    %get3A_3567 = arith.constant 0 : index
    %get3A_3568 = tpu.vector_load %arg13[%get3A_3566, %get3A_3567] {strides = array<i32>} : memref<128x32xf32, #tpu.memory_space<vmem>>, vector<16xf32>,
    %get3A_3569 = arith.constant 122 : i32
    %get3A_3570 = arith.index_cast %get3A_3569 : i32 to index
    %get3A_3571 = arith.constant 0 : index
    %get3A_3572 = tpu.vector_load %arg12[%get3A_3570, %get3A_3571] {strides = array<i32>} : memref<128x32xf32, #tpu.memory_space<vmem>>, vector<16xf32>,
    %sub3A_3573 = arith.subf %get3A_3572, %get3A_3568 : vector<16xf32>
    %add3A_3574 = arith.addf %get3A_3568, %sub3A_3573 : vector<16xf32>
    %swap3A_3575 = arith.constant 122 : i32
    %swap3A_3576 = arith.index_cast %swap3A_3575 : i32 to index
    %swap3A_3577 = arith.constant 0 : index
    %swap3A_3578 = tpu.vector_load %arg12[%swap3A_3576, %swap3A_3577] {strides = array<i32>} : memref<128x32xf32, #tpu.memory_space<vmem>>, vector<16xf32>,
    tpu.vector_store %arg12[%swap3A_3576, %swap3A_3577], %add3A_3574 {strides = array<i32>} : memref<128x32xf32, #tpu.memory_space<vmem>>, vector<16xf32>,
    %get3A_3579 = arith.constant 122 : i32
    %get3A_3580 = arith.index_cast %get3A_3579 : i32 to index
    %get3A_3581 = arith.constant 16 : index
    %get3A_3582 = tpu.vector_load %arg13[%get3A_3580, %get3A_3581] {strides = array<i32>} : memref<128x32xf32, #tpu.memory_space<vmem>>, vector<16xf32>,
    %get3A_3583 = arith.constant 122 : i32
    %get3A_3584 = arith.index_cast %get3A_3583 : i32 to index
    %get3A_3585 = arith.constant 16 : index
    %get3A_3586 = tpu.vector_load %arg12[%get3A_3584, %get3A_3585] {strides = array<i32>} : memref<128x32xf32, #tpu.memory_space<vmem>>, vector<16xf32>,
    %sub3A_3587 = arith.subf %get3A_3586, %get3A_3582 : vector<16xf32>
    %add3A_3588 = arith.addf %get3A_3582, %sub3A_3587 : vector<16xf32>
    %swap3A_3589 = arith.constant 122 : i32
    %swap3A_3590 = arith.index_cast %swap3A_3589 : i32 to index
    %swap3A_3591 = arith.constant 16 : index
    %swap3A_3592 = tpu.vector_load %arg12[%swap3A_3590, %swap3A_3591] {strides = array<i32>} : memref<128x32xf32, #tpu.memory_space<vmem>>, vector<16xf32>,
    tpu.vector_store %arg12[%swap3A_3590, %swap3A_3591], %add3A_3588 {strides = array<i32>} : memref<128x32xf32, #tpu.memory_space<vmem>>, vector<16xf32>,
    %get3A_3593 = arith.constant 123 : i32
    %get3A_3594 = arith.index_cast %get3A_3593 : i32 to index
    %get3A_3595 = arith.constant 0 : index
    %get3A_3596 = tpu.vector_load %arg13[%get3A_3594, %get3A_3595] {strides = array<i32>} : memref<128x32xf32, #tpu.memory_space<vmem>>, vector<16xf32>,
    %get3A_3597 = arith.constant 123 : i32
    %get3A_3598 = arith.index_cast %get3A_3597 : i32 to index
    %get3A_3599 = arith.constant 0 : index
    %get3A_3600 = tpu.vector_load %arg12[%get3A_3598, %get3A_3599] {strides = array<i32>} : memref<128x32xf32, #tpu.memory_space<vmem>>, vector<16xf32>,
    %sub3A_3601 = arith.subf %get3A_3600, %get3A_3596 : vector<16xf32>
    %add3A_3602 = arith.addf %get3A_3596, %sub3A_3601 : vector<16xf32>
    %swap3A_3603 = arith.constant 123 : i32
    %swap3A_3604 = arith.index_cast %swap3A_3603 : i32 to index
    %swap3A_3605 = arith.constant 0 : index
    %swap3A_3606 = tpu.vector_load %arg12[%swap3A_3604, %swap3A_3605] {strides = array<i32>} : memref<128x32xf32, #tpu.memory_space<vmem>>, vector<16xf32>,
    tpu.vector_store %arg12[%swap3A_3604, %swap3A_3605], %add3A_3602 {strides = array<i32>} : memref<128x32xf32, #tpu.memory_space<vmem>>, vector<16xf32>,
    %get3A_3607 = arith.constant 123 : i32
    %get3A_3608 = arith.index_cast %get3A_3607 : i32 to index
    %get3A_3609 = arith.constant 16 : index
    %get3A_3610 = tpu.vector_load %arg13[%get3A_3608, %get3A_3609] {strides = array<i32>} : memref<128x32xf32, #tpu.memory_space<vmem>>, vector<16xf32>,
    %get3A_3611 = arith.constant 123 : i32
    %get3A_3612 = arith.index_cast %get3A_3611 : i32 to index
    %get3A_3613 = arith.constant 16 : index
    %get3A_3614 = tpu.vector_load %arg12[%get3A_3612, %get3A_3613] {strides = array<i32>} : memref<128x32xf32, #tpu.memory_space<vmem>>, vector<16xf32>,
    %sub3A_3615 = arith.subf %get3A_3614, %get3A_3610 : vector<16xf32>
    %add3A_3616 = arith.addf %get3A_3610, %sub3A_3615 : vector<16xf32>
    %swap3A_3617 = arith.constant 123 : i32
    %swap3A_3618 = arith.index_cast %swap3A_3617 : i32 to index
    %swap3A_3619 = arith.constant 16 : index
    %swap3A_3620 = tpu.vector_load %arg12[%swap3A_3618, %swap3A_3619] {strides = array<i32>} : memref<128x32xf32, #tpu.memory_space<vmem>>, vector<16xf32>,
    tpu.vector_store %arg12[%swap3A_3618, %swap3A_3619], %add3A_3616 {strides = array<i32>} : memref<128x32xf32, #tpu.memory_space<vmem>>, vector<16xf32>,
    %get3A_3621 = arith.constant 124 : i32
    %get3A_3622 = arith.index_cast %get3A_3621 : i32 to index
    %get3A_3623 = arith.constant 0 : index
    %get3A_3624 = tpu.vector_load %arg13[%get3A_3622, %get3A_3623] {strides = array<i32>} : memref<128x32xf32, #tpu.memory_space<vmem>>, vector<16xf32>,
    %get3A_3625 = arith.constant 124 : i32
    %get3A_3626 = arith.index_cast %get3A_3625 : i32 to index
    %get3A_3627 = arith.constant 0 : index
    %get3A_3628 = tpu.vector_load %arg12[%get3A_3626, %get3A_3627] {strides = array<i32>} : memref<128x32xf32, #tpu.memory_space<vmem>>, vector<16xf32>,
    %sub3A_3629 = arith.subf %get3A_3628, %get3A_3624 : vector<16xf32>
    %add3A_3630 = arith.addf %get3A_3624, %sub3A_3629 : vector<16xf32>
    %swap3A_3631 = arith.constant 124 : i32
    %swap3A_3632 = arith.index_cast %swap3A_3631 : i32 to index
    %swap3A_3633 = arith.constant 0 : index
    %swap3A_3634 = tpu.vector_load %arg12[%swap3A_3632, %swap3A_3633] {strides = array<i32>} : memref<128x32xf32, #tpu.memory_space<vmem>>, vector<16xf32>,
    tpu.vector_store %arg12[%swap3A_3632, %swap3A_3633], %add3A_3630 {strides = array<i32>} : memref<128x32xf32, #tpu.memory_space<vmem>>, vector<16xf32>,
    %get3A_3635 = arith.constant 124 : i32
    %get3A_3636 = arith.index_cast %get3A_3635 : i32 to index
    %get3A_3637 = arith.constant 16 : index
    %get3A_3638 = tpu.vector_load %arg13[%get3A_3636, %get3A_3637] {strides = array<i32>} : memref<128x32xf32, #tpu.memory_space<vmem>>, vector<16xf32>,
    %get3A_3639 = arith.constant 124 : i32
    %get3A_3640 = arith.index_cast %get3A_3639 : i32 to index
    %get3A_3641 = arith.constant 16 : index
    %get3A_3642 = tpu.vector_load %arg12[%get3A_3640, %get3A_3641] {strides = array<i32>} : memref<128x32xf32, #tpu.memory_space<vmem>>, vector<16xf32>,
    %sub3A_3643 = arith.subf %get3A_3642, %get3A_3638 : vector<16xf32>
    %add3A_3644 = arith.addf %get3A_3638, %sub3A_3643 : vector<16xf32>
    %swap3A_3645 = arith.constant 124 : i32
    %swap3A_3646 = arith.index_cast %swap3A_3645 : i32 to index
    %swap3A_3647 = arith.constant 16 : index
    %swap3A_3648 = tpu.vector_load %arg12[%swap3A_3646, %swap3A_3647] {strides = array<i32>} : memref<128x32xf32, #tpu.memory_space<vmem>>, vector<16xf32>,
    tpu.vector_store %arg12[%swap3A_3646, %swap3A_3647], %add3A_3644 {strides = array<i32>} : memref<128x32xf32, #tpu.memory_space<vmem>>, vector<16xf32>,
    %get3A_3649 = arith.constant 125 : i32
    %get3A_3650 = arith.index_cast %get3A_3649 : i32 to index
    %get3A_3651 = arith.constant 0 : index
    %get3A_3652 = tpu.vector_load %arg13[%get3A_3650, %get3A_3651] {strides = array<i32>} : memref<128x32xf32, #tpu.memory_space<vmem>>, vector<16xf32>,
    %get3A_3653 = arith.constant 125 : i32
    %get3A_3654 = arith.index_cast %get3A_3653 : i32 to index
    %get3A_3655 = arith.constant 0 : index
    %get3A_3656 = tpu.vector_load %arg12[%get3A_3654, %get3A_3655] {strides = array<i32>} : memref<128x32xf32, #tpu.memory_space<vmem>>, vector<16xf32>,
    %sub3A_3657 = arith.subf %get3A_3656, %get3A_3652 : vector<16xf32>
    %add3A_3658 = arith.addf %get3A_3652, %sub3A_3657 : vector<16xf32>
    %swap3A_3659 = arith.constant 125 : i32
    %swap3A_3660 = arith.index_cast %swap3A_3659 : i32 to index
    %swap3A_3661 = arith.constant 0 : index
    %swap3A_3662 = tpu.vector_load %arg12[%swap3A_3660, %swap3A_3661] {strides = array<i32>} : memref<128x32xf32, #tpu.memory_space<vmem>>, vector<16xf32>,
    tpu.vector_store %arg12[%swap3A_3660, %swap3A_3661], %add3A_3658 {strides = array<i32>} : memref<128x32xf32, #tpu.memory_space<vmem>>, vector<16xf32>,
    %get3A_3663 = arith.constant 125 : i32
    %get3A_3664 = arith.index_cast %get3A_3663 : i32 to index
    %get3A_3665 = arith.constant 16 : index
    %get3A_3666 = tpu.vector_load %arg13[%get3A_3664, %get3A_3665] {strides = array<i32>} : memref<128x32xf32, #tpu.memory_space<vmem>>, vector<16xf32>,
    %get3A_3667 = arith.constant 125 : i32
    %get3A_3668 = arith.index_cast %get3A_3667 : i32 to index
    %get3A_3669 = arith.constant 16 : index
    %get3A_3670 = tpu.vector_load %arg12[%get3A_3668, %get3A_3669] {strides = array<i32>} : memref<128x32xf32, #tpu.memory_space<vmem>>, vector<16xf32>,
    %sub3A_3671 = arith.subf %get3A_3670, %get3A_3666 : vector<16xf32>
    %add3A_3672 = arith.addf %get3A_3666, %sub3A_3671 : vector<16xf32>
    %swap3A_3673 = arith.constant 125 : i32
    %swap3A_3674 = arith.index_cast %swap3A_3673 : i32 to index
    %swap3A_3675 = arith.constant 16 : index
    %swap3A_3676 = tpu.vector_load %arg12[%swap3A_3674, %swap3A_3675] {strides = array<i32>} : memref<128x32xf32, #tpu.memory_space<vmem>>, vector<16xf32>,
    tpu.vector_store %arg12[%swap3A_3674, %swap3A_3675], %add3A_3672 {strides = array<i32>} : memref<128x32xf32, #tpu.memory_space<vmem>>, vector<16xf32>,
    %get3A_3677 = arith.constant 126 : i32
    %get3A_3678 = arith.index_cast %get3A_3677 : i32 to index
    %get3A_3679 = arith.constant 0 : index
    %get3A_3680 = tpu.vector_load %arg13[%get3A_3678, %get3A_3679] {strides = array<i32>} : memref<128x32xf32, #tpu.memory_space<vmem>>, vector<16xf32>,
    %get3A_3681 = arith.constant 126 : i32
    %get3A_3682 = arith.index_cast %get3A_3681 : i32 to index
    %get3A_3683 = arith.constant 0 : index
    %get3A_3684 = tpu.vector_load %arg12[%get3A_3682, %get3A_3683] {strides = array<i32>} : memref<128x32xf32, #tpu.memory_space<vmem>>, vector<16xf32>,
    %sub3A_3685 = arith.subf %get3A_3684, %get3A_3680 : vector<16xf32>
    %add3A_3686 = arith.addf %get3A_3680, %sub3A_3685 : vector<16xf32>
    %swap3A_3687 = arith.constant 126 : i32
    %swap3A_3688 = arith.index_cast %swap3A_3687 : i32 to index
    %swap3A_3689 = arith.constant 0 : index
    %swap3A_3690 = tpu.vector_load %arg12[%swap3A_3688, %swap3A_3689] {strides = array<i32>} : memref<128x32xf32, #tpu.memory_space<vmem>>, vector<16xf32>,
    tpu.vector_store %arg12[%swap3A_3688, %swap3A_3689], %add3A_3686 {strides = array<i32>} : memref<128x32xf32, #tpu.memory_space<vmem>>, vector<16xf32>,
    %get3A_3691 = arith.constant 126 : i32
    %get3A_3692 = arith.index_cast %get3A_3691 : i32 to index
    %get3A_3693 = arith.constant 16 : index
    %get3A_3694 = tpu.vector_load %arg13[%get3A_3692, %get3A_3693] {strides = array<i32>} : memref<128x32xf32, #tpu.memory_space<vmem>>, vector<16xf32>,
    %get3A_3695 = arith.constant 126 : i32
    %get3A_3696 = arith.index_cast %get3A_3695 : i32 to index
    %get3A_3697 = arith.constant 16 : index
    %get3A_3698 = tpu.vector_load %arg12[%get3A_3696, %get3A_3697] {strides = array<i32>} : memref<128x32xf32, #tpu.memory_space<vmem>>, vector<16xf32>,
    %sub3A_3699 = arith.subf %get3A_3698, %get3A_3694 : vector<16xf32>
    %add3A_3700 = arith.addf %get3A_3694, %sub3A_3699 : vector<16xf32>
    %swap3A_3701 = arith.constant 126 : i32
    %swap3A_3702 = arith.index_cast %swap3A_3701 : i32 to index
    %swap3A_3703 = arith.constant 16 : index
    %swap3A_3704 = tpu.vector_load %arg12[%swap3A_3702, %swap3A_3703] {strides = array<i32>} : memref<128x32xf32, #tpu.memory_space<vmem>>, vector<16xf32>,
    tpu.vector_store %arg12[%swap3A_3702, %swap3A_3703], %add3A_3700 {strides = array<i32>} : memref<128x32xf32, #tpu.memory_space<vmem>>, vector<16xf32>,
    %get3A_3705 = arith.constant 127 : i32
    %get3A_3706 = arith.index_cast %get3A_3705 : i32 to index
    %get3A_3707 = arith.constant 0 : index
    %get3A_3708 = tpu.vector_load %arg13[%get3A_3706, %get3A_3707] {strides = array<i32>} : memref<128x32xf32, #tpu.memory_space<vmem>>, vector<16xf32>,
    %get3A_3709 = arith.constant 127 : i32
    %get3A_3710 = arith.index_cast %get3A_3709 : i32 to index
    %get3A_3711 = arith.constant 0 : index
    %get3A_3712 = tpu.vector_load %arg12[%get3A_3710, %get3A_3711] {strides = array<i32>} : memref<128x32xf32, #tpu.memory_space<vmem>>, vector<16xf32>,
    %sub3A_3713 = arith.subf %get3A_3712, %get3A_3708 : vector<16xf32>
    %add3A_3714 = arith.addf %get3A_3708, %sub3A_3713 : vector<16xf32>
    %swap3A_3715 = arith.constant 127 : i32
    %swap3A_3716 = arith.index_cast %swap3A_3715 : i32 to index
    %swap3A_3717 = arith.constant 0 : index
    %swap3A_3718 = tpu.vector_load %arg12[%swap3A_3716, %swap3A_3717] {strides = array<i32>} : memref<128x32xf32, #tpu.memory_space<vmem>>, vector<16xf32>,
    tpu.vector_store %arg12[%swap3A_3716, %swap3A_3717], %add3A_3714 {strides = array<i32>} : memref<128x32xf32, #tpu.memory_space<vmem>>, vector<16xf32>,
    %get3A_3719 = arith.constant 127 : i32
    %get3A_3720 = arith.index_cast %get3A_3719 : i32 to index
    %get3A_3721 = arith.constant 16 : index
    %get3A_3722 = tpu.vector_load %arg13[%get3A_3720, %get3A_3721] {strides = array<i32>} : memref<128x32xf32, #tpu.memory_space<vmem>>, vector<16xf32>,
    %get3A_3723 = arith.constant 127 : i32
    %get3A_3724 = arith.index_cast %get3A_3723 : i32 to index
    %get3A_3725 = arith.constant 16 : index
    %get3A_3726 = tpu.vector_load %arg12[%get3A_3724, %get3A_3725] {strides = array<i32>} : memref<128x32xf32, #tpu.memory_space<vmem>>, vector<16xf32>,
    %sub3A_3727 = arith.subf %get3A_3726, %get3A_3722 : vector<16xf32>
    %add3A_3728 = arith.addf %get3A_3722, %sub3A_3727 : vector<16xf32>
    %swap3A_3729 = arith.constant 127 : i32
    %swap3A_3730 = arith.index_cast %swap3A_3729 : i32 to index
    %swap3A_3731 = arith.constant 16 : index
    %swap3A_3732 = tpu.vector_load %arg12[%swap3A_3730, %swap3A_3731] {strides = array<i32>} : memref<128x32xf32, #tpu.memory_space<vmem>>, vector<16xf32>,
    tpu.vector_store %arg12[%swap3A_3730, %swap3A_3731], %add3A_3728 {strides = array<i32>} : memref<128x32xf32, #tpu.memory_space<vmem>>, vector<16xf32>,
    "tpu.region"() ({
      %run_scoped3A = tpu.sem_alloc : memref<!tpu.dma_semaphore, #tpu.memory_space<semaphore_mem>>
      %dma_start3A_3733 = arith.constant 0 : i32
      %dma_start3A_3734 = tpu.memref_slice %arg7[%mul3A_2, %dma_start3A_3733] : memref<4096x32xf32, #tpu.memory_space<hbm>> -> memref<128x32xf32, #tpu.memory_space<hbm>>
      %dma_start3A_3735 = arith.constant 0 : i32
      %dma_start3A_3736 = tpu.memref_slice %arg7[%mul3A_2, %dma_start3A_3735] : memref<4096x32xf32, #tpu.memory_space<hbm>> -> memref<128x32xf32, #tpu.memory_space<hbm>>
      tpu.enqueue_dma source(%arg12 : memref<128x32xf32, #tpu.memory_space<vmem>>) target(%dma_start3A_3736 : memref<128x32xf32, #tpu.memory_space<hbm>>) target_semaphore(%run_scoped3A : memref<!tpu.dma_semaphore, #tpu.memory_space<semaphore_mem>>)
      %dma_wait3A_3737 = arith.constant 0 : i32
      %dma_wait3A_3738 = tpu.memref_slice %arg7[%mul3A_2, %dma_wait3A_3737] : memref<4096x32xf32, #tpu.memory_space<hbm>> -> memref<128x32xf32, #tpu.memory_space<hbm>>
      %dma_wait3A_3739 = arith.constant 0 : i32
      %dma_wait3A_3740 = tpu.memref_slice %arg7[%mul3A_2, %dma_wait3A_3739] : memref<4096x32xf32, #tpu.memory_space<hbm>> -> memref<128x32xf32, #tpu.memory_space<hbm>>
      tpu.wait_dma2 semaphore(%run_scoped3A : memref<!tpu.dma_semaphore, #tpu.memory_space<semaphore_mem>>) src(%arg12 : memref<128x32xf32, #tpu.memory_space<vmem>>) dst(%dma_wait3A_3740 : memref<128x32xf32, #tpu.memory_space<hbm>>)
      tpu.yield
    }) : () -> ()
    return
  }
}

#map = affine_map<(d0, d1) -> (0, 0)>
#map1 = affine_map<(d0, d1) -> (0)>
module attributes {stable_mosaic.version = 14 : i64} {
  func.func @f(%arg0: i32, %arg1: i32, %arg2: memref<4096x32xf32, #tpu.memory_space<hbm>>, %arg3: memref<4096xi32, #tpu.memory_space<hbm>>, %arg4: memref<128xi32, #tpu.memory_space<hbm>>, %arg5: memref<4096x32xf32, #tpu.memory_space<hbm>>, %arg6: memref<128xi32, #tpu.memory_space<vmem>>, %arg7: memref<128xi32, #tpu.memory_space<vmem>>, %arg8: memref<128xi32, #tpu.memory_space<vmem>>, %arg9: memref<128x32xf32, #tpu.memory_space<vmem>>, %arg10: memref<!tpu.dma_semaphore, #tpu.memory_space<semaphore_mem>>, %arg11: memref<!tpu.dma_semaphore, #tpu.memory_space<semaphore_mem>>, %arg12: memref<!tpu.dma_semaphore, #tpu.memory_space<semaphore_mem>>) attributes {dimension_semantics = [#tpu.dimension_semantics<core_parallel>, #tpu.dimension_semantics<subcore_parallel>], iteration_bounds = array<i64: 2, 16>, scalar_prefetch = 0 : i64, scratch_operands = 7 : i64, tpu.core_type = #tpu.core_type<sc_vector_subcore>, window_params = [{transform_indices = #map}, {transform_indices = #map1}, {transform_indices = #map1}, {transform_indices = #map}]} {
    %mul3A = arith.constant 2 : i32
    %mul3A_0 = arith.muli %arg1, %mul3A : i32
    %add3A = arith.addi %mul3A_0, %arg0 : i32
    %mul3A_1 = arith.constant 128 : i32
    %mul3A_2 = arith.muli %add3A, %mul3A_1 : i32
    %dma_start3A = tpu.memref_slice %arg3[%mul3A_2] : memref<4096xi32, #tpu.memory_space<hbm>> -> memref<128xi32, #tpu.memory_space<hbm>>
    %dma_start3A_3 = tpu.memref_slice %arg3[%mul3A_2] : memref<4096xi32, #tpu.memory_space<hbm>> -> memref<128xi32, #tpu.memory_space<hbm>>
    tpu.enqueue_dma source(%dma_start3A_3 : memref<128xi32, #tpu.memory_space<hbm>>) target(%arg6 : memref<128xi32, #tpu.memory_space<vmem>>) target_semaphore(%arg10 : memref<!tpu.dma_semaphore, #tpu.memory_space<semaphore_mem>>)
    tpu.enqueue_dma source(%arg4 : memref<128xi32, #tpu.memory_space<hbm>>) target(%arg7 : memref<128xi32, #tpu.memory_space<vmem>>) target_semaphore(%arg11 : memref<!tpu.dma_semaphore, #tpu.memory_space<semaphore_mem>>)
    %dma_start3A_4 = arith.constant 0 : i32
    %dma_start3A_5 = tpu.memref_slice %arg2[%mul3A_2, %dma_start3A_4] : memref<4096x32xf32, #tpu.memory_space<hbm>> -> memref<128x32xf32, #tpu.memory_space<hbm>>
    %dma_start3A_6 = arith.constant 0 : i32
    %dma_start3A_7 = tpu.memref_slice %arg2[%mul3A_2, %dma_start3A_6] : memref<4096x32xf32, #tpu.memory_space<hbm>> -> memref<128x32xf32, #tpu.memory_space<hbm>>
    tpu.enqueue_dma source(%dma_start3A_7 : memref<128x32xf32, #tpu.memory_space<hbm>>) target(%arg9 : memref<128x32xf32, #tpu.memory_space<vmem>>) target_semaphore(%arg12 : memref<!tpu.dma_semaphore, #tpu.memory_space<semaphore_mem>>)
    %dma_wait3A = tpu.memref_slice %arg3[%mul3A_2] : memref<4096xi32, #tpu.memory_space<hbm>> -> memref<128xi32, #tpu.memory_space<hbm>>
    %dma_wait3A_8 = tpu.memref_slice %arg3[%mul3A_2] : memref<4096xi32, #tpu.memory_space<hbm>> -> memref<128xi32, #tpu.memory_space<hbm>>
    tpu.wait_dma2 semaphore(%arg10 : memref<!tpu.dma_semaphore, #tpu.memory_space<semaphore_mem>>) src(%dma_wait3A_8 : memref<128xi32, #tpu.memory_space<hbm>>) dst(%arg6 : memref<128xi32, #tpu.memory_space<vmem>>)
    tpu.wait_dma2 semaphore(%arg11 : memref<!tpu.dma_semaphore, #tpu.memory_space<semaphore_mem>>) src(%arg4 : memref<128xi32, #tpu.memory_space<hbm>>) dst(%arg7 : memref<128xi32, #tpu.memory_space<vmem>>)
    %get3A = arith.constant 0 : index
    %get3A_9 = tpu.vector_load %arg6[%get3A] {strides = array<i32>} : memref<128xi32, #tpu.memory_space<vmem>>, vector<16xi32>,
    %shift_right_logical3A = arith.constant 12 : i32
    %shift_right_logical3A_10 = vector.broadcast %shift_right_logical3A : i32 to vector<16xi32>
    %shift_right_logical3A_11 = arith.shrui %get3A_9, %shift_right_logical3A_10 : vector<16xi32>
    %and3A = arith.constant 4095 : i32
    %and3A_12 = vector.broadcast %and3A : i32 to vector<16xi32>
    %and3A_13 = arith.andi %get3A_9, %and3A_12 : vector<16xi32>
    %gather3A = tpu.vector_load_idx %arg7[%shift_right_logical3A_11] : memref<128xi32, #tpu.memory_space<vmem>>[vector<16xi32>], vector<16xi32>,
    %add3A_14 = arith.addi %gather3A, %and3A_13 : vector<16xi32>
    %swap3A = arith.constant 0 : index
    %swap3A_15 = tpu.vector_load %arg8[%swap3A] {strides = array<i32>} : memref<128xi32, #tpu.memory_space<vmem>>, vector<16xi32>,
    tpu.vector_store %arg8[%swap3A], %add3A_14 {strides = array<i32>} : memref<128xi32, #tpu.memory_space<vmem>>, vector<16xi32>,
    %get3A_16 = arith.constant 16 : index
    %get3A_17 = tpu.vector_load %arg6[%get3A_16] {strides = array<i32>} : memref<128xi32, #tpu.memory_space<vmem>>, vector<16xi32>,
    %shift_right_logical3A_18 = arith.constant 12 : i32
    %shift_right_logical3A_19 = vector.broadcast %shift_right_logical3A_18 : i32 to vector<16xi32>
    %shift_right_logical3A_20 = arith.shrui %get3A_17, %shift_right_logical3A_19 : vector<16xi32>
    %and3A_21 = arith.constant 4095 : i32
    %and3A_22 = vector.broadcast %and3A_21 : i32 to vector<16xi32>
    %and3A_23 = arith.andi %get3A_17, %and3A_22 : vector<16xi32>
    %gather3A_24 = tpu.vector_load_idx %arg7[%shift_right_logical3A_20] : memref<128xi32, #tpu.memory_space<vmem>>[vector<16xi32>], vector<16xi32>,
    %add3A_25 = arith.addi %gather3A_24, %and3A_23 : vector<16xi32>
    %swap3A_26 = arith.constant 16 : index
    %swap3A_27 = tpu.vector_load %arg8[%swap3A_26] {strides = array<i32>} : memref<128xi32, #tpu.memory_space<vmem>>, vector<16xi32>,
    tpu.vector_store %arg8[%swap3A_26], %add3A_25 {strides = array<i32>} : memref<128xi32, #tpu.memory_space<vmem>>, vector<16xi32>,
    %get3A_28 = arith.constant 32 : index
    %get3A_29 = tpu.vector_load %arg6[%get3A_28] {strides = array<i32>} : memref<128xi32, #tpu.memory_space<vmem>>, vector<16xi32>,
    %shift_right_logical3A_30 = arith.constant 12 : i32
    %shift_right_logical3A_31 = vector.broadcast %shift_right_logical3A_30 : i32 to vector<16xi32>
    %shift_right_logical3A_32 = arith.shrui %get3A_29, %shift_right_logical3A_31 : vector<16xi32>
    %and3A_33 = arith.constant 4095 : i32
    %and3A_34 = vector.broadcast %and3A_33 : i32 to vector<16xi32>
    %and3A_35 = arith.andi %get3A_29, %and3A_34 : vector<16xi32>
    %gather3A_36 = tpu.vector_load_idx %arg7[%shift_right_logical3A_32] : memref<128xi32, #tpu.memory_space<vmem>>[vector<16xi32>], vector<16xi32>,
    %add3A_37 = arith.addi %gather3A_36, %and3A_35 : vector<16xi32>
    %swap3A_38 = arith.constant 32 : index
    %swap3A_39 = tpu.vector_load %arg8[%swap3A_38] {strides = array<i32>} : memref<128xi32, #tpu.memory_space<vmem>>, vector<16xi32>,
    tpu.vector_store %arg8[%swap3A_38], %add3A_37 {strides = array<i32>} : memref<128xi32, #tpu.memory_space<vmem>>, vector<16xi32>,
    %get3A_40 = arith.constant 48 : index
    %get3A_41 = tpu.vector_load %arg6[%get3A_40] {strides = array<i32>} : memref<128xi32, #tpu.memory_space<vmem>>, vector<16xi32>,
    %shift_right_logical3A_42 = arith.constant 12 : i32
    %shift_right_logical3A_43 = vector.broadcast %shift_right_logical3A_42 : i32 to vector<16xi32>
    %shift_right_logical3A_44 = arith.shrui %get3A_41, %shift_right_logical3A_43 : vector<16xi32>
    %and3A_45 = arith.constant 4095 : i32
    %and3A_46 = vector.broadcast %and3A_45 : i32 to vector<16xi32>
    %and3A_47 = arith.andi %get3A_41, %and3A_46 : vector<16xi32>
    %gather3A_48 = tpu.vector_load_idx %arg7[%shift_right_logical3A_44] : memref<128xi32, #tpu.memory_space<vmem>>[vector<16xi32>], vector<16xi32>,
    %add3A_49 = arith.addi %gather3A_48, %and3A_47 : vector<16xi32>
    %swap3A_50 = arith.constant 48 : index
    %swap3A_51 = tpu.vector_load %arg8[%swap3A_50] {strides = array<i32>} : memref<128xi32, #tpu.memory_space<vmem>>, vector<16xi32>,
    tpu.vector_store %arg8[%swap3A_50], %add3A_49 {strides = array<i32>} : memref<128xi32, #tpu.memory_space<vmem>>, vector<16xi32>,
    %get3A_52 = arith.constant 64 : index
    %get3A_53 = tpu.vector_load %arg6[%get3A_52] {strides = array<i32>} : memref<128xi32, #tpu.memory_space<vmem>>, vector<16xi32>,
    %shift_right_logical3A_54 = arith.constant 12 : i32
    %shift_right_logical3A_55 = vector.broadcast %shift_right_logical3A_54 : i32 to vector<16xi32>
    %shift_right_logical3A_56 = arith.shrui %get3A_53, %shift_right_logical3A_55 : vector<16xi32>
    %and3A_57 = arith.constant 4095 : i32
    %and3A_58 = vector.broadcast %and3A_57 : i32 to vector<16xi32>
    %and3A_59 = arith.andi %get3A_53, %and3A_58 : vector<16xi32>
    %gather3A_60 = tpu.vector_load_idx %arg7[%shift_right_logical3A_56] : memref<128xi32, #tpu.memory_space<vmem>>[vector<16xi32>], vector<16xi32>,
    %add3A_61 = arith.addi %gather3A_60, %and3A_59 : vector<16xi32>
    %swap3A_62 = arith.constant 64 : index
    %swap3A_63 = tpu.vector_load %arg8[%swap3A_62] {strides = array<i32>} : memref<128xi32, #tpu.memory_space<vmem>>, vector<16xi32>,
    tpu.vector_store %arg8[%swap3A_62], %add3A_61 {strides = array<i32>} : memref<128xi32, #tpu.memory_space<vmem>>, vector<16xi32>,
    %get3A_64 = arith.constant 80 : index
    %get3A_65 = tpu.vector_load %arg6[%get3A_64] {strides = array<i32>} : memref<128xi32, #tpu.memory_space<vmem>>, vector<16xi32>,
    %shift_right_logical3A_66 = arith.constant 12 : i32
    %shift_right_logical3A_67 = vector.broadcast %shift_right_logical3A_66 : i32 to vector<16xi32>
    %shift_right_logical3A_68 = arith.shrui %get3A_65, %shift_right_logical3A_67 : vector<16xi32>
    %and3A_69 = arith.constant 4095 : i32
    %and3A_70 = vector.broadcast %and3A_69 : i32 to vector<16xi32>
    %and3A_71 = arith.andi %get3A_65, %and3A_70 : vector<16xi32>
    %gather3A_72 = tpu.vector_load_idx %arg7[%shift_right_logical3A_68] : memref<128xi32, #tpu.memory_space<vmem>>[vector<16xi32>], vector<16xi32>,
    %add3A_73 = arith.addi %gather3A_72, %and3A_71 : vector<16xi32>
    %swap3A_74 = arith.constant 80 : index
    %swap3A_75 = tpu.vector_load %arg8[%swap3A_74] {strides = array<i32>} : memref<128xi32, #tpu.memory_space<vmem>>, vector<16xi32>,
    tpu.vector_store %arg8[%swap3A_74], %add3A_73 {strides = array<i32>} : memref<128xi32, #tpu.memory_space<vmem>>, vector<16xi32>,
    %get3A_76 = arith.constant 96 : index
    %get3A_77 = tpu.vector_load %arg6[%get3A_76] {strides = array<i32>} : memref<128xi32, #tpu.memory_space<vmem>>, vector<16xi32>,
    %shift_right_logical3A_78 = arith.constant 12 : i32
    %shift_right_logical3A_79 = vector.broadcast %shift_right_logical3A_78 : i32 to vector<16xi32>
    %shift_right_logical3A_80 = arith.shrui %get3A_77, %shift_right_logical3A_79 : vector<16xi32>
    %and3A_81 = arith.constant 4095 : i32
    %and3A_82 = vector.broadcast %and3A_81 : i32 to vector<16xi32>
    %and3A_83 = arith.andi %get3A_77, %and3A_82 : vector<16xi32>
    %gather3A_84 = tpu.vector_load_idx %arg7[%shift_right_logical3A_80] : memref<128xi32, #tpu.memory_space<vmem>>[vector<16xi32>], vector<16xi32>,
    %add3A_85 = arith.addi %gather3A_84, %and3A_83 : vector<16xi32>
    %swap3A_86 = arith.constant 96 : index
    %swap3A_87 = tpu.vector_load %arg8[%swap3A_86] {strides = array<i32>} : memref<128xi32, #tpu.memory_space<vmem>>, vector<16xi32>,
    tpu.vector_store %arg8[%swap3A_86], %add3A_85 {strides = array<i32>} : memref<128xi32, #tpu.memory_space<vmem>>, vector<16xi32>,
    %get3A_88 = arith.constant 112 : index
    %get3A_89 = tpu.vector_load %arg6[%get3A_88] {strides = array<i32>} : memref<128xi32, #tpu.memory_space<vmem>>, vector<16xi32>,
    %shift_right_logical3A_90 = arith.constant 12 : i32
    %shift_right_logical3A_91 = vector.broadcast %shift_right_logical3A_90 : i32 to vector<16xi32>
    %shift_right_logical3A_92 = arith.shrui %get3A_89, %shift_right_logical3A_91 : vector<16xi32>
    %and3A_93 = arith.constant 4095 : i32
    %and3A_94 = vector.broadcast %and3A_93 : i32 to vector<16xi32>
    %and3A_95 = arith.andi %get3A_89, %and3A_94 : vector<16xi32>
    %gather3A_96 = tpu.vector_load_idx %arg7[%shift_right_logical3A_92] : memref<128xi32, #tpu.memory_space<vmem>>[vector<16xi32>], vector<16xi32>,
    %add3A_97 = arith.addi %gather3A_96, %and3A_95 : vector<16xi32>
    %swap3A_98 = arith.constant 112 : index
    %swap3A_99 = tpu.vector_load %arg8[%swap3A_98] {strides = array<i32>} : memref<128xi32, #tpu.memory_space<vmem>>, vector<16xi32>,
    tpu.vector_store %arg8[%swap3A_98], %add3A_97 {strides = array<i32>} : memref<128xi32, #tpu.memory_space<vmem>>, vector<16xi32>,
    %dma_wait3A_100 = arith.constant 0 : i32
    %dma_wait3A_101 = tpu.memref_slice %arg2[%mul3A_2, %dma_wait3A_100] : memref<4096x32xf32, #tpu.memory_space<hbm>> -> memref<128x32xf32, #tpu.memory_space<hbm>>
    %dma_wait3A_102 = arith.constant 0 : i32
    %dma_wait3A_103 = tpu.memref_slice %arg2[%mul3A_2, %dma_wait3A_102] : memref<4096x32xf32, #tpu.memory_space<hbm>> -> memref<128x32xf32, #tpu.memory_space<hbm>>
    tpu.wait_dma2 semaphore(%arg12 : memref<!tpu.dma_semaphore, #tpu.memory_space<semaphore_mem>>) src(%dma_wait3A_103 : memref<128x32xf32, #tpu.memory_space<hbm>>) dst(%arg9 : memref<128x32xf32, #tpu.memory_space<vmem>>)
    %dma_start3A_104 = arith.constant 0 : i32
    %dma_start3A_105 = arith.constant 0 : i32
    %dma_start3A_106 = tpu.memref_slice %arg5[%dma_start3A_104, %dma_start3A_105] : memref<4096x32xf32, #tpu.memory_space<hbm>> -> memref<4096x32xf32, #tpu.memory_space<hbm>>
    tpu.enqueue_indirect_dma source(%arg9 : memref<128x32xf32, #tpu.memory_space<vmem>>) target(%dma_start3A_106 : memref<4096x32xf32, #tpu.memory_space<hbm>>) offsets(%arg8 : memref<128xi32, #tpu.memory_space<vmem>>) semaphore(%arg11 : memref<!tpu.dma_semaphore, #tpu.memory_space<semaphore_mem>>)
    %dma_wait3A_107 = arith.constant 0 : i32
    %dma_wait3A_108 = arith.constant 0 : i32
    %dma_wait3A_109 = tpu.memref_slice %arg5[%dma_wait3A_107, %dma_wait3A_108] : memref<4096x32xf32, #tpu.memory_space<hbm>> -> memref<4096x32xf32, #tpu.memory_space<hbm>>
    tpu.wait_indirect_dma semaphore(%arg11 : memref<!tpu.dma_semaphore, #tpu.memory_space<semaphore_mem>>) src(%arg9 : memref<128x32xf32, #tpu.memory_space<vmem>>) dst(%dma_wait3A_109 : memref<4096x32xf32, #tpu.memory_space<hbm>>)
    return
  }
}

module attributes {stable_mosaic.version = 14 : i64} {
  func.func @_coarse_body(%arg0: i32, %arg1: memref<512x768xf32, #tpu.memory_space<vmem>>, %arg2: memref<768x32xf32, #tpu.memory_space<vmem>>, %arg3: memref<32x64xf32, #tpu.memory_space<vmem>>, %arg4: memref<64x32xf32, #tpu.memory_space<vmem>>, %arg5: memref<1x32xf32, #tpu.memory_space<vmem>>, %arg6: memref<1x32xf32, #tpu.memory_space<vmem>>, %arg7: memref<1x32xf32, #tpu.memory_space<vmem>>, %arg8: memref<768x32xf32, #tpu.memory_space<vmem>>, %arg9: memref<32x32xf32, #tpu.memory_space<vmem>>, %arg10: memref<1x32xf32, #tpu.memory_space<vmem>>, %arg11: memref<1x32xf32, #tpu.memory_space<vmem>>, %arg12: memref<1x32xf32, #tpu.memory_space<vmem>>, %arg13: memref<512x32xf32, #tpu.memory_space<vmem>>, %arg14: memref<512x32xf32, #tpu.memory_space<vmem>>, %arg15: memref<512x1xi32, #tpu.memory_space<vmem>>, %arg16: memref<1x128xi32, #tpu.memory_space<vmem>>, %arg17: memref<1x1xf32, #tpu.memory_space<vmem>>, %arg18: memref<1x64xf32, #tpu.memory_space<vmem>>) attributes {dimension_semantics = [#tpu.dimension_semantics<arbitrary>], iteration_bounds = array<i64: 8>, scalar_prefetch = 0 : i64, scratch_operands = 1 : i64, tpu.core_type = #tpu.core_type<tc>, window_params = [{transform_indices = @transform_0, window_bounds = array<i64: 512, 768>}, {pipeline_mode = #tpu.pipeline_mode<synchronous>, transform_indices = @transform_1, window_bounds = array<i64: 768, 32>}, {pipeline_mode = #tpu.pipeline_mode<synchronous>, transform_indices = @transform_2, window_bounds = array<i64: 32, 64>}, {pipeline_mode = #tpu.pipeline_mode<synchronous>, transform_indices = @transform_3, window_bounds = array<i64: 64, 32>}, {pipeline_mode = #tpu.pipeline_mode<synchronous>, transform_indices = @transform_4, window_bounds = array<i64: 1, 32>}, {pipeline_mode = #tpu.pipeline_mode<synchronous>, transform_indices = @transform_5, window_bounds = array<i64: 1, 32>}, {pipeline_mode = #tpu.pipeline_mode<synchronous>, transform_indices = @transform_6, window_bounds = array<i64: 1, 32>}, {transform_indices = @transform_7, window_bounds = array<i64: 768, 32>}, {transform_indices = @transform_8, window_bounds = array<i64: 32, 32>}, {pipeline_mode = #tpu.pipeline_mode<synchronous>, transform_indices = @transform_9, window_bounds = array<i64: 1, 32>}, {pipeline_mode = #tpu.pipeline_mode<synchronous>, transform_indices = @transform_10, window_bounds = array<i64: 1, 32>}, {pipeline_mode = #tpu.pipeline_mode<synchronous>, transform_indices = @transform_11, window_bounds = array<i64: 1, 32>}, {transform_indices = @transform_12, window_bounds = array<i64: 512, 32>}, {transform_indices = @transform_13, window_bounds = array<i64: 512, 32>}, {transform_indices = @transform_14, window_bounds = array<i64: 512, 1>}, {pipeline_mode = #tpu.pipeline_mode<synchronous>, transform_indices = @transform_15, window_bounds = array<i64: 1, 128>}, {pipeline_mode = #tpu.pipeline_mode<synchronous>, transform_indices = @transform_16, window_bounds = array<i64: 1, 1>}]} {
    %get3A = arith.constant 0 : index
    %get3A_0 = arith.constant 0 : index
    %get3A_1 = vector.load %arg1[%get3A, %get3A_0] : memref<512x768xf32, #tpu.memory_space<vmem>>, vector<512x768xf32>
    %get3A_2 = arith.constant 0 : index
    %get3A_3 = arith.constant 0 : index
    %get3A_4 = vector.load %arg2[%get3A_2, %get3A_3] : memref<768x32xf32, #tpu.memory_space<vmem>>, vector<768x32xf32>
    %dot_general3A = arith.constant dense<0.000000e+00> : vector<512x32xf32>
    %dot_general3A_5 = tpu.matmul %get3A_1, %get3A_4, %dot_general3A {dimension_numbers = #tpu.dot_dimension_numbers<[1], [0], [0], [1], [0, 0, 1, 1], [], []>, transpose_lhs_hint = false} : vector<512x768xf32>, vector<768x32xf32>, vector<512x32xf32> -> vector<512x32xf32>
    %get3A_6 = arith.constant 0 : index
    %get3A_7 = arith.constant 0 : index
    %get3A_8 = vector.load %arg5[%get3A_6, %get3A_7] : memref<1x32xf32, #tpu.memory_space<vmem>>, vector<1x32xf32>
    %add3A = vector.broadcast %get3A_8 : vector<1x32xf32> to vector<512x32xf32>
    %add3A_9 = arith.addf %dot_general3A_5, %add3A : vector<512x32xf32>
    %get3A_10 = arith.constant 0 : index
    %get3A_11 = arith.constant 0 : index
    %get3A_12 = vector.load %arg6[%get3A_10, %get3A_11] : memref<1x32xf32, #tpu.memory_space<vmem>>, vector<1x32xf32>
    %get3A_13 = arith.constant 0 : index
    %get3A_14 = arith.constant 0 : index
    %get3A_15 = vector.load %arg7[%get3A_13, %get3A_14] : memref<1x32xf32, #tpu.memory_space<vmem>>, vector<1x32xf32>
    %reduce_sum3A = arith.constant dense<0.000000e+00> : vector<512xf32>
    %reduce_sum3A_16 = vector.multi_reduction <add>, %add3A_9, %reduce_sum3A [1] : vector<512x32xf32> to vector<512xf32>
    %broadcast_in_dim3A = vector.shape_cast %reduce_sum3A_16 : vector<512xf32> to vector<512x1xf32>
    %div3A = arith.constant 3.200000e+01 : f32
    %div3A_17 = vector.broadcast %div3A : f32 to vector<512x1xf32>
    %div3A_18 = arith.divf %broadcast_in_dim3A, %div3A_17 : vector<512x1xf32>
    %sub3A = vector.broadcast %div3A_18 : vector<512x1xf32> to vector<512x32xf32>
    %sub3A_19 = arith.subf %add3A_9, %sub3A : vector<512x32xf32>
    %integer_pow3A = arith.mulf %sub3A_19, %sub3A_19 : vector<512x32xf32>
    %reduce_sum3A_20 = arith.constant dense<0.000000e+00> : vector<512xf32>
    %reduce_sum3A_21 = vector.multi_reduction <add>, %integer_pow3A, %reduce_sum3A_20 [1] : vector<512x32xf32> to vector<512xf32>
    %broadcast_in_dim3A_22 = vector.shape_cast %reduce_sum3A_21 : vector<512xf32> to vector<512x1xf32>
    %div3A_23 = arith.constant 3.200000e+01 : f32
    %div3A_24 = vector.broadcast %div3A_23 : f32 to vector<512x1xf32>
    %div3A_25 = arith.divf %broadcast_in_dim3A_22, %div3A_24 : vector<512x1xf32>
    %sub3A_26 = vector.broadcast %div3A_18 : vector<512x1xf32> to vector<512x32xf32>
    %sub3A_27 = arith.subf %add3A_9, %sub3A_26 : vector<512x32xf32>
    %add3A_28 = arith.constant 9.99999974E-6 : f32
    %add3A_29 = vector.broadcast %add3A_28 : f32 to vector<512x1xf32>
    %add3A_30 = arith.addf %div3A_25, %add3A_29 : vector<512x1xf32>
    %sqrt3A = math.sqrt %add3A_30 : vector<512x1xf32>
    %div3A_31 = vector.broadcast %sqrt3A : vector<512x1xf32> to vector<512x32xf32>
    %div3A_32 = arith.divf %sub3A_27, %div3A_31 : vector<512x32xf32>
    %mul3A = vector.broadcast %get3A_12 : vector<1x32xf32> to vector<512x32xf32>
    %mul3A_33 = arith.mulf %div3A_32, %mul3A : vector<512x32xf32>
    %add3A_34 = vector.broadcast %get3A_15 : vector<1x32xf32> to vector<512x32xf32>
    %add3A_35 = arith.addf %mul3A_33, %add3A_34 : vector<512x32xf32>
    %get3A_36 = arith.constant 0 : index
    %get3A_37 = arith.constant 0 : index
    %get3A_38 = vector.load %arg3[%get3A_36, %get3A_37] : memref<32x64xf32, #tpu.memory_space<vmem>>, vector<32x64xf32>
    %dot_general3A_39 = arith.constant dense<0.000000e+00> : vector<512x64xf32>
    %dot_general3A_40 = tpu.matmul %add3A_35, %get3A_38, %dot_general3A_39 {dimension_numbers = #tpu.dot_dimension_numbers<[1], [0], [0], [1], [0, 0, 1, 1], [], []>, transpose_lhs_hint = false} : vector<512x32xf32>, vector<32x64xf32>, vector<512x64xf32> -> vector<512x64xf32>
    %get3A_41 = arith.constant 0 : index
    %get3A_42 = arith.constant 0 : index
    %get3A_43 = vector.load %arg3[%get3A_41, %get3A_42] : memref<32x64xf32, #tpu.memory_space<vmem>>, vector<32x64xf32>
    %integer_pow3A_44 = arith.mulf %get3A_43, %get3A_43 : vector<32x64xf32>
    %reduce_sum3A_45 = arith.constant dense<0.000000e+00> : vector<64xf32>
    %reduce_sum3A_46 = vector.multi_reduction <add>, %integer_pow3A_44, %reduce_sum3A_45 [0] : vector<32x64xf32> to vector<64xf32>
    %broadcast_in_dim3A_47 = vector.shape_cast %reduce_sum3A_46 : vector<64xf32> to vector<1x64xf32>
    %integer_pow3A_48 = arith.mulf %add3A_35, %add3A_35 : vector<512x32xf32>
    %reduce_sum3A_49 = arith.constant dense<0.000000e+00> : vector<512xf32>
    %reduce_sum3A_50 = vector.multi_reduction <add>, %integer_pow3A_48, %reduce_sum3A_49 [1] : vector<512x32xf32> to vector<512xf32>
    %broadcast_in_dim3A_51 = vector.shape_cast %reduce_sum3A_50 : vector<512xf32> to vector<512x1xf32>
    %mul3A_52 = arith.constant 2.000000e+00 : f32
    %mul3A_53 = vector.broadcast %mul3A_52 : f32 to vector<512x64xf32>
    %mul3A_54 = arith.mulf %mul3A_53, %dot_general3A_40 : vector<512x64xf32>
    %sub3A_55 = vector.broadcast %broadcast_in_dim3A_51 : vector<512x1xf32> to vector<512x64xf32>
    %sub3A_56 = arith.subf %sub3A_55, %mul3A_54 : vector<512x64xf32>
    %add3A_57 = vector.broadcast %broadcast_in_dim3A_47 : vector<1x64xf32> to vector<512x64xf32>
    %add3A_58 = arith.addf %sub3A_56, %add3A_57 : vector<512x64xf32>
    %reduce_min3A = arith.constant dense<0x7F800000> : vector<512xf32>
    %reduce_min3A_59 = vector.multi_reduction <minimumf>, %add3A_58, %reduce_min3A [1] : vector<512x64xf32> to vector<512xf32>
    %broadcast_in_dim3A_60 = vector.shape_cast %reduce_min3A_59 : vector<512xf32> to vector<512x1xf32>
    %iota3A = tpu.iota {dimensions = array<i32: 1>} : vector<512x64xi32>
    %eq3A = vector.broadcast %broadcast_in_dim3A_60 : vector<512x1xf32> to vector<512x64xf32>
    %eq3A_61 = arith.cmpf oeq, %add3A_58, %eq3A : vector<512x64xf32>
    %jit3A = arith.constant 64 : i32
    %broadcast_in_dim3A_62 = vector.broadcast %jit3A : i32 to vector<512x64xi32>
    %select_n3A = arith.select %eq3A_61, %iota3A, %broadcast_in_dim3A_62 : vector<512x64xi1>, vector<512x64xi32>
    %reduce_min3A_63 = arith.constant dense<2147483647> : vector<512xi32>
    %reduce_min3A_64 = vector.multi_reduction <minsi>, %select_n3A, %reduce_min3A_63 [1] : vector<512x64xi32> to vector<512xi32>
    %broadcast_in_dim3A_65 = vector.shape_cast %reduce_min3A_64 : vector<512xi32> to vector<512x1xi32>
    %eq3A_66 = vector.broadcast %broadcast_in_dim3A_65 : vector<512x1xi32> to vector<512x64xi32>
    %eq3A_67 = arith.cmpi eq, %iota3A, %eq3A_66 : vector<512x64xi32>
    %convert_element_type3A = arith.extui %eq3A_67 : vector<512x64xi1> to vector<512x64xi32>
    %convert_element_type3A_68 = arith.sitofp %convert_element_type3A : vector<512x64xi32> to vector<512x64xf32>
    %get3A_69 = arith.constant 0 : index
    %get3A_70 = arith.constant 0 : index
    %get3A_71 = vector.load %arg4[%get3A_69, %get3A_70] : memref<64x32xf32, #tpu.memory_space<vmem>>, vector<64x32xf32>
    %dot_general3A_72 = arith.constant dense<0.000000e+00> : vector<512x32xf32>
    %dot_general3A_73 = tpu.matmul %convert_element_type3A_68, %get3A_71, %dot_general3A_72 {dimension_numbers = #tpu.dot_dimension_numbers<[1], [0], [0], [1], [0, 0, 1, 1], [], []>, transpose_lhs_hint = false} : vector<512x64xf32>, vector<64x32xf32>, vector<512x32xf32> -> vector<512x32xf32>
    %sub3A_74 = arith.subf %dot_general3A_73, %add3A_35 : vector<512x32xf32>
    %add3A_75 = arith.addf %add3A_35, %sub3A_74 : vector<512x32xf32>
    %swap3A = arith.constant 0 : index
    %swap3A_76 = arith.constant 0 : index
    %swap3A_77 = vector.load %arg13[%swap3A, %swap3A_76] : memref<512x32xf32, #tpu.memory_space<vmem>>, vector<512x32xf32>
    tpu.vector_store %arg13[%swap3A, %swap3A_76], %add3A_75 {strides = array<i32>} : memref<512x32xf32, #tpu.memory_space<vmem>>, vector<512x32xf32>,
    %sub3A_78 = arith.subf %dot_general3A_73, %add3A_35 : vector<512x32xf32>
    %integer_pow3A_79 = arith.mulf %sub3A_78, %sub3A_78 : vector<512x32xf32>
    %reduce_sum3A_80 = vector.shape_cast %integer_pow3A_79 : vector<512x32xf32> to vector<1x512x32xf32>
    %reduce_sum3A_81 = arith.constant dense<0.000000e+00> : vector<1xf32>
    %reduce_sum3A_82 = vector.multi_reduction <add>, %reduce_sum3A_80, %reduce_sum3A_81 [1, 2] : vector<1x512x32xf32> to vector<1xf32>
    %reduce_sum3A_83 = vector.shape_cast %reduce_sum3A_82 : vector<1xf32> to vector<1x1x1xf32>
    %reduce_sum3A_84 = vector.extract %reduce_sum3A_83[0, 0, 0] : f32 from vector<1x1x1xf32>
    %broadcast_in_dim3A_85 = vector.broadcast %reduce_sum3A_84 : f32 to vector<1x1xf32>
    %get3A_86 = arith.constant 0 : index
    %get3A_87 = arith.constant 0 : index
    %get3A_88 = vector.load %arg8[%get3A_86, %get3A_87] : memref<768x32xf32, #tpu.memory_space<vmem>>, vector<768x32xf32>
    %dot_general3A_89 = arith.constant dense<0.000000e+00> : vector<512x32xf32>
    %dot_general3A_90 = tpu.matmul %get3A_1, %get3A_88, %dot_general3A_89 {dimension_numbers = #tpu.dot_dimension_numbers<[1], [0], [0], [1], [0, 0, 1, 1], [], []>, transpose_lhs_hint = false} : vector<512x768xf32>, vector<768x32xf32>, vector<512x32xf32> -> vector<512x32xf32>
    %get3A_91 = arith.constant 0 : index
    %get3A_92 = arith.constant 0 : index
    %get3A_93 = vector.load %arg9[%get3A_91, %get3A_92] : memref<32x32xf32, #tpu.memory_space<vmem>>, vector<32x32xf32>
    %dot_general3A_94 = arith.constant dense<0.000000e+00> : vector<512x32xf32>
    %dot_general3A_95 = tpu.matmul %add3A_75, %get3A_93, %dot_general3A_94 {dimension_numbers = #tpu.dot_dimension_numbers<[1], [0], [0], [1], [0, 0, 1, 1], [], []>, transpose_lhs_hint = false} : vector<512x32xf32>, vector<32x32xf32>, vector<512x32xf32> -> vector<512x32xf32>
    %add3A_96 = arith.addf %dot_general3A_90, %dot_general3A_95 : vector<512x32xf32>
    %get3A_97 = arith.constant 0 : index
    %get3A_98 = arith.constant 0 : index
    %get3A_99 = vector.load %arg10[%get3A_97, %get3A_98] : memref<1x32xf32, #tpu.memory_space<vmem>>, vector<1x32xf32>
    %add3A_100 = vector.broadcast %get3A_99 : vector<1x32xf32> to vector<512x32xf32>
    %add3A_101 = arith.addf %add3A_96, %add3A_100 : vector<512x32xf32>
    %get3A_102 = arith.constant 0 : index
    %get3A_103 = arith.constant 0 : index
    %get3A_104 = vector.load %arg11[%get3A_102, %get3A_103] : memref<1x32xf32, #tpu.memory_space<vmem>>, vector<1x32xf32>
    %get3A_105 = arith.constant 0 : index
    %get3A_106 = arith.constant 0 : index
    %get3A_107 = vector.load %arg12[%get3A_105, %get3A_106] : memref<1x32xf32, #tpu.memory_space<vmem>>, vector<1x32xf32>
    %reduce_sum3A_108 = arith.constant dense<0.000000e+00> : vector<512xf32>
    %reduce_sum3A_109 = vector.multi_reduction <add>, %add3A_101, %reduce_sum3A_108 [1] : vector<512x32xf32> to vector<512xf32>
    %broadcast_in_dim3A_110 = vector.shape_cast %reduce_sum3A_109 : vector<512xf32> to vector<512x1xf32>
    %div3A_111 = arith.constant 3.200000e+01 : f32
    %div3A_112 = vector.broadcast %div3A_111 : f32 to vector<512x1xf32>
    %div3A_113 = arith.divf %broadcast_in_dim3A_110, %div3A_112 : vector<512x1xf32>
    %sub3A_114 = vector.broadcast %div3A_113 : vector<512x1xf32> to vector<512x32xf32>
    %sub3A_115 = arith.subf %add3A_101, %sub3A_114 : vector<512x32xf32>
    %integer_pow3A_116 = arith.mulf %sub3A_115, %sub3A_115 : vector<512x32xf32>
    %reduce_sum3A_117 = arith.constant dense<0.000000e+00> : vector<512xf32>
    %reduce_sum3A_118 = vector.multi_reduction <add>, %integer_pow3A_116, %reduce_sum3A_117 [1] : vector<512x32xf32> to vector<512xf32>
    %broadcast_in_dim3A_119 = vector.shape_cast %reduce_sum3A_118 : vector<512xf32> to vector<512x1xf32>
    %div3A_120 = arith.constant 3.200000e+01 : f32
    %div3A_121 = vector.broadcast %div3A_120 : f32 to vector<512x1xf32>
    %div3A_122 = arith.divf %broadcast_in_dim3A_119, %div3A_121 : vector<512x1xf32>
    %sub3A_123 = vector.broadcast %div3A_113 : vector<512x1xf32> to vector<512x32xf32>
    %sub3A_124 = arith.subf %add3A_101, %sub3A_123 : vector<512x32xf32>
    %add3A_125 = arith.constant 9.99999974E-6 : f32
    %add3A_126 = vector.broadcast %add3A_125 : f32 to vector<512x1xf32>
    %add3A_127 = arith.addf %div3A_122, %add3A_126 : vector<512x1xf32>
    %sqrt3A_128 = math.sqrt %add3A_127 : vector<512x1xf32>
    %div3A_129 = vector.broadcast %sqrt3A_128 : vector<512x1xf32> to vector<512x32xf32>
    %div3A_130 = arith.divf %sub3A_124, %div3A_129 : vector<512x32xf32>
    %mul3A_131 = vector.broadcast %get3A_104 : vector<1x32xf32> to vector<512x32xf32>
    %mul3A_132 = arith.mulf %div3A_130, %mul3A_131 : vector<512x32xf32>
    %add3A_133 = vector.broadcast %get3A_107 : vector<1x32xf32> to vector<512x32xf32>
    %add3A_134 = arith.addf %mul3A_132, %add3A_133 : vector<512x32xf32>
    %swap3A_135 = arith.constant 0 : index
    %swap3A_136 = arith.constant 0 : index
    %swap3A_137 = vector.load %arg14[%swap3A_135, %swap3A_136] : memref<512x32xf32, #tpu.memory_space<vmem>>, vector<512x32xf32>
    tpu.vector_store %arg14[%swap3A_135, %swap3A_136], %add3A_134 {strides = array<i32>} : memref<512x32xf32, #tpu.memory_space<vmem>>, vector<512x32xf32>,
    %eq3A_138 = arith.constant 0 : i32
    %eq3A_139 = arith.cmpi eq, %arg0, %eq3A_138 : i32
    %convert_element_type3A_140 = arith.extui %eq3A_139 : i1 to i32
    %cond3A = arith.constant 0 : i32
    %cond3A_141 = arith.cmpi ne, %convert_element_type3A_140, %cond3A : i32
    scf.if %cond3A_141 {
      %swap3A_228 = arith.constant 0 : index
      %swap3A_229 = arith.constant 0 : index
      %swap3A_230 = vector.load %arg17[%swap3A_228, %swap3A_229] : memref<1x1xf32, #tpu.memory_space<vmem>>, vector<1x1xf32>
      tpu.vector_store %arg17[%swap3A_228, %swap3A_229], %broadcast_in_dim3A_85 {strides = array<i32>} : memref<1x1xf32, #tpu.memory_space<vmem>>, vector<1x1xf32>,
      %broadcast_in_dim3A_231 = arith.constant 0.000000e+00 : f32
      %broadcast_in_dim3A_232 = vector.broadcast %broadcast_in_dim3A_231 : f32 to vector<1x64xf32>
      %swap3A_233 = arith.constant 0 : index
      %swap3A_234 = arith.constant 0 : index
      %swap3A_235 = vector.load %arg18[%swap3A_233, %swap3A_234] : memref<1x64xf32, #tpu.memory_space<vmem>>, vector<1x64xf32>
      tpu.vector_store %arg18[%swap3A_233, %swap3A_234], %broadcast_in_dim3A_232 {strides = array<i32>} : memref<1x64xf32, #tpu.memory_space<vmem>>, vector<1x64xf32>,
    } else {
    }
    %gt3A = arith.constant 0 : i32
    %gt3A_142 = arith.cmpi sgt, %arg0, %gt3A : i32
    %convert_element_type3A_143 = arith.extui %gt3A_142 : i1 to i32
    %cond3A_144 = arith.constant 0 : i32
    %cond3A_145 = arith.cmpi ne, %convert_element_type3A_143, %cond3A_144 : i32
    scf.if %cond3A_145 {
      %get3A_228 = arith.constant 0 : index
      %get3A_229 = arith.constant 0 : index
      %get3A_230 = vector.load %arg17[%get3A_228, %get3A_229] : memref<1x1xf32, #tpu.memory_space<vmem>>, vector<1x1xf32>
      %add3A_231 = arith.addf %get3A_230, %broadcast_in_dim3A_85 : vector<1x1xf32>
      %swap3A_232 = arith.constant 0 : index
      %swap3A_233 = arith.constant 0 : index
      %swap3A_234 = vector.load %arg17[%swap3A_232, %swap3A_233] : memref<1x1xf32, #tpu.memory_space<vmem>>, vector<1x1xf32>
      tpu.vector_store %arg17[%swap3A_232, %swap3A_233], %add3A_231 {strides = array<i32>} : memref<1x1xf32, #tpu.memory_space<vmem>>, vector<1x1xf32>,
    } else {
    }
    %get3A_146 = arith.constant 0 : index
    %get3A_147 = arith.constant 0 : index
    %get3A_148 = vector.load %arg18[%get3A_146, %get3A_147] : memref<1x64xf32, #tpu.memory_space<vmem>>, vector<1x64xf32>
    %iota3A_149 = tpu.iota {dimensions = array<i32: 0>} : vector<128x128xi32>
    %iota3A_150 = tpu.iota {dimensions = array<i32: 1>} : vector<128x128xi32>
    %lt3A = arith.cmpi slt, %iota3A_150, %iota3A_149 : vector<128x128xi32>
    %convert_element_type3A_151 = arith.extui %lt3A : vector<128x128xi1> to vector<128x128xi32>
    %convert_element_type3A_152 = arith.sitofp %convert_element_type3A_151 : vector<128x128xi32> to vector<128x128xf32>
    %broadcast_in_dim3A_153 = arith.constant 0.000000e+00 : f32
    %broadcast_in_dim3A_154 = vector.broadcast %broadcast_in_dim3A_153 : f32 to vector<1x64xf32>
    %slice3A = vector.extract_strided_slice %convert_element_type3A_68 {offsets = [0, 0], sizes = [128, 64], strides = [1, 1]} : vector<512x64xf32> to vector<128x64xf32>
    %dot_general3A_155 = arith.constant dense<0.000000e+00> : vector<128x64xf32>
    %dot_general3A_156 = tpu.matmul %convert_element_type3A_152, %slice3A, %dot_general3A_155 {dimension_numbers = #tpu.dot_dimension_numbers<[1], [0], [0], [1], [0, 0, 1, 1], [], []>, transpose_lhs_hint = false} : vector<128x128xf32>, vector<128x64xf32>, vector<128x64xf32> -> vector<128x64xf32>
    %add3A_157 = vector.broadcast %broadcast_in_dim3A_154 : vector<1x64xf32> to vector<128x64xf32>
    %add3A_158 = arith.addf %dot_general3A_156, %add3A_157 : vector<128x64xf32>
    %mul3A_159 = arith.mulf %add3A_158, %slice3A : vector<128x64xf32>
    %reduce_sum3A_160 = arith.constant dense<0.000000e+00> : vector<128xf32>
    %reduce_sum3A_161 = vector.multi_reduction <add>, %mul3A_159, %reduce_sum3A_160 [1] : vector<128x64xf32> to vector<128xf32>
    %broadcast_in_dim3A_162 = vector.shape_cast %reduce_sum3A_161 : vector<128xf32> to vector<128x1xf32>
    %reduce_sum3A_163 = arith.constant dense<0.000000e+00> : vector<64xf32>
    %reduce_sum3A_164 = vector.multi_reduction <add>, %slice3A, %reduce_sum3A_163 [0] : vector<128x64xf32> to vector<64xf32>
    %broadcast_in_dim3A_165 = vector.shape_cast %reduce_sum3A_164 : vector<64xf32> to vector<1x64xf32>
    %add3A_166 = arith.addf %broadcast_in_dim3A_154, %broadcast_in_dim3A_165 : vector<1x64xf32>
    %slice3A_167 = vector.extract_strided_slice %convert_element_type3A_68 {offsets = [128, 0], sizes = [128, 64], strides = [1, 1]} : vector<512x64xf32> to vector<128x64xf32>
    %dot_general3A_168 = arith.constant dense<0.000000e+00> : vector<128x64xf32>
    %dot_general3A_169 = tpu.matmul %convert_element_type3A_152, %slice3A_167, %dot_general3A_168 {dimension_numbers = #tpu.dot_dimension_numbers<[1], [0], [0], [1], [0, 0, 1, 1], [], []>, transpose_lhs_hint = false} : vector<128x128xf32>, vector<128x64xf32>, vector<128x64xf32> -> vector<128x64xf32>
    %add3A_170 = vector.broadcast %add3A_166 : vector<1x64xf32> to vector<128x64xf32>
    %add3A_171 = arith.addf %dot_general3A_169, %add3A_170 : vector<128x64xf32>
    %mul3A_172 = arith.mulf %add3A_171, %slice3A_167 : vector<128x64xf32>
    %reduce_sum3A_173 = arith.constant dense<0.000000e+00> : vector<128xf32>
    %reduce_sum3A_174 = vector.multi_reduction <add>, %mul3A_172, %reduce_sum3A_173 [1] : vector<128x64xf32> to vector<128xf32>
    %broadcast_in_dim3A_175 = vector.shape_cast %reduce_sum3A_174 : vector<128xf32> to vector<128x1xf32>
    %reduce_sum3A_176 = arith.constant dense<0.000000e+00> : vector<64xf32>
    %reduce_sum3A_177 = vector.multi_reduction <add>, %slice3A_167, %reduce_sum3A_176 [0] : vector<128x64xf32> to vector<64xf32>
    %broadcast_in_dim3A_178 = vector.shape_cast %reduce_sum3A_177 : vector<64xf32> to vector<1x64xf32>
    %add3A_179 = arith.addf %add3A_166, %broadcast_in_dim3A_178 : vector<1x64xf32>
    %slice3A_180 = vector.extract_strided_slice %convert_element_type3A_68 {offsets = [256, 0], sizes = [128, 64], strides = [1, 1]} : vector<512x64xf32> to vector<128x64xf32>
    %dot_general3A_181 = arith.constant dense<0.000000e+00> : vector<128x64xf32>
    %dot_general3A_182 = tpu.matmul %convert_element_type3A_152, %slice3A_180, %dot_general3A_181 {dimension_numbers = #tpu.dot_dimension_numbers<[1], [0], [0], [1], [0, 0, 1, 1], [], []>, transpose_lhs_hint = false} : vector<128x128xf32>, vector<128x64xf32>, vector<128x64xf32> -> vector<128x64xf32>
    %add3A_183 = vector.broadcast %add3A_179 : vector<1x64xf32> to vector<128x64xf32>
    %add3A_184 = arith.addf %dot_general3A_182, %add3A_183 : vector<128x64xf32>
    %mul3A_185 = arith.mulf %add3A_184, %slice3A_180 : vector<128x64xf32>
    %reduce_sum3A_186 = arith.constant dense<0.000000e+00> : vector<128xf32>
    %reduce_sum3A_187 = vector.multi_reduction <add>, %mul3A_185, %reduce_sum3A_186 [1] : vector<128x64xf32> to vector<128xf32>
    %broadcast_in_dim3A_188 = vector.shape_cast %reduce_sum3A_187 : vector<128xf32> to vector<128x1xf32>
    %reduce_sum3A_189 = arith.constant dense<0.000000e+00> : vector<64xf32>
    %reduce_sum3A_190 = vector.multi_reduction <add>, %slice3A_180, %reduce_sum3A_189 [0] : vector<128x64xf32> to vector<64xf32>
    %broadcast_in_dim3A_191 = vector.shape_cast %reduce_sum3A_190 : vector<64xf32> to vector<1x64xf32>
    %add3A_192 = arith.addf %add3A_179, %broadcast_in_dim3A_191 : vector<1x64xf32>
    %slice3A_193 = vector.extract_strided_slice %convert_element_type3A_68 {offsets = [384, 0], sizes = [128, 64], strides = [1, 1]} : vector<512x64xf32> to vector<128x64xf32>
    %dot_general3A_194 = arith.constant dense<0.000000e+00> : vector<128x64xf32>
    %dot_general3A_195 = tpu.matmul %convert_element_type3A_152, %slice3A_193, %dot_general3A_194 {dimension_numbers = #tpu.dot_dimension_numbers<[1], [0], [0], [1], [0, 0, 1, 1], [], []>, transpose_lhs_hint = false} : vector<128x128xf32>, vector<128x64xf32>, vector<128x64xf32> -> vector<128x64xf32>
    %add3A_196 = vector.broadcast %add3A_192 : vector<1x64xf32> to vector<128x64xf32>
    %add3A_197 = arith.addf %dot_general3A_195, %add3A_196 : vector<128x64xf32>
    %mul3A_198 = arith.mulf %add3A_197, %slice3A_193 : vector<128x64xf32>
    %reduce_sum3A_199 = arith.constant dense<0.000000e+00> : vector<128xf32>
    %reduce_sum3A_200 = vector.multi_reduction <add>, %mul3A_198, %reduce_sum3A_199 [1] : vector<128x64xf32> to vector<128xf32>
    %broadcast_in_dim3A_201 = vector.shape_cast %reduce_sum3A_200 : vector<128xf32> to vector<128x1xf32>
    %concatenate3A = tpu.concatenate %broadcast_in_dim3A_162, %broadcast_in_dim3A_175, %broadcast_in_dim3A_188, %broadcast_in_dim3A_201 in 0 : vector<128x1xf32>, vector<128x1xf32>, vector<128x1xf32>, vector<128x1xf32> -> vector<512x1xf32>
    %mul3A_202 = vector.broadcast %get3A_148 : vector<1x64xf32> to vector<512x64xf32>
    %mul3A_203 = arith.mulf %convert_element_type3A_68, %mul3A_202 : vector<512x64xf32>
    %reduce_sum3A_204 = arith.constant dense<0.000000e+00> : vector<512xf32>
    %reduce_sum3A_205 = vector.multi_reduction <add>, %mul3A_203, %reduce_sum3A_204 [1] : vector<512x64xf32> to vector<512xf32>
    %broadcast_in_dim3A_206 = vector.shape_cast %reduce_sum3A_205 : vector<512xf32> to vector<512x1xf32>
    %mul3A_207 = arith.constant 4096 : i32
    %mul3A_208 = vector.broadcast %mul3A_207 : i32 to vector<512x1xi32>
    %mul3A_209 = arith.muli %broadcast_in_dim3A_65, %mul3A_208 : vector<512x1xi32>
    %add3A_210 = arith.addf %concatenate3A, %broadcast_in_dim3A_206 : vector<512x1xf32>
    %convert_element_type3A_211 = arith.fptosi %add3A_210 : vector<512x1xf32> to vector<512x1xi32>
    %add3A_212 = arith.addi %mul3A_209, %convert_element_type3A_211 : vector<512x1xi32>
    %swap3A_213 = arith.constant 0 : index
    %swap3A_214 = arith.constant 0 : index
    %swap3A_215 = vector.load %arg15[%swap3A_213, %swap3A_214] : memref<512x1xi32, #tpu.memory_space<vmem>>, vector<512x1xi32>
    tpu.vector_store %arg15[%swap3A_213, %swap3A_214], %add3A_212 {strides = array<i32>} : memref<512x1xi32, #tpu.memory_space<vmem>>, vector<512x1xi32>,
    %reduce_sum3A_216 = arith.constant dense<0.000000e+00> : vector<64xf32>
    %reduce_sum3A_217 = vector.multi_reduction <add>, %convert_element_type3A_68, %reduce_sum3A_216 [0] : vector<512x64xf32> to vector<64xf32>
    %broadcast_in_dim3A_218 = vector.shape_cast %reduce_sum3A_217 : vector<64xf32> to vector<1x64xf32>
    %add3A_219 = arith.addf %get3A_148, %broadcast_in_dim3A_218 : vector<1x64xf32>
    %swap3A_220 = arith.constant 0 : index
    %swap3A_221 = arith.constant 0 : index
    %swap3A_222 = vector.load %arg18[%swap3A_220, %swap3A_221] : memref<1x64xf32, #tpu.memory_space<vmem>>, vector<1x64xf32>
    tpu.vector_store %arg18[%swap3A_220, %swap3A_221], %add3A_219 {strides = array<i32>} : memref<1x64xf32, #tpu.memory_space<vmem>>, vector<1x64xf32>,
    %eq3A_223 = arith.constant 7 : i32
    %eq3A_224 = arith.cmpi eq, %arg0, %eq3A_223 : i32
    %convert_element_type3A_225 = arith.extui %eq3A_224 : i1 to i32
    %cond3A_226 = arith.constant 0 : i32
    %cond3A_227 = arith.cmpi ne, %convert_element_type3A_225, %cond3A_226 : i32
    scf.if %cond3A_227 {
      %iota3A_228 = tpu.iota {dimensions = array<i32: 0>} : vector<64x128xi32>
      %iota3A_229 = tpu.iota {dimensions = array<i32: 1>} : vector<64x128xi32>
      %lt3A_230 = arith.cmpi slt, %iota3A_228, %iota3A_229 : vector<64x128xi32>
      %convert_element_type3A_231 = arith.extui %lt3A_230 : vector<64x128xi1> to vector<64x128xi32>
      %convert_element_type3A_232 = arith.sitofp %convert_element_type3A_231 : vector<64x128xi32> to vector<64x128xf32>
      %dot_general3A_233 = arith.constant dense<0.000000e+00> : vector<1x128xf32>
      %dot_general3A_234 = tpu.matmul %add3A_219, %convert_element_type3A_232, %dot_general3A_233 {dimension_numbers = #tpu.dot_dimension_numbers<[1], [0], [0], [1], [0, 0, 1, 1], [], []>, transpose_lhs_hint = false} : vector<1x64xf32>, vector<64x128xf32>, vector<1x128xf32> -> vector<1x128xf32>
      %convert_element_type3A_235 = arith.fptosi %dot_general3A_234 : vector<1x128xf32> to vector<1x128xi32>
      %swap3A_236 = arith.constant 0 : index
      %swap3A_237 = arith.constant 0 : index
      %swap3A_238 = vector.load %arg16[%swap3A_236, %swap3A_237] : memref<1x128xi32, #tpu.memory_space<vmem>>, vector<1x128xi32>
      tpu.vector_store %arg16[%swap3A_236, %swap3A_237], %convert_element_type3A_235 {strides = array<i32>} : memref<1x128xi32, #tpu.memory_space<vmem>>, vector<1x128xi32>,
    } else {
    }
    return
  }
  func.func @transform_0(%arg0: i32) -> (i32, i32) {
    %c0_i32 = arith.constant 0 : i32
    %c0_i32_0 = arith.constant 0 : i32
    return %arg0, %c0_i32 : i32, i32
  }
  func.func @transform_1(%arg0: i32) -> (i32, i32) {
    %c0_i32 = arith.constant 0 : i32
    %c0_i32_0 = arith.constant 0 : i32
    %c0_i32_1 = arith.constant 0 : i32
    return %c0_i32, %c0_i32_0 : i32, i32
  }
  func.func @transform_2(%arg0: i32) -> (i32, i32) {
    %c0_i32 = arith.constant 0 : i32
    %c0_i32_0 = arith.constant 0 : i32
    %c0_i32_1 = arith.constant 0 : i32
    return %c0_i32, %c0_i32_0 : i32, i32
  }
  func.func @transform_3(%arg0: i32) -> (i32, i32) {
    %c0_i32 = arith.constant 0 : i32
    %c0_i32_0 = arith.constant 0 : i32
    %c0_i32_1 = arith.constant 0 : i32
    return %c0_i32, %c0_i32_0 : i32, i32
  }
  func.func @transform_4(%arg0: i32) -> (i32, i32) {
    %c0_i32 = arith.constant 0 : i32
    %c0_i32_0 = arith.constant 0 : i32
    %c0_i32_1 = arith.constant 0 : i32
    return %c0_i32, %c0_i32_0 : i32, i32
  }
  func.func @transform_5(%arg0: i32) -> (i32, i32) {
    %c0_i32 = arith.constant 0 : i32
    %c0_i32_0 = arith.constant 0 : i32
    %c0_i32_1 = arith.constant 0 : i32
    return %c0_i32, %c0_i32_0 : i32, i32
  }
  func.func @transform_6(%arg0: i32) -> (i32, i32) {
    %c0_i32 = arith.constant 0 : i32
    %c0_i32_0 = arith.constant 0 : i32
    %c0_i32_1 = arith.constant 0 : i32
    return %c0_i32, %c0_i32_0 : i32, i32
  }
  func.func @transform_7(%arg0: i32) -> (i32, i32) {
    %c0_i32 = arith.constant 0 : i32
    %c0_i32_0 = arith.constant 0 : i32
    %c0_i32_1 = arith.constant 0 : i32
    return %c0_i32, %c0_i32_0 : i32, i32
  }
  func.func @transform_8(%arg0: i32) -> (i32, i32) {
    %c24_i32 = arith.constant 24 : i32
    %c0_i32 = arith.constant 0 : i32
    %c0_i32_0 = arith.constant 0 : i32
    return %c24_i32, %c0_i32 : i32, i32
  }
  func.func @transform_9(%arg0: i32) -> (i32, i32) {
    %c0_i32 = arith.constant 0 : i32
    %c0_i32_0 = arith.constant 0 : i32
    %c0_i32_1 = arith.constant 0 : i32
    return %c0_i32, %c0_i32_0 : i32, i32
  }
  func.func @transform_10(%arg0: i32) -> (i32, i32) {
    %c0_i32 = arith.constant 0 : i32
    %c0_i32_0 = arith.constant 0 : i32
    %c0_i32_1 = arith.constant 0 : i32
    return %c0_i32, %c0_i32_0 : i32, i32
  }
  func.func @transform_11(%arg0: i32) -> (i32, i32) {
    %c0_i32 = arith.constant 0 : i32
    %c0_i32_0 = arith.constant 0 : i32
    %c0_i32_1 = arith.constant 0 : i32
    return %c0_i32, %c0_i32_0 : i32, i32
  }
  func.func @transform_12(%arg0: i32) -> (i32, i32) {
    %c0_i32 = arith.constant 0 : i32
    %c0_i32_0 = arith.constant 0 : i32
    return %arg0, %c0_i32 : i32, i32
  }
  func.func @transform_13(%arg0: i32) -> (i32, i32) {
    %c0_i32 = arith.constant 0 : i32
    %c0_i32_0 = arith.constant 0 : i32
    return %arg0, %c0_i32 : i32, i32
  }
  func.func @transform_14(%arg0: i32) -> (i32, i32) {
    %c0_i32 = arith.constant 0 : i32
    %c0_i32_0 = arith.constant 0 : i32
    return %arg0, %c0_i32 : i32, i32
  }
  func.func @transform_15(%arg0: i32) -> (i32, i32) {
    %c0_i32 = arith.constant 0 : i32
    %c0_i32_0 = arith.constant 0 : i32
    %c0_i32_1 = arith.constant 0 : i32
    return %c0_i32, %c0_i32_0 : i32, i32
  }
  func.func @transform_16(%arg0: i32) -> (i32, i32) {
    %c0_i32 = arith.constant 0 : i32
    %c0_i32_0 = arith.constant 0 : i32
    %c0_i32_1 = arith.constant 0 : i32
    return %c0_i32, %c0_i32_0 : i32, i32
  }
}

module attributes {stable_mosaic.version = 14 : i64} {
  func.func @_fine_sorted_body(%arg0: i32, %arg1: memref<256x32xf32, #tpu.memory_space<vmem>>, %arg2: memref<128xi32, #tpu.memory_space<smem>>, %arg3: memref<1x128xi32, #tpu.memory_space<vmem>>, %arg4: memref<64x512x32xf32, #tpu.memory_space<vmem>>, %arg5: memref<1x1xf32, #tpu.memory_space<vmem>>, %arg6: memref<256x1xi32, #tpu.memory_space<vmem>>, %arg7: memref<1x1xf32, #tpu.memory_space<vmem>>) attributes {dimension_semantics = [#tpu.dimension_semantics<arbitrary>], iteration_bounds = array<i64: 16>, scalar_prefetch = 0 : i64, scratch_operands = 0 : i64, tpu.core_type = #tpu.core_type<tc>, window_params = [{transform_indices = @transform_0, window_bounds = array<i64: 256, 32>}, {transform_indices = @transform_1, window_bounds = array<i64: 128>}, {pipeline_mode = #tpu.pipeline_mode<synchronous>, transform_indices = @transform_2, window_bounds = array<i64: 1, 128>}, {pipeline_mode = #tpu.pipeline_mode<synchronous>, transform_indices = @transform_3, window_bounds = array<i64: 64, 512, 32>}, {pipeline_mode = #tpu.pipeline_mode<synchronous>, transform_indices = @transform_4, window_bounds = array<i64: 1, 1>}, {transform_indices = @transform_5, window_bounds = array<i64: 256, 1>}, {pipeline_mode = #tpu.pipeline_mode<synchronous>, transform_indices = @transform_6, window_bounds = array<i64: 1, 1>}]} {
    %mul3A = arith.constant 256 : i32
    %mul3A_0 = arith.muli %arg0, %mul3A : i32
    %get3A = arith.constant 0 : index
    %get3A_1 = arith.constant 0 : index
    %get3A_2 = vector.load %arg1[%get3A, %get3A_1] : memref<256x32xf32, #tpu.memory_space<vmem>>, vector<256x32xf32>
    %integer_pow3A = arith.mulf %get3A_2, %get3A_2 : vector<256x32xf32>
    %reduce_sum3A = arith.constant dense<0.000000e+00> : vector<256xf32>
    %reduce_sum3A_3 = vector.multi_reduction <add>, %integer_pow3A, %reduce_sum3A [1] : vector<256x32xf32> to vector<256xf32>
    %broadcast_in_dim3A = vector.shape_cast %reduce_sum3A_3 : vector<256xf32> to vector<256x1xf32>
    %iota3A = tpu.iota {dimensions = array<i32: 0>} : vector<256x1xi32>
    %add3A = vector.broadcast %mul3A_0 : i32 to vector<256x1xi32>
    %add3A_4 = arith.addi %add3A, %iota3A : vector<256x1xi32>
    %get3A_5 = arith.constant 0 : index
    %get3A_6 = arith.constant 0 : index
    %get3A_7 = vector.load %arg3[%get3A_5, %get3A_6] : memref<1x128xi32, #tpu.memory_space<vmem>>, vector<1x128xi32>
    %slice3A = vector.extract_strided_slice %get3A_7 {offsets = [0, 0], sizes = [1, 64], strides = [1, 1]} : vector<1x128xi32> to vector<1x64xi32>
    %le3A = vector.broadcast %slice3A : vector<1x64xi32> to vector<256x64xi32>
    %le3A_8 = vector.broadcast %add3A_4 : vector<256x1xi32> to vector<256x64xi32>
    %le3A_9 = arith.cmpi sle, %le3A, %le3A_8 : vector<256x64xi32>
    %convert_element_type3A = arith.extui %le3A_9 : vector<256x64xi1> to vector<256x64xi32>
    %reduce_sum3A_10 = arith.constant dense<0> : vector<256xi32>
    %reduce_sum3A_11 = vector.multi_reduction <add>, %convert_element_type3A, %reduce_sum3A_10 [1] : vector<256x64xi32> to vector<256xi32>
    %broadcast_in_dim3A_12 = vector.shape_cast %reduce_sum3A_11 : vector<256xi32> to vector<256x1xi32>
    %sub3A = arith.constant 1 : i32
    %sub3A_13 = vector.broadcast %sub3A : i32 to vector<256x1xi32>
    %sub3A_14 = arith.subi %broadcast_in_dim3A_12, %sub3A_13 : vector<256x1xi32>
    %iota3A_15 = tpu.iota {dimensions = array<i32: 1>} : vector<256x512xi32>
    %while3A = arith.constant 0 : i32
    %while3A_16 = scf.while (%while3A_48 = %while3A) : (i32) -> i32 {
      %lt3A = arith.constant 63 : i32
      %lt3A_49 = arith.cmpi slt, %while3A_48, %lt3A : i32
      %add3A_50 = arith.constant 1 : i32
      %add3A_51 = arith.addi %while3A_48, %add3A_50 : i32
      %get3A_52 = arith.index_cast %add3A_51 : i32 to index
      %get3A_53 = memref.load %arg2[%get3A_52] : memref<128xi32, #tpu.memory_space<smem>>
      %le3A_54 = arith.cmpi sle, %get3A_53, %mul3A_0 : i32
      %and3A = arith.andi %lt3A_49, %le3A_54 : i1
      scf.condition(%and3A) %while3A_48 : i32
    } do {
    ^bb0(%while3A_48: i32):
      %add3A_49 = arith.constant 1 : i32
      %add3A_50 = arith.addi %while3A_48, %add3A_49 : i32
      scf.yield %add3A_50 : i32
    }
    %broadcast_in_dim3A_17 = arith.constant 0.000000e+00 : f32
    %broadcast_in_dim3A_18 = vector.broadcast %broadcast_in_dim3A_17 : f32 to vector<256x512xf32>
    %while3A_19:2 = scf.while (%while3A_48 = %while3A_16, %while3A_49 = %broadcast_in_dim3A_18) : (i32, vector<256x512xf32>) -> (i32, vector<256x512xf32>) {
      %lt3A = arith.constant 64 : i32
      %lt3A_50 = arith.cmpi slt, %while3A_48, %lt3A : i32
      %get3A_51 = arith.index_cast %while3A_48 : i32 to index
      %get3A_52 = memref.load %arg2[%get3A_51] : memref<128xi32, #tpu.memory_space<smem>>
      %add3A_53 = arith.constant 256 : i32
      %add3A_54 = arith.addi %mul3A_0, %add3A_53 : i32
      %lt3A_55 = arith.cmpi slt, %get3A_52, %add3A_54 : i32
      %and3A = arith.andi %lt3A_50, %lt3A_55 : i1
      scf.condition(%and3A) %while3A_48, %while3A_49 : i32, vector<256x512xf32>
    } do {
    ^bb0(%while3A_48: i32, %while3A_49: vector<256x512xf32>):
      %get3A_50 = arith.index_cast %while3A_48 : i32 to index
      %get3A_51 = arith.constant 0 : index
      %get3A_52 = arith.constant 0 : index
      %get3A_53 = vector.load %arg4[%get3A_50, %get3A_51, %get3A_52] : memref<64x512x32xf32, #tpu.memory_space<vmem>>, vector<1x512x32xf32>
      %get3A_54 = vector.shape_cast %get3A_53 : vector<1x512x32xf32> to vector<512x32xf32>
      %dot_general3A = arith.constant dense<0.000000e+00> : vector<256x512xf32>
      %dot_general3A_55 = tpu.matmul %get3A_2, %get3A_54, %dot_general3A {dimension_numbers = #tpu.dot_dimension_numbers<[1], [1], [0], [0], [0, 0, 1, 0], [], []>, transpose_lhs_hint = false} : vector<256x32xf32>, vector<512x32xf32>, vector<256x512xf32> -> vector<256x512xf32>
      %broadcast_in_dim3A_56 = arith.constant 1.000000e+00 : f32
      %broadcast_in_dim3A_57 = vector.broadcast %broadcast_in_dim3A_56 : f32 to vector<1x32xf32>
      %mul3A_58 = arith.mulf %get3A_54, %get3A_54 : vector<512x32xf32>
      %dot_general3A_59 = arith.constant dense<0.000000e+00> : vector<1x512xf32>
      %dot_general3A_60 = tpu.matmul %broadcast_in_dim3A_57, %mul3A_58, %dot_general3A_59 {dimension_numbers = #tpu.dot_dimension_numbers<[1], [1], [0], [0], [0, 0, 1, 0], [], []>, transpose_lhs_hint = false} : vector<1x32xf32>, vector<512x32xf32>, vector<1x512xf32> -> vector<1x512xf32>
      %mul3A_61 = arith.constant 2.000000e+00 : f32
      %mul3A_62 = vector.broadcast %mul3A_61 : f32 to vector<256x512xf32>
      %mul3A_63 = arith.mulf %mul3A_62, %dot_general3A_55 : vector<256x512xf32>
      %sub3A_64 = vector.broadcast %broadcast_in_dim3A : vector<256x1xf32> to vector<256x512xf32>
      %sub3A_65 = arith.subf %sub3A_64, %mul3A_63 : vector<256x512xf32>
      %add3A_66 = vector.broadcast %dot_general3A_60 : vector<1x512xf32> to vector<256x512xf32>
      %add3A_67 = arith.addf %sub3A_65, %add3A_66 : vector<256x512xf32>
      %eq3A_68 = vector.broadcast %while3A_48 : i32 to vector<256x1xi32>
      %eq3A_69 = arith.cmpi eq, %sub3A_14, %eq3A_68 : vector<256x1xi32>
      %add3A_70 = arith.constant 1 : i32
      %add3A_71 = arith.addi %while3A_48, %add3A_70 : i32
      %broadcast_in_dim3A_72 = vector.shape_cast %eq3A_69 : vector<256x1xi1> to vector<256x1xi1>
      %broadcast_in_dim3A_73 = vector.broadcast %broadcast_in_dim3A_72 : vector<256x1xi1> to vector<256x512xi1>
      %select_n3A_74 = arith.select %broadcast_in_dim3A_73, %add3A_67, %while3A_49 : vector<256x512xi1>, vector<256x512xf32>
      scf.yield %add3A_71, %select_n3A_74 : i32, vector<256x512xf32>
    }
    %reduce_min3A = arith.constant dense<0x7F800000> : vector<256xf32>
    %reduce_min3A_20 = vector.multi_reduction <minimumf>, %while3A_19#1, %reduce_min3A [1] : vector<256x512xf32> to vector<256xf32>
    %broadcast_in_dim3A_21 = vector.shape_cast %reduce_min3A_20 : vector<256xf32> to vector<256x1xf32>
    %eq3A = vector.broadcast %broadcast_in_dim3A_21 : vector<256x1xf32> to vector<256x512xf32>
    %eq3A_22 = arith.cmpf oeq, %while3A_19#1, %eq3A : vector<256x512xf32>
    %jit3A = arith.constant 512 : i32
    %broadcast_in_dim3A_23 = vector.broadcast %jit3A : i32 to vector<256x512xi32>
    %select_n3A = arith.select %eq3A_22, %iota3A_15, %broadcast_in_dim3A_23 : vector<256x512xi1>, vector<256x512xi32>
    %reduce_min3A_24 = arith.constant dense<2147483647> : vector<256xi32>
    %reduce_min3A_25 = vector.multi_reduction <minsi>, %select_n3A, %reduce_min3A_24 [1] : vector<256x512xi32> to vector<256xi32>
    %broadcast_in_dim3A_26 = vector.shape_cast %reduce_min3A_25 : vector<256xi32> to vector<256x1xi32>
    %swap3A = arith.constant 0 : index
    %swap3A_27 = arith.constant 0 : index
    %swap3A_28 = vector.load %arg6[%swap3A, %swap3A_27] : memref<256x1xi32, #tpu.memory_space<vmem>>, vector<256x1xi32>
    tpu.vector_store %arg6[%swap3A, %swap3A_27], %broadcast_in_dim3A_26 {strides = array<i32>} : memref<256x1xi32, #tpu.memory_space<vmem>>, vector<256x1xi32>,
    %reduce_sum3A_29 = vector.shape_cast %broadcast_in_dim3A_21 : vector<256x1xf32> to vector<1x256x1xf32>
    %reduce_sum3A_30 = arith.constant dense<0.000000e+00> : vector<1xf32>
    %reduce_sum3A_31 = vector.multi_reduction <add>, %reduce_sum3A_29, %reduce_sum3A_30 [1, 2] : vector<1x256x1xf32> to vector<1xf32>
    %reduce_sum3A_32 = vector.shape_cast %reduce_sum3A_31 : vector<1xf32> to vector<1x1x1xf32>
    %reduce_sum3A_33 = vector.extract %reduce_sum3A_32[0, 0, 0] : f32 from vector<1x1x1xf32>
    %broadcast_in_dim3A_34 = vector.broadcast %reduce_sum3A_33 : f32 to vector<1x1xf32>
    %eq3A_35 = arith.constant 0 : i32
    %eq3A_36 = arith.cmpi eq, %arg0, %eq3A_35 : i32
    %convert_element_type3A_37 = arith.extui %eq3A_36 : i1 to i32
    %cond3A = arith.constant 0 : i32
    %cond3A_38 = arith.cmpi ne, %convert_element_type3A_37, %cond3A : i32
    scf.if %cond3A_38 {
      %swap3A_48 = arith.constant 0 : index
      %swap3A_49 = arith.constant 0 : index
      %swap3A_50 = vector.load %arg7[%swap3A_48, %swap3A_49] : memref<1x1xf32, #tpu.memory_space<vmem>>, vector<1x1xf32>
      tpu.vector_store %arg7[%swap3A_48, %swap3A_49], %broadcast_in_dim3A_34 {strides = array<i32>} : memref<1x1xf32, #tpu.memory_space<vmem>>, vector<1x1xf32>,
    } else {
    }
    %gt3A = arith.constant 0 : i32
    %gt3A_39 = arith.cmpi sgt, %arg0, %gt3A : i32
    %convert_element_type3A_40 = arith.extui %gt3A_39 : i1 to i32
    %cond3A_41 = arith.constant 0 : i32
    %cond3A_42 = arith.cmpi ne, %convert_element_type3A_40, %cond3A_41 : i32
    scf.if %cond3A_42 {
      %get3A_48 = arith.constant 0 : index
      %get3A_49 = arith.constant 0 : index
      %get3A_50 = vector.load %arg7[%get3A_48, %get3A_49] : memref<1x1xf32, #tpu.memory_space<vmem>>, vector<1x1xf32>
      %add3A_51 = arith.addf %get3A_50, %broadcast_in_dim3A_34 : vector<1x1xf32>
      %swap3A_52 = arith.constant 0 : index
      %swap3A_53 = arith.constant 0 : index
      %swap3A_54 = vector.load %arg7[%swap3A_52, %swap3A_53] : memref<1x1xf32, #tpu.memory_space<vmem>>, vector<1x1xf32>
      tpu.vector_store %arg7[%swap3A_52, %swap3A_53], %add3A_51 {strides = array<i32>} : memref<1x1xf32, #tpu.memory_space<vmem>>, vector<1x1xf32>,
    } else {
    }
    %eq3A_43 = arith.constant 15 : i32
    %eq3A_44 = arith.cmpi eq, %arg0, %eq3A_43 : i32
    %convert_element_type3A_45 = arith.extui %eq3A_44 : i1 to i32
    %cond3A_46 = arith.constant 0 : i32
    %cond3A_47 = arith.cmpi ne, %convert_element_type3A_45, %cond3A_46 : i32
    scf.if %cond3A_47 {
      %get3A_48 = arith.constant 0 : index
      %get3A_49 = arith.constant 0 : index
      %get3A_50 = vector.load %arg7[%get3A_48, %get3A_49] : memref<1x1xf32, #tpu.memory_space<vmem>>, vector<1x1xf32>
      %get3A_51 = arith.constant 0 : index
      %get3A_52 = arith.constant 0 : index
      %get3A_53 = vector.load %arg5[%get3A_51, %get3A_52] : memref<1x1xf32, #tpu.memory_space<vmem>>, vector<1x1xf32>
      %add3A_54 = arith.addf %get3A_50, %get3A_53 : vector<1x1xf32>
      %mul3A_55 = arith.constant 9.53674316E-6 : f32
      %mul3A_56 = vector.broadcast %mul3A_55 : f32 to vector<1x1xf32>
      %mul3A_57 = arith.mulf %add3A_54, %mul3A_56 : vector<1x1xf32>
      %swap3A_58 = arith.constant 0 : index
      %swap3A_59 = arith.constant 0 : index
      %swap3A_60 = vector.load %arg7[%swap3A_58, %swap3A_59] : memref<1x1xf32, #tpu.memory_space<vmem>>, vector<1x1xf32>
      tpu.vector_store %arg7[%swap3A_58, %swap3A_59], %mul3A_57 {strides = array<i32>} : memref<1x1xf32, #tpu.memory_space<vmem>>, vector<1x1xf32>,
    } else {
    }
    return
  }
  func.func @transform_0(%arg0: i32) -> (i32, i32) {
    %c0_i32 = arith.constant 0 : i32
    %c0_i32_0 = arith.constant 0 : i32
    return %arg0, %c0_i32 : i32, i32
  }
  func.func @transform_1(%arg0: i32) -> i32 {
    %c0_i32 = arith.constant 0 : i32
    %c0_i32_0 = arith.constant 0 : i32
    return %c0_i32 : i32
  }
  func.func @transform_2(%arg0: i32) -> (i32, i32) {
    %c0_i32 = arith.constant 0 : i32
    %c0_i32_0 = arith.constant 0 : i32
    %c0_i32_1 = arith.constant 0 : i32
    return %c0_i32, %c0_i32_0 : i32, i32
  }
  func.func @transform_3(%arg0: i32) -> (i32, i32, i32) {
    %c0_i32 = arith.constant 0 : i32
    %c0_i32_0 = arith.constant 0 : i32
    %c0_i32_1 = arith.constant 0 : i32
    %c0_i32_2 = arith.constant 0 : i32
    return %c0_i32, %c0_i32_0, %c0_i32_1 : i32, i32, i32
  }
  func.func @transform_4(%arg0: i32) -> (i32, i32) {
    %c0_i32 = arith.constant 0 : i32
    %c0_i32_0 = arith.constant 0 : i32
    %c0_i32_1 = arith.constant 0 : i32
    return %c0_i32, %c0_i32_0 : i32, i32
  }
  func.func @transform_5(%arg0: i32) -> (i32, i32) {
    %c0_i32 = arith.constant 0 : i32
    %c0_i32_0 = arith.constant 0 : i32
    return %arg0, %c0_i32 : i32, i32
  }
  func.func @transform_6(%arg0: i32) -> (i32, i32) {
    %c0_i32 = arith.constant 0 : i32
    %c0_i32_0 = arith.constant 0 : i32
    %c0_i32_1 = arith.constant 0 : i32
    return %c0_i32, %c0_i32_0 : i32, i32
  }
}

</mosaic_0001>

<sc_bundles>
// kernel: kernel.6.cloned.1.call-start
scs
__scs_entry_jumppad:
0x0: {  	(pc) =	sbr.rel $0x88, $3  }
0x1: {  	(tag) =	ssettag $0x0;
	lr =	simm.s32 $0x1  }
0x2: {  	[smem:$0x3F96] =	sst lr;
	_ =	strace $0xD0000000  }
0x3: {  	_ = 	snop  }
0x4: {  	_ = 	snop  }
0x5: {  	_ = 	snop  }
0x6: {  	_ = 	snop  }
0x7: {  	_ = 	snop  }
__scs_overlays_trampoline_lowered:
0x8: {  	[smem:$0x3FA5] =	sst s0  }
0x9: {  	[smem:$0x3FA6] =	sst s1  }
0xa: {  	[smem:$0x3FA7] =	sst s2  }
0xb: {  	[smem:$0x3FA8] =	sst s3  }
0xc: {  	[smem:$0x3FA9] =	sst s4  }
0xd: {  	[smem:$0x3FAA] =	sst s5  }
0xe: {  	[smem:$0x3FAB] =	sst s6  }
0xf: {  	[smem:$0x3FAC] =	sst s7  }
0x10: {  	[smem:$0x3FAD] =	sst s8  }
0x11: {  	[smem:$0x3FAE] =	sst s9;
	s0 =	simm.s32 @!p0 $0x0  }
0x12: {  	s1 =	sld [smem:$0x3F94];
	s0 =	simm.s32 @p0 $0x1  }
0x13: {  	[smem:$0x3FAF] =	sst s0;
	s0 =	simm.s32 @!p1 $0x0  }
0x14: {  	s2 =	sld [smem:$0x3F93];
	s0 =	simm.s32 @p1 $0x1  }
0x15: {  	[smem:$0x3FB0] =	sst s0;
	s0 =	simm.s32 @!p2 $0x0  }
0x16: {  	s3 =	sld [smem:$0x3FDB];
	s0 =	simm.s32 @p2 $0x1  }
0x17: {  	s4 =	simm.s32 $0x1BF5;
	[smem:$0x3FB2] =	sst s0  }
0x18: {  	s0 =	sld [smem:$0x3F95];
	_ =	swait.ge [sflag:s4], $0x0  }
0x19: {  	s7 =	sld [smem:$0x3F96]  }
0x1a: {  	s8 =	sadd.s32 $0xFFFFE003, lr  }
0x1b: {  	s9 =	sadd.s32 $0xFFFFFEF7, lr;
	s5 =	simm.s32 $0xFFFFFFFF;
	p2 =	slt.u32 s8, $0xFFFFF086  }
0x1c: {  	p1 =	slt.u32 s9, $0xF7A;
	s5 =	simm.s32 @!p2 $0x0  }
0x1d: {  	s5 =	simm.s32 @p1 $0x1;
	p0 =	seq.s32 s7, s2  }
0x1e: {  	s7 =	smul.u32 @!p0 $0xF7A, s2;
	p2 =	seq.s32 @!p0 s5, $0x0  }
0x1f: {  	s9 =	smul.u32 $0xF7A, s1;
	s8 =	simm.s32 @!p0 $0x1BF5;
	p2 =	por !p2, p0  }
0x20: {  	[sflag:s8] =	ssyncset.s32 @!p0 $0xFFFFF086;
	s6 =	sadd.s32 @!p0 s3, s7;
	s7 =	simm.s32 @!p0 $0x108  }
0x21: {  	s3 =	sadd.s32 s3, s9;
	s6 =	sadd.s32 @!p0 $0x88, s6;
	s7 =	simm.s32 @p2 $0x1082  }
0x22: {  	[simem:s7], [sflag:s8] =	dma.local @!p0 [hbm:s6], $0xF7A  }
0x23: {  	s9 =	sor.u32 $0xD0000000, s2;
	s6 =	simm.s32 $0x108;
	_ =	swait.ge @!p0 [sflag:s8], $0x0  }
0x24: {  	s3 =	sadd.s32 $0x88, s3;
	s6 =	simm.s32 @!p1 $0x1082;
	[sflag:s4] =	ssyncset.s32 $0xFFFFF086  }
0x25: {  	[simem:s6], [sflag:s4] =	dma.local [hbm:s3], $0xF7A  }
0x26: {  	[smem:$0x3F96] =	sst s1;
	(tag) =	ssettag s2;
	_ =	strace s9  }
0x27: {  	s1 =	sld [smem:$0x3FA6]  }
0x28: {  	s2 =	sld [smem:$0x3FA7]  }
0x29: {  	s4 =	sld [smem:$0x3FA9]  }
0x2a: {  	p0 =	seq.s32 s5, $0x0;
	s5 =	sld [smem:$0x3FAA]  }
0x2b: {  	s6 =	sld [smem:$0x3FAB]  }
0x2c: {  	s7 =	sld [smem:$0x3FAC]  }
0x2d: {  	s3 =	simm.s32 $0x108;
	s8 =	sld [smem:$0x3FAD]  }
0x2e: {  	s3 =	simm.s32 @!p0 $0x1082;
	s9 =	sld [smem:$0x3FAE]  }
0x2f: {  	lr =	sadd.s32 s0, s3;
	s0 =	sld [smem:$0x3FA5]  }
0x30: {  	s3 =	sld [smem:$0x3FA8]  }
0x31: {  	[smem:$0x3FB1] =	sst s10  }
0x32: {  	s10 =	sld [smem:$0x3FAF];
	_ =	sdelay $0x3  }
0x33: {  	p0 =	seq.s32 s10, $0x1;
	s10 =	sld [smem:$0x3FB1];
	_ =	sdelay $0x3  }
0x34: {  	[smem:$0x3FB1] =	sst s10  }
0x35: {  	s10 =	sld [smem:$0x3FB0];
	_ =	sdelay $0x3  }
0x36: {  	p1 =	seq.s32 s10, $0x1;
	s10 =	sld [smem:$0x3FB1];
	_ =	sdelay $0x3  }
0x37: {  	[smem:$0x3FB1] =	sst s10  }
0x38: {  	s10 =	sld [smem:$0x3FB2]  }
0x39: {  	_ = 	snop;
	(pc) =	sbr.ind lr, $3  }
0x3a: {  	_ = 	snop  }
0x3b: {  	_ = 	snop  }
0x3c: {  	p2 =	seq.s32 s10, $0x1;
	s10 =	sld [smem:$0x3FB1]  }
0x3d: {  	_ =	shalt  }
0x3e: {  	_ =	shalt  }
0x3f: {  	_ =	shalt  }
0x40: {  	_ =	shalt  }
0x41: {  	_ =	shalt  }
0x42: {  	_ =	shalt  }
0x43: {  	_ =	shalt  }
0x44: {  	_ =	shalt  }
0x45: {  	_ =	shalt  }
0x46: {  	_ =	shalt  }
0x47: {  	_ =	shalt  }
0x48: {  	_ =	shalt  }
0x49: {  	_ =	shalt  }
0x4a: {  	_ =	shalt  }
0x4b: {  	_ =	shalt  }
0x4c: {  	_ =	shalt  }
0x4d: {  	_ =	shalt  }
0x4e: {  	_ =	shalt  }
0x4f: {  	_ =	shalt  }
0x50: {  	_ =	shalt  }
0x51: {  	_ =	shalt  }
0x52: {  	_ =	shalt  }
0x53: {  	_ =	shalt  }
0x54: {  	_ =	shalt  }
0x55: {  	_ =	shalt  }
0x56: {  	_ =	shalt  }
0x57: {  	_ =	shalt  }
0x58: {  	_ =	shalt  }
0x59: {  	_ =	shalt  }
0x5a: {  	_ =	shalt  }
0x5b: {  	_ =	shalt  }
0x5c: {  	_ =	shalt  }
0x5d: {  	_ =	shalt  }
0x5e: {  	_ =	shalt  }
0x5f: {  	_ =	shalt  }
0x60: {  	_ =	shalt  }
0x61: {  	_ =	shalt  }
0x62: {  	_ =	shalt  }
0x63: {  	_ =	shalt  }
0x64: {  	_ =	shalt  }
0x65: {  	_ =	shalt  }
0x66: {  	_ =	shalt  }
0x67: {  	_ =	shalt  }
0x68: {  	_ =	shalt  }
0x69: {  	_ =	shalt  }
0x6a: {  	_ =	shalt  }
0x6b: {  	_ =	shalt  }
0x6c: {  	_ =	shalt  }
0x6d: {  	_ =	shalt  }
0x6e: {  	_ =	shalt  }
0x6f: {  	_ =	shalt  }
0x70: {  	_ =	shalt  }
0x71: {  	_ =	shalt  }
0x72: {  	_ =	shalt  }
0x73: {  	_ =	shalt  }
0x74: {  	_ =	shalt  }
0x75: {  	_ =	shalt  }
0x76: {  	_ =	shalt  }
0x77: {  	_ =	shalt  }
0x78: {  	_ =	shalt  }
0x79: {  	_ =	shalt  }
0x7a: {  	_ =	shalt  }
0x7b: {  	_ =	shalt  }
0x7c: {  	_ =	shalt  }
0x7d: {  	_ =	shalt  }
0x7e: {  	_ =	shalt  }
0x7f: {  	_ =	shalt  }
0x80: {  	_ =	shalt  }
0x81: {  	_ =	shalt  }
0x82: {  	_ =	shalt  }
0x83: {  	_ =	shalt  }
0x84: {  	_ =	shalt  }
0x85: {  	_ =	shalt  }
0x86: {  	_ =	shalt  }
0x87: {  	_ =	shalt  }
.Lfunc_end0:
.L_simem_size_0:
called_computation_lowered:
.L_overlay_start_0:
0x88: {  	s2 =	sld [smem:$0x3FD9]  }
0x89: {  	s3 =	sld [smem:$0x3FFE];
	_ =	sdelay $0x1  }
0x8a: {  	s1 =	srdreg.scid  }
0x8b: {  	s0 =	sand.u32 $0x1, s1  }
0x8c: {  	s14 =	sshll.u32 s0, $0xA;
	s2 =	sadd.s32 s3, s2  }
0x8d: {  	s2 =	sadd.s32 s2, s14  }
0x8e: {  	[smem:$0x3FBD] =	sst s2  }
0x8f: {  	_ = 	snop  }
0x90: {  	s2 =	sld [smem:$0x3FD0];
	_ =	sdelay $0x2  }
0x91: {  	s15 =	simm.s32 $0xA;
	s4 =	simm.s32 $0x10  }
0x92: {  	[smem:s4], [sflag:s15] =	dma.local [hbm:s2], $0x1  }
0x93: {  	_ =	swait.eq [sflag:s15], $0x1  }
0x94: {  	[sflag:s15] =	ssyncset.done $0x0  }
0x95: {  	s16 =	sld [smem:$0x10];
	[sflag:s15] =	ssyncadd.s32 $0xFFFFFFFF  }
0x96: {  	s17 =	sld [smem:$0x11];
	(tm) =	ssettm $0x1  }
0x97: {  	s18 =	sld [smem:$0x3FFB];
	_ =	sdelay $0x3  }
0x98: {  	_ =	strace s18  }
0x99: {  	s4 =	sld [smem:$0x3FFC];
	_ =	sdelay $0x3  }
0x9a: {  	_ =	strace s4  }
0x9b: {  	s4 =	sld [smem:$0x3FFD];
	_ =	sdelay $0x3  }
0x9c: {  	_ =	strace s4  }
0x9d: {  	_ =	strace $0x8FFFFFFF  }
0x9e: {  	s19 =	sld [smem:$0x3FDB];
	_ =	sdelay $0x1  }
0x9f: {  	s5 =	simm.s32 $_scs_section_size  }
0xa0: {  	s6 =	simm.s32 $_size__tile_overlayer_lowered;
	s7 =	simm.s32 $_tile_overlayer_lowered  }
0xa1: {  	s22 =	simm.s32 $0x1BFF;
	s21 =	sshll.u32 s7, $0x1;
	s4 =	sadd.s32 s5, s19  }
0xa2: {  	s8 =	simm.s32 $0x0;
	s20 =	sshll.u32 s6, $0x1;
	s6 =	sadd.s32 s21, s4  }
0xa3: {  	[timem:s8], [sflag:s22] =	dma.local [hbm:s6], s20  }
0xa4: {  	_ =	swait.ge [sflag:s22], s20  }
0xa5: {  	s5 =	ssub.s32 $0x0, s20;
	[sflag:s22] =	ssyncset.done $0x0  }
0xa6: {  	[sflag:s22] =	ssyncadd.s32 s5;
	_ =	sdelay $0x1  }
0xa7: {  	s23 =	simm.s32 $0x1B8B  }
0xa8: {  	_ =	swait.ge [sflag:s23], $0x1  }
0xa9: {  	[sflag:s23] =	ssyncset.done $0x0  }
0xaa: {  	s25 =	simm.s32 $0x1B8E;
	s24 =	sld [smem:$0x3FFE];
	[sflag:s23] =	ssyncadd.s32 $0xFFFFFFFF  }
0xab: {  	s26 =	simm.s32 $execute0_lowered;
	[smem:$0x3FD2] =	sst s25  }
0xac: {  	s6 =	sshll.u32 s26, $0x1;
	_ =	strace $0x80000046;
	[dreg:$0x1] =	wrdreg $0xFFFFFFFF  }
0xad: {  	s28 =	simm.s32 $_size_execute0_lowered;
	s4 =	sadd.s32 s4, s6;
	[dreg:$0x0] =	wrdreg $0x0  }
0xae: {  	s6 =	sshll.u32 s28, $0x1;
	[dreg:$0x2] =	wrdreg s4  }
0xaf: {  	[dreg:$0x3] =	wrdreg s6  }
0xb0: {  	[dreg:$0x4] =	wrdreg $0xC0  }
0xb1: {  	_ =	task [dreg:s8], $0x5FFFF  }
0xb2: {  	[dreg:$0x1] =	wrdreg $0xFFFFFFFF  }
0xb3: {  	[dreg:$0x0] =	wrdreg $0x60  }
0xb4: {  	[dreg:$0x2] =	wrdreg s17  }
0xb5: {  	[dreg:$0x3] =	wrdreg s24  }
0xb6: {  	[dreg:$0x4] =	wrdreg s16  }
0xb7: {  	[dreg:$0x5] =	wrdreg $0x9  }
0xb8: {  	_ =	task.clear_ibuf [dreg:s8], $0x6FFFF;
	_ =	strace $0x90000046  }
0xb9: {  	s29 =	simm.s32 $0x9;
	_ =	strace $0x80000048  }
0xba: {  	_ =	swait.ge [sflag:s29], $0x1  }
0xbb: {  	[sflag:s29] =	ssyncadd.s32 $0xFFFFFFFF  }
0xbc: {  	_ =	strace $0x90000048  }
0xbd: {  	_ =	sfence  }
0xbe: {  	s30 =	sld [smem:$0x0];
	_ =	sdelay $0x2  }
0xbf: {  	s31 =	sshll.u32 s1, $0xD;
	s1 =	sshrl.u32 s1, $0x2  }
0xc0: {  	s3 =	sand.u32 $0x4000, s31;
	s1 =	sadd.s32 s1, s30  }
0xc1: {  	s0 =	sor.u32 s3, s0;
	s1 =	sshll.u32 s1, $0x11  }
0xc2: {  	s0 =	sor.u32 s1, s0  }
0xc3: {  	s0 =	sadd.s32 $0x8F2B, s0  }
0xc4: {  	[sflag:s0] =	ssyncadd.remote.s32 $0x1  }
0xc5: {  	_ =	sfence.sel $0xFFFF  }
0xc6: {  	[dreg:$0x0] =	wrdreg $0xFFFFFFFF;
	(pc) =	sbr.abs _section_cstart, $3  }
0xc7: {  	[dreg:$0x1] =	wrdreg $0xFFFFFFFF  }
0xc8: {  	_ =	task.clear_ibuf [dreg:s8], $0x2FFFF;
	_ =	strace $0x9FFFFFFF  }
0xc9: {  	(tm) =	ssettm $0x7FFFFFFF  }
tec
execute0_lowered:
.L_overlay_start_1:
0x0: {  	(tag) =	ssettag $0x1  }
0x1: {  	s1 =	srdreg.scid  }
0x2: {  	s0 =	stileid.u32;
	s11 =	sand.u32 $0x1, s1  }
0x3: {  	s7 =	rddreg [dreg:$0x0];
	s31 =	sshll.u32 s0, $0x8;
	s3 =	sshll.u32 s11, $0x7  }
0x4: {  	s5 =	rddreg [dreg:$0x1];
	s6 =	sor.u32 s3, s31  }
0x5: {  	s2 =	rddreg [dreg:$0x2];
	s3 =	simm.s32 $0x0;
	s4 =	sshrl.u32 s6, $0x3  }
0x6: {  	[smem:$0x7FF] =	sst s3;
	s4 =	sadd.s32 s4, s5  }
0x7: {  	s1 =	rddreg [dreg:$0x3];
	_ =	strace $0x80000047;
	s4 =	sadd.s32 $0x2000, s4  }
0x8: {  	[tilespmem:s3], [sflag:$0x1] =	stream.linear.gather [hbm4b:s4+s3], $0x80, $0x38;
	[tilespmem:$0x1180] =	vst v63  }
0x9: {  	s8 =	sshll.u32 s6, $0x2;
	s6 =	simm.s32 $0x80;
	s5 =	sadd.s32 $0x1E00, s5  }
0xa: {  	[tilespmem:s6], [sflag:$0x2] =	stream.linear.gather [hbm4b:s5+s3], $0x80, $0x38;
	[tilespmem:$0x1180] =	vst v63  }
0xb: {  	s9 =	simm.s32 $0x1;
	s7 =	sadd.s32 s7, s8;
	s8 =	simm.s32 $0x180  }
0xc: {  	[tilespmem:s8], [sflag:$0x3] =	stream.linear.gather [hbm4b:s7+s3], $0x1000, $0x38;
	[tilespmem:$0x1180] =	vst v63  }
0xd: {  	_ =	swait.ge [sflag:s9], $0x80  }
0xe: {  	[sflag:s9] =	ssyncset.done $0x0  }
0xf: {  	s10 =	simm.s32 $0x2;
	[sflag:s9] =	ssyncadd.s32 $0xFFFFFF80  }
0x10: {  	_ =	swait.ge [sflag:s10], $0x80  }
0x11: {  	[sflag:s10] =	ssyncset.done $0x0  }
0x12: {  	[sflag:s10] =	ssyncadd.s32 $0xFFFFFF80  }
0x13: {  	v0 =	vld [tilespmem:$0x0];
	_ =	sdelay $0x4  }
0x14: {  	v1 =	vshrl.u32 v0, $0xC;
	_ =	sdelay $0x1  }
0x15: {  	v2 =	vld [tilespmem:$0x10];
	_ =	sdelay $0x2  }
0x16: {  	v1 =	vld.idx.msk [tilespmem:v1+s6+$0x0], $0xffff;
	_ =	sdelay $0x1  }
0x17: {  	v3 =	vshrl.u32 v2, $0xC;
	_ =	sdelay $0x1  }
0x18: {  	v4 =	vld [tilespmem:$0x20];
	v0 =	vand.u32 $0xFFF, v0  }
0x19: {  	v0 =	vadd.s32 v0, v1  }
0x1a: {  	[tilespmem:$0x100] =	vst v0  }
0x1b: {  	v0 =	vld.idx.msk [tilespmem:v3+s6+$0x0], $0xffff;
	_ =	sdelay $0x1  }
0x1c: {  	v52 =	vshrl.u32 v4, $0xC;
	_ =	sdelay $0x1  }
0x1d: {  	v53 =	vld [tilespmem:$0x30];
	v2 =	vand.u32 $0xFFF, v2  }
0x1e: {  	v0 =	vadd.s32 v2, v0  }
0x1f: {  	[tilespmem:$0x110] =	vst v0  }
0x20: {  	v0 =	vld.idx.msk [tilespmem:v52+s6+$0x0], $0xffff;
	_ =	sdelay $0x1  }
0x21: {  	v54 =	vshrl.u32 v53, $0xC;
	_ =	sdelay $0x1  }
0x22: {  	v55 =	vld [tilespmem:$0x40];
	v4 =	vand.u32 $0xFFF, v4  }
0x23: {  	v0 =	vadd.s32 v4, v0  }
0x24: {  	[tilespmem:$0x120] =	vst v0  }
0x25: {  	v0 =	vld.idx.msk [tilespmem:v54+s6+$0x0], $0xffff;
	_ =	sdelay $0x1  }
0x26: {  	v56 =	vshrl.u32 v55, $0xC;
	_ =	sdelay $0x1  }
0x27: {  	v57 =	vld [tilespmem:$0x50];
	v3 =	vand.u32 $0xFFF, v53  }
0x28: {  	v0 =	vadd.s32 v3, v0  }
0x29: {  	[tilespmem:$0x130] =	vst v0  }
0x2a: {  	v0 =	vld.idx.msk [tilespmem:v56+s6+$0x0], $0xffff;
	_ =	sdelay $0x1  }
0x2b: {  	v58 =	vshrl.u32 v57, $0xC;
	_ =	sdelay $0x1  }
0x2c: {  	v59 =	vld [tilespmem:$0x60];
	v2 =	vand.u32 $0xFFF, v55  }
0x2d: {  	v0 =	vadd.s32 v2, v0  }
0x2e: {  	[tilespmem:$0x140] =	vst v0  }
0x2f: {  	v0 =	vld.idx.msk [tilespmem:v58+s6+$0x0], $0xffff;
	_ =	sdelay $0x1  }
0x30: {  	v60 =	vshrl.u32 v59, $0xC;
	_ =	sdelay $0x1  }
0x31: {  	v61 =	vld [tilespmem:$0x70];
	v4 =	vand.u32 $0xFFF, v57  }
0x32: {  	v0 =	vadd.s32 v4, v0  }
0x33: {  	[tilespmem:$0x150] =	vst v0  }
0x34: {  	v0 =	vld.idx.msk [tilespmem:v60+s6+$0x0], $0xffff;
	_ =	sdelay $0x1  }
0x35: {  	v62 =	vshrl.u32 v61, $0xC;
	_ =	sdelay $0x1  }
0x36: {  	v3 =	vand.u32 $0xFFF, v59  }
0x37: {  	v0 =	vadd.s32 v3, v0  }
0x38: {  	[tilespmem:$0x160] =	vst v0  }
0x39: {  	v0 =	vld.idx.msk [tilespmem:v62+s6+$0x0], $0xffff;
	_ =	sdelay $0x2  }
0x3a: {  	s12 =	ssub.s32 $0x2, s11  }
0x3b: {  	s13 =	sshrl.u32 s12, $0x1;
	v63 =	vand.u32 $0xFFF, v61  }
0x3c: {  	s12 =	ssub.s32 s12, s13;
	v0 =	vadd.s32 v63, v0  }
0x3d: {  	s11 =	simm.s32 $0x3;
	s13 =	smax.u32 s12, $0x1;
	[tilespmem:$0x170] =	vst v0  }
0x3e: {  	p0 =	sne.s32 s13, $0x1;
	_ =	swait.ge [sflag:s11], $0x1000  }
.Ltmp0:
0x3f: {  	[sflag:s11] =	ssyncset.done $0x0;
	(pc) =	sbr.rel @!p0 .LBB2_2-.Ltmp0, $4  }
0x40: {  	s12 =	simm.s32 $0x100;
	[sflag:s11] =	ssyncadd.s32 $0xFFFFF000  }
0x41: {  	[hbm4b:s2+s6] =	stream.indirect.scatter [tilespmem:s8], [sflag:$0x2], $0x20, s12, s6, $0xb8;
	[tilespmem:$0x1180] =	vst v63  }
0x42: {  	_ =	swait.ge [sflag:s10], $0x1000  }
0x43: {  	s13 =	sadd.s32 $0xFFFFFFFF, s13;
	[sflag:s10] =	ssyncset.done $0x0  }
.LBB2_1:
0x44: {  	p0 =	sne.s32 s13, $0x1;
	s13 =	sadd.s32 $0xFFFFFFFF, s13;
	[sflag:s10] =	ssyncadd.s32 $0xFFFFF000  }
0x45: {  	[tilespmem:s3], [sflag:$0x1] =	stream.linear.gather [hbm4b:s4+s3], $0x80, $0x38;
	[tilespmem:$0x1180] =	vst v63  }
0x46: {  	_ = 	snop  }
0x47: {  	[tilespmem:s6], [sflag:$0x2] =	stream.linear.gather [hbm4b:s5+s3], $0x80, $0x38;
	[tilespmem:$0x1180] =	vst v63  }
0x48: {  	_ = 	snop  }
0x49: {  	[tilespmem:s8], [sflag:$0x3] =	stream.linear.gather [hbm4b:s7+s3], $0x1000, $0x38;
	[tilespmem:$0x1180] =	vst v63  }
0x4a: {  	_ =	swait.ge [sflag:s9], $0x80  }
0x4b: {  	[sflag:s9] =	ssyncset.done $0x0  }
0x4c: {  	[sflag:s9] =	ssyncadd.s32 $0xFFFFFF80  }
0x4d: {  	_ =	swait.ge [sflag:s10], $0x80  }
0x4e: {  	[sflag:s10] =	ssyncset.done $0x0  }
0x4f: {  	[sflag:s10] =	ssyncadd.s32 $0xFFFFFF80  }
0x50: {  	v0 =	vld [tilespmem:$0x0]  }
0x51: {  	v1 =	vld [tilespmem:$0x10]  }
0x52: {  	v2 =	vld [tilespmem:$0x20]  }
0x53: {  	v3 =	vld [tilespmem:$0x30]  }
0x54: {  	v4 =	vld [tilespmem:$0x40]  }
0x55: {  	v5 =	vshrl.u32 v0, $0xC;
	v6 =	vld [tilespmem:$0x50]  }
0x56: {  	v7 =	vld [tilespmem:$0x60]  }
0x57: {  	v8 =	vld [tilespmem:$0x70];
	_ =	sdelay $0x2  }
0x58: {  	v5 =	vld.idx.msk [tilespmem:v5+s6+$0x0], $0xffff;
	_ =	sdelay $0x2  }
0x59: {  	v9 =	vshrl.u32 v1, $0xC;
	_ =	sdelay $0x1  }
0x5a: {  	v0 =	vand.u32 $0xFFF, v0  }
0x5b: {  	v0 =	vadd.s32 v0, v5  }
0x5c: {  	[tilespmem:$0x100] =	vst v0  }
0x5d: {  	v0 =	vld.idx.msk [tilespmem:v9+s6+$0x0], $0xffff;
	_ =	sdelay $0x2  }
0x5e: {  	v5 =	vshrl.u32 v2, $0xC;
	_ =	sdelay $0x1  }
0x5f: {  	v1 =	vand.u32 $0xFFF, v1  }
0x60: {  	v0 =	vadd.s32 v1, v0  }
0x61: {  	[tilespmem:$0x110] =	vst v0  }
0x62: {  	v0 =	vld.idx.msk [tilespmem:v5+s6+$0x0], $0xffff;
	_ =	sdelay $0x2  }
0x63: {  	v1 =	vshrl.u32 v3, $0xC;
	_ =	sdelay $0x1  }
0x64: {  	v2 =	vand.u32 $0xFFF, v2  }
0x65: {  	v0 =	vadd.s32 v2, v0  }
0x66: {  	[tilespmem:$0x120] =	vst v0  }
0x67: {  	v0 =	vld.idx.msk [tilespmem:v1+s6+$0x0], $0xffff;
	_ =	sdelay $0x2  }
0x68: {  	v1 =	vshrl.u32 v4, $0xC;
	_ =	sdelay $0x1  }
0x69: {  	v2 =	vand.u32 $0xFFF, v3  }
0x6a: {  	v0 =	vadd.s32 v2, v0  }
0x6b: {  	[tilespmem:$0x130] =	vst v0  }
0x6c: {  	v0 =	vld.idx.msk [tilespmem:v1+s6+$0x0], $0xffff;
	_ =	sdelay $0x2  }
0x6d: {  	v1 =	vshrl.u32 v6, $0xC;
	_ =	sdelay $0x1  }
0x6e: {  	v2 =	vand.u32 $0xFFF, v4  }
0x6f: {  	v0 =	vadd.s32 v2, v0  }
0x70: {  	[tilespmem:$0x140] =	vst v0  }
0x71: {  	v0 =	vld.idx.msk [tilespmem:v1+s6+$0x0], $0xffff;
	_ =	sdelay $0x2  }
0x72: {  	v1 =	vshrl.u32 v7, $0xC;
	_ =	sdelay $0x1  }
0x73: {  	v2 =	vand.u32 $0xFFF, v6  }
0x74: {  	v0 =	vadd.s32 v2, v0  }
0x75: {  	[tilespmem:$0x150] =	vst v0  }
0x76: {  	v0 =	vld.idx.msk [tilespmem:v1+s6+$0x0], $0xffff;
	_ =	sdelay $0x2  }
0x77: {  	v1 =	vshrl.u32 v8, $0xC;
	_ =	sdelay $0x1  }
0x78: {  	v2 =	vand.u32 $0xFFF, v7  }
0x79: {  	v0 =	vadd.s32 v2, v0  }
0x7a: {  	[tilespmem:$0x160] =	vst v0  }
0x7b: {  	v0 =	vld.idx.msk [tilespmem:v1+s6+$0x0], $0xffff;
	_ =	sdelay $0x4  }
0x7c: {  	v1 =	vand.u32 $0xFFF, v8  }
0x7d: {  	v0 =	vadd.s32 v1, v0  }
0x7e: {  	[tilespmem:$0x170] =	vst v0  }
0x7f: {  	_ =	swait.ge [sflag:s11], $0x1000  }
.Ltmp1:
0x80: {  	[sflag:s11] =	ssyncset.done $0x0;
	(pc) =	sbr.rel @p0 .LBB2_1-.Ltmp1, $4  }
0x81: {  	[sflag:s11] =	ssyncadd.s32 $0xFFFFF000  }
0x82: {  	[hbm4b:s2+s6] =	stream.indirect.scatter [tilespmem:s8], [sflag:$0x2], $0x20, s12, s6, $0xb8;
	[tilespmem:$0x1180] =	vst v63  }
0x83: {  	_ =	swait.ge [sflag:s10], $0x1000  }
0x84: {  	[sflag:s10] =	ssyncset.done $0x0  }
.LBB2_2:
0x85: {  	[sflag:s10] =	ssyncadd.s32 $0xFFFFF000  }
0x86: {  	_ =	sfence.sel $0x180000  }
0x87: {  	[bflag:$0x0] =	sbarrier.arrive $0xFFFF  }
0x88: {  	p0 =	sne.s32 s0, $0x0;
	_ =	strace $0x90000047  }
0x89: {  	s0 =	sadd.s32 @!p0 $0x100000, s1;
	[bflag:$0x2] =	sbarrier.arrive $0xFFFF  }
0x8a: {  	[sflag:s0] =	ssyncadd.tile.s32 @!p0 $0x1;
	_ =	shalt  }
.Lfunc_end2:
_tile_overlayer_lowered:
.L_overlay_start_2:
0x8b: {  	(tag) =	ssettag $0x2  }
0x8c: {  	s0 =	rddreg [dreg:$0x0];
	s2 =	stileid.u32  }
0x8d: {  	s1 =	rddreg [dreg:$0x1];
	p0 =	sne.s32 s2, $0x0  }
0x8e: {  	s3 =	rddreg [dreg:$0x2];
	[bflag:$0x3] =	sbarrier.arrive $0xFFFF;
	s2 =	simm.s32 @!p0 $0x1C04  }
0x8f: {  	[timem:s3], [sflag:s2] =	dma.local @!p0 [hbm:s0], s1  }
0x90: {  	s0 =	simm.s32 @!p0 $0x4  }
0x91: {  	_ =	swait.ge @!p0 [sflag:s0], s1  }
0x92: {  	s1 =	ssub.s32 @!p0 $0x0, s1;
	[sflag:s0] =	ssyncset.done @!p0 $0x0  }
0x93: {  	[sflag:s0] =	ssyncadd.s32 @!p0 s1  }
0x94: {  	[bflag:$0x3] =	sbarrier.arrive $0xFFFF  }
0x95: {  	_ =	shalt  }

// kernel: kernel.9.cloned.1.call-start
scs
__scs_entry_jumppad:
0x0: {  	(pc) =	sbr.rel $0x88, $3  }
0x1: {  	(tag) =	ssettag $0x0;
	lr =	simm.s32 $0x1  }
0x2: {  	[smem:$0x3F96] =	sst lr;
	_ =	strace $0xD0000000  }
0x3: {  	_ = 	snop  }
0x4: {  	_ = 	snop  }
0x5: {  	_ = 	snop  }
0x6: {  	_ = 	snop  }
0x7: {  	_ = 	snop  }
__scs_overlays_trampoline_lowered:
0x8: {  	[smem:$0x3FA5] =	sst s0  }
0x9: {  	[smem:$0x3FA6] =	sst s1  }
0xa: {  	[smem:$0x3FA7] =	sst s2  }
0xb: {  	[smem:$0x3FA8] =	sst s3  }
0xc: {  	[smem:$0x3FA9] =	sst s4  }
0xd: {  	[smem:$0x3FAA] =	sst s5  }
0xe: {  	[smem:$0x3FAB] =	sst s6  }
0xf: {  	[smem:$0x3FAC] =	sst s7  }
0x10: {  	[smem:$0x3FAD] =	sst s8  }
0x11: {  	[smem:$0x3FAE] =	sst s9;
	s0 =	simm.s32 @!p0 $0x0  }
0x12: {  	s1 =	sld [smem:$0x3F94];
	s0 =	simm.s32 @p0 $0x1  }
0x13: {  	[smem:$0x3FAF] =	sst s0;
	s0 =	simm.s32 @!p1 $0x0  }
0x14: {  	s2 =	sld [smem:$0x3F93];
	s0 =	simm.s32 @p1 $0x1  }
0x15: {  	[smem:$0x3FB0] =	sst s0;
	s0 =	simm.s32 @!p2 $0x0  }
0x16: {  	s3 =	sld [smem:$0x3FDB];
	s0 =	simm.s32 @p2 $0x1  }
0x17: {  	s4 =	simm.s32 $0x1BF5;
	[smem:$0x3FB2] =	sst s0  }
0x18: {  	s0 =	sld [smem:$0x3F95];
	_ =	swait.ge [sflag:s4], $0x0  }
0x19: {  	s7 =	sld [smem:$0x3F96]  }
0x1a: {  	s8 =	sadd.s32 $0xFFFFE003, lr  }
0x1b: {  	s9 =	sadd.s32 $0xFFFFFEF7, lr;
	s5 =	simm.s32 $0xFFFFFFFF;
	p2 =	slt.u32 s8, $0xFFFFF086  }
0x1c: {  	p1 =	slt.u32 s9, $0xF7A;
	s5 =	simm.s32 @!p2 $0x0  }
0x1d: {  	s5 =	simm.s32 @p1 $0x1;
	p0 =	seq.s32 s7, s2  }
0x1e: {  	s7 =	smul.u32 @!p0 $0xF7A, s2;
	p2 =	seq.s32 @!p0 s5, $0x0  }
0x1f: {  	s9 =	smul.u32 $0xF7A, s1;
	s8 =	simm.s32 @!p0 $0x1BF5;
	p2 =	por !p2, p0  }
0x20: {  	[sflag:s8] =	ssyncset.s32 @!p0 $0xFFFFF086;
	s6 =	sadd.s32 @!p0 s3, s7;
	s7 =	simm.s32 @!p0 $0x108  }
0x21: {  	s3 =	sadd.s32 s3, s9;
	s6 =	sadd.s32 @!p0 $0x88, s6;
	s7 =	simm.s32 @p2 $0x1082  }
0x22: {  	[simem:s7], [sflag:s8] =	dma.local @!p0 [hbm:s6], $0xF7A  }
0x23: {  	s9 =	sor.u32 $0xD0000000, s2;
	s6 =	simm.s32 $0x108;
	_ =	swait.ge @!p0 [sflag:s8], $0x0  }
0x24: {  	s3 =	sadd.s32 $0x88, s3;
	s6 =	simm.s32 @!p1 $0x1082;
	[sflag:s4] =	ssyncset.s32 $0xFFFFF086  }
0x25: {  	[simem:s6], [sflag:s4] =	dma.local [hbm:s3], $0xF7A  }
0x26: {  	[smem:$0x3F96] =	sst s1;
	(tag) =	ssettag s2;
	_ =	strace s9  }
0x27: {  	s1 =	sld [smem:$0x3FA6]  }
0x28: {  	s2 =	sld [smem:$0x3FA7]  }
0x29: {  	s4 =	sld [smem:$0x3FA9]  }
0x2a: {  	p0 =	seq.s32 s5, $0x0;
	s5 =	sld [smem:$0x3FAA]  }
0x2b: {  	s6 =	sld [smem:$0x3FAB]  }
0x2c: {  	s7 =	sld [smem:$0x3FAC]  }
0x2d: {  	s3 =	simm.s32 $0x108;
	s8 =	sld [smem:$0x3FAD]  }
0x2e: {  	s3 =	simm.s32 @!p0 $0x1082;
	s9 =	sld [smem:$0x3FAE]  }
0x2f: {  	lr =	sadd.s32 s0, s3;
	s0 =	sld [smem:$0x3FA5]  }
0x30: {  	s3 =	sld [smem:$0x3FA8]  }
0x31: {  	[smem:$0x3FB1] =	sst s10  }
0x32: {  	s10 =	sld [smem:$0x3FAF];
	_ =	sdelay $0x3  }
0x33: {  	p0 =	seq.s32 s10, $0x1;
	s10 =	sld [smem:$0x3FB1];
	_ =	sdelay $0x3  }
0x34: {  	[smem:$0x3FB1] =	sst s10  }
0x35: {  	s10 =	sld [smem:$0x3FB0];
	_ =	sdelay $0x3  }
0x36: {  	p1 =	seq.s32 s10, $0x1;
	s10 =	sld [smem:$0x3FB1];
	_ =	sdelay $0x3  }
0x37: {  	[smem:$0x3FB1] =	sst s10  }
0x38: {  	s10 =	sld [smem:$0x3FB2]  }
0x39: {  	_ = 	snop;
	(pc) =	sbr.ind lr, $3  }
0x3a: {  	_ = 	snop  }
0x3b: {  	_ = 	snop  }
0x3c: {  	p2 =	seq.s32 s10, $0x1;
	s10 =	sld [smem:$0x3FB1]  }
0x3d: {  	_ =	shalt  }
0x3e: {  	_ =	shalt  }
0x3f: {  	_ =	shalt  }
0x40: {  	_ =	shalt  }
0x41: {  	_ =	shalt  }
0x42: {  	_ =	shalt  }
0x43: {  	_ =	shalt  }
0x44: {  	_ =	shalt  }
0x45: {  	_ =	shalt  }
0x46: {  	_ =	shalt  }
0x47: {  	_ =	shalt  }
0x48: {  	_ =	shalt  }
0x49: {  	_ =	shalt  }
0x4a: {  	_ =	shalt  }
0x4b: {  	_ =	shalt  }
0x4c: {  	_ =	shalt  }
0x4d: {  	_ =	shalt  }
0x4e: {  	_ =	shalt  }
0x4f: {  	_ =	shalt  }
0x50: {  	_ =	shalt  }
0x51: {  	_ =	shalt  }
0x52: {  	_ =	shalt  }
0x53: {  	_ =	shalt  }
0x54: {  	_ =	shalt  }
0x55: {  	_ =	shalt  }
0x56: {  	_ =	shalt  }
0x57: {  	_ =	shalt  }
0x58: {  	_ =	shalt  }
0x59: {  	_ =	shalt  }
0x5a: {  	_ =	shalt  }
0x5b: {  	_ =	shalt  }
0x5c: {  	_ =	shalt  }
0x5d: {  	_ =	shalt  }
0x5e: {  	_ =	shalt  }
0x5f: {  	_ =	shalt  }
0x60: {  	_ =	shalt  }
0x61: {  	_ =	shalt  }
0x62: {  	_ =	shalt  }
0x63: {  	_ =	shalt  }
0x64: {  	_ =	shalt  }
0x65: {  	_ =	shalt  }
0x66: {  	_ =	shalt  }
0x67: {  	_ =	shalt  }
0x68: {  	_ =	shalt  }
0x69: {  	_ =	shalt  }
0x6a: {  	_ =	shalt  }
0x6b: {  	_ =	shalt  }
0x6c: {  	_ =	shalt  }
0x6d: {  	_ =	shalt  }
0x6e: {  	_ =	shalt  }
0x6f: {  	_ =	shalt  }
0x70: {  	_ =	shalt  }
0x71: {  	_ =	shalt  }
0x72: {  	_ =	shalt  }
0x73: {  	_ =	shalt  }
0x74: {  	_ =	shalt  }
0x75: {  	_ =	shalt  }
0x76: {  	_ =	shalt  }
0x77: {  	_ =	shalt  }
0x78: {  	_ =	shalt  }
0x79: {  	_ =	shalt  }
0x7a: {  	_ =	shalt  }
0x7b: {  	_ =	shalt  }
0x7c: {  	_ =	shalt  }
0x7d: {  	_ =	shalt  }
0x7e: {  	_ =	shalt  }
0x7f: {  	_ =	shalt  }
0x80: {  	_ =	shalt  }
0x81: {  	_ =	shalt  }
0x82: {  	_ =	shalt  }
0x83: {  	_ =	shalt  }
0x84: {  	_ =	shalt  }
0x85: {  	_ =	shalt  }
0x86: {  	_ =	shalt  }
0x87: {  	_ =	shalt  }
.Lfunc_end0:
.L_simem_size_0:
called_computation.1_lowered:
.L_overlay_start_0:
0x88: {  	s2 =	sld [smem:$0x3FD9]  }
0x89: {  	s3 =	sld [smem:$0x3FFE];
	_ =	sdelay $0x1  }
0x8a: {  	s1 =	srdreg.scid  }
0x8b: {  	s0 =	sand.u32 $0x1, s1  }
0x8c: {  	s14 =	sshll.u32 s0, $0xA;
	s2 =	sadd.s32 s3, s2  }
0x8d: {  	s2 =	sadd.s32 s2, s14  }
0x8e: {  	[smem:$0x3FBD] =	sst s2  }
0x8f: {  	_ = 	snop  }
0x90: {  	s2 =	sld [smem:$0x3FD0];
	_ =	sdelay $0x2  }
0x91: {  	s15 =	simm.s32 $0xA;
	s4 =	simm.s32 $0x10  }
0x92: {  	[smem:s4], [sflag:s15] =	dma.local [hbm:s2], $0x1  }
0x93: {  	_ =	swait.eq [sflag:s15], $0x1  }
0x94: {  	[sflag:s15] =	ssyncset.done $0x0  }
0x95: {  	[sflag:s15] =	ssyncadd.s32 $0xFFFFFFFF  }
0x96: {  	s16 =	sld [smem:$0x11];
	(tm) =	ssettm $0x1  }
0x97: {  	s17 =	sld [smem:$0x3FFB];
	_ =	sdelay $0x3  }
0x98: {  	_ =	strace s17  }
0x99: {  	s3 =	sld [smem:$0x3FFC];
	_ =	sdelay $0x3  }
0x9a: {  	_ =	strace s3  }
0x9b: {  	s3 =	sld [smem:$0x3FFD];
	_ =	sdelay $0x3  }
0x9c: {  	_ =	strace s3  }
0x9d: {  	_ =	strace $0x8FFFFFFF  }
0x9e: {  	s18 =	sld [smem:$0x3FDB];
	_ =	sdelay $0x1  }
0x9f: {  	s19 =	simm.s32 $_scs_section_size  }
0xa0: {  	s5 =	simm.s32 $_size__tile_overlayer_lowered;
	s6 =	simm.s32 $_tile_overlayer_lowered  }
0xa1: {  	s22 =	simm.s32 $0x1BFF;
	s21 =	sshll.u32 s6, $0x1;
	s3 =	sadd.s32 s19, s18  }
0xa2: {  	s7 =	simm.s32 $0x0;
	s20 =	sshll.u32 s5, $0x1;
	s5 =	sadd.s32 s21, s3  }
0xa3: {  	[timem:s7], [sflag:s22] =	dma.local [hbm:s5], s20  }
0xa4: {  	_ =	swait.ge [sflag:s22], s20  }
0xa5: {  	s4 =	ssub.s32 $0x0, s20;
	[sflag:s22] =	ssyncset.done $0x0  }
0xa6: {  	[sflag:s22] =	ssyncadd.s32 s4;
	_ =	sdelay $0x1  }
0xa7: {  	s23 =	simm.s32 $0x1B8B  }
0xa8: {  	_ =	swait.ge [sflag:s23], $0x1  }
0xa9: {  	[sflag:s23] =	ssyncset.done $0x0  }
0xaa: {  	s25 =	simm.s32 $0x1B8E;
	s24 =	sld [smem:$0x3FFE];
	[sflag:s23] =	ssyncadd.s32 $0xFFFFFFFF  }
0xab: {  	s26 =	simm.s32 $execute0_lowered;
	[smem:$0x3FD2] =	sst s25  }
0xac: {  	s5 =	sshll.u32 s26, $0x1;
	_ =	strace $0x80000049;
	[dreg:$0x1] =	wrdreg $0xFFFFFFFF  }
0xad: {  	s28 =	simm.s32 $_size_execute0_lowered;
	s3 =	sadd.s32 s3, s5;
	[dreg:$0x0] =	wrdreg $0x0  }
0xae: {  	s5 =	sshll.u32 s28, $0x1;
	[dreg:$0x2] =	wrdreg s3  }
0xaf: {  	[dreg:$0x3] =	wrdreg s5  }
0xb0: {  	[dreg:$0x4] =	wrdreg $0xC0  }
0xb1: {  	_ =	task [dreg:s7], $0x5FFFF  }
0xb2: {  	[dreg:$0x1] =	wrdreg $0xFFFFFFFF  }
0xb3: {  	[dreg:$0x0] =	wrdreg $0x60  }
0xb4: {  	[dreg:$0x2] =	wrdreg s24  }
0xb5: {  	[dreg:$0x3] =	wrdreg s16  }
0xb6: {  	[dreg:$0x4] =	wrdreg $0x9  }
0xb7: {  	_ =	task.clear_ibuf [dreg:s7], $0x5FFFF;
	_ =	strace $0x90000049  }
0xb8: {  	s29 =	simm.s32 $0x9;
	_ =	strace $0x8000004B  }
0xb9: {  	_ =	swait.ge [sflag:s29], $0x1  }
0xba: {  	[sflag:s29] =	ssyncadd.s32 $0xFFFFFFFF  }
0xbb: {  	_ =	strace $0x9000004B  }
0xbc: {  	_ =	sfence  }
0xbd: {  	s30 =	sld [smem:$0x0];
	_ =	sdelay $0x2  }
0xbe: {  	s31 =	sshll.u32 s1, $0xD;
	s1 =	sshrl.u32 s1, $0x2  }
0xbf: {  	s3 =	sand.u32 $0x4000, s31;
	s1 =	sadd.s32 s1, s30  }
0xc0: {  	s0 =	sor.u32 s3, s0;
	s1 =	sshll.u32 s1, $0x11  }
0xc1: {  	s0 =	sor.u32 s1, s0  }
0xc2: {  	s0 =	sadd.s32 $0x8F2B, s0  }
0xc3: {  	[sflag:s0] =	ssyncadd.remote.s32 $0x1  }
0xc4: {  	_ =	sfence.sel $0xFFFF  }
0xc5: {  	[dreg:$0x0] =	wrdreg $0xFFFFFFFF;
	(pc) =	sbr.abs _section_cstart, $3  }
0xc6: {  	[dreg:$0x1] =	wrdreg $0xFFFFFFFF  }
0xc7: {  	_ =	task.clear_ibuf [dreg:s7], $0x2FFFF;
	_ =	strace $0x9FFFFFFF  }
0xc8: {  	(tm) =	ssettm $0x7FFFFFFF  }
0xc9: {  	_ =	shalt  }
tec
execute0_lowered:
.L_overlay_start_1:
0x0: {  	(tag) =	ssettag $0x1  }
0x1: {  	s1 =	srdreg.scid  }
0x2: {  	s6 =	rddreg [dreg:$0x0];
	s0 =	stileid.u32  }
0x3: {  	s7 =	rddreg [dreg:$0x1];
	s2 =	simm.s32 $0x0;
	s12 =	simm.s32 $0x2180  }
0x4: {  	s13 =	simm.s32 $0x1;
	s14 =	simm.s32 $0x2;
	s15 =	simm.s32 $0x3  }
0x5: {  	s16 =	simm.s32 $0x1100;
	s17 =	simm.s32 $0x1180;
	s18 =	simm.s32 $0x4  }
0x6: {  	s19 =	simm.s32 $0x5;
	s5 =	sand.u32 $0x1, s1;
	s1 =	rddreg [dreg:$0x2]  }
0x7: {  	s3 =	sshll.u32 s0, $0x8;
	[smem:$0x7FF] =	sst s2;
	s4 =	sshll.u32 s5, $0x7  }
0x8: {  	_ =	strace $0x8000004A;
	s10 =	ssub.s32 $0x2, s5;
	s5 =	sadd.s32 $0x2200, s6  }
0x9: {  	s8 =	sor.u32 s4, s3;
	s3 =	sadd.s32 $0x82200, s6;
	s31 =	sshrl.u32 s10, $0x1  }
0xa: {  	s4 =	sshrl.u32 s8, $0x3;
	s8 =	sshll.u32 s8, $0x2;
	s10 =	ssub.s32 s10, s31  }
0xb: {  	s9 =	sadd.s32 s4, s6;
	s4 =	sadd.s32 $0x1E00, s6;
	s11 =	sadd.s32 s8, s6  }
0xc: {  	s7 =	sadd.s32 s7, s8;
	s6 =	sadd.s32 $0x2000, s9;
	s8 =	sadd.s32 $0x2400, s11  }
0xd: {  	s9 =	smax.u32 s10, $0x1;
	s10 =	simm.s32 $0x80;
	s11 =	simm.s32 $0x100  }
.LBB2_1:
0xe: {  	[tilespmem:s2], [sflag:$0x1] =	stream.linear.gather [hbm4b:s4+s2], $0x80, $0x38;
	[tilespmem:$0x3180] =	vst v63  }
0xf: {  	_ = 	snop  }
0x10: {  	[tilespmem:s10], [sflag:$0x2] =	stream.linear.gather [hbm4b:s6+s2], $0x80, $0x38;
	[tilespmem:$0x3180] =	vst v63  }
0x11: {  	_ = 	snop  }
0x12: {  	[tilespmem:s11], [sflag:$0x3] =	stream.linear.gather [hbm4b:s5+s2], $0x1000, $0x38;
	[tilespmem:$0x3180] =	vst v63  }
0x13: {  	_ = 	snop  }
0x14: {  	[tilespmem:s12], [sflag:$0x4] =	stream.linear.gather [hbm4b:s7+s2], $0x1000, $0x38;
	[tilespmem:$0x3180] =	vst v63  }
0x15: {  	_ =	swait.ge [sflag:s13], $0x80  }
0x16: {  	[sflag:s13] =	ssyncset.done $0x0  }
0x17: {  	[sflag:s13] =	ssyncadd.s32 $0xFFFFFF80  }
0x18: {  	_ =	swait.ge [sflag:s14], $0x80  }
0x19: {  	[sflag:s14] =	ssyncset.done $0x0  }
0x1a: {  	[sflag:s14] =	ssyncadd.s32 $0xFFFFFF80  }
0x1b: {  	_ =	swait.ge [sflag:s15], $0x1000  }
0x1c: {  	[sflag:s15] =	ssyncset.done $0x0  }
0x1d: {  	[sflag:s15] =	ssyncadd.s32 $0xFFFFF000  }
0x1e: {  	v0 =	vld [tilespmem:$0x80];
	_ =	sdelay $0x4  }
0x1f: {  	v1 =	vshrl.u32 v0, $0xC;
	_ =	sdelay $0x4  }
0x20: {  	v2 =	vld.idx.msk [tilespmem:v1+s2+$0x0], $0xffff;
	_ =	sdelay $0x3  }
0x21: {  	v0 =	vand.u32 $0xFFF, v0  }
0x22: {  	v0 =	vadd.s32 v0, v2;
	_ =	sdelay $0x1  }
0x23: {  	v17 =	vld [tilespmem:$0x90];
	_ =	sdelay $0x2  }
0x24: {  	v0 =	vld.idx.msk [tilespmem:v0+s11+$0x0], $0xffff;
	_ =	sdelay $0x1  }
0x25: {  	v3 =	vshrl.u32 v17, $0xC;
	_ =	sdelay $0x1  }
0x26: {  	v1 =	vshll.u32 v1, $0x9  }
0x27: {  	v0 =	vadd.s32 v0, v1  }
0x28: {  	[tilespmem:$0x1100] =	vst v0  }
0x29: {  	v0 =	vld.idx.msk [tilespmem:v3+s2+$0x0], $0xffff;
	_ =	sdelay $0x3  }
0x2a: {  	v18 =	vand.u32 $0xFFF, v17  }
0x2b: {  	v0 =	vadd.s32 v18, v0;
	_ =	sdelay $0x1  }
0x2c: {  	v19 =	vld [tilespmem:$0xA0];
	_ =	sdelay $0x2  }
0x2d: {  	v0 =	vld.idx.msk [tilespmem:v0+s11+$0x0], $0xffff;
	_ =	sdelay $0x1  }
0x2e: {  	v20 =	vshrl.u32 v19, $0xC;
	_ =	sdelay $0x1  }
0x2f: {  	v3 =	vshll.u32 v3, $0x9  }
0x30: {  	v0 =	vadd.s32 v0, v3  }
0x31: {  	[tilespmem:$0x1110] =	vst v0  }
0x32: {  	v0 =	vld.idx.msk [tilespmem:v20+s2+$0x0], $0xffff;
	_ =	sdelay $0x3  }
0x33: {  	v1 =	vand.u32 $0xFFF, v19  }
0x34: {  	v0 =	vadd.s32 v1, v0;
	_ =	sdelay $0x1  }
0x35: {  	v21 =	vld [tilespmem:$0xB0];
	_ =	sdelay $0x2  }
0x36: {  	v0 =	vld.idx.msk [tilespmem:v0+s11+$0x0], $0xffff;
	_ =	sdelay $0x1  }
0x37: {  	v22 =	vshrl.u32 v21, $0xC;
	_ =	sdelay $0x1  }
0x38: {  	v2 =	vshll.u32 v20, $0x9  }
0x39: {  	v0 =	vadd.s32 v0, v2  }
0x3a: {  	[tilespmem:$0x1120] =	vst v0  }
0x3b: {  	v0 =	vld.idx.msk [tilespmem:v22+s2+$0x0], $0xffff;
	_ =	sdelay $0x3  }
0x3c: {  	v1 =	vand.u32 $0xFFF, v21  }
0x3d: {  	v0 =	vadd.s32 v1, v0;
	_ =	sdelay $0x1  }
0x3e: {  	v23 =	vld [tilespmem:$0xC0];
	_ =	sdelay $0x2  }
0x3f: {  	v0 =	vld.idx.msk [tilespmem:v0+s11+$0x0], $0xffff;
	_ =	sdelay $0x1  }
0x40: {  	v24 =	vshrl.u32 v23, $0xC;
	_ =	sdelay $0x1  }
0x41: {  	v3 =	vshll.u32 v22, $0x9  }
0x42: {  	v0 =	vadd.s32 v0, v3  }
0x43: {  	[tilespmem:$0x1130] =	vst v0  }
0x44: {  	v0 =	vld.idx.msk [tilespmem:v24+s2+$0x0], $0xffff;
	_ =	sdelay $0x3  }
0x45: {  	v1 =	vand.u32 $0xFFF, v23  }
0x46: {  	v0 =	vadd.s32 v1, v0;
	_ =	sdelay $0x1  }
0x47: {  	v25 =	vld [tilespmem:$0xD0];
	_ =	sdelay $0x2  }
0x48: {  	v0 =	vld.idx.msk [tilespmem:v0+s11+$0x0], $0xffff;
	_ =	sdelay $0x1  }
0x49: {  	v26 =	vshrl.u32 v25, $0xC;
	_ =	sdelay $0x1  }
0x4a: {  	v2 =	vshll.u32 v24, $0x9  }
0x4b: {  	v0 =	vadd.s32 v0, v2  }
0x4c: {  	[tilespmem:$0x1140] =	vst v0  }
0x4d: {  	v0 =	vld.idx.msk [tilespmem:v26+s2+$0x0], $0xffff;
	_ =	sdelay $0x3  }
0x4e: {  	v1 =	vand.u32 $0xFFF, v25  }
0x4f: {  	v0 =	vadd.s32 v1, v0;
	_ =	sdelay $0x1  }
0x50: {  	v27 =	vld [tilespmem:$0xE0];
	_ =	sdelay $0x2  }
0x51: {  	v0 =	vld.idx.msk [tilespmem:v0+s11+$0x0], $0xffff;
	_ =	sdelay $0x1  }
0x52: {  	v28 =	vshrl.u32 v27, $0xC;
	_ =	sdelay $0x1  }
0x53: {  	v3 =	vshll.u32 v26, $0x9  }
0x54: {  	v0 =	vadd.s32 v0, v3  }
0x55: {  	[tilespmem:$0x1150] =	vst v0  }
0x56: {  	v0 =	vld.idx.msk [tilespmem:v28+s2+$0x0], $0xffff;
	_ =	sdelay $0x3  }
0x57: {  	v1 =	vand.u32 $0xFFF, v27  }
0x58: {  	v0 =	vadd.s32 v1, v0;
	_ =	sdelay $0x1  }
0x59: {  	v29 =	vld [tilespmem:$0xF0];
	_ =	sdelay $0x2  }
0x5a: {  	v0 =	vld.idx.msk [tilespmem:v0+s11+$0x0], $0xffff;
	_ =	sdelay $0x1  }
0x5b: {  	v30 =	vshrl.u32 v29, $0xC;
	_ =	sdelay $0x1  }
0x5c: {  	v2 =	vshll.u32 v28, $0x9  }
0x5d: {  	v0 =	vadd.s32 v0, v2  }
0x5e: {  	[tilespmem:$0x1160] =	vst v0  }
0x5f: {  	v0 =	vld.idx.msk [tilespmem:v30+s2+$0x0], $0xffff;
	_ =	sdelay $0x3  }
0x60: {  	v1 =	vand.u32 $0xFFF, v29  }
0x61: {  	v0 =	vadd.s32 v1, v0;
	_ =	sdelay $0x4  }
0x62: {  	v0 =	vld.idx.msk [tilespmem:v0+s11+$0x0], $0xffff;
	_ =	sdelay $0x3  }
0x63: {  	v31 =	vshll.u32 v30, $0x9  }
0x64: {  	v0 =	vadd.s32 v0, v31  }
0x65: {  	[tilespmem:$0x1170] =	vst v0  }
0x66: {  	[tilespmem:s17], [sflag:$0x1] =	stream.indirect.gather [hbm4b:s3+s10], $0x20, s16, s10, $0xb8;
	[tilespmem:$0x3180] =	vst v63  }
0x67: {  	_ =	swait.ge [sflag:s13], $0x1000  }
0x68: {  	[sflag:s13] =	ssyncset.done $0x0  }
0x69: {  	[sflag:s13] =	ssyncadd.s32 $0xFFFFF000  }
0x6a: {  	_ =	swait.ge [sflag:s18], $0x1000  }
0x6b: {  	[sflag:s18] =	ssyncset.done $0x0  }
0x6c: {  	[sflag:s18] =	ssyncadd.s32 $0xFFFFF000  }
0x6d: {  	v3 =	vld [tilespmem:$0x2180]  }
0x6e: {  	v0 =	vld [tilespmem:$0x1180]  }
0x6f: {  	v12 =	vld [tilespmem:$0x2190]  }
0x70: {  	v1 =	vld [tilespmem:$0x1190]  }
0x71: {  	v18 =	vld [tilespmem:$0x21A0]  }
0x72: {  	v24 =	vld [tilespmem:$0x11A0]  }
0x73: {  	v30 =	vld [tilespmem:$0x21B0]  }
0x74: {  	v33 =	vld [tilespmem:$0x11B0]  }
0x75: {  	v36 =	vld [tilespmem:$0x21C0]  }
0x76: {  	v39 =	vld [tilespmem:$0x11C0]  }
0x77: {  	v42 =	vld [tilespmem:$0x21D0]  }
0x78: {  	v45 =	vld [tilespmem:$0x11D0]  }
0x79: {  	v51 =	vld [tilespmem:$0x21E0]  }
0x7a: {  	v17 =	vld [tilespmem:$0x11E0]  }
0x7b: {  	v2 =	vld [tilespmem:$0x21F0]  }
0x7c: {  	v19 =	vld [tilespmem:$0x11F0]  }
0x7d: {  	v4 =	vld [tilespmem:$0x2200]  }
0x7e: {  	v20 =	vld [tilespmem:$0x1200]  }
0x7f: {  	v5 =	vld [tilespmem:$0x2210]  }
0x80: {  	v23 =	vld [tilespmem:$0x1210]  }
0x81: {  	v6 =	vld [tilespmem:$0x2220]  }
0x82: {  	v27 =	vld [tilespmem:$0x1220]  }
0x83: {  	v7 =	vld [tilespmem:$0x2230]  }
0x84: {  	v35 =	vld [tilespmem:$0x1230]  }
0x85: {  	v8 =	vld [tilespmem:$0x2240]  }
0x86: {  	v41 =	vld [tilespmem:$0x1240]  }
0x87: {  	v9 =	vld [tilespmem:$0x2250]  }
0x88: {  	v50 =	vld [tilespmem:$0x1250]  }
0x89: {  	v10 =	vld [tilespmem:$0x2260]  }
0x8a: {  	v56 =	vld [tilespmem:$0x1260]  }
0x8b: {  	v11 =	vld [tilespmem:$0x2270]  }
0x8c: {  	v13 =	vld [tilespmem:$0x1270]  }
0x8d: {  	v57 =	vld [tilespmem:$0x2280]  }
0x8e: {  	v32 =	vld [tilespmem:$0x1280]  }
0x8f: {  	v48 =	vld [tilespmem:$0x2290]  }
0x90: {  	v34 =	vld [tilespmem:$0x1290]  }
0x91: {  	v54 =	vld [tilespmem:$0x22A0]  }
0x92: {  	v37 =	vld [tilespmem:$0x12A0]  }
0x93: {  	v21 =	vld [tilespmem:$0x22B0]  }
0x94: {  	v38 =	vld [tilespmem:$0x12B0]  }
0x95: {  	v14 =	vld [tilespmem:$0x22C0]  }
0x96: {  	v40 =	vld [tilespmem:$0x12C0]  }
0x97: {  	v60 =	vld [tilespmem:$0x22D0]  }
0x98: {  	v43 =	vld [tilespmem:$0x12D0]  }
0x99: {  	v15 =	vld [tilespmem:$0x12E0]  }
0x9a: {  	v16 =	vld [tilespmem:$0x12F0]  }
0x9b: {  	v22 =	vld [tilespmem:$0x1300]  }
0x9c: {  	v61 =	vld [tilespmem:$0x2310]  }
0x9d: {  	v44 =	vld [tilespmem:$0x1310]  }
0x9e: {  	v58 =	vld [tilespmem:$0x2320]  }
0x9f: {  	v46 =	vld [tilespmem:$0x1320]  }
0xa0: {  	v55 =	vld [tilespmem:$0x2330]  }
0xa1: {  	v47 =	vld [tilespmem:$0x1330]  }
0xa2: {  	v52 =	vld [tilespmem:$0x2340]  }
0xa3: {  	v49 =	vld [tilespmem:$0x1340]  }
0xa4: {  	v53 =	vld [tilespmem:$0x1350]  }
0xa5: {  	v59 =	vld [tilespmem:$0x1360]  }
0xa6: {  	v62 =	vld [tilespmem:$0x1370]  }
0xa7: {  	v63 =	vld [tilespmem:$0x1380]  }
0xa8: {  	v25 =	vld [tilespmem:$0x1390]  }
0xa9: {  	v26 =	vld [tilespmem:$0x13A0]  }
0xaa: {  	v31 =	vld [tilespmem:$0x23B0]  }
0xab: {  	v28 =	vld [tilespmem:$0x13B0]  }
0xac: {  	v29 =	vld [tilespmem:$0x13C0];
	[tilespmem:$0x1F4D0] =	vst v13  }
0xad: {  	[tilespmem:$0x1F4E0] =	vst v32;
	v13 =	vld [tilespmem:$0x22E0]  }
0xae: {  	[tilespmem:$0x1F540] =	vst v15;
	v15 =	vld [tilespmem:$0x22F0]  }
0xaf: {  	[tilespmem:$0x1F550] =	vst v16;
	v16 =	vld [tilespmem:$0x2300]  }
0xb0: {  	[tilespmem:$0x1F5A0] =	vst v49;
	v49 =	vld [tilespmem:$0x2350]  }
0xb1: {  	[tilespmem:$0x1F580] =	vst v46;
	v46 =	vld [tilespmem:$0x2360]  }
0xb2: {  	[tilespmem:$0x1F530] =	vst v43;
	v43 =	vld [tilespmem:$0x2370]  }
0xb3: {  	[tilespmem:$0x1F520] =	vst v40;
	v40 =	vld [tilespmem:$0x2380]  }
0xb4: {  	[tilespmem:$0x1F500] =	vst v37;
	v37 =	vld [tilespmem:$0x2390]  }
0xb5: {  	[tilespmem:$0x1F4F0] =	vst v34;
	v34 =	vld [tilespmem:$0x23A0]  }
0xb6: {  	[tilespmem:$0x1F610] =	vst v28;
	v28 =	vld [tilespmem:$0x23C0]  }
0xb7: {  	[tilespmem:$0x1F5F0] =	vst v25;
	v25 =	vld [tilespmem:$0x23D0]  }
0xb8: {  	[tilespmem:$0x1F510] =	vst v38;
	v32 =	vld [tilespmem:$0x13D0]  }
0xb9: {  	[tilespmem:$0x1F560] =	vst v22;
	v22 =	vld [tilespmem:$0x23E0]  }
0xba: {  	[tilespmem:$0x1F600] =	vst v26;
	v26 =	vld [tilespmem:$0x13E0]  }
0xbb: {  	[tilespmem:$0x1F620] =	vst v29;
	v29 =	vld [tilespmem:$0x13F0]  }
0xbc: {  	[tilespmem:$0x1F570] =	vst v44;
	v38 =	vld [tilespmem:$0x1410]  }
0xbd: {  	[tilespmem:$0x1F590] =	vst v47;
	v44 =	vld [tilespmem:$0x1420]  }
0xbe: {  	[tilespmem:$0x1F5B0] =	vst v53;
	v47 =	vld [tilespmem:$0x1430]  }
0xbf: {  	[tilespmem:$0x1F5C0] =	vst v59;
	v53 =	vld [tilespmem:$0x1440]  }
0xc0: {  	[tilespmem:$0x1F5D0] =	vst v62;
	v59 =	vld [tilespmem:$0x1450]  }
0xc1: {  	[tilespmem:$0x1F5E0] =	vst v63;
	v62 =	vld [tilespmem:$0x1460]  }
0xc2: {  	v63 =	vld [tilespmem:$0x1470];
	[tilespmem:$0x1F630] =	vst v32  }
0xc3: {  	[tilespmem:$0x1F640] =	vst v26;
	v26 =	vld [tilespmem:$0x23F0]  }
0xc4: {  	[tilespmem:$0x1F650] =	vst v29;
	v29 =	vld [tilespmem:$0x2400]  }
0xc5: {  	v32 =	vld [tilespmem:$0x1400];
	[tilespmem:$0x1F670] =	vst v38  }
0xc6: {  	v38 =	vld [tilespmem:$0x2420];
	[tilespmem:$0x1F680] =	vst v44  }
0xc7: {  	v44 =	vld [tilespmem:$0x2430];
	[tilespmem:$0x1F690] =	vst v47  }
0xc8: {  	v47 =	vld [tilespmem:$0x2440];
	[tilespmem:$0x1F6A0] =	vst v53  }
0xc9: {  	v0 =	vsub.f32 v0, v3;
	v53 =	vld [tilespmem:$0x2450];
	[tilespmem:$0x1F6B0] =	vst v59  }
0xca: {  	v59 =	vld [tilespmem:$0x2460];
	[tilespmem:$0x1F6C0] =	vst v62  }
0xcb: {  	v24 =	vsub.f32 v24, v18;
	v0 =	vadd.f32 v0, v3;
	v62 =	vld [tilespmem:$0x2470];
	[tilespmem:$0x1F6D0] =	vst v63  }
0xcc: {  	v33 =	vsub.f32 v33, v30;
	[tilespmem:$0x1F660] =	vst v32;
	v32 =	vld [tilespmem:$0x2410]  }
0xcd: {  	v63 =	vld [tilespmem:$0x2480];
	[tilespmem:$0x1180] =	vst v0;
	v0 =	vadd.f32 v24, v18;
	v18 =	vsub.f32 v39, v36  }
0xce: {  	v39 =	vld [tilespmem:$0x1490];
	v24 =	vadd.f32 v33, v30;
	v30 =	vsub.f32 v45, v42;
	_ =	sdelay $0x1  }
0xcf: {  	v42 =	vadd.f32 v30, v42  }
0xd0: {  	v17 =	vsub.f32 v17, v51;
	[tilespmem:$0x11B0] =	vst v24  }
0xd1: {  	[tilespmem:$0x11D0] =	vst v42;
	v42 =	vsub.f32 v23, v5;
	v23 =	vsub.f32 v35, v7  }
0xd2: {  	v36 =	vadd.f32 v18, v36;
	v24 =	vadd.f32 v17, v51;
	[tilespmem:$0x1F6F0] =	vst v39;
	v39 =	vld [tilespmem:$0x14A0]  }
0xd3: {  	v35 =	vsub.f32 v41, v8;
	v41 =	vadd.f32 v23, v7;
	v7 =	vld [tilespmem:$0x1F4D0]  }
0xd4: {  	v3 =	vld [tilespmem:$0x1480];
	v30 =	vsub.f32 v20, v4;
	v51 =	vsub.f32 v27, v6  }
0xd5: {  	v33 =	vld [tilespmem:$0x24A0];
	v20 =	vadd.f32 v42, v5;
	v42 =	vsub.f32 v50, v9  }
0xd6: {  	v45 =	vsub.f32 v19, v2;
	[tilespmem:$0x11C0] =	vst v36;
	v36 =	vld [tilespmem:$0x14B0];
	v27 =	vadd.f32 v51, v6  }
0xd7: {  	[tilespmem:$0x11E0] =	vst v24;
	v51 =	vsub.f32 v56, v10;
	v56 =	vadd.f32 v42, v9;
	v9 =	vld [tilespmem:$0x1F4E0]  }
0xd8: {  	v24 =	vld [tilespmem:$0x24D0];
	[tilespmem:$0x1F700] =	vst v39;
	v39 =	vadd.f32 v45, v2;
	v2 =	vsub.f32 v7, v11  }
0xd9: {  	v6 =	vld [tilespmem:$0x1510];
	v50 =	vadd.f32 v35, v8  }
0xda: {  	v8 =	vadd.f32 v51, v10;
	v10 =	vadd.f32 v2, v11;
	v11 =	vld [tilespmem:$0x1F4F0]  }
0xdb: {  	[tilespmem:$0x1F6E0] =	vst v3;
	v3 =	vld [tilespmem:$0x2490]  }
0xdc: {  	[tilespmem:$0x1220] =	vst v27;
	v27 =	vld [tilespmem:$0x1F510];
	v45 =	vadd.f32 v30, v4;
	v4 =	vsub.f32 v9, v57  }
0xdd: {  	v51 =	vld [tilespmem:$0x14F0]  }
0xde: {  	[tilespmem:$0x1260] =	vst v8;
	v8 =	vld [tilespmem:$0x1F530];
	v17 =	vadd.f32 v4, v57  }
0xdf: {  	[tilespmem:$0x1210] =	vst v20;
	v20 =	vld [tilespmem:$0x1F500];
	v2 =	vsub.f32 v11, v48  }
0xe0: {  	[tilespmem:$0x1280] =	vst v17;
	v17 =	vld [tilespmem:$0x1F550]  }
0xe1: {  	[tilespmem:$0x1230] =	vst v41;
	v41 =	vld [tilespmem:$0x1F520];
	v23 =	vadd.f32 v2, v48;
	v2 =	vsub.f32 v27, v21  }
0xe2: {  	[tilespmem:$0x1240] =	vst v50;
	v42 =	vld [tilespmem:$0x2500]  }
0xe3: {  	[tilespmem:$0x1270] =	vst v10;
	v10 =	vld [tilespmem:$0x1F540];
	v50 =	vadd.f32 v2, v21;
	v2 =	vsub.f32 v8, v60  }
0xe4: {  	[tilespmem:$0x1F710] =	vst v36;
	v36 =	vld [tilespmem:$0x24F0];
	v4 =	vsub.f32 v20, v54  }
0xe5: {  	[tilespmem:$0x1290] =	vst v23;
	v23 =	vld [tilespmem:$0x1F560];
	v11 =	vadd.f32 v2, v60;
	v2 =	vsub.f32 v17, v15  }
0xe6: {  	v30 =	vld [tilespmem:$0x24E0];
	v35 =	vadd.f32 v4, v54;
	v4 =	vsub.f32 v41, v14  }
0xe7: {  	v2 =	vadd.f32 v2, v15;
	v15 =	vld [tilespmem:$0x1F590]  }
0xe8: {  	[tilespmem:$0x11F0] =	vst v39;
	v39 =	vld [tilespmem:$0x14D0];
	v9 =	vadd.f32 v4, v14;
	v4 =	vsub.f32 v10, v13  }
0xe9: {  	[tilespmem:$0x1200] =	vst v45;
	v45 =	vld [tilespmem:$0x14E0]  }
0xea: {  	v27 =	vld [tilespmem:$0x1F570];
	v20 =	vadd.f32 v4, v13;
	v4 =	vsub.f32 v23, v16  }
0xeb: {  	v57 =	vld [tilespmem:$0x1500]  }
0xec: {  	[tilespmem:$0x12B0] =	vst v50;
	v50 =	vld [tilespmem:$0x1F580];
	v41 =	vadd.f32 v4, v16;
	v16 =	vsub.f32 v15, v55  }
0xed: {  	[tilespmem:$0x12E0] =	vst v20;
	v20 =	vld [tilespmem:$0x1F5A0]  }
0xee: {  	[tilespmem:$0x12C0] =	vst v9;
	v9 =	vadd.f32 v16, v55;
	v55 =	vld [tilespmem:$0x1F5D0]  }
0xef: {  	[tilespmem:$0x12A0] =	vst v35;
	v35 =	vsub.f32 v27, v61;
	v27 =	vld [tilespmem:$0x1F5B0]  }
0xf0: {  	v16 =	vld [tilespmem:$0x1F5F0]  }
0xf1: {  	v54 =	vld [tilespmem:$0x2520]  }
0xf2: {  	[tilespmem:$0x1250] =	vst v56;
	v13 =	vadd.f32 v35, v61;
	v56 =	vsub.f32 v50, v58;
	v50 =	vld [tilespmem:$0x1F5C0]  }
0xf3: {  	v14 =	vld [tilespmem:$0x1530];
	v23 =	vsub.f32 v20, v52;
	v10 =	vsub.f32 v55, v43  }
0xf4: {  	v35 =	vsub.f32 v27, v49;
	v17 =	vadd.f32 v56, v58;
	v58 =	vld [tilespmem:$0x1F5E0]  }
0xf5: {  	v48 =	vld [tilespmem:$0x2510];
	v61 =	vadd.f32 v10, v43;
	v10 =	vsub.f32 v16, v37  }
0xf6: {  	v27 =	vld [tilespmem:$0x1F600];
	[tilespmem:$0x1300] =	vst v41;
	v41 =	vadd.f32 v23, v52;
	v52 =	vadd.f32 v35, v49  }
0xf7: {  	v8 =	vsub.f32 v50, v46;
	v35 =	vadd.f32 v10, v37;
	v37 =	vld [tilespmem:$0x1F610]  }
0xf8: {  	v21 =	vld [tilespmem:$0x1520]  }
0xf9: {  	[tilespmem:$0x1340] =	vst v41;
	v41 =	vld [tilespmem:$0x1F620];
	v56 =	vadd.f32 v8, v46;
	v8 =	vsub.f32 v58, v40  }
0xfa: {  	v46 =	vld [tilespmem:$0x1F630]  }
0xfb: {  	v50 =	vld [tilespmem:$0x1F640];
	v20 =	vadd.f32 v8, v40;
	v8 =	vsub.f32 v27, v34  }
0xfc: {  	[tilespmem:$0x1350] =	vst v52;
	v55 =	vld [tilespmem:$0x1F650];
	v10 =	vsub.f32 v37, v31  }
0xfd: {  	v58 =	vld [tilespmem:$0x1F660];
	[tilespmem:$0x1360] =	vst v56;
	v40 =	vadd.f32 v8, v34  }
0xfe: {  	v8 =	vsub.f32 v41, v28;
	[tilespmem:$0x1370] =	vst v61;
	v43 =	vadd.f32 v10, v31;
	v31 =	vld [tilespmem:$0x1F670]  }
0xff: {  	[tilespmem:$0x1390] =	vst v35;
	v35 =	vld [tilespmem:$0x1F680];
	v10 =	vsub.f32 v46, v25  }
0x100: {  	[tilespmem:$0x13A0] =	vst v40;
	v49 =	vadd.f32 v8, v28;
	v8 =	vsub.f32 v50, v22;
	v40 =	vld [tilespmem:$0x1F690]  }
0x101: {  	[tilespmem:$0x13B0] =	vst v43;
	v52 =	vadd.f32 v10, v25;
	v10 =	vsub.f32 v55, v26;
	v43 =	vld [tilespmem:$0x1F6A0]  }
0x102: {  	[tilespmem:$0x13C0] =	vst v49;
	v56 =	vadd.f32 v8, v22;
	v8 =	vsub.f32 v58, v29;
	v49 =	vld [tilespmem:$0x1F6B0]  }
0x103: {  	[tilespmem:$0x13D0] =	vst v52;
	v61 =	vadd.f32 v10, v26;
	v52 =	vld [tilespmem:$0x1F6C0];
	v10 =	vsub.f32 v31, v32  }
0x104: {  	v60 =	vld [tilespmem:$0x2530];
	v34 =	vadd.f32 v8, v29;
	v8 =	vsub.f32 v35, v38  }
0x105: {  	[tilespmem:$0x13E0] =	vst v56;
	v56 =	vld [tilespmem:$0x1F6D0];
	v37 =	vadd.f32 v10, v32;
	v10 =	vsub.f32 v40, v44  }
0x106: {  	v22 =	vld [tilespmem:$0x15B0];
	v41 =	vadd.f32 v8, v38;
	v8 =	vsub.f32 v43, v47  }
0x107: {  	[tilespmem:$0x1400] =	vst v34;
	v34 =	vld [tilespmem:$0x25E0];
	v46 =	vadd.f32 v10, v44;
	v10 =	vsub.f32 v49, v53  }
0x108: {  	v25 =	vld [tilespmem:$0x25B0];
	v50 =	vadd.f32 v8, v47;
	v8 =	vsub.f32 v52, v59  }
0x109: {  	v31 =	vld [tilespmem:$0x25D0];
	v55 =	vadd.f32 v10, v53  }
0x10a: {  	v10 =	vsub.f32 v56, v62;
	v58 =	vadd.f32 v8, v59;
	v59 =	vld [tilespmem:$0x1F6E0]  }
0x10b: {  	[tilespmem:$0x13F0] =	vst v61;
	v32 =	vld [tilespmem:$0x15D0];
	v53 =	vsub.f32 v45, v30  }
0x10c: {  	[tilespmem:$0x1440] =	vst v50;
	v56 =	vsub.f32 v51, v36;
	v61 =	vadd.f32 v10, v62;
	v62 =	vld [tilespmem:$0x1F6F0]  }
0x10d: {  	v35 =	vld [tilespmem:$0x15E0];
	v50 =	vsub.f32 v39, v24;
	[tilespmem:$0x1460] =	vst v58;
	v58 =	vadd.f32 v53, v30  }
0x10e: {  	v27 =	vld [tilespmem:$0x25A0];
	v53 =	vsub.f32 v22, v25;
	[tilespmem:$0x1470] =	vst v61;
	v61 =	vadd.f32 v56, v36  }
0x10f: {  	v28 =	vld [tilespmem:$0x15A0];
	v8 =	vsub.f32 v59, v63;
	v59 =	vsub.f32 v57, v42  }
0x110: {  	v38 =	vld [tilespmem:$0x15F0];
	[tilespmem:$0x14E0] =	vst v58;
	v36 =	vsub.f32 v14, v60;
	v58 =	vsub.f32 v32, v31  }
0x111: {  	v43 =	vld [tilespmem:$0x1F700];
	v10 =	vsub.f32 v62, v3;
	v62 =	vadd.f32 v59, v42  }
0x112: {  	[tilespmem:$0x1410] =	vst v37;
	v37 =	vld [tilespmem:$0x25F0];
	v42 =	vadd.f32 v36, v60;
	v60 =	vsub.f32 v35, v34  }
0x113: {  	v63 =	vadd.f32 v8, v63;
	[tilespmem:$0x1500] =	vst v62;
	v62 =	vadd.f32 v58, v31;
	v31 =	vld [tilespmem:$0x26C0]  }
0x114: {  	[tilespmem:$0x1380] =	vst v20;
	v57 =	vadd.f32 v53, v25;
	v25 =	vadd.f32 v60, v34;
	v34 =	vld [tilespmem:$0x16C0]  }
0x115: {  	v16 =	vld [tilespmem:$0x2590];
	[tilespmem:$0x1480] =	vst v63;
	v63 =	vsub.f32 v21, v54  }
0x116: {  	v6 =	vsub.f32 v6, v48;
	v20 =	vld [tilespmem:$0x1590];
	[tilespmem:$0x1450] =	vst v55;
	v55 =	vadd.f32 v50, v24  }
0x117: {  	v39 =	vadd.f32 v63, v54;
	v63 =	vsub.f32 v38, v37  }
0x118: {  	v50 =	vsub.f32 v28, v27;
	v8 =	vsub.f32 v43, v33  }
0x119: {  	v28 =	vadd.f32 v63, v37;
	v63 =	vsub.f32 v34, v31  }
0x11a: {  	[tilespmem:$0x1430] =	vst v46;
	v46 =	vadd.f32 v8, v33;
	v33 =	vadd.f32 v6, v48  }
0x11b: {  	v48 =	vsub.f32 v20, v16;
	v20 =	vadd.f32 v63, v31;
	v63 =	vld [tilespmem:$0x18E0];
	_ =	sdelay $0x4  }
0x11c: {  	[tilespmem:$0x1F860] =	vst v63;
	v63 =	vld [tilespmem:$0x1A50];
	_ =	sdelay $0x4  }
0x11d: {  	[tilespmem:$0x1F9D0] =	vst v63;
	v63 =	vld [tilespmem:$0x1A80];
	_ =	sdelay $0x4  }
0x11e: {  	[tilespmem:$0x1FA00] =	vst v63;
	v63 =	vld [tilespmem:$0x2A90];
	_ =	sdelay $0x4  }
0x11f: {  	[tilespmem:$0x1FA10] =	vst v63;
	v63 =	vld [tilespmem:$0x1A90];
	_ =	sdelay $0x4  }
0x120: {  	[tilespmem:$0x1FA20] =	vst v63;
	v63 =	vld [tilespmem:$0x2AA0];
	_ =	sdelay $0x4  }
0x121: {  	[tilespmem:$0x1FA30] =	vst v63;
	v63 =	vld [tilespmem:$0x1AA0];
	_ =	sdelay $0x4  }
0x122: {  	[tilespmem:$0x1FA40] =	vst v63;
	v63 =	vld [tilespmem:$0x2AB0];
	_ =	sdelay $0x4  }
0x123: {  	[tilespmem:$0x1FA50] =	vst v63;
	v63 =	vld [tilespmem:$0x1AB0];
	_ =	sdelay $0x4  }
0x124: {  	[tilespmem:$0x1FA60] =	vst v63;
	v63 =	vld [tilespmem:$0x2AC0];
	_ =	sdelay $0x4  }
0x125: {  	[tilespmem:$0x1FA70] =	vst v63;
	v63 =	vld [tilespmem:$0x1AC0];
	_ =	sdelay $0x4  }
0x126: {  	[tilespmem:$0x1FA80] =	vst v63;
	v63 =	vld [tilespmem:$0x2AD0];
	_ =	sdelay $0x4  }
0x127: {  	[tilespmem:$0x1FA90] =	vst v63;
	v63 =	vld [tilespmem:$0x1AD0];
	_ =	sdelay $0x4  }
0x128: {  	[tilespmem:$0x1FAA0] =	vst v63;
	v63 =	vld [tilespmem:$0x2AE0];
	_ =	sdelay $0x4  }
0x129: {  	[tilespmem:$0x1FAB0] =	vst v63;
	v63 =	vld [tilespmem:$0x1AE0];
	_ =	sdelay $0x4  }
0x12a: {  	[tilespmem:$0x1FAC0] =	vst v63;
	v63 =	vld [tilespmem:$0x2AF0];
	_ =	sdelay $0x4  }
0x12b: {  	[tilespmem:$0x1FAD0] =	vst v63;
	v63 =	vld [tilespmem:$0x1AF0];
	_ =	sdelay $0x4  }
0x12c: {  	[tilespmem:$0x1FAE0] =	vst v63;
	v63 =	vld [tilespmem:$0x2B00];
	_ =	sdelay $0x4  }
0x12d: {  	[tilespmem:$0x1FAF0] =	vst v63;
	v63 =	vld [tilespmem:$0x1B00];
	_ =	sdelay $0x4  }
0x12e: {  	[tilespmem:$0x1FB00] =	vst v63;
	v63 =	vld [tilespmem:$0x2B10];
	_ =	sdelay $0x4  }
0x12f: {  	[tilespmem:$0x1FB10] =	vst v63;
	v63 =	vld [tilespmem:$0x1B10];
	_ =	sdelay $0x4  }
0x130: {  	[tilespmem:$0x1FB20] =	vst v63;
	v63 =	vld [tilespmem:$0x2B20];
	_ =	sdelay $0x4  }
0x131: {  	[tilespmem:$0x1FB30] =	vst v63;
	v63 =	vld [tilespmem:$0x1B20];
	_ =	sdelay $0x4  }
0x132: {  	[tilespmem:$0x1FB40] =	vst v63;
	v63 =	vld [tilespmem:$0x2B30];
	_ =	sdelay $0x4  }
0x133: {  	[tilespmem:$0x1FB50] =	vst v63;
	v63 =	vld [tilespmem:$0x1B30];
	_ =	sdelay $0x4  }
0x134: {  	[tilespmem:$0x1FB60] =	vst v63;
	v63 =	vld [tilespmem:$0x2B40];
	_ =	sdelay $0x4  }
0x135: {  	[tilespmem:$0x1FB70] =	vst v63;
	v63 =	vld [tilespmem:$0x1B40];
	_ =	sdelay $0x4  }
0x136: {  	[tilespmem:$0x1FB80] =	vst v63;
	v63 =	vld [tilespmem:$0x2B50];
	_ =	sdelay $0x4  }
0x137: {  	[tilespmem:$0x1FB90] =	vst v63;
	v63 =	vld [tilespmem:$0x1B50]  }
0x138: {  	v1 =	vsub.f32 v1, v12;
	[tilespmem:$0x11A0] =	vst v0;
	v0 =	vld [tilespmem:$0x2550]  }
0x139: {  	v5 =	vld [tilespmem:$0x1550]  }
0x13a: {  	v1 =	vadd.f32 v1, v12;
	v12 =	vld [tilespmem:$0x24B0]  }
0x13b: {  	v19 =	vld [tilespmem:$0x14C0]  }
0x13c: {  	[tilespmem:$0x1FBA0] =	vst v63;
	v63 =	vld [tilespmem:$0x2B60]  }
0x13d: {  	[tilespmem:$0x1190] =	vst v1;
	v1 =	vld [tilespmem:$0x2540]  }
0x13e: {  	v18 =	vld [tilespmem:$0x24C0];
	v5 =	vsub.f32 v5, v0  }
0x13f: {  	v7 =	vld [tilespmem:$0x1660]  }
0x140: {  	v0 =	vadd.f32 v5, v0;
	v5 =	vld [tilespmem:$0x2670]  }
0x141: {  	[tilespmem:$0x1FBB0] =	vst v63;
	v63 =	vld [tilespmem:$0x1B60]  }
0x142: {  	[tilespmem:$0x1550] =	vst v0;
	v0 =	vld [tilespmem:$0x2720]  }
0x143: {  	[tilespmem:$0x12D0] =	vst v11;
	v11 =	vld [tilespmem:$0x1560]  }
0x144: {  	v4 =	vld [tilespmem:$0x1540]  }
0x145: {  	[tilespmem:$0x12F0] =	vst v2;
	v2 =	vld [tilespmem:$0x2560]  }
0x146: {  	[tilespmem:$0x1FBC0] =	vst v63;
	v63 =	vld [tilespmem:$0x2B70]  }
0x147: {  	[tilespmem:$0x1310] =	vst v13;
	v13 =	vld [tilespmem:$0x1570]  }
0x148: {  	v23 =	vld [tilespmem:$0x2580]  }
0x149: {  	v15 =	vld [tilespmem:$0x1580];
	v4 =	vsub.f32 v4, v1  }
0x14a: {  	[tilespmem:$0x1320] =	vst v17;
	v17 =	vld [tilespmem:$0x2570]  }
0x14b: {  	v1 =	vadd.f32 v4, v1;
	[tilespmem:$0x1FBD0] =	vst v63;
	v63 =	vld [tilespmem:$0x1B70]  }
0x14c: {  	v4 =	vld [tilespmem:$0x1670]  }
0x14d: {  	[tilespmem:$0x1540] =	vst v1;
	v1 =	vld [tilespmem:$0x2730]  }
0x14e: {  	v29 =	vld [tilespmem:$0x15C0]  }
0x14f: {  	v26 =	vld [tilespmem:$0x25C0]  }
0x150: {  	[tilespmem:$0x1FBE0] =	vst v63;
	v63 =	vld [tilespmem:$0x2B80]  }
0x151: {  	[tilespmem:$0x1420] =	vst v41;
	v41 =	vld [tilespmem:$0x1600]  }
0x152: {  	v40 =	vld [tilespmem:$0x2600]  }
0x153: {  	v44 =	vld [tilespmem:$0x1F710]  }
0x154: {  	v47 =	vsub.f32 v19, v18;
	v19 =	vld [tilespmem:$0x1610]  }
0x155: {  	[tilespmem:$0x1FBF0] =	vst v63;
	v63 =	vld [tilespmem:$0x1B80]  }
0x156: {  	v52 =	vadd.f32 v47, v18;
	v18 =	vld [tilespmem:$0x1620]  }
0x157: {  	v51 =	vld [tilespmem:$0x1680]  }
0x158: {  	v24 =	vld [tilespmem:$0x2630]  }
0x159: {  	v30 =	vld [tilespmem:$0x1630]  }
0x15a: {  	[tilespmem:$0x1FC00] =	vst v63;
	v63 =	vld [tilespmem:$0x2B90]  }
0x15b: {  	v22 =	vld [tilespmem:$0x26B0]  }
0x15c: {  	[tilespmem:$0x1330] =	vst v9;
	v9 =	vsub.f32 v44, v12;
	v44 =	vsub.f32 v13, v17;
	v13 =	vld [tilespmem:$0x2800]  }
0x15d: {  	v14 =	vld [tilespmem:$0x2650]  }
0x15e: {  	v56 =	vld [tilespmem:$0x1690]  }
0x15f: {  	[tilespmem:$0x1FC10] =	vst v63;
	v63 =	vld [tilespmem:$0x1B90]  }
0x160: {  	v49 =	vadd.f32 v9, v12;
	v12 =	vld [tilespmem:$0x2620]  }
0x161: {  	v9 =	vld [tilespmem:$0x2640]  }
0x162: {  	[tilespmem:$0x14D0] =	vst v55;
	v47 =	vadd.f32 v44, v17;
	v17 =	vld [tilespmem:$0x26A0]  }
0x163: {  	[tilespmem:$0x14F0] =	vst v61;
	v61 =	vld [tilespmem:$0x16A0]  }
0x164: {  	v55 =	vsub.f32 v29, v26;
	[tilespmem:$0x1FC20] =	vst v63;
	v63 =	vld [tilespmem:$0x2BA0]  }
0x165: {  	v43 =	vsub.f32 v11, v2;
	v11 =	vld [tilespmem:$0x2680]  }
0x166: {  	v59 =	vadd.f32 v55, v26;
	v55 =	vld [tilespmem:$0x2700]  }
0x167: {  	v36 =	vsub.f32 v30, v24;
	v30 =	vld [tilespmem:$0x17A0]  }
0x168: {  	v3 =	vadd.f32 v10, v3;
	v10 =	vld [tilespmem:$0x2610]  }
0x169: {  	[tilespmem:$0x1FC30] =	vst v63;
	v63 =	vld [tilespmem:$0x1BA0]  }
0x16a: {  	v21 =	vld [tilespmem:$0x1640]  }
0x16b: {  	v26 =	vsub.f32 v41, v40;
	v8 =	vld [tilespmem:$0x1650]  }
0x16c: {  	v6 =	vld [tilespmem:$0x2660]  }
0x16d: {  	v32 =	vadd.f32 v26, v40;
	v40 =	vld [tilespmem:$0x16D0]  }
0x16e: {  	[tilespmem:$0x1FC40] =	vst v63;
	v63 =	vld [tilespmem:$0x2BB0]  }
0x16f: {  	v45 =	vadd.f32 v43, v2;
	v43 =	vld [tilespmem:$0x26E0]  }
0x170: {  	v58 =	vld [tilespmem:$0x1700]  }
0x171: {  	v2 =	vld [tilespmem:$0x2740]  }
0x172: {  	v41 =	vadd.f32 v36, v24;
	v36 =	vld [tilespmem:$0x1800]  }
0x173: {  	[tilespmem:$0x1FC50] =	vst v63;
	v63 =	vld [tilespmem:$0x1BB0]  }
0x174: {  	[tilespmem:$0x14A0] =	vst v46;
	v46 =	vsub.f32 v15, v23;
	v15 =	vld [tilespmem:$0x2690]  }
0x175: {  	v54 =	vadd.f32 v50, v27;
	v27 =	vld [tilespmem:$0x16B0]  }
0x176: {  	[tilespmem:$0x15B0] =	vst v57;
	v57 =	vsub.f32 v61, v17;
	v61 =	vld [tilespmem:$0x2710]  }
0x177: {  	[tilespmem:$0x14C0] =	vst v52;
	v52 =	vadd.f32 v48, v16;
	v16 =	vld [tilespmem:$0x1710]  }
0x178: {  	[tilespmem:$0x1FC60] =	vst v63;
	v63 =	vld [tilespmem:$0x2BC0]  }
0x179: {  	[tilespmem:$0x1490] =	vst v3;
	v3 =	vld [tilespmem:$0x2750]  }
0x17a: {  	v48 =	vsub.f32 v4, v5;
	v4 =	vld [tilespmem:$0x2760]  }
0x17b: {  	[tilespmem:$0x1600] =	vst v32;
	v32 =	vld [tilespmem:$0x17C0]  }
0x17c: {  	[tilespmem:$0x1630] =	vst v41;
	v41 =	vld [tilespmem:$0x1850]  }
0x17d: {  	[tilespmem:$0x1FC70] =	vst v63;
	v63 =	vld [tilespmem:$0x1BC0]  }
0x17e: {  	[tilespmem:$0x1F720] =	vst v30;
	v30 =	vld [tilespmem:$0x1940]  }
0x17f: {  	[tilespmem:$0x14B0] =	vst v49;
	v37 =	vld [tilespmem:$0x26D0]  }
0x180: {  	[tilespmem:$0x1510] =	vst v33;
	v49 =	vadd.f32 v46, v23;
	v46 =	vld [tilespmem:$0x16E0]  }
0x181: {  	[tilespmem:$0x1590] =	vst v52;
	v52 =	vld [tilespmem:$0x16F0]  }
0x182: {  	v33 =	vsub.f32 v18, v12;
	[tilespmem:$0x1FC80] =	vst v63;
	v63 =	vld [tilespmem:$0x2BD0]  }
0x183: {  	v53 =	vadd.f32 v48, v5;
	v5 =	vld [tilespmem:$0x2770]  }
0x184: {  	v38 =	vadd.f32 v33, v12;
	v33 =	vld [tilespmem:$0x17D0]  }
0x185: {  	v12 =	vld [tilespmem:$0x27E0]  }
0x186: {  	v48 =	vld [tilespmem:$0x2830]  }
0x187: {  	[tilespmem:$0x1FC90] =	vst v63;
	v63 =	vld [tilespmem:$0x1BD0]  }
0x188: {  	[tilespmem:$0x15D0] =	vst v62;
	v62 =	vadd.f32 v57, v17;
	v57 =	vld [tilespmem:$0x18B0]  }
0x189: {  	[tilespmem:$0x15E0] =	vst v25;
	v25 =	vsub.f32 v58, v55;
	v58 =	vld [tilespmem:$0x1780]  }
0x18a: {  	[tilespmem:$0x1560] =	vst v45;
	v45 =	vsub.f32 v7, v6;
	v7 =	vld [tilespmem:$0x2790]  }
0x18b: {  	[tilespmem:$0x1530] =	vst v42;
	v42 =	vsub.f32 v8, v14;
	v8 =	vld [tilespmem:$0x27A0]  }
0x18c: {  	[tilespmem:$0x1FCA0] =	vst v63;
	v63 =	vld [tilespmem:$0x2BE0]  }
0x18d: {  	v34 =	vld [tilespmem:$0x17E0]  }
0x18e: {  	[tilespmem:$0x1570] =	vst v47;
	v29 =	vsub.f32 v19, v10;
	v19 =	vld [tilespmem:$0x28C0]  }
0x18f: {  	[tilespmem:$0x1F780] =	vst v36;
	v36 =	vld [tilespmem:$0x1980]  }
0x190: {  	[tilespmem:$0x1580] =	vst v49;
	v49 =	vld [tilespmem:$0x26F0]  }
0x191: {  	[tilespmem:$0x1FCB0] =	vst v63;
	v63 =	vld [tilespmem:$0x1BE0]  }
0x192: {  	[tilespmem:$0x16A0] =	vst v62;
	v62 =	vld [tilespmem:$0x1790]  }
0x193: {  	[tilespmem:$0x1620] =	vst v38;
	v38 =	vld [tilespmem:$0x1820]  }
0x194: {  	[tilespmem:$0x1670] =	vst v53;
	v53 =	vld [tilespmem:$0x18A0]  }
0x195: {  	v51 =	vsub.f32 v51, v11;
	[tilespmem:$0x1520] =	vst v39;
	v47 =	vadd.f32 v42, v14;
	v42 =	vld [tilespmem:$0x1720]  }
0x196: {  	[tilespmem:$0x1FCC0] =	vst v63;
	v63 =	vld [tilespmem:$0x2BF0]  }
0x197: {  	[tilespmem:$0x15A0] =	vst v54;
	v54 =	vsub.f32 v56, v15;
	v56 =	vadd.f32 v51, v11;
	v51 =	vld [tilespmem:$0x1760]  }
0x198: {  	v39 =	vsub.f32 v21, v9;
	[tilespmem:$0x15F0] =	vst v28;
	v28 =	vadd.f32 v25, v55;
	v55 =	vld [tilespmem:$0x1770]  }
0x199: {  	v50 =	vadd.f32 v45, v6;
	v6 =	vld [tilespmem:$0x2780]  }
0x19a: {  	v44 =	vadd.f32 v39, v9;
	v9 =	vld [tilespmem:$0x27B0]  }
0x19b: {  	[tilespmem:$0x1FCD0] =	vst v63;
	v63 =	vld [tilespmem:$0x1BF0]  }
0x19c: {  	v31 =	vld [tilespmem:$0x17B0]  }
0x19d: {  	v35 =	vadd.f32 v29, v10;
	v10 =	vld [tilespmem:$0x27C0]  }
0x19e: {  	v11 =	vld [tilespmem:$0x27D0]  }
0x19f: {  	v45 =	vld [tilespmem:$0x2810]  }
0x1a0: {  	[tilespmem:$0x1FCE0] =	vst v63;
	v63 =	vld [tilespmem:$0x2C00]  }
0x1a1: {  	v14 =	vld [tilespmem:$0x2820]  }
0x1a2: {  	v39 =	vld [tilespmem:$0x1830]  }
0x1a3: {  	v60 =	vsub.f32 v27, v22;
	v27 =	vsub.f32 v16, v61;
	v16 =	vld [tilespmem:$0x2860]  }
0x1a4: {  	v25 =	vld [tilespmem:$0x1900]  }
0x1a5: {  	[tilespmem:$0x1FCF0] =	vst v63;
	v63 =	vld [tilespmem:$0x1C00]  }
0x1a6: {  	[tilespmem:$0x1F740] =	vst v32;
	v32 =	vld [tilespmem:$0x1950]  }
0x1a7: {  	[tilespmem:$0x1F7D0] =	vst v41;
	v41 =	vld [tilespmem:$0x19C0]  }
0x1a8: {  	[tilespmem:$0x1F8C0] =	vst v30;
	v30 =	vld [tilespmem:$0x2980]  }
0x1a9: {  	v21 =	vsub.f32 v46, v43;
	v46 =	vld [tilespmem:$0x1740]  }
0x1aa: {  	[tilespmem:$0x1FD00] =	vst v63;
	v63 =	vld [tilespmem:$0x2C10]  }
0x1ab: {  	[tilespmem:$0x1680] =	vst v56;
	v56 =	vld [tilespmem:$0x27F0]  }
0x1ac: {  	[tilespmem:$0x1610] =	vst v35;
	v35 =	vld [tilespmem:$0x17F0]  }
0x1ad: {  	[tilespmem:$0x15C0] =	vst v59;
	v59 =	vadd.f32 v54, v15;
	v15 =	vld [tilespmem:$0x2840]  }
0x1ae: {  	v18 =	vsub.f32 v40, v37;
	v40 =	vld [tilespmem:$0x1840]  }
0x1af: {  	[tilespmem:$0x1FD10] =	vst v63;
	v63 =	vld [tilespmem:$0x1C10]  }
0x1b0: {  	v54 =	vld [tilespmem:$0x2850]  }
0x1b1: {  	[tilespmem:$0x1640] =	vst v44;
	v44 =	vld [tilespmem:$0x1860]  }
0x1b2: {  	v17 =	vadd.f32 v60, v22;
	v60 =	vld [tilespmem:$0x2870]  }
0x1b3: {  	[tilespmem:$0x1650] =	vst v47;
	v47 =	vld [tilespmem:$0x1870]  }
0x1b4: {  	[tilespmem:$0x1FD20] =	vst v63;
	v63 =	vld [tilespmem:$0x2C20]  }
0x1b5: {  	[tilespmem:$0x1660] =	vst v50;
	v50 =	vld [tilespmem:$0x1880]  }
0x1b6: {  	v29 =	vadd.f32 v27, v61;
	v61 =	vld [tilespmem:$0x18D0]  }
0x1b7: {  	[tilespmem:$0x16C0] =	vst v20;
	v20 =	vld [tilespmem:$0x28E0]  }
0x1b8: {  	v27 =	vld [tilespmem:$0x28F0]  }
0x1b9: {  	[tilespmem:$0x1FD30] =	vst v63;
	v63 =	vld [tilespmem:$0x1C20]  }
0x1ba: {  	[tilespmem:$0x1700] =	vst v28;
	v28 =	vld [tilespmem:$0x1920]  }
0x1bb: {  	[tilespmem:$0x1F750] =	vst v33;
	v33 =	vld [tilespmem:$0x1960]  }
0x1bc: {  	[tilespmem:$0x1F830] =	vst v57;
	v57 =	vld [tilespmem:$0x1A20]  }
0x1bd: {  	[tilespmem:$0x1F760] =	vst v34;
	v34 =	vld [tilespmem:$0x1970]  }
0x1be: {  	[tilespmem:$0x1FD40] =	vst v63;
	v63 =	vld [tilespmem:$0x2C30]  }
0x1bf: {  	[tilespmem:$0x1F900] =	vst v36;
	v36 =	vld [tilespmem:$0x29C0]  }
0x1c0: {  	v24 =	vadd.f32 v21, v43;
	v43 =	vld [tilespmem:$0x1730]  }
0x1c1: {  	v22 =	vadd.f32 v18, v37;
	v37 =	vld [tilespmem:$0x1810]  }
0x1c2: {  	[tilespmem:$0x16B0] =	vst v17;
	v17 =	vld [tilespmem:$0x2880]  }
0x1c3: {  	[tilespmem:$0x1FD50] =	vst v63;
	v63 =	vld [tilespmem:$0x1C30]  }
0x1c4: {  	v23 =	vsub.f32 v52, v49;
	v52 =	vld [tilespmem:$0x1890]  }
0x1c5: {  	v18 =	vld [tilespmem:$0x28A0]  }
0x1c6: {  	[tilespmem:$0x1690] =	vst v59;
	v59 =	vld [tilespmem:$0x18C0]  }
0x1c7: {  	v21 =	vld [tilespmem:$0x2900]  }
0x1c8: {  	[tilespmem:$0x1FD60] =	vst v63;
	v63 =	vld [tilespmem:$0x2C40]  }
0x1c9: {  	[tilespmem:$0x1710] =	vst v29;
	v29 =	vld [tilespmem:$0x1930]  }
0x1ca: {  	[tilespmem:$0x1F7A0] =	vst v38;
	v38 =	vld [tilespmem:$0x19A0]  }
0x1cb: {  	[tilespmem:$0x1F820] =	vst v53;
	v53 =	vld [tilespmem:$0x1A10]  }
0x1cc: {  	[tilespmem:$0x1F7B0] =	vst v39;
	v39 =	vld [tilespmem:$0x2890]  }
0x1cd: {  	[tilespmem:$0x1FD70] =	vst v63;
	v63 =	vld [tilespmem:$0x1C40]  }
0x1ce: {  	[tilespmem:$0x1F730] =	vst v31;
	v31 =	vld [tilespmem:$0x28D0]  }
0x1cf: {  	[tilespmem:$0x1F880] =	vst v25;
	v25 =	vld [tilespmem:$0x2940]  }
0x1d0: {  	[tilespmem:$0x1F8D0] =	vst v32;
	v32 =	vld [tilespmem:$0x2990]  }
0x1d1: {  	[tilespmem:$0x1F940] =	vst v41;
	v41 =	vld [tilespmem:$0x2A00]  }
0x1d2: {  	[tilespmem:$0x1FD80] =	vst v63;
	v63 =	vld [tilespmem:$0x2C50]  }
0x1d3: {  	v26 =	vadd.f32 v23, v49;
	v49 =	vld [tilespmem:$0x1750]  }
0x1d4: {  	[tilespmem:$0x16E0] =	vst v24;
	v24 =	vld [tilespmem:$0x18F0]  }
0x1d5: {  	[tilespmem:$0x16D0] =	vst v22;
	v23 =	vld [tilespmem:$0x2910]  }
0x1d6: {  	v22 =	vld [tilespmem:$0x2920];
	[tilespmem:$0x1F770] =	vst v35  }
0x1d7: {  	[tilespmem:$0x1FD90] =	vst v63;
	v63 =	vld [tilespmem:$0x1C50]  }
0x1d8: {  	[tilespmem:$0x1F7C0] =	vst v40;
	v35 =	vld [tilespmem:$0x28B0]  }
0x1d9: {  	[tilespmem:$0x1F8A0] =	vst v28;
	v28 =	vld [tilespmem:$0x2960]  }
0x1da: {  	[tilespmem:$0x1F8E0] =	vst v33;
	v33 =	vld [tilespmem:$0x29A0]  }
0x1db: {  	[tilespmem:$0x1F7E0] =	vst v44;
	v40 =	vld [tilespmem:$0x19B0]  }
0x1dc: {  	[tilespmem:$0x1FDA0] =	vst v63;
	v63 =	vld [tilespmem:$0x2C60]  }
0x1dd: {  	[tilespmem:$0x1F7F0] =	vst v47;
	v44 =	vld [tilespmem:$0x19D0]  }
0x1de: {  	[tilespmem:$0x1F800] =	vst v50;
	v47 =	vld [tilespmem:$0x19E0]  }
0x1df: {  	[tilespmem:$0x1F850] =	vst v61;
	v50 =	vld [tilespmem:$0x19F0]  }
0x1e0: {  	[tilespmem:$0x1F9A0] =	vst v57;
	v61 =	vld [tilespmem:$0x1A40]  }
0x1e1: {  	[tilespmem:$0x1FDB0] =	vst v63;
	v63 =	vld [tilespmem:$0x1C60]  }
0x1e2: {  	v57 =	vld [tilespmem:$0x2A60];
	[tilespmem:$0x16F0] =	vst v26  }
0x1e3: {  	v26 =	vld [tilespmem:$0x1910];
	[tilespmem:$0x1F8F0] =	vst v34  }
0x1e4: {  	v34 =	vld [tilespmem:$0x29B0];
	[tilespmem:$0x1F790] =	vst v37  }
0x1e5: {  	[tilespmem:$0x1F8B0] =	vst v29;
	v29 =	vld [tilespmem:$0x2970]  }
0x1e6: {  	[tilespmem:$0x1FDC0] =	vst v63;
	v63 =	vld [tilespmem:$0x2C70]  }
0x1e7: {  	[tilespmem:$0x1F810] =	vst v52;
	v37 =	vld [tilespmem:$0x1990]  }
0x1e8: {  	[tilespmem:$0x1F920] =	vst v38;
	v38 =	vld [tilespmem:$0x29E0]  }
0x1e9: {  	[tilespmem:$0x1F840] =	vst v59;
	v52 =	vld [tilespmem:$0x1A00]  }
0x1ea: {  	[tilespmem:$0x1F990] =	vst v53;
	v59 =	vld [tilespmem:$0x1A30]  }
0x1eb: {  	[tilespmem:$0x1FDD0] =	vst v63;
	v63 =	vld [tilespmem:$0x1C70]  }
0x1ec: {  	v53 =	vld [tilespmem:$0x2A50];
	[tilespmem:$0x1F870] =	vst v24  }
0x1ed: {  	v24 =	vld [tilespmem:$0x2930];
	[tilespmem:$0x1F930] =	vst v40  }
0x1ee: {  	[tilespmem:$0x1F950] =	vst v44;
	v40 =	vld [tilespmem:$0x29F0]  }
0x1ef: {  	[tilespmem:$0x1F9C0] =	vst v61;
	v61 =	vld [tilespmem:$0x1A60]  }
0x1f0: {  	[tilespmem:$0x1FDE0] =	vst v63;
	v63 =	vld [tilespmem:$0x2C80]  }
0x1f1: {  	[tilespmem:$0x1F960] =	vst v47;
	v44 =	vld [tilespmem:$0x2A10]  }
0x1f2: {  	[tilespmem:$0x1F970] =	vst v50;
	v47 =	vld [tilespmem:$0x2A20]  }
0x1f3: {  	v50 =	vld [tilespmem:$0x2A30];
	[tilespmem:$0x1F890] =	vst v26  }
0x1f4: {  	[tilespmem:$0x1F9E0] =	vst v61;
	v61 =	vld [tilespmem:$0x1A70]  }
0x1f5: {  	[tilespmem:$0x1FDF0] =	vst v63;
	v63 =	vld [tilespmem:$0x1C80]  }
0x1f6: {  	v26 =	vld [tilespmem:$0x2950];
	[tilespmem:$0x1F910] =	vst v37  }
0x1f7: {  	v37 =	vld [tilespmem:$0x29D0];
	[tilespmem:$0x1F980] =	vst v52  }
0x1f8: {  	[tilespmem:$0x1F9B0] =	vst v59;
	v52 =	vld [tilespmem:$0x2A40]  }
0x1f9: {  	v42 =	vsub.f32 v42, v0;
	v59 =	vld [tilespmem:$0x2A70];
	[tilespmem:$0x1F9F0] =	vst v61  }
0x1fa: {  	v61 =	vld [tilespmem:$0x2A80];
	[tilespmem:$0x1FE00] =	vst v63  }
0x1fb: {  	v0 =	vadd.f32 v42, v0;
	v42 =	vsub.f32 v46, v2;
	v46 =	vld [tilespmem:$0x2C90]  }
0x1fc: {  	v43 =	vsub.f32 v43, v1;
	v63 =	vld [tilespmem:$0x1C90]  }
0x1fd: {  	[tilespmem:$0x1720] =	vst v0;
	v0 =	vadd.f32 v42, v2;
	v2 =	vsub.f32 v51, v4;
	v51 =	vld [tilespmem:$0x2CA0]  }
0x1fe: {  	v1 =	vadd.f32 v43, v1;
	v43 =	vsub.f32 v62, v7;
	v62 =	vld [tilespmem:$0x1F730];
	_ =	sdelay $0x1  }
0x1ff: {  	v49 =	vsub.f32 v49, v3;
	[tilespmem:$0x1FE10] =	vst v46  }
0x200: {  	[tilespmem:$0x1FE20] =	vst v63;
	v63 =	vld [tilespmem:$0x1CA0]  }
0x201: {  	v46 =	vadd.f32 v49, v3;
	v49 =	vsub.f32 v55, v5;
	[tilespmem:$0x1FE30] =	vst v51;
	v51 =	vld [tilespmem:$0x1F720]  }
0x202: {  	v55 =	vadd.f32 v2, v4;
	v3 =	vsub.f32 v62, v9;
	v62 =	vld [tilespmem:$0x2CC0]  }
0x203: {  	v58 =	vsub.f32 v58, v6;
	[tilespmem:$0x1750] =	vst v46;
	v46 =	vld [tilespmem:$0x2CB0]  }
0x204: {  	v42 =	vadd.f32 v49, v5;
	[tilespmem:$0x1760] =	vst v55;
	v55 =	vld [tilespmem:$0x1CB0]  }
0x205: {  	v49 =	vadd.f32 v58, v6;
	v58 =	vadd.f32 v43, v7;
	v7 =	vld [tilespmem:$0x1F740]  }
0x206: {  	v43 =	vld [tilespmem:$0x1F750]  }
0x207: {  	v6 =	vld [tilespmem:$0x2DD0];
	[tilespmem:$0x1770] =	vst v42;
	v42 =	vadd.f32 v3, v9  }
0x208: {  	v2 =	vsub.f32 v51, v8;
	v51 =	vld [tilespmem:$0x1F760]  }
0x209: {  	[tilespmem:$0x17B0] =	vst v42;
	v42 =	vld [tilespmem:$0x1F790]  }
0x20a: {  	[tilespmem:$0x1FE40] =	vst v63;
	v63 =	vadd.f32 v2, v8;
	v8 =	vld [tilespmem:$0x1CC0]  }
0x20b: {  	[tilespmem:$0x1FE50] =	vst v46;
	v46 =	vld [tilespmem:$0x2CD0]  }
0x20c: {  	[tilespmem:$0x1FE60] =	vst v55;
	v55 =	vld [tilespmem:$0x1CD0]  }
0x20d: {  	v2 =	vsub.f32 v7, v10;
	v7 =	vld [tilespmem:$0x1F820]  }
0x20e: {  	v3 =	vsub.f32 v43, v11;
	[tilespmem:$0x17A0] =	vst v63;
	v63 =	vld [tilespmem:$0x2CE0]  }
0x20f: {  	[tilespmem:$0x1780] =	vst v49;
	v49 =	vadd.f32 v2, v10;
	v10 =	vld [tilespmem:$0x1F780]  }
0x210: {  	[tilespmem:$0x1790] =	vst v58;
	v58 =	vadd.f32 v3, v11;
	v11 =	vld [tilespmem:$0x1CE0]  }
0x211: {  	[tilespmem:$0x17C0] =	vst v49;
	v49 =	vld [tilespmem:$0x1CF0]  }
0x212: {  	v2 =	vsub.f32 v51, v12;
	[tilespmem:$0x1FE70] =	vst v8;
	v8 =	vld [tilespmem:$0x1F770]  }
0x213: {  	[tilespmem:$0x1FE80] =	vst v46;
	v46 =	vld [tilespmem:$0x1F7A0]  }
0x214: {  	[tilespmem:$0x1FE90] =	vst v55;
	v9 =	vadd.f32 v2, v12;
	v55 =	vld [tilespmem:$0x1F7B0]  }
0x215: {  	v4 =	vld [tilespmem:$0x1FE80]  }
0x216: {  	v2 =	vsub.f32 v10, v13;
	[tilespmem:$0x17E0] =	vst v9;
	v9 =	vld [tilespmem:$0x1D00]  }
0x217: {  	[tilespmem:$0x1FEA0] =	vst v11;
	v11 =	vld [tilespmem:$0x1F7D0]  }
0x218: {  	v43 =	vadd.f32 v2, v13;
	v13 =	vld [tilespmem:$0x1F7E0]  }
0x219: {  	[tilespmem:$0x1FEB0] =	vst v49;
	v49 =	vld [tilespmem:$0x1D20]  }
0x21a: {  	v3 =	vsub.f32 v8, v56;
	v8 =	vld [tilespmem:$0x1F7C0]  }
0x21b: {  	v2 =	vsub.f32 v46, v14;
	v46 =	vld [tilespmem:$0x1F800]  }
0x21c: {  	v12 =	vadd.f32 v3, v56;
	v56 =	vld [tilespmem:$0x2CF0]  }
0x21d: {  	[tilespmem:$0x17D0] =	vst v58;
	v3 =	vsub.f32 v42, v45;
	v58 =	vadd.f32 v2, v14;
	v14 =	vld [tilespmem:$0x1D10]  }
0x21e: {  	v42 =	vld [tilespmem:$0x1F7F0]  }
0x21f: {  	v51 =	vadd.f32 v3, v45;
	v45 =	vld [tilespmem:$0x2D00]  }
0x220: {  	v3 =	vsub.f32 v55, v48;
	v55 =	vld [tilespmem:$0x1F810]  }
0x221: {  	[tilespmem:$0x1FEE0] =	vst v49;
	v49 =	vld [tilespmem:$0x1D60]  }
0x222: {  	v2 =	vsub.f32 v8, v15;
	v8 =	vld [tilespmem:$0x1D30]  }
0x223: {  	v10 =	vadd.f32 v3, v48;
	v3 =	vsub.f32 v11, v54;
	v48 =	vld [tilespmem:$0x2D10]  }
0x224: {  	[tilespmem:$0x17F0] =	vst v12;
	v12 =	vadd.f32 v2, v15;
	v2 =	vsub.f32 v13, v16;
	v13 =	vld [tilespmem:$0x1D40]  }
0x225: {  	v15 =	vadd.f32 v3, v54;
	v54 =	vld [tilespmem:$0x2D20]  }
0x226: {  	[tilespmem:$0x1830] =	vst v10;
	v10 =	vld [tilespmem:$0x1F830]  }
0x227: {  	v3 =	vsub.f32 v42, v60;
	v42 =	vld [tilespmem:$0x1F870]  }
0x228: {  	[tilespmem:$0x1840] =	vst v12;
	v12 =	vld [tilespmem:$0x1F840]  }
0x229: {  	[tilespmem:$0x1800] =	vst v43;
	v43 =	vadd.f32 v2, v16;
	v2 =	vsub.f32 v46, v17;
	v46 =	vld [tilespmem:$0x1F880]  }
0x22a: {  	[tilespmem:$0x1FF20] =	vst v49;
	v49 =	vld [tilespmem:$0x1DA0]  }
0x22b: {  	[tilespmem:$0x1810] =	vst v51;
	v51 =	vadd.f32 v3, v60;
	v60 =	vld [tilespmem:$0x2D30]  }
0x22c: {  	[tilespmem:$0x1850] =	vst v15;
	v15 =	vld [tilespmem:$0x1F850]  }
0x22d: {  	v3 =	vsub.f32 v55, v39;
	v55 =	vld [tilespmem:$0x1F890]  }
0x22e: {  	[tilespmem:$0x1FEF0] =	vst v8;
	v8 =	vld [tilespmem:$0x1F8A0]  }
0x22f: {  	[tilespmem:$0x1820] =	vst v58;
	v58 =	vadd.f32 v2, v17;
	v17 =	vld [tilespmem:$0x1F860]  }
0x230: {  	v2 =	vsub.f32 v7, v18;
	v7 =	vld [tilespmem:$0x2E10]  }
0x231: {  	[tilespmem:$0x1FEC0] =	vst v9;
	v9 =	vadd.f32 v3, v39;
	v39 =	vld [tilespmem:$0x2D40]  }
0x232: {  	[tilespmem:$0x1FF00] =	vst v13;
	v13 =	vld [tilespmem:$0x1F8C0]  }
0x233: {  	v3 =	vsub.f32 v10, v35;
	v11 =	vadd.f32 v2, v18;
	v18 =	vld [tilespmem:$0x1D50]  }
0x234: {  	[tilespmem:$0x1890] =	vst v9;
	v9 =	vld [tilespmem:$0x1D70]  }
0x235: {  	[tilespmem:$0x1FED0] =	vst v14;
	v2 =	vsub.f32 v12, v19;
	v14 =	vadd.f32 v3, v35;
	v35 =	vld [tilespmem:$0x2D50]  }
0x236: {  	v3 =	vsub.f32 v15, v31;
	[tilespmem:$0x18A0] =	vst v11;
	v11 =	vld [tilespmem:$0x1F8B0]  }
0x237: {  	v16 =	vadd.f32 v2, v19;
	v2 =	vsub.f32 v17, v20;
	v17 =	vld [tilespmem:$0x2DA0]  }
0x238: {  	v19 =	vadd.f32 v3, v31;
	v31 =	vld [tilespmem:$0x2D60]  }
0x239: {  	[tilespmem:$0x18B0] =	vst v14;
	v14 =	vld [tilespmem:$0x1D80]  }
0x23a: {  	v3 =	vsub.f32 v42, v27;
	v42 =	vld [tilespmem:$0x1F8F0]  }
0x23b: {  	[tilespmem:$0x1860] =	vst v43;
	v43 =	vadd.f32 v2, v20;
	v2 =	vsub.f32 v46, v21;
	v46 =	vld [tilespmem:$0x1F900]  }
0x23c: {  	[tilespmem:$0x1FF10] =	vst v18;
	v18 =	vld [tilespmem:$0x1F930]  }
0x23d: {  	[tilespmem:$0x18C0] =	vst v16;
	v16 =	vld [tilespmem:$0x1E00]  }
0x23e: {  	[tilespmem:$0x1870] =	vst v51;
	v51 =	vadd.f32 v3, v27;
	v27 =	vld [tilespmem:$0x2D70]  }
0x23f: {  	[tilespmem:$0x18D0] =	vst v19;
	v19 =	vld [tilespmem:$0x2D90]  }
0x240: {  	v3 =	vsub.f32 v55, v23;
	v55 =	vld [tilespmem:$0x1F910]  }
0x241: {  	[tilespmem:$0x1FF30] =	vst v9;
	v9 =	vld [tilespmem:$0x1DB0]  }
0x242: {  	[tilespmem:$0x1880] =	vst v58;
	v58 =	vadd.f32 v2, v21;
	v21 =	vld [tilespmem:$0x1F8D0]  }
0x243: {  	v2 =	vsub.f32 v8, v22;
	v8 =	vld [tilespmem:$0x1F920]  }
0x244: {  	v10 =	vadd.f32 v3, v23;
	v3 =	vsub.f32 v11, v24;
	v23 =	vld [tilespmem:$0x2D80]  }
0x245: {  	v11 =	vld [tilespmem:$0x2DB0];
	v12 =	vadd.f32 v2, v22;
	v2 =	vsub.f32 v13, v25  }
0x246: {  	v15 =	vadd.f32 v3, v24;
	v24 =	vld [tilespmem:$0x1F8E0]  }
0x247: {  	v22 =	vadd.f32 v2, v25;
	v25 =	vld [tilespmem:$0x1D90]  }
0x248: {  	[tilespmem:$0x1FF40] =	vst v14;
	v14 =	vld [tilespmem:$0x2DE0]  }
0x249: {  	v3 =	vsub.f32 v21, v26;
	v21 =	vld [tilespmem:$0x1F940]  }
0x24a: {  	[tilespmem:$0x1940] =	vst v22;
	v22 =	vld [tilespmem:$0x1DC0]  }
0x24b: {  	v26 =	vadd.f32 v3, v26;
	v3 =	vsub.f32 v42, v29;
	v42 =	vld [tilespmem:$0x1F9A0]  }
0x24c: {  	v2 =	vsub.f32 v24, v28;
	[tilespmem:$0x1FF50] =	vst v25;
	v25 =	vld [tilespmem:$0x1F950]  }
0x24d: {  	[tilespmem:$0x18F0] =	vst v51;
	v51 =	vadd.f32 v3, v29;
	v29 =	vld [tilespmem:$0x1DD0]  }
0x24e: {  	[tilespmem:$0x18E0] =	vst v43;
	v3 =	vsub.f32 v55, v32;
	v43 =	vadd.f32 v2, v28;
	v28 =	vld [tilespmem:$0x1F960]  }
0x24f: {  	[tilespmem:$0x1900] =	vst v58;
	v2 =	vsub.f32 v46, v30;
	v46 =	vld [tilespmem:$0x1DF0]  }
0x250: {  	[tilespmem:$0x1910] =	vst v10;
	v10 =	vadd.f32 v3, v32;
	v3 =	vsub.f32 v18, v34;
	v32 =	vld [tilespmem:$0x1F970]  }
0x251: {  	[tilespmem:$0x1970] =	vst v51;
	v51 =	vld [tilespmem:$0x1F9B0]  }
0x252: {  	[tilespmem:$0x1960] =	vst v43;
	v24 =	vadd.f32 v3, v34;
	v34 =	vld [tilespmem:$0x1F980]  }
0x253: {  	v58 =	vadd.f32 v2, v30;
	v43 =	vsub.f32 v42, v47;
	[tilespmem:$0x1990] =	vst v10;
	v10 =	vld [tilespmem:$0x1F9C0]  }
0x254: {  	v2 =	vsub.f32 v8, v33;
	[tilespmem:$0x1FF90] =	vst v29;
	v29 =	vld [tilespmem:$0x1F9F0]  }
0x255: {  	[tilespmem:$0x1980] =	vst v58;
	v58 =	vadd.f32 v43, v47;
	v43 =	vld [tilespmem:$0x1FA30]  }
0x256: {  	v20 =	vadd.f32 v2, v33;
	v2 =	vsub.f32 v21, v36;
	v47 =	vld [tilespmem:$0x1E30]  }
0x257: {  	[tilespmem:$0x19B0] =	vst v24;
	v24 =	vld [tilespmem:$0x1F9E0]  }
0x258: {  	[tilespmem:$0x1950] =	vst v26;
	v26 =	vadd.f32 v2, v36;
	v36 =	vld [tilespmem:$0x1DE0]  }
0x259: {  	[tilespmem:$0x19A0] =	vst v20;
	v2 =	vsub.f32 v28, v38;
	v20 =	vld [tilespmem:$0x1F9D0]  }
0x25a: {  	v3 =	vsub.f32 v25, v37;
	v55 =	vsub.f32 v51, v50;
	v51 =	vld [tilespmem:$0x1FA60]  }
0x25b: {  	v33 =	vadd.f32 v2, v38;
	v38 =	vld [tilespmem:$0x1F990]  }
0x25c: {  	v30 =	vadd.f32 v3, v37;
	[tilespmem:$0x19C0] =	vst v26;
	v26 =	vld [tilespmem:$0x1E10]  }
0x25d: {  	v18 =	vadd.f32 v55, v50;
	v50 =	vld [tilespmem:$0x1FA50]  }
0x25e: {  	v3 =	vsub.f32 v32, v40;
	[tilespmem:$0x19D0] =	vst v30;
	v55 =	vld [tilespmem:$0x1FA70]  }
0x25f: {  	[tilespmem:$0x1FFF0] =	vst v47;
	v47 =	vld [tilespmem:$0x1FB20]  }
0x260: {  	v37 =	vadd.f32 v3, v40;
	v30 =	vsub.f32 v29, v59;
	[tilespmem:$0x19E0] =	vst v33;
	v33 =	vld [tilespmem:$0x1FA00]  }
0x261: {  	v25 =	vsub.f32 v24, v57;
	[tilespmem:$0x1FFA0] =	vst v36;
	v36 =	vld [tilespmem:$0x1E20]  }
0x262: {  	[tilespmem:$0x19F0] =	vst v37;
	v37 =	vadd.f32 v30, v59;
	v30 =	vld [tilespmem:$0x1FAB0]  }
0x263: {  	v32 =	vadd.f32 v25, v57;
	v57 =	vld [tilespmem:$0x1FA80]  }
0x264: {  	v40 =	vsub.f32 v38, v44;
	v38 =	vld [tilespmem:$0x1FA10]  }
0x265: {  	v13 =	vsub.f32 v10, v52;
	[tilespmem:$0x1FFD0] =	vst v26;
	v26 =	vld [tilespmem:$0x1FAA0]  }
0x266: {  	[tilespmem:$0x1A70] =	vst v37;
	v37 =	vld [tilespmem:$0x1FAE0]  }
0x267: {  	[tilespmem:$0x1FF80] =	vst v22;
	v22 =	vadd.f32 v13, v52;
	v52 =	vsub.f32 v51, v50;
	v51 =	vld [tilespmem:$0x1FB30]  }
0x268: {  	[tilespmem:$0x1A60] =	vst v32;
	v32 =	vld [tilespmem:$0x1FAC0]  }
0x269: {  	[tilespmem:$0x1FF60] =	vst v49;
	v49 =	vadd.f32 v40, v44;
	v40 =	vld [tilespmem:$0x1FA20]  }
0x26a: {  	v2 =	vsub.f32 v34, v41;
	v44 =	vld [tilespmem:$0x1FA40]  }
0x26b: {  	v34 =	vsub.f32 v33, v61;
	v59 =	vadd.f32 v52, v50;
	v52 =	vld [tilespmem:$0x1FB40]  }
0x26c: {  	v41 =	vadd.f32 v2, v41;
	[tilespmem:$0x1FFE0] =	vst v36;
	v36 =	vld [tilespmem:$0x1FAD0]  }
0x26d: {  	[tilespmem:$0x1A20] =	vst v58;
	v42 =	vadd.f32 v34, v61;
	v61 =	vld [tilespmem:$0x1FA90]  }
0x26e: {  	[tilespmem:$0x1A00] =	vst v41;
	v58 =	vsub.f32 v57, v55;
	v57 =	vld [tilespmem:$0x1FB50]  }
0x26f: {  	v21 =	vsub.f32 v20, v53;
	[tilespmem:$0x1A80] =	vst v42;
	v42 =	vld [tilespmem:$0x1FB00];
	v41 =	vsub.f32 v40, v38  }
0x270: {  	[tilespmem:$0x1FFB0] =	vst v46;
	v29 =	vadd.f32 v58, v55;
	v58 =	vld [tilespmem:$0x1FB60];
	v46 =	vsub.f32 v44, v43  }
0x271: {  	v28 =	vadd.f32 v21, v53;
	[tilespmem:$0x1A10] =	vst v49;
	v49 =	vadd.f32 v41, v38;
	v41 =	vld [tilespmem:$0x1FAF0]  }
0x272: {  	v53 =	vadd.f32 v46, v43;
	v38 =	vsub.f32 v37, v36;
	v46 =	vld [tilespmem:$0x1FB10]  }
0x273: {  	v37 =	vld [tilespmem:$0x1FB80]  }
0x274: {  	[tilespmem:$0x1A50] =	vst v28;
	v44 =	vadd.f32 v38, v36;
	v36 =	vld [tilespmem:$0x1FB70]  }
0x275: {  	v28 =	vsub.f32 v26, v61;
	[tilespmem:$0x1AA0] =	vst v53;
	v53 =	vsub.f32 v52, v51;
	v52 =	vld [tilespmem:$0x1FBE0]  }
0x276: {  	[tilespmem:$0x1AB0] =	vst v59;
	v59 =	vsub.f32 v58, v57;
	v58 =	vld [tilespmem:$0x1FC00]  }
0x277: {  	v34 =	vadd.f32 v28, v61;
	v61 =	vadd.f32 v53, v51;
	v51 =	vld [tilespmem:$0x1FBD0]  }
0x278: {  	v33 =	vsub.f32 v32, v30;
	v43 =	vsub.f32 v42, v41;
	v42 =	vld [tilespmem:$0x1FBA0]  }
0x279: {  	[tilespmem:$0x1A90] =	vst v49;
	v49 =	vsub.f32 v47, v46;
	v47 =	vld [tilespmem:$0x1FBC0]  }
0x27a: {  	[tilespmem:$0x1FFC0] =	vst v16;
	v40 =	vadd.f32 v33, v30;
	v50 =	vadd.f32 v43, v41;
	v41 =	vld [tilespmem:$0x1FB90]  }
0x27b: {  	[tilespmem:$0x1920] =	vst v12;
	v55 =	vadd.f32 v49, v46;
	v46 =	vld [tilespmem:$0x1FBB0]  }
0x27c: {  	[tilespmem:$0x1AE0] =	vst v40;
	v40 =	vadd.f32 v59, v57;
	v57 =	vld [tilespmem:$0x1FBF0];
	v38 =	vsub.f32 v37, v36  }
0x27d: {  	v16 =	vld [tilespmem:$0x2E50];
	[tilespmem:$0x1FF70] =	vst v9  }
0x27e: {  	v12 =	vld [tilespmem:$0x2DF0];
	[tilespmem:$0x1AF0] =	vst v44;
	v44 =	vadd.f32 v38, v36  }
0x27f: {  	v9 =	vld [tilespmem:$0x2E00];
	[tilespmem:$0x1B20] =	vst v61;
	v53 =	vsub.f32 v52, v51  }
0x280: {  	[tilespmem:$0x1B40] =	vst v44;
	v44 =	vld [tilespmem:$0x1FC10];
	v43 =	vsub.f32 v42, v41;
	v49 =	vsub.f32 v47, v46  }
0x281: {  	[tilespmem:$0x1B00] =	vst v50;
	v59 =	vsub.f32 v58, v57;
	v61 =	vadd.f32 v53, v51;
	v51 =	vld [tilespmem:$0x1FC40]  }
0x282: {  	[tilespmem:$0x1B10] =	vst v55;
	v50 =	vadd.f32 v43, v41;
	v55 =	vadd.f32 v49, v46;
	v46 =	vld [tilespmem:$0x1FC20]  }
0x283: {  	v49 =	vadd.f32 v59, v57;
	v57 =	vld [tilespmem:$0x1FC60]  }
0x284: {  	[tilespmem:$0x1B50] =	vst v50;
	v50 =	vld [tilespmem:$0x1FC30]  }
0x285: {  	[tilespmem:$0x1B60] =	vst v55;
	v55 =	vld [tilespmem:$0x1FC50]  }
0x286: {  	[tilespmem:$0x1B70] =	vst v61;
	v61 =	vld [tilespmem:$0x1FC70]  }
0x287: {  	v47 =	vsub.f32 v46, v44;
	v46 =	vld [tilespmem:$0x1FC80]  }
0x288: {  	[tilespmem:$0x1930] =	vst v15;
	v15 =	vld [tilespmem:$0x2DC0]  }
0x289: {  	v52 =	vsub.f32 v51, v50;
	v51 =	vld [tilespmem:$0x1FCA0]  }
0x28a: {  	v58 =	vsub.f32 v57, v55;
	v57 =	vld [tilespmem:$0x1FCC0]  }
0x28b: {  	v53 =	vadd.f32 v47, v44;
	v59 =	vadd.f32 v52, v50;
	v50 =	vld [tilespmem:$0x1FC90]  }
0x28c: {  	[tilespmem:$0x1B80] =	vst v49;
	v49 =	vadd.f32 v58, v55;
	v55 =	vld [tilespmem:$0x1FCB0];
	v47 =	vsub.f32 v46, v61  }
0x28d: {  	v8 =	vld [tilespmem:$0x2E20]  }
0x28e: {  	[tilespmem:$0x1B90] =	vst v53;
	v53 =	vadd.f32 v47, v61;
	v61 =	vld [tilespmem:$0x1FCD0]  }
0x28f: {  	v47 =	vld [tilespmem:$0x1FCE0]  }
0x290: {  	v52 =	vsub.f32 v51, v50;
	v51 =	vld [tilespmem:$0x1FCF0]  }
0x291: {  	v58 =	vsub.f32 v57, v55;
	v57 =	vld [tilespmem:$0x1FD20]  }
0x292: {  	[tilespmem:$0x1BA0] =	vst v59;
	v59 =	vadd.f32 v52, v50;
	v52 =	vld [tilespmem:$0x1FD00]  }
0x293: {  	v50 =	vadd.f32 v58, v55;
	v55 =	vld [tilespmem:$0x1FD10]  }
0x294: {  	v10 =	vld [tilespmem:$0x2E30]  }
0x295: {  	v3 =	vld [tilespmem:$0x1FD70];
	[tilespmem:$0x1BB0] =	vst v49;
	v49 =	vsub.f32 v47, v61  }
0x296: {  	v13 =	vld [tilespmem:$0x2E40]  }
0x297: {  	[tilespmem:$0x1730] =	vst v1;
	v1 =	vadd.f32 v49, v61;
	v61 =	vld [tilespmem:$0x1FD30]  }
0x298: {  	[tilespmem:$0x1BC0] =	vst v53;
	v53 =	vsub.f32 v52, v51;
	v58 =	vsub.f32 v57, v55;
	v52 =	vld [tilespmem:$0x1FD40]  }
0x299: {  	[tilespmem:$0x1BD0] =	vst v59;
	v57 =	vld [tilespmem:$0x1FD60]  }
0x29a: {  	[tilespmem:$0x1BF0] =	vst v1;
	v59 =	vadd.f32 v53, v51;
	v1 =	vadd.f32 v58, v55;
	v55 =	vld [tilespmem:$0x1FD50]  }
0x29b: {  	[tilespmem:$0x1A30] =	vst v18;
	v18 =	vld [tilespmem:$0x2E60]  }
0x29c: {  	[tilespmem:$0x1C00] =	vst v59;
	v59 =	vld [tilespmem:$0x1FD80]  }
0x29d: {  	v24 =	vld [tilespmem:$0x2E80]  }
0x29e: {  	v2 =	vld [tilespmem:$0x1FD90]  }
0x29f: {  	v53 =	vsub.f32 v52, v61;
	v58 =	vsub.f32 v57, v55;
	v57 =	vld [tilespmem:$0x1FDA0]  }
0x2a0: {  	[tilespmem:$0x1740] =	vst v0;
	v20 =	vld [tilespmem:$0x1E40]  }
0x2a1: {  	[tilespmem:$0x1A40] =	vst v22;
	v22 =	vld [tilespmem:$0x1E50];
	v0 =	vadd.f32 v53, v61;
	v61 =	vsub.f32 v59, v3  }
0x2a2: {  	[tilespmem:$0x1C10] =	vst v1;
	v1 =	vadd.f32 v58, v55;
	v55 =	vld [tilespmem:$0x1FDC0]  }
0x2a3: {  	v59 =	vadd.f32 v61, v3;
	v61 =	vld [tilespmem:$0x1FDB0]  }
0x2a4: {  	v3 =	vld [tilespmem:$0x1FDF0];
	v58 =	vsub.f32 v57, v2  }
0x2a5: {  	[tilespmem:$0x1C40] =	vst v59;
	v59 =	vld [tilespmem:$0x1FE00]  }
0x2a6: {  	[tilespmem:$0x1C30] =	vst v1;
	v1 =	vadd.f32 v58, v2;
	v2 =	vld [tilespmem:$0x1FDD0]  }
0x2a7: {  	v58 =	vld [tilespmem:$0x1FDE0]  }
0x2a8: {  	v25 =	vld [tilespmem:$0x1E60];
	v22 =	vsub.f32 v22, v16  }
0x2a9: {  	v21 =	vld [tilespmem:$0x2E70];
	v57 =	vsub.f32 v55, v61  }
0x2aa: {  	v32 =	vld [tilespmem:$0x2EB0];
	v22 =	vadd.f32 v22, v16  }
0x2ab: {  	v16 =	vld [tilespmem:$0x3020];
	[tilespmem:$0x1C20] =	vst v0;
	v0 =	vadd.f32 v57, v61;
	v61 =	vsub.f32 v59, v3  }
0x2ac: {  	v55 =	vld [tilespmem:$0x1FE40];
	v52 =	vsub.f32 v58, v2  }
0x2ad: {  	[tilespmem:$0x1C60] =	vst v0;
	v0 =	vadd.f32 v61, v3;
	v3 =	vld [tilespmem:$0x1FE30]  }
0x2ae: {  	[tilespmem:$0x1C50] =	vst v1;
	v1 =	vadd.f32 v52, v2;
	v2 =	vld [tilespmem:$0x1FE10]  }
0x2af: {  	v52 =	vld [tilespmem:$0x1FE20]  }
0x2b0: {  	v30 =	vld [tilespmem:$0x1E80]  }
0x2b1: {  	v33 =	vld [tilespmem:$0x1E90]  }
0x2b2: {  	[tilespmem:$0x1AC0] =	vst v29;
	v29 =	vld [tilespmem:$0x2EA0]  }
0x2b3: {  	[tilespmem:$0x1E50] =	vst v22;
	v22 =	vld [tilespmem:$0x3040];
	v61 =	vsub.f32 v55, v3  }
0x2b4: {  	v26 =	vld [tilespmem:$0x2E90];
	v58 =	vsub.f32 v52, v2  }
0x2b5: {  	[tilespmem:$0x1C80] =	vst v0;
	v0 =	vadd.f32 v61, v3;
	v61 =	vld [tilespmem:$0x1FE70]  }
0x2b6: {  	[tilespmem:$0x1C70] =	vst v1;
	v1 =	vadd.f32 v58, v2;
	v2 =	vld [tilespmem:$0x1FE50]  }
0x2b7: {  	v58 =	vld [tilespmem:$0x1FE60]  }
0x2b8: {  	v28 =	vld [tilespmem:$0x1E70]  }
0x2b9: {  	[tilespmem:$0x1AD0] =	vst v34;
	v34 =	vld [tilespmem:$0x2EC0]  }
0x2ba: {  	[tilespmem:$0x1B30] =	vst v40;
	v40 =	vld [tilespmem:$0x2EE0]  }
0x2bb: {  	v37 =	vld [tilespmem:$0x2ED0];
	v61 =	vsub.f32 v61, v62  }
0x2bc: {  	v36 =	vld [tilespmem:$0x1EA0];
	v3 =	vmov v62;
	v58 =	vsub.f32 v58, v2  }
0x2bd: {  	[tilespmem:$0x1CA0] =	vst v0;
	v0 =	vadd.f32 v61, v3;
	v61 =	vld [tilespmem:$0x1FEA0]  }
0x2be: {  	v28 =	vsub.f32 v28, v21;
	[tilespmem:$0x1C90] =	vst v1;
	v1 =	vadd.f32 v58, v2;
	v58 =	vld [tilespmem:$0x1FE90]  }
0x2bf: {  	v38 =	vld [tilespmem:$0x1EB0]  }
0x2c0: {  	v28 =	vadd.f32 v28, v21;
	v21 =	vld [tilespmem:$0x2030]  }
0x2c1: {  	v42 =	vld [tilespmem:$0x2EF0]  }
0x2c2: {  	v41 =	vld [tilespmem:$0x1EC0];
	v3 =	vsub.f32 v61, v63  }
0x2c3: {  	v5 =	vmov v63;
	[tilespmem:$0x1E70] =	vst v28;
	v36 =	vsub.f32 v36, v29;
	v61 =	vld [tilespmem:$0x1FEB0];
	v2 =	vsub.f32 v58, v4  }
0x2c4: {  	v28 =	vsub.f32 v38, v32;
	[tilespmem:$0x1CC0] =	vst v0;
	v0 =	vadd.f32 v3, v5;
	v3 =	vld [tilespmem:$0x1FEC0]  }
0x2c5: {  	v29 =	vadd.f32 v36, v29;
	v2 =	vadd.f32 v2, v4;
	v4 =	vld [tilespmem:$0x1FED0]  }
0x2c6: {  	v43 =	vld [tilespmem:$0x1ED0]  }
0x2c7: {  	v32 =	vadd.f32 v28, v32;
	v28 =	vld [tilespmem:$0x3060];
	[tilespmem:$0x1EA0] =	vst v29  }
0x2c8: {  	v29 =	vld [tilespmem:$0x2060];
	[tilespmem:$0x1CB0] =	vst v1;
	v1 =	vsub.f32 v61, v56  }
0x2c9: {  	[tilespmem:$0x1EB0] =	vst v32;
	v32 =	vld [tilespmem:$0x2070];
	v3 =	vsub.f32 v3, v45  }
0x2ca: {  	v44 =	vld [tilespmem:$0x2F00];
	[tilespmem:$0x1CD0] =	vst v2;
	v1 =	vadd.f32 v1, v56;
	v2 =	vsub.f32 v4, v48  }
0x2cb: {  	v3 =	vadd.f32 v3, v45;
	v45 =	vld [tilespmem:$0x1FEE0]  }
0x2cc: {  	[tilespmem:$0x1CF0] =	vst v1;
	v1 =	vadd.f32 v2, v48;
	v48 =	vld [tilespmem:$0x1FEF0]  }
0x2cd: {  	v46 =	vld [tilespmem:$0x1EE0]  }
0x2ce: {  	v47 =	vld [tilespmem:$0x2F10]  }
0x2cf: {  	[tilespmem:$0x1BE0] =	vst v50;
	v50 =	vld [tilespmem:$0x2F20]  }
0x2d0: {  	v49 =	vld [tilespmem:$0x1EF0];
	[tilespmem:$0x1CE0] =	vst v0;
	v0 =	vsub.f32 v45, v54  }
0x2d1: {  	v2 =	vsub.f32 v48, v60;
	v48 =	vld [tilespmem:$0x1FF10]  }
0x2d2: {  	v0 =	vadd.f32 v0, v54;
	v54 =	vld [tilespmem:$0x1FF00]  }
0x2d3: {  	v51 =	vld [tilespmem:$0x1F00]  }
0x2d4: {  	[tilespmem:$0x1D10] =	vst v1;
	v1 =	vadd.f32 v2, v60;
	v60 =	vld [tilespmem:$0x1FF20]  }
0x2d5: {  	v53 =	vld [tilespmem:$0x1F10]  }
0x2d6: {  	v57 =	vld [tilespmem:$0x1F20];
	v2 =	vsub.f32 v48, v35  }
0x2d7: {  	v59 =	vld [tilespmem:$0x1F30];
	[tilespmem:$0x1D00] =	vst v3;
	v3 =	vsub.f32 v54, v39  }
0x2d8: {  	[tilespmem:$0x1D30] =	vst v1;
	v1 =	vadd.f32 v2, v35;
	v35 =	vld [tilespmem:$0x1FF30]  }
0x2d9: {  	[tilespmem:$0x1D20] =	vst v0;
	v0 =	vadd.f32 v3, v39;
	v3 =	vsub.f32 v60, v31;
	v60 =	vld [tilespmem:$0x1FF40]  }
0x2da: {  	v55 =	vld [tilespmem:$0x2F40]  }
0x2db: {  	v52 =	vld [tilespmem:$0x2F30]  }
0x2dc: {  	v62 =	vld [tilespmem:$0x1F40]  }
0x2dd: {  	v63 =	vld [tilespmem:$0x1F50];
	[tilespmem:$0x1D40] =	vst v0;
	v0 =	vadd.f32 v3, v31  }
0x2de: {  	v2 =	vsub.f32 v35, v27;
	v3 =	vsub.f32 v60, v23;
	v60 =	vld [tilespmem:$0x1FF60]  }
0x2df: {  	v58 =	vld [tilespmem:$0x2F50]  }
0x2e0: {  	[tilespmem:$0x1D50] =	vst v1;
	v1 =	vadd.f32 v2, v27;
	v27 =	vld [tilespmem:$0x1FF50]  }
0x2e1: {  	v5 =	vld [tilespmem:$0x1F60]  }
0x2e2: {  	v61 =	vld [tilespmem:$0x2F60]  }
0x2e3: {  	[tilespmem:$0x1D60] =	vst v0;
	v0 =	vadd.f32 v3, v23;
	v3 =	vsub.f32 v60, v17;
	v60 =	vld [tilespmem:$0x1FF80]  }
0x2e4: {  	v56 =	vld [tilespmem:$0x2F70]  }
0x2e5: {  	v4 =	vld [tilespmem:$0x1F70];
	v2 =	vsub.f32 v27, v19  }
0x2e6: {  	v45 =	vld [tilespmem:$0x2F80]  }
0x2e7: {  	[tilespmem:$0x1D70] =	vst v1;
	v1 =	vadd.f32 v2, v19;
	v19 =	vld [tilespmem:$0x1FF70]  }
0x2e8: {  	[tilespmem:$0x1D80] =	vst v0;
	v0 =	vadd.f32 v3, v17;
	v3 =	vsub.f32 v60, v15;
	v60 =	vld [tilespmem:$0x1FFA0]  }
0x2e9: {  	v48 =	vld [tilespmem:$0x2F90]  }
0x2ea: {  	v54 =	vld [tilespmem:$0x1F80]  }
0x2eb: {  	v39 =	vld [tilespmem:$0x1F90]  }
0x2ec: {  	v31 =	vld [tilespmem:$0x1FA0];
	v2 =	vsub.f32 v19, v11  }
0x2ed: {  	[tilespmem:$0x1DA0] =	vst v0;
	v0 =	vadd.f32 v3, v15;
	v3 =	vsub.f32 v60, v14;
	v60 =	vld [tilespmem:$0x1FFC0]  }
0x2ee: {  	[tilespmem:$0x1D90] =	vst v1;
	v1 =	vadd.f32 v2, v11;
	v11 =	vld [tilespmem:$0x1FF90]  }
0x2ef: {  	v35 =	vld [tilespmem:$0x2FA0]  }
0x2f0: {  	v23 =	vld [tilespmem:$0x1FB0]  }
0x2f1: {  	v27 =	vld [tilespmem:$0x2FB0]  }
0x2f2: {  	[tilespmem:$0x1DC0] =	vst v0;
	v0 =	vadd.f32 v3, v14;
	v3 =	vsub.f32 v60, v9;
	v60 =	vld [tilespmem:$0x1FFE0]  }
0x2f3: {  	v17 =	vld [tilespmem:$0x1FC0];
	v2 =	vsub.f32 v11, v6  }
0x2f4: {  	v15 =	vld [tilespmem:$0x1FD0]  }
0x2f5: {  	[tilespmem:$0x1DB0] =	vst v1;
	v1 =	vadd.f32 v2, v6;
	v6 =	vld [tilespmem:$0x1FFB0]  }
0x2f6: {  	v19 =	vld [tilespmem:$0x2FC0]  }
0x2f7: {  	v14 =	vld [tilespmem:$0x1FE0];
	[tilespmem:$0x1DE0] =	vst v0;
	v0 =	vadd.f32 v3, v9;
	v3 =	vsub.f32 v60, v8  }
0x2f8: {  	v38 =	vsub.f32 v46, v40;
	v11 =	vld [tilespmem:$0x2FD0]  }
0x2f9: {  	v20 =	vsub.f32 v20, v13;
	v9 =	vld [tilespmem:$0x1FF0];
	v60 =	vadd.f32 v3, v8  }
0x2fa: {  	v46 =	vadd.f32 v38, v40;
	v2 =	vsub.f32 v6, v12;
	v6 =	vld [tilespmem:$0x2FE0]  }
0x2fb: {  	v8 =	vld [tilespmem:$0x2000];
	[tilespmem:$0x1E20] =	vst v60;
	v60 =	vadd.f32 v20, v13;
	v20 =	vsub.f32 v25, v18  }
0x2fc: {  	[tilespmem:$0x1DD0] =	vst v1;
	v1 =	vadd.f32 v2, v12;
	v12 =	vld [tilespmem:$0x1FFD0];
	v25 =	vsub.f32 v30, v24  }
0x2fd: {  	v13 =	vld [tilespmem:$0x2010];
	v30 =	vsub.f32 v33, v26;
	[tilespmem:$0x1E40] =	vst v60;
	v60 =	vadd.f32 v20, v18  }
0x2fe: {  	[tilespmem:$0x1EE0] =	vst v46;
	v18 =	vld [tilespmem:$0x2020];
	v33 =	vadd.f32 v25, v24  }
0x2ff: {  	v40 =	vsub.f32 v59, v52;
	v20 =	vld [tilespmem:$0x3030];
	[tilespmem:$0x1E60] =	vst v60;
	v60 =	vadd.f32 v30, v26  }
0x300: {  	v24 =	vld [tilespmem:$0x2040];
	[tilespmem:$0x1E80] =	vst v33;
	v30 =	vsub.f32 v41, v34;
	v33 =	vsub.f32 v43, v37  }
0x301: {  	[tilespmem:$0x1E00] =	vst v0;
	v25 =	vld [tilespmem:$0x3050];
	v43 =	vsub.f32 v49, v42;
	v49 =	vsub.f32 v51, v44  }
0x302: {  	[tilespmem:$0x1DF0] =	vst v1;
	v26 =	vld [tilespmem:$0x2050];
	v2 =	vsub.f32 v12, v7;
	v36 =	vadd.f32 v30, v34  }
0x303: {  	v12 =	vld [tilespmem:$0x2FF0];
	[tilespmem:$0x1E90] =	vst v60;
	v41 =	vadd.f32 v33, v37;
	v51 =	vadd.f32 v43, v42  }
0x304: {  	v60 =	vsub.f32 v53, v47;
	v30 =	vld [tilespmem:$0x3070];
	v37 =	vsub.f32 v57, v50;
	[tilespmem:$0x1EC0] =	vst v36  }
0x305: {  	v33 =	vld [tilespmem:$0x3080];
	v42 =	vsub.f32 v62, v55;
	v43 =	vadd.f32 v40, v52;
	[tilespmem:$0x1ED0] =	vst v41  }
0x306: {  	v34 =	vld [tilespmem:$0x2080];
	v52 =	vsub.f32 v54, v45;
	v1 =	vadd.f32 v2, v7;
	[tilespmem:$0x1EF0] =	vst v51  }
0x307: {  	v62 =	vsub.f32 v15, v11;
	v15 =	vld [tilespmem:$0x30D0];
	v36 =	vadd.f32 v49, v44;
	[tilespmem:$0x1F30] =	vst v43  }
0x308: {  	v54 =	vsub.f32 v39, v48;
	v7 =	vld [tilespmem:$0x1FFF0];
	v38 =	vadd.f32 v60, v47;
	[tilespmem:$0x1E10] =	vst v1  }
0x309: {  	v41 =	vadd.f32 v37, v50;
	v47 =	vsub.f32 v5, v61;
	v5 =	vld [tilespmem:$0x2090];
	[tilespmem:$0x1F00] =	vst v36  }
0x30a: {  	v46 =	vadd.f32 v42, v55;
	v50 =	vsub.f32 v4, v56;
	v4 =	vld [tilespmem:$0x30A0];
	[tilespmem:$0x1F10] =	vst v38  }
0x30b: {  	v44 =	vsub.f32 v63, v58;
	v37 =	vld [tilespmem:$0x20A0];
	v55 =	vadd.f32 v52, v45;
	[tilespmem:$0x1F20] =	vst v41  }
0x30c: {  	v57 =	vadd.f32 v54, v48;
	v60 =	vsub.f32 v17, v19;
	v17 =	vld [tilespmem:$0x20C0];
	[tilespmem:$0x1F40] =	vst v46  }
0x30d: {  	v54 =	vld [tilespmem:$0x3110];
	v49 =	vadd.f32 v44, v58;
	[tilespmem:$0x1F80] =	vst v55  }
0x30e: {  	v45 =	vsub.f32 v18, v16;
	v36 =	vld [tilespmem:$0x3090];
	v51 =	vadd.f32 v47, v61;
	[tilespmem:$0x1F90] =	vst v57  }
0x30f: {  	v48 =	vsub.f32 v21, v20;
	v53 =	vadd.f32 v50, v56;
	v38 =	vld [tilespmem:$0x30B0];
	[tilespmem:$0x1F50] =	vst v49  }
0x310: {  	v56 =	vsub.f32 v31, v35;
	v31 =	vld [tilespmem:$0x20B0];
	v63 =	vadd.f32 v60, v19;
	[tilespmem:$0x1F60] =	vst v51  }
0x311: {  	v58 =	vsub.f32 v23, v27;
	v23 =	vld [tilespmem:$0x30C0];
	v52 =	vadd.f32 v48, v20;
	[tilespmem:$0x1F70] =	vst v53  }
0x312: {  	v19 =	vsub.f32 v14, v6;
	v14 =	vld [tilespmem:$0x20D0];
	v59 =	vadd.f32 v56, v35;
	[tilespmem:$0x1FC0] =	vst v63  }
0x313: {  	v41 =	vld [tilespmem:$0x20E0];
	v50 =	vsub.f32 v24, v22;
	v61 =	vadd.f32 v58, v27;
	[tilespmem:$0x2030] =	vst v52  }
0x314: {  	v46 =	vld [tilespmem:$0x20F0];
	v2 =	vsub.f32 v7, v10;
	v27 =	vadd.f32 v62, v11;
	[tilespmem:$0x1FA0] =	vst v59  }
0x315: {  	v57 =	vld [tilespmem:$0x2110];
	v35 =	vsub.f32 v9, v12;
	v39 =	vadd.f32 v19, v6;
	[tilespmem:$0x1FB0] =	vst v61  }
0x316: {  	v60 =	vld [tilespmem:$0x3120];
	v49 =	vadd.f32 v45, v16;
	v53 =	vsub.f32 v26, v25;
	[tilespmem:$0x1FD0] =	vst v27  }
0x317: {  	v24 =	vld [tilespmem:$0x3130];
	v55 =	vadd.f32 v50, v22;
	v56 =	vsub.f32 v29, v28;
	[tilespmem:$0x1FE0] =	vst v39  }
0x318: {  	v7 =	vld [tilespmem:$0x3000];
	v62 =	vsub.f32 v34, v33;
	v1 =	vadd.f32 v2, v10;
	[tilespmem:$0x2020] =	vst v49  }
0x319: {  	v9 =	vld [tilespmem:$0x30E0];
	v26 =	vsub.f32 v37, v4;
	v42 =	vadd.f32 v35, v12;
	[tilespmem:$0x2040] =	vst v55  }
0x31a: {  	v51 =	vld [tilespmem:$0x2100];
	v58 =	vadd.f32 v53, v25;
	v59 =	vsub.f32 v32, v30;
	[tilespmem:$0x1E30] =	vst v1  }
0x31b: {  	v10 =	vld [tilespmem:$0x3010];
	v61 =	vadd.f32 v56, v28;
	v25 =	vadd.f32 v62, v33;
	[tilespmem:$0x1FF0] =	vst v42  }
0x31c: {  	v45 =	vld [tilespmem:$0x2160];
	v22 =	vsub.f32 v5, v36;
	v29 =	vsub.f32 v31, v38;
	[tilespmem:$0x2050] =	vst v58  }
0x31d: {  	v27 =	vld [tilespmem:$0x2130];
	v31 =	vadd.f32 v26, v4;
	v32 =	vsub.f32 v17, v23;
	[tilespmem:$0x2060] =	vst v61  }
0x31e: {  	v33 =	vld [tilespmem:$0x2140];
	v35 =	vsub.f32 v14, v15;
	v21 =	vadd.f32 v59, v30;
	[tilespmem:$0x2080] =	vst v25  }
0x31f: {  	v30 =	vld [tilespmem:$0x3140];
	v40 =	vsub.f32 v8, v7;
	v28 =	vadd.f32 v22, v36;
	[tilespmem:$0x20A0] =	vst v31  }
0x320: {  	v42 =	vld [tilespmem:$0x3160];
	v34 =	vadd.f32 v29, v38;
	[tilespmem:$0x2070] =	vst v21;
	v43 =	vsub.f32 v13, v10  }
0x321: {  	v8 =	vld [tilespmem:$0x30F0];
	v37 =	vadd.f32 v32, v23;
	v38 =	vsub.f32 v41, v9;
	[tilespmem:$0x2090] =	vst v28  }
0x322: {  	v44 =	vadd.f32 v40, v7;
	[tilespmem:$0x20B0] =	vst v34;
	v47 =	vadd.f32 v43, v10;
	v10 =	vld [tilespmem:$0x3100]  }
0x323: {  	v63 =	vld [tilespmem:$0x2120];
	v40 =	vadd.f32 v35, v15;
	[tilespmem:$0x20C0] =	vst v37;
	v53 =	vsub.f32 v27, v24  }
0x324: {  	v39 =	vld [tilespmem:$0x2150];
	[tilespmem:$0x2000] =	vst v44;
	v43 =	vadd.f32 v38, v9  }
0x325: {  	v36 =	vld [tilespmem:$0x3150];
	[tilespmem:$0x20D0] =	vst v40;
	v55 =	vsub.f32 v33, v30;
	v56 =	vadd.f32 v53, v24  }
0x326: {  	v48 =	vld [tilespmem:$0x3170];
	v59 =	vsub.f32 v45, v42;
	v41 =	vsub.f32 v46, v8;
	[tilespmem:$0x2010] =	vst v47  }
0x327: {  	[tilespmem:$0x20E0] =	vst v43;
	v58 =	vadd.f32 v55, v30;
	v44 =	vsub.f32 v51, v10;
	v51 =	vld [tilespmem:$0x2170]  }
0x328: {  	v47 =	vsub.f32 v57, v54;
	[tilespmem:$0x2130] =	vst v56;
	v62 =	vadd.f32 v59, v42  }
0x329: {  	v50 =	vsub.f32 v63, v60;
	v46 =	vadd.f32 v41, v8;
	[tilespmem:$0x2140] =	vst v58  }
0x32a: {  	v57 =	vsub.f32 v39, v36;
	v52 =	vadd.f32 v47, v54;
	[tilespmem:$0x2160] =	vst v62  }
0x32b: {  	v54 =	vadd.f32 v50, v60;
	[tilespmem:$0x20F0] =	vst v46  }
0x32c: {  	v60 =	vadd.f32 v57, v36;
	[tilespmem:$0x2110] =	vst v52;
	v61 =	vsub.f32 v51, v48  }
0x32d: {  	[tilespmem:$0x2120] =	vst v54;
	v49 =	vadd.f32 v44, v10  }
0x32e: {  	[tilespmem:$0x2150] =	vst v60;
	v63 =	vadd.f32 v61, v48  }
0x32f: {  	p0 =	sne.s32 s9, $0x1;
	[tilespmem:$0x2100] =	vst v49  }
.Ltmp0:
0x330: {  	[tilespmem:$0x2170] =	vst v63;
	(pc) =	sbr.rel @p0 .LBB2_1-.Ltmp0, $4  }
0x331: {  	[hbm4b:s8+s2] =	stream.linear.scatter [tilespmem:s17], [sflag:$0x5], $0x1000, $0x38;
	[tilespmem:$0x3180] =	vst v63  }
0x332: {  	_ =	swait.ge [sflag:s19], $0x1000  }
0x333: {  	[sflag:s19] =	ssyncset.done $0x0  }
0x334: {  	s9 =	sadd.s32 $0xFFFFFFFF, s9;
	[sflag:s19] =	ssyncadd.s32 $0xFFFFF000  }
0x335: {  	_ =	sfence.sel $0x180000  }
0x336: {  	[bflag:$0x0] =	sbarrier.arrive $0xFFFF  }
0x337: {  	p0 =	sne.s32 s0, $0x0;
	_ =	strace $0x9000004A  }
0x338: {  	s0 =	sadd.s32 @!p0 $0x100000, s1;
	[bflag:$0x2] =	sbarrier.arrive $0xFFFF  }
0x339: {  	[sflag:s0] =	ssyncadd.tile.s32 @!p0 $0x1;
	_ =	shalt  }
.Lfunc_end2:
_tile_overlayer_lowered:
.L_overlay_start_2:
0x33a: {  	(tag) =	ssettag $0x2  }
0x33b: {  	s0 =	rddreg [dreg:$0x0];
	s2 =	stileid.u32  }
0x33c: {  	s1 =	rddreg [dreg:$0x1];
	p0 =	sne.s32 s2, $0x0  }
0x33d: {  	s3 =	rddreg [dreg:$0x2];
	[bflag:$0x3] =	sbarrier.arrive $0xFFFF;
	s2 =	simm.s32 @!p0 $0x1C05  }
0x33e: {  	[timem:s3], [sflag:s2] =	dma.local @!p0 [hbm:s0], s1  }
0x33f: {  	s0 =	simm.s32 @!p0 $0x5  }
0x340: {  	_ =	swait.ge @!p0 [sflag:s0], s1  }
0x341: {  	s1 =	ssub.s32 @!p0 $0x0, s1;
	[sflag:s0] =	ssyncset.done @!p0 $0x0  }
0x342: {  	[sflag:s0] =	ssyncadd.s32 @!p0 s1  }
0x343: {  	[bflag:$0x3] =	sbarrier.arrive $0xFFFF  }
0x344: {  	_ =	shalt  }

</sc_bundles>
